<compile_context>
chip_gen: v7x
topology: tpu7x:2x2x1
jax: 0.10.2.dev20260603
libtpu: 0.0.44.dev20260713+nightly
codegen_flags: <defaults>
</compile_context>

<pallas_src>
import functools

import jax
import jax.numpy as jnp
from jax import lax
from jax.experimental import pallas as pl
from jax.experimental.pallas import tpu as pltpu
from jax.experimental.pallas import tpu_sc as plsc

_N = 10000
_E = 320000
_D = 128

_NC, _NS = 2, 16
_NW = _NC * _NS
_ROW = 128
_NROWS = _E // _ROW
_RPW = -(-_NROWS // _NW)
_ZR = 200
_NZCH = _N // _ZR
_ZPW = -(-_NZCH // _NS)

_EBLK = 2560
_NBLK = 2000


def _ln_rows(d, scale, offset):
    m = jnp.mean(d, axis=-1, keepdims=True)
    c = d - m
    v = jnp.mean(c * c, axis=-1, keepdims=True)
    return c * lax.rsqrt(v + 1e-5) * scale + offset


def _row(a):
    return a.reshape(1, -1)



def _mlp_ln(x, p, blk):
    n, din = x.shape

    def body(x_ref, w0, b0, w1, b1, sc, of, o_ref):
        h = jnp.maximum(
            jnp.dot(x_ref[...], w0[...], preferred_element_type=jnp.float32)
            + b0[...], 0.0)
        d = (jnp.dot(h, w1[...], preferred_element_type=jnp.float32)
             + b1[...])
        o_ref[...] = _ln_rows(d, sc[...], of[...])

    return pl.pallas_call(
        body,
        grid=(n // blk,),
        in_specs=[
            pl.BlockSpec((blk, din), lambda i: (i, 0)),
            pl.BlockSpec((din, _D), lambda i: (0, 0)),
            pl.BlockSpec((1, _D), lambda i: (0, 0)),
            pl.BlockSpec((_D, _D), lambda i: (0, 0)),
            pl.BlockSpec((1, _D), lambda i: (0, 0)),
            pl.BlockSpec((1, _D), lambda i: (0, 0)),
            pl.BlockSpec((1, _D), lambda i: (0, 0)),
        ],
        out_specs=pl.BlockSpec((blk, _D), lambda i: (i, 0)),
        out_shape=jax.ShapeDtypeStruct((n, _D), jnp.float32),
    )(x, p["w0"], _row(p["b0"]), p["w1"], _row(p["b1"]),
      _row(p["scale"]), _row(p["offset"]))


def _decode(v, p):
    def body(x_ref, w0, b0, w1, b1, o_ref):
        h = jnp.maximum(
            jnp.dot(x_ref[...], w0[...], preferred_element_type=jnp.float32)
            + b0[...], 0.0)
        o_ref[...] = (jnp.dot(h, w1[...], preferred_element_type=jnp.float32)
                      + b1[...])

    return pl.pallas_call(
        body,
        grid=(_N // _NBLK,),
        in_specs=[
            pl.BlockSpec((_NBLK, _D), lambda i: (i, 0)),
            pl.BlockSpec((_D, _D), lambda i: (0, 0)),
            pl.BlockSpec((1, _D), lambda i: (0, 0)),
            pl.BlockSpec((_D, _D), lambda i: (0, 0)),
            pl.BlockSpec((1, _D), lambda i: (0, 0)),
        ],
        out_specs=pl.BlockSpec((_NBLK, _D), lambda i: (i, 0)),
        out_shape=jax.ShapeDtypeStruct((_N, _D), jnp.float32),
    )(v, p["w0"], _row(p["b0"]), p["w1"], _row(p["b1"]))


def _project(v, w0s, w0r):
    wst = jnp.stack([w0s, w0r])

    def body(v_ref, w_ref, o_ref):
        o_ref[...] = jnp.dot(
            v_ref[...], w_ref[0], preferred_element_type=jnp.float32)[None]

    out = pl.pallas_call(
        body,
        grid=(2, _N // _NBLK),
        in_specs=[
            pl.BlockSpec((_NBLK, _D), lambda g, i: (i, 0)),
            pl.BlockSpec((1, _D, _D), lambda g, i: (g, 0, 0)),
        ],
        out_specs=pl.BlockSpec((1, _NBLK, _D), lambda g, i: (g, i, 0)),
        out_shape=jax.ShapeDtypeStruct((2, _N, _D), jnp.float32),
    )(v, wst)
    return out[0], out[1]


def _edge_update(e, gs, gr, p):
    w0e = p["w0"][:_D]

    def body(e_ref, gs_ref, gr_ref, w0, b0, w1, b1, sc, of, o_ref):
        ee = e_ref[...]
        pre = (jnp.dot(ee, w0[...], preferred_element_type=jnp.float32)
               + gs_ref[...] + gr_ref[...] + b0[...])
        h = jnp.maximum(pre, 0.0)
        d = (jnp.dot(h, w1[...], preferred_element_type=jnp.float32)
             + b1[...])
        o_ref[...] = ee + _ln_rows(d, sc[...], of[...])

    return pl.pallas_call(
        body,
        grid=(_E // _EBLK,),
        in_specs=[
            pl.BlockSpec((_EBLK, _D), lambda i: (i, 0)),
            pl.BlockSpec((_EBLK, _D), lambda i: (i, 0)),
            pl.BlockSpec((_EBLK, _D), lambda i: (i, 0)),
            pl.BlockSpec((_D, _D), lambda i: (0, 0)),
            pl.BlockSpec((1, _D), lambda i: (0, 0)),
            pl.BlockSpec((_D, _D), lambda i: (0, 0)),
            pl.BlockSpec((1, _D), lambda i: (0, 0)),
            pl.BlockSpec((1, _D), lambda i: (0, 0)),
            pl.BlockSpec((1, _D), lambda i: (0, 0)),
        ],
        out_specs=pl.BlockSpec((_EBLK, _D), lambda i: (i, 0)),
        out_shape=jax.ShapeDtypeStruct((_E, _D), jnp.float32),
    )(e, gs, gr, w0e, _row(p["b0"]), p["w1"], _row(p["b1"]),
      _row(p["scale"]), _row(p["offset"]))


def _node_update(v, agg2, p):
    w0a = p["w0"][:_D]
    w0b = p["w0"][_D:]

    def body(v_ref, a_ref, wa, wb, b0, w1, b1, sc, of, o_ref):
        vv = v_ref[...]
        agg = a_ref[0] + a_ref[1]
        pre = (jnp.dot(vv, wa[...], preferred_element_type=jnp.float32)
               + jnp.dot(agg, wb[...], preferred_element_type=jnp.float32)
               + b0[...])
        h = jnp.maximum(pre, 0.0)
        d = (jnp.dot(h, w1[...], preferred_element_type=jnp.float32)
             + b1[...])
        o_ref[...] = vv + _ln_rows(d, sc[...], of[...])

    return pl.pallas_call(
        body,
        grid=(_N // _NBLK,),
        in_specs=[
            pl.BlockSpec((_NBLK, _D), lambda i: (i, 0)),
            pl.BlockSpec((2, _NBLK, _D), lambda i: (0, i, 0)),
            pl.BlockSpec((_D, _D), lambda i: (0, 0)),
            pl.BlockSpec((_D, _D), lambda i: (0, 0)),
            pl.BlockSpec((1, _D), lambda i: (0, 0)),
            pl.BlockSpec((_D, _D), lambda i: (0, 0)),
            pl.BlockSpec((1, _D), lambda i: (0, 0)),
            pl.BlockSpec((1, _D), lambda i: (0, 0)),
            pl.BlockSpec((1, _D), lambda i: (0, 0)),
        ],
        out_specs=pl.BlockSpec((_NBLK, _D), lambda i: (i, 0)),
        out_shape=jax.ShapeDtypeStruct((_N, _D), jnp.float32),
    )(v, agg2, w0a, w0b, _row(p["b0"]), p["w1"], _row(p["b1"]),
      _row(p["scale"]), _row(p["offset"]))



def _sc_mesh():
    return plsc.VectorSubcoreMesh(core_axis_name="c", subcore_axis_name="s")


def _sc_gather(ps, pr, sidx, ridx):

    @functools.partial(
        pl.kernel,
        mesh=_sc_mesh(),
        out_type=(jax.ShapeDtypeStruct((_E, _D), jnp.float32),
                  jax.ShapeDtypeStruct((_E, _D), jnp.float32)),
        scratch_types=[
            pltpu.VMEM((_ROW,), jnp.int32),
            pltpu.VMEM((_ROW,), jnp.int32),
            pltpu.VMEM((_ROW, _D), jnp.float32),
            pltpu.VMEM((_ROW, _D), jnp.float32),
            pltpu.SemaphoreType.DMA,
            pltpu.SemaphoreType.DMA,
        ],
    )
    def k(ps_hbm, pr_hbm, s_hbm, r_hbm, gs_hbm, gr_hbm,
          sidx_v, ridx_v, gs_v, gr_v, sem1, sem2):
        wid = lax.axis_index("s") * _NC + lax.axis_index("c")

        def body(i, carry):
            r = i * _NW + wid

            @pl.when(r < _NROWS)
            def _():
                base = r * _ROW
                pltpu.sync_copy(s_hbm.at[pl.ds(base, _ROW)], sidx_v)
                pltpu.sync_copy(r_hbm.at[pl.ds(base, _ROW)], ridx_v)
                c1 = pltpu.async_copy(ps_hbm.at[sidx_v], gs_v, sem1)
                c2 = pltpu.async_copy(pr_hbm.at[ridx_v], gr_v, sem2)
                c1.wait()
                c2.wait()
                pltpu.sync_copy(gs_v, gs_hbm.at[pl.ds(base, _ROW)])
                pltpu.sync_copy(gr_v, gr_hbm.at[pl.ds(base, _ROW)])

            return carry

        lax.fori_loop(0, _RPW, body, 0)

    return k(ps, pr, sidx, ridx)


def _sc_scatter(e, ridx):

    @functools.partial(
        pl.kernel,
        mesh=_sc_mesh(),
        out_type=jax.ShapeDtypeStruct((_NC, _N, _D), jnp.float32),
        scratch_types=[
            pltpu.VMEM((_ROW,), jnp.int32),
            pltpu.VMEM((_ROW, _D), jnp.float32),
            pltpu.VMEM((_ZR, _D), jnp.float32),
            pltpu.VMEM_SHARED((_N, _D), jnp.float32),
        ],
    )
    def k(e_hbm, r_hbm, out_hbm, ridx_v, e_v, z_v, agg_sh):
        cid = lax.axis_index("c")
        sid = lax.axis_index("s")
        wid = sid * _NC + cid

        def zb(t, c):
            z_v[t // 8, pl.ds((t % 8) * 16, 16)] = jnp.zeros((16,), jnp.float32)
            return c

        lax.fori_loop(0, _ZR * 8, zb, 0)

        def zs(j, c):
            cc = j * _NS + sid

            @pl.when(cc < _NZCH)
            def _():
                pltpu.sync_copy(z_v, agg_sh.at[pl.ds(cc * _ZR, _ZR)])

            return c

        lax.fori_loop(0, _ZPW, zs, 0)
        plsc.subcore_barrier()

        def body(i, c):
            r = i * _NW + wid

            @pl.when(r < _NROWS)
            def _():
                base = r * _ROW
                pltpu.sync_copy(r_hbm.at[pl.ds(base, _ROW)], ridx_v)
                pltpu.sync_copy(e_hbm.at[pl.ds(base, _ROW)], e_v)
                pltpu.sync_copy(e_v, agg_sh.at[ridx_v], add=True)

            return c

        lax.fori_loop(0, _RPW, body, 0)
        plsc.subcore_barrier()

        def dump(j, c):
            cc = j * _NS + sid

            @pl.when(cc < _NZCH)
            def _():
                sl = pl.ds(cc * _ZR, _ZR)
                pltpu.sync_copy(agg_sh.at[sl], z_v)
                pltpu.sync_copy(z_v, out_hbm.at[cid, sl])

            return c

        lax.fori_loop(0, _ZPW, dump, 0)

    return k(e, ridx)



def kernel(x, edge_index, edge_attr, params):
    senders = edge_index[0]
    receivers = edge_index[1]

    v = _mlp_ln(x, params["enc_node"], _NBLK)
    e = _mlp_ln(edge_attr, params["enc_edge"], _EBLK)

    for step in params["proc"]:
        pe = step["edge"]
        pn = step["node"]
        ps, pr = _project(v, pe["w0"][_D:2 * _D], pe["w0"][2 * _D:])
        gs, gr = _sc_gather(ps, pr, senders, receivers)
        e = _edge_update(e, gs, gr, pe)
        agg2 = _sc_scatter(e, receivers)
        v = _node_update(v, agg2, pn)

    return _decode(v, params["dec_node"])

# --- scband reference (transcript-rebuilt; emitter-appended) ---
"""Pipeline reference for scband-deep-typed-graph-net-30416958390479 (READ-ONLY COPY).

The authoritative reference and input builder live on the scoring server;
editing this copy changes nothing except your own understanding.
"""

import jax, jax.numpy as jnp
import numpy as np

N_NODES = 10000
N_EDGES = 320000
D_FEAT = 128
D_EDGE = 16
LATENT = 128
HIDDEN = 128
N_STEPS = 4


def _make_mlp(key, din, dh, dout, with_ln=True):
    k0, k1 = jax.random.split(key)
    p = {
        "w0": jax.random.normal(k0, (din, dh), jnp.float32) * 0.02,
        "b0": jnp.zeros((dh,), jnp.float32),
        "w1": jax.random.normal(k1, (dh, dout), jnp.float32) * 0.02,
        "b1": jnp.zeros((dout,), jnp.float32),
    }
    if with_ln:
        p["scale"] = jnp.ones((dout,), jnp.float32)
        p["offset"] = jnp.zeros((dout,), jnp.float32)
    return p


def _mlp(p, x):
    h = jax.nn.relu(x @ p["w0"] + p["b0"])
    return h @ p["w1"] + p["b1"]


def _ln(p, x):
    m = jnp.mean(x, axis=-1, keepdims=True)
    v = jnp.var(x, axis=-1, keepdims=True)
    return (x - m) * jax.lax.rsqrt(v + 1e-5) * p["scale"] + p["offset"]


def setup_inputs(seed: int = 0):
    key = jax.random.key(seed)
    ks = jax.random.split(key, 8)
    x = jax.random.normal(ks[0], (N_NODES, D_FEAT), jnp.float32)
    edge_index = jax.random.randint(ks[1], (2, N_EDGES), 0, N_NODES, jnp.int32)
    edge_attr = jax.random.normal(ks[2], (N_EDGES, D_EDGE), jnp.float32)
    params = {
        "enc_node": _make_mlp(ks[3], D_FEAT, HIDDEN, LATENT),
        "enc_edge": _make_mlp(ks[4], D_EDGE, HIDDEN, LATENT),
        "proc": [
            {
                "edge": _make_mlp(jax.random.fold_in(ks[5], 2 * i), 3 * LATENT, HIDDEN, LATENT),
                "node": _make_mlp(jax.random.fold_in(ks[5], 2 * i + 1), 2 * LATENT, HIDDEN, LATENT),
            }
            for i in range(N_STEPS)
        ],
        "dec_node": _make_mlp(ks[6], LATENT, HIDDEN, D_FEAT, with_ln=False),
    }
    return {"x": x, "edge_index": edge_index, "edge_attr": edge_attr, "params": params}


def reference(x, edge_index, edge_attr, params):
    senders = edge_index[0]
    receivers = edge_index[1]
    # Embedder: MLP + LayerNorm for each node/edge set
    v = _ln(params["enc_node"], _mlp(params["enc_node"], x))
    e = _ln(params["enc_edge"], _mlp(params["enc_edge"], edge_attr))
    # Processor: unshared InteractionNetwork steps with residual connections
    for step in params["proc"]:
        ef = jnp.concatenate(
            [e, jnp.take(v, senders, axis=0), jnp.take(v, receivers, axis=0)], axis=-1
        )
        e = e + _ln(step["edge"], _mlp(step["edge"], ef))
        agg = jax.ops.segment_sum(e, receivers, num_segments=N_NODES)
        nf = jnp.concatenate([v, agg], axis=-1)
        v = v + _ln(step["node"], _mlp(step["node"], nf))
    # Decoder: output MLP (no layer norm on output head)
    return _mlp(params["dec_node"], v)

if __name__ == "__main__":
    import jax
    _d = setup_inputs()
    print(jax.jit(kernel)(*tuple(_d.values())))

</pallas_src>

<mosaic_0001>
#map = affine_map<(d0, d1) -> (0, 0)>
#map1 = affine_map<(d0, d1) -> (0)>
#map2 = affine_map<(d0, d1) -> (0, 0, 0)>
module attributes {stable_mosaic.version = 14 : i64} {
  func.func @k(%arg0: i32, %arg1: i32, %arg2: memref<320000x128xf32, #tpu.memory_space<hbm>>, %arg3: memref<320000xi32, #tpu.memory_space<hbm>>, %arg4: memref<2x10000x128xf32, #tpu.memory_space<hbm>>, %arg5: memref<128xi32, #tpu.memory_space<vmem>>, %arg6: memref<128x128xf32, #tpu.memory_space<vmem>>, %arg7: memref<200x128xf32, #tpu.memory_space<vmem>>, %arg8: memref<10000x128xf32, #tpu.memory_space<vmem_shared>>) attributes {dimension_semantics = [#tpu.dimension_semantics<core_parallel>, #tpu.dimension_semantics<subcore_parallel>], iteration_bounds = array<i64: 2, 16>, scalar_prefetch = 0 : i64, scratch_operands = 4 : i64, tpu.core_type = #tpu.core_type<sc_vector_subcore>, window_params = [{transform_indices = #map}, {transform_indices = #map1}, {transform_indices = #map2}]} {
    %mul3A = arith.constant 2 : i32
    %mul3A_0 = arith.muli %arg1, %mul3A : i32
    %add3A = arith.addi %mul3A_0, %arg0 : i32
    %scan3A = arith.constant 0 : i32
    %scan3A_1 = arith.constant 0 : i32
    %scan3A_2 = arith.constant 1600 : i32
    %scan3A_3 = arith.addi %scan3A_1, %scan3A_2 : i32
    %scan3A_4 = arith.constant 1 : i32
    scf.for %scan3A_25 = %scan3A_1 to %scan3A_3 step %scan3A_4  : i32 {
      %broadcast_in_dim3A = arith.constant 0.000000e+00 : f32
      %broadcast_in_dim3A_26 = vector.broadcast %broadcast_in_dim3A : f32 to vector<16xf32>
      %jit3A = arith.constant 8 : i32
      %div3A = arith.divsi %scan3A_25, %jit3A : i32
      %sign3A = arith.constant 0 : i32
      %sign3A_27 = arith.cmpi sgt, %scan3A_25, %sign3A : i32
      %sign3A_28 = arith.extui %sign3A_27 : i1 to i32
      %sign3A_29 = arith.constant 0 : i32
      %sign3A_30 = arith.cmpi slt, %scan3A_25, %sign3A_29 : i32
      %sign3A_31 = arith.extui %sign3A_30 : i1 to i32
      %sign3A_32 = arith.subi %sign3A_28, %sign3A_31 : i32
      %sign3A_33 = arith.constant 0 : i32
      %sign3A_34 = arith.cmpi sgt, %jit3A, %sign3A_33 : i32
      %sign3A_35 = arith.extui %sign3A_34 : i1 to i32
      %sign3A_36 = arith.constant 0 : i32
      %sign3A_37 = arith.cmpi slt, %jit3A, %sign3A_36 : i32
      %sign3A_38 = arith.extui %sign3A_37 : i1 to i32
      %sign3A_39 = arith.subi %sign3A_35, %sign3A_38 : i32
      %ne3A = arith.cmpi ne, %sign3A_32, %sign3A_39 : i32
      %rem3A = arith.remsi %scan3A_25, %jit3A : i32
      %ne3A_40 = arith.constant 0 : i32
      %ne3A_41 = arith.cmpi ne, %rem3A, %ne3A_40 : i32
      %and3A = arith.andi %ne3A, %ne3A_41 : i1
      %sub3A = arith.constant 1 : i32
      %sub3A_42 = arith.subi %div3A, %sub3A : i32
      %select_n3A = arith.select %and3A, %sub3A_42, %div3A : i32
      %jit3A_43 = arith.constant 8 : i32
      %eq3A = arith.constant 0 : i32
      %eq3A_44 = arith.cmpi eq, %jit3A_43, %eq3A : i32
      %jit3A_45 = arith.constant 1 : i32
      %select_n3A_46 = arith.select %eq3A_44, %jit3A_45, %jit3A_43 : i32
      %rem3A_47 = arith.remsi %scan3A_25, %select_n3A_46 : i32
      %ne3A_48 = arith.constant 0 : i32
      %ne3A_49 = arith.cmpi ne, %rem3A_47, %ne3A_48 : i32
      %lt3A = arith.constant 0 : i32
      %lt3A_50 = arith.cmpi slt, %rem3A_47, %lt3A : i32
      %lt3A_51 = arith.constant 0 : i32
      %lt3A_52 = arith.cmpi slt, %select_n3A_46, %lt3A_51 : i32
      %ne3A_53 = arith.xori %lt3A_50, %lt3A_52 : i1
      %and3A_54 = arith.andi %ne3A_53, %ne3A_49 : i1
      %add3A_55 = arith.addi %rem3A_47, %select_n3A_46 : i32
      %select_n3A_56 = arith.select %and3A_54, %add3A_55, %rem3A_47 : i32
      %mul3A_57 = arith.constant 16 : i32
      %mul3A_58 = arith.muli %select_n3A_56, %mul3A_57 : i32
      %swap3A = arith.index_cast %select_n3A : i32 to index
      %swap3A_59 = arith.index_cast %mul3A_58 : i32 to index
      %swap3A_60 = tpu.vector_load %arg7[%swap3A, %swap3A_59] {strides = array<i32>} : memref<200x128xf32, #tpu.memory_space<vmem>>, vector<1x16xf32>,
      %swap3A_61 = vector.shape_cast %swap3A_60 : vector<1x16xf32> to vector<16xf32>
      %swap3A_62 = vector.shape_cast %broadcast_in_dim3A_26 : vector<16xf32> to vector<1x16xf32>
      tpu.vector_store %arg7[%swap3A, %swap3A_59], %swap3A_62 {strides = array<i32>} : memref<200x128xf32, #tpu.memory_space<vmem>>, vector<1x16xf32>,
    }
    %scan3A_5 = arith.constant 1600 : i32
    %scan3A_6 = arith.constant 0 : i32
    %scan3A_7 = arith.constant 0 : i32
    %scan3A_8 = arith.constant 4 : i32
    %scan3A_9 = arith.addi %scan3A_7, %scan3A_8 : i32
    %scan3A_10 = arith.constant 1 : i32
    scf.for %scan3A_25 = %scan3A_7 to %scan3A_9 step %scan3A_10  : i32 {
      %mul3A_26 = arith.constant 16 : i32
      %mul3A_27 = arith.muli %scan3A_25, %mul3A_26 : i32
      %add3A_28 = arith.addi %mul3A_27, %arg1 : i32
      %lt3A = arith.constant 50 : i32
      %lt3A_29 = arith.cmpi slt, %add3A_28, %lt3A : i32
      %convert_element_type3A = arith.extui %lt3A_29 : i1 to i32
      %cond3A = arith.constant 0 : i32
      %cond3A_30 = arith.cmpi ne, %convert_element_type3A, %cond3A : i32
      scf.if %cond3A_30 {
        %mul3A_31 = arith.constant 200 : i32
        %mul3A_32 = arith.muli %add3A_28, %mul3A_31 : i32
        "tpu.region"() ({
          %run_scoped3A = tpu.sem_alloc : memref<!tpu.dma_semaphore, #tpu.memory_space<semaphore_mem>>
          %dma_start3A = arith.constant 0 : i32
          %dma_start3A_33 = tpu.memref_slice %arg8[%mul3A_32, %dma_start3A] : memref<10000x128xf32, #tpu.memory_space<vmem_shared>> -> memref<200x128xf32, #tpu.memory_space<vmem_shared>>
          %dma_start3A_34 = arith.constant 0 : i32
          %dma_start3A_35 = tpu.memref_slice %arg8[%mul3A_32, %dma_start3A_34] : memref<10000x128xf32, #tpu.memory_space<vmem_shared>> -> memref<200x128xf32, #tpu.memory_space<vmem_shared>>
          tpu.enqueue_dma source(%arg7 : memref<200x128xf32, #tpu.memory_space<vmem>>) target(%dma_start3A_35 : memref<200x128xf32, #tpu.memory_space<vmem_shared>>) target_semaphore(%run_scoped3A : memref<!tpu.dma_semaphore, #tpu.memory_space<semaphore_mem>>)
          %dma_wait3A = arith.constant 0 : i32
          %dma_wait3A_36 = tpu.memref_slice %arg8[%mul3A_32, %dma_wait3A] : memref<10000x128xf32, #tpu.memory_space<vmem_shared>> -> memref<200x128xf32, #tpu.memory_space<vmem_shared>>
          %dma_wait3A_37 = arith.constant 0 : i32
          %dma_wait3A_38 = tpu.memref_slice %arg8[%mul3A_32, %dma_wait3A_37] : memref<10000x128xf32, #tpu.memory_space<vmem_shared>> -> memref<200x128xf32, #tpu.memory_space<vmem_shared>>
          tpu.wait_dma2 semaphore(%run_scoped3A : memref<!tpu.dma_semaphore, #tpu.memory_space<semaphore_mem>>) src(%arg7 : memref<200x128xf32, #tpu.memory_space<vmem>>) dst(%dma_wait3A_38 : memref<200x128xf32, #tpu.memory_space<vmem_shared>>)
          tpu.yield
        }) : () -> ()
      } else {
      }
    }
    %scan3A_11 = arith.constant 4 : i32
    %barrier3A = arith.constant 0 : index
    tpu.barrier barrier_id(%barrier3A)
    %scan3A_12 = arith.constant 0 : i32
    %scan3A_13 = arith.constant 0 : i32
    %scan3A_14 = arith.constant 79 : i32
    %scan3A_15 = arith.addi %scan3A_13, %scan3A_14 : i32
    %scan3A_16 = arith.constant 1 : i32
    scf.for %scan3A_25 = %scan3A_13 to %scan3A_15 step %scan3A_16  : i32 {
      %mul3A_26 = arith.constant 32 : i32
      %mul3A_27 = arith.muli %scan3A_25, %mul3A_26 : i32
      %add3A_28 = arith.addi %mul3A_27, %add3A : i32
      %lt3A = arith.constant 2500 : i32
      %lt3A_29 = arith.cmpi slt, %add3A_28, %lt3A : i32
      %convert_element_type3A = arith.extui %lt3A_29 : i1 to i32
      %cond3A = arith.constant 0 : i32
      %cond3A_30 = arith.cmpi ne, %convert_element_type3A, %cond3A : i32
      scf.if %cond3A_30 {
        %mul3A_31 = arith.constant 128 : i32
        %mul3A_32 = arith.muli %add3A_28, %mul3A_31 : i32
        "tpu.region"() ({
          %run_scoped3A = tpu.sem_alloc : memref<!tpu.dma_semaphore, #tpu.memory_space<semaphore_mem>>
          %dma_start3A = tpu.memref_slice %arg3[%mul3A_32] : memref<320000xi32, #tpu.memory_space<hbm>> -> memref<128xi32, #tpu.memory_space<hbm>>
          %dma_start3A_33 = tpu.memref_slice %arg3[%mul3A_32] : memref<320000xi32, #tpu.memory_space<hbm>> -> memref<128xi32, #tpu.memory_space<hbm>>
          tpu.enqueue_dma source(%dma_start3A_33 : memref<128xi32, #tpu.memory_space<hbm>>) target(%arg5 : memref<128xi32, #tpu.memory_space<vmem>>) target_semaphore(%run_scoped3A : memref<!tpu.dma_semaphore, #tpu.memory_space<semaphore_mem>>)
          %dma_wait3A = tpu.memref_slice %arg3[%mul3A_32] : memref<320000xi32, #tpu.memory_space<hbm>> -> memref<128xi32, #tpu.memory_space<hbm>>
          %dma_wait3A_34 = tpu.memref_slice %arg3[%mul3A_32] : memref<320000xi32, #tpu.memory_space<hbm>> -> memref<128xi32, #tpu.memory_space<hbm>>
          tpu.wait_dma2 semaphore(%run_scoped3A : memref<!tpu.dma_semaphore, #tpu.memory_space<semaphore_mem>>) src(%dma_wait3A_34 : memref<128xi32, #tpu.memory_space<hbm>>) dst(%arg5 : memref<128xi32, #tpu.memory_space<vmem>>)
          tpu.yield
        }) : () -> ()
        "tpu.region"() ({
          %run_scoped3A = tpu.sem_alloc : memref<!tpu.dma_semaphore, #tpu.memory_space<semaphore_mem>>
          %dma_start3A = arith.constant 0 : i32
          %dma_start3A_33 = tpu.memref_slice %arg2[%mul3A_32, %dma_start3A] : memref<320000x128xf32, #tpu.memory_space<hbm>> -> memref<128x128xf32, #tpu.memory_space<hbm>>
          %dma_start3A_34 = arith.constant 0 : i32
          %dma_start3A_35 = tpu.memref_slice %arg2[%mul3A_32, %dma_start3A_34] : memref<320000x128xf32, #tpu.memory_space<hbm>> -> memref<128x128xf32, #tpu.memory_space<hbm>>
          tpu.enqueue_dma source(%dma_start3A_35 : memref<128x128xf32, #tpu.memory_space<hbm>>) target(%arg6 : memref<128x128xf32, #tpu.memory_space<vmem>>) target_semaphore(%run_scoped3A : memref<!tpu.dma_semaphore, #tpu.memory_space<semaphore_mem>>)
          %dma_wait3A = arith.constant 0 : i32
          %dma_wait3A_36 = tpu.memref_slice %arg2[%mul3A_32, %dma_wait3A] : memref<320000x128xf32, #tpu.memory_space<hbm>> -> memref<128x128xf32, #tpu.memory_space<hbm>>
          %dma_wait3A_37 = arith.constant 0 : i32
          %dma_wait3A_38 = tpu.memref_slice %arg2[%mul3A_32, %dma_wait3A_37] : memref<320000x128xf32, #tpu.memory_space<hbm>> -> memref<128x128xf32, #tpu.memory_space<hbm>>
          tpu.wait_dma2 semaphore(%run_scoped3A : memref<!tpu.dma_semaphore, #tpu.memory_space<semaphore_mem>>) src(%dma_wait3A_38 : memref<128x128xf32, #tpu.memory_space<hbm>>) dst(%arg6 : memref<128x128xf32, #tpu.memory_space<vmem>>)
          tpu.yield
        }) : () -> ()
        "tpu.region"() ({
          %run_scoped3A = tpu.sem_alloc : memref<!tpu.dma_semaphore, #tpu.memory_space<semaphore_mem>>
          %dma_start3A = arith.constant 0 : i32
          %dma_start3A_33 = arith.constant 0 : i32
          %dma_start3A_34 = tpu.memref_slice %arg8[%dma_start3A, %dma_start3A_33] : memref<10000x128xf32, #tpu.memory_space<vmem_shared>> -> memref<10000x128xf32, #tpu.memory_space<vmem_shared>>
          tpu.enqueue_indirect_dma source(%arg6 : memref<128x128xf32, #tpu.memory_space<vmem>>) target(%dma_start3A_34 : memref<10000x128xf32, #tpu.memory_space<vmem_shared>>) offsets(%arg5 : memref<128xi32, #tpu.memory_space<vmem>>) semaphore(%run_scoped3A : memref<!tpu.dma_semaphore, #tpu.memory_space<semaphore_mem>>) {add = true}
          %dma_wait3A = arith.constant 0 : i32
          %dma_wait3A_35 = arith.constant 0 : i32
          %dma_wait3A_36 = tpu.memref_slice %arg8[%dma_wait3A, %dma_wait3A_35] : memref<10000x128xf32, #tpu.memory_space<vmem_shared>> -> memref<10000x128xf32, #tpu.memory_space<vmem_shared>>
          tpu.wait_indirect_dma semaphore(%run_scoped3A : memref<!tpu.dma_semaphore, #tpu.memory_space<semaphore_mem>>) src(%arg6 : memref<128x128xf32, #tpu.memory_space<vmem>>) dst(%dma_wait3A_36 : memref<10000x128xf32, #tpu.memory_space<vmem_shared>>)
          tpu.yield
        }) : () -> ()
      } else {
      }
    }
    %scan3A_17 = arith.constant 79 : i32
    %barrier3A_18 = arith.constant 0 : index
    tpu.barrier barrier_id(%barrier3A_18)
    %scan3A_19 = arith.constant 0 : i32
    %scan3A_20 = arith.constant 0 : i32
    %scan3A_21 = arith.constant 4 : i32
    %scan3A_22 = arith.addi %scan3A_20, %scan3A_21 : i32
    %scan3A_23 = arith.constant 1 : i32
    scf.for %scan3A_25 = %scan3A_20 to %scan3A_22 step %scan3A_23  : i32 {
      %mul3A_26 = arith.constant 16 : i32
      %mul3A_27 = arith.muli %scan3A_25, %mul3A_26 : i32
      %add3A_28 = arith.addi %mul3A_27, %arg1 : i32
      %lt3A = arith.constant 50 : i32
      %lt3A_29 = arith.cmpi slt, %add3A_28, %lt3A : i32
      %convert_element_type3A = arith.extui %lt3A_29 : i1 to i32
      %cond3A = arith.constant 0 : i32
      %cond3A_30 = arith.cmpi ne, %convert_element_type3A, %cond3A : i32
      scf.if %cond3A_30 {
        %mul3A_31 = arith.constant 200 : i32
        %mul3A_32 = arith.muli %add3A_28, %mul3A_31 : i32
        "tpu.region"() ({
          %run_scoped3A = tpu.sem_alloc : memref<!tpu.dma_semaphore, #tpu.memory_space<semaphore_mem>>
          %dma_start3A = arith.constant 0 : i32
          %dma_start3A_33 = tpu.memref_slice %arg8[%mul3A_32, %dma_start3A] : memref<10000x128xf32, #tpu.memory_space<vmem_shared>> -> memref<200x128xf32, #tpu.memory_space<vmem_shared>>
          %dma_start3A_34 = arith.constant 0 : i32
          %dma_start3A_35 = tpu.memref_slice %arg8[%mul3A_32, %dma_start3A_34] : memref<10000x128xf32, #tpu.memory_space<vmem_shared>> -> memref<200x128xf32, #tpu.memory_space<vmem_shared>>
          tpu.enqueue_dma source(%dma_start3A_35 : memref<200x128xf32, #tpu.memory_space<vmem_shared>>) target(%arg7 : memref<200x128xf32, #tpu.memory_space<vmem>>) target_semaphore(%run_scoped3A : memref<!tpu.dma_semaphore, #tpu.memory_space<semaphore_mem>>)
          %dma_wait3A = arith.constant 0 : i32
          %dma_wait3A_36 = tpu.memref_slice %arg8[%mul3A_32, %dma_wait3A] : memref<10000x128xf32, #tpu.memory_space<vmem_shared>> -> memref<200x128xf32, #tpu.memory_space<vmem_shared>>
          %dma_wait3A_37 = arith.constant 0 : i32
          %dma_wait3A_38 = tpu.memref_slice %arg8[%mul3A_32, %dma_wait3A_37] : memref<10000x128xf32, #tpu.memory_space<vmem_shared>> -> memref<200x128xf32, #tpu.memory_space<vmem_shared>>
          tpu.wait_dma2 semaphore(%run_scoped3A : memref<!tpu.dma_semaphore, #tpu.memory_space<semaphore_mem>>) src(%dma_wait3A_38 : memref<200x128xf32, #tpu.memory_space<vmem_shared>>) dst(%arg7 : memref<200x128xf32, #tpu.memory_space<vmem>>)
          tpu.yield
        }) : () -> ()
        "tpu.region"() ({
          %run_scoped3A = tpu.sem_alloc : memref<!tpu.dma_semaphore, #tpu.memory_space<semaphore_mem>>
          %dma_start3A = arith.constant 0 : i32
          %dma_start3A_33 = tpu.memref_slice %arg4[%arg0, %mul3A_32, %dma_start3A] : memref<2x10000x128xf32, #tpu.memory_space<hbm>> -> memref<1x200x128xf32, #tpu.memory_space<hbm>>
          %dma_start3A_34 = tpu.memref_squeeze %dma_start3A_33 : memref<1x200x128xf32, #tpu.memory_space<hbm>> -> memref<200x128xf32, #tpu.memory_space<hbm>>
          %dma_start3A_35 = arith.constant 0 : i32
          %dma_start3A_36 = tpu.memref_slice %arg4[%arg0, %mul3A_32, %dma_start3A_35] : memref<2x10000x128xf32, #tpu.memory_space<hbm>> -> memref<1x200x128xf32, #tpu.memory_space<hbm>>
          %dma_start3A_37 = tpu.memref_squeeze %dma_start3A_36 : memref<1x200x128xf32, #tpu.memory_space<hbm>> -> memref<200x128xf32, #tpu.memory_space<hbm>>
          tpu.enqueue_dma source(%arg7 : memref<200x128xf32, #tpu.memory_space<vmem>>) target(%dma_start3A_37 : memref<200x128xf32, #tpu.memory_space<hbm>>) target_semaphore(%run_scoped3A : memref<!tpu.dma_semaphore, #tpu.memory_space<semaphore_mem>>)
          %dma_wait3A = arith.constant 0 : i32
          %dma_wait3A_38 = tpu.memref_slice %arg4[%arg0, %mul3A_32, %dma_wait3A] : memref<2x10000x128xf32, #tpu.memory_space<hbm>> -> memref<1x200x128xf32, #tpu.memory_space<hbm>>
          %dma_wait3A_39 = tpu.memref_squeeze %dma_wait3A_38 : memref<1x200x128xf32, #tpu.memory_space<hbm>> -> memref<200x128xf32, #tpu.memory_space<hbm>>
          %dma_wait3A_40 = arith.constant 0 : i32
          %dma_wait3A_41 = tpu.memref_slice %arg4[%arg0, %mul3A_32, %dma_wait3A_40] : memref<2x10000x128xf32, #tpu.memory_space<hbm>> -> memref<1x200x128xf32, #tpu.memory_space<hbm>>
          %dma_wait3A_42 = tpu.memref_squeeze %dma_wait3A_41 : memref<1x200x128xf32, #tpu.memory_space<hbm>> -> memref<200x128xf32, #tpu.memory_space<hbm>>
          tpu.wait_dma2 semaphore(%run_scoped3A : memref<!tpu.dma_semaphore, #tpu.memory_space<semaphore_mem>>) src(%arg7 : memref<200x128xf32, #tpu.memory_space<vmem>>) dst(%dma_wait3A_42 : memref<200x128xf32, #tpu.memory_space<hbm>>)
          tpu.yield
        }) : () -> ()
      } else {
      }
    }
    %scan3A_24 = arith.constant 4 : i32
    return
  }
}

#map = affine_map<(d0, d1) -> (0, 0)>
#map1 = affine_map<(d0, d1) -> (0)>
module attributes {stable_mosaic.version = 14 : i64} {
  func.func @k(%arg0: i32, %arg1: i32, %arg2: memref<10000x128xf32, #tpu.memory_space<hbm>>, %arg3: memref<10000x128xf32, #tpu.memory_space<hbm>>, %arg4: memref<320000xi32, #tpu.memory_space<hbm>>, %arg5: memref<320000xi32, #tpu.memory_space<hbm>>, %arg6: memref<320000x128xf32, #tpu.memory_space<hbm>>, %arg7: memref<320000x128xf32, #tpu.memory_space<hbm>>, %arg8: memref<128xi32, #tpu.memory_space<vmem>>, %arg9: memref<128xi32, #tpu.memory_space<vmem>>, %arg10: memref<128x128xf32, #tpu.memory_space<vmem>>, %arg11: memref<128x128xf32, #tpu.memory_space<vmem>>, %arg12: memref<!tpu.dma_semaphore, #tpu.memory_space<semaphore_mem>>, %arg13: memref<!tpu.dma_semaphore, #tpu.memory_space<semaphore_mem>>) attributes {dimension_semantics = [#tpu.dimension_semantics<core_parallel>, #tpu.dimension_semantics<subcore_parallel>], iteration_bounds = array<i64: 2, 16>, scalar_prefetch = 0 : i64, scratch_operands = 6 : i64, tpu.core_type = #tpu.core_type<sc_vector_subcore>, window_params = [{transform_indices = #map}, {transform_indices = #map}, {transform_indices = #map1}, {transform_indices = #map1}, {transform_indices = #map}, {transform_indices = #map}]} {
    %mul3A = arith.constant 2 : i32
    %mul3A_0 = arith.muli %arg1, %mul3A : i32
    %add3A = arith.addi %mul3A_0, %arg0 : i32
    %scan3A = arith.constant 0 : i32
    %scan3A_1 = arith.constant 0 : i32
    %scan3A_2 = arith.constant 79 : i32
    %scan3A_3 = arith.addi %scan3A_1, %scan3A_2 : i32
    %scan3A_4 = arith.constant 1 : i32
    scf.for %scan3A_6 = %scan3A_1 to %scan3A_3 step %scan3A_4  : i32 {
      %mul3A_7 = arith.constant 32 : i32
      %mul3A_8 = arith.muli %scan3A_6, %mul3A_7 : i32
      %add3A_9 = arith.addi %mul3A_8, %add3A : i32
      %lt3A = arith.constant 2500 : i32
      %lt3A_10 = arith.cmpi slt, %add3A_9, %lt3A : i32
      %convert_element_type3A = arith.extui %lt3A_10 : i1 to i32
      %cond3A = arith.constant 0 : i32
      %cond3A_11 = arith.cmpi ne, %convert_element_type3A, %cond3A : i32
      scf.if %cond3A_11 {
        %mul3A_12 = arith.constant 128 : i32
        %mul3A_13 = arith.muli %add3A_9, %mul3A_12 : i32
        "tpu.region"() ({
          %run_scoped3A = tpu.sem_alloc : memref<!tpu.dma_semaphore, #tpu.memory_space<semaphore_mem>>
          %dma_start3A_24 = tpu.memref_slice %arg4[%mul3A_13] : memref<320000xi32, #tpu.memory_space<hbm>> -> memref<128xi32, #tpu.memory_space<hbm>>
          %dma_start3A_25 = tpu.memref_slice %arg4[%mul3A_13] : memref<320000xi32, #tpu.memory_space<hbm>> -> memref<128xi32, #tpu.memory_space<hbm>>
          tpu.enqueue_dma source(%dma_start3A_25 : memref<128xi32, #tpu.memory_space<hbm>>) target(%arg8 : memref<128xi32, #tpu.memory_space<vmem>>) target_semaphore(%run_scoped3A : memref<!tpu.dma_semaphore, #tpu.memory_space<semaphore_mem>>)
          %dma_wait3A_26 = tpu.memref_slice %arg4[%mul3A_13] : memref<320000xi32, #tpu.memory_space<hbm>> -> memref<128xi32, #tpu.memory_space<hbm>>
          %dma_wait3A_27 = tpu.memref_slice %arg4[%mul3A_13] : memref<320000xi32, #tpu.memory_space<hbm>> -> memref<128xi32, #tpu.memory_space<hbm>>
          tpu.wait_dma2 semaphore(%run_scoped3A : memref<!tpu.dma_semaphore, #tpu.memory_space<semaphore_mem>>) src(%dma_wait3A_27 : memref<128xi32, #tpu.memory_space<hbm>>) dst(%arg8 : memref<128xi32, #tpu.memory_space<vmem>>)
          tpu.yield
        }) : () -> ()
        "tpu.region"() ({
          %run_scoped3A = tpu.sem_alloc : memref<!tpu.dma_semaphore, #tpu.memory_space<semaphore_mem>>
          %dma_start3A_24 = tpu.memref_slice %arg5[%mul3A_13] : memref<320000xi32, #tpu.memory_space<hbm>> -> memref<128xi32, #tpu.memory_space<hbm>>
          %dma_start3A_25 = tpu.memref_slice %arg5[%mul3A_13] : memref<320000xi32, #tpu.memory_space<hbm>> -> memref<128xi32, #tpu.memory_space<hbm>>
          tpu.enqueue_dma source(%dma_start3A_25 : memref<128xi32, #tpu.memory_space<hbm>>) target(%arg9 : memref<128xi32, #tpu.memory_space<vmem>>) target_semaphore(%run_scoped3A : memref<!tpu.dma_semaphore, #tpu.memory_space<semaphore_mem>>)
          %dma_wait3A_26 = tpu.memref_slice %arg5[%mul3A_13] : memref<320000xi32, #tpu.memory_space<hbm>> -> memref<128xi32, #tpu.memory_space<hbm>>
          %dma_wait3A_27 = tpu.memref_slice %arg5[%mul3A_13] : memref<320000xi32, #tpu.memory_space<hbm>> -> memref<128xi32, #tpu.memory_space<hbm>>
          tpu.wait_dma2 semaphore(%run_scoped3A : memref<!tpu.dma_semaphore, #tpu.memory_space<semaphore_mem>>) src(%dma_wait3A_27 : memref<128xi32, #tpu.memory_space<hbm>>) dst(%arg9 : memref<128xi32, #tpu.memory_space<vmem>>)
          tpu.yield
        }) : () -> ()
        %dma_start3A = arith.constant 0 : i32
        %dma_start3A_14 = arith.constant 0 : i32
        %dma_start3A_15 = tpu.memref_slice %arg2[%dma_start3A, %dma_start3A_14] : memref<10000x128xf32, #tpu.memory_space<hbm>> -> memref<10000x128xf32, #tpu.memory_space<hbm>>
        tpu.enqueue_indirect_dma source(%dma_start3A_15 : memref<10000x128xf32, #tpu.memory_space<hbm>>) target(%arg10 : memref<128x128xf32, #tpu.memory_space<vmem>>) offsets(%arg8 : memref<128xi32, #tpu.memory_space<vmem>>) semaphore(%arg12 : memref<!tpu.dma_semaphore, #tpu.memory_space<semaphore_mem>>)
        %dma_start3A_16 = arith.constant 0 : i32
        %dma_start3A_17 = arith.constant 0 : i32
        %dma_start3A_18 = tpu.memref_slice %arg3[%dma_start3A_16, %dma_start3A_17] : memref<10000x128xf32, #tpu.memory_space<hbm>> -> memref<10000x128xf32, #tpu.memory_space<hbm>>
        tpu.enqueue_indirect_dma source(%dma_start3A_18 : memref<10000x128xf32, #tpu.memory_space<hbm>>) target(%arg11 : memref<128x128xf32, #tpu.memory_space<vmem>>) offsets(%arg9 : memref<128xi32, #tpu.memory_space<vmem>>) semaphore(%arg13 : memref<!tpu.dma_semaphore, #tpu.memory_space<semaphore_mem>>)
        %dma_wait3A = arith.constant 0 : i32
        %dma_wait3A_19 = arith.constant 0 : i32
        %dma_wait3A_20 = tpu.memref_slice %arg2[%dma_wait3A, %dma_wait3A_19] : memref<10000x128xf32, #tpu.memory_space<hbm>> -> memref<10000x128xf32, #tpu.memory_space<hbm>>
        tpu.wait_indirect_dma semaphore(%arg12 : memref<!tpu.dma_semaphore, #tpu.memory_space<semaphore_mem>>) src(%dma_wait3A_20 : memref<10000x128xf32, #tpu.memory_space<hbm>>) dst(%arg10 : memref<128x128xf32, #tpu.memory_space<vmem>>)
        %dma_wait3A_21 = arith.constant 0 : i32
        %dma_wait3A_22 = arith.constant 0 : i32
        %dma_wait3A_23 = tpu.memref_slice %arg3[%dma_wait3A_21, %dma_wait3A_22] : memref<10000x128xf32, #tpu.memory_space<hbm>> -> memref<10000x128xf32, #tpu.memory_space<hbm>>
        tpu.wait_indirect_dma semaphore(%arg13 : memref<!tpu.dma_semaphore, #tpu.memory_space<semaphore_mem>>) src(%dma_wait3A_23 : memref<10000x128xf32, #tpu.memory_space<hbm>>) dst(%arg11 : memref<128x128xf32, #tpu.memory_space<vmem>>)
        "tpu.region"() ({
          %run_scoped3A = tpu.sem_alloc : memref<!tpu.dma_semaphore, #tpu.memory_space<semaphore_mem>>
          %dma_start3A_24 = arith.constant 0 : i32
          %dma_start3A_25 = tpu.memref_slice %arg6[%mul3A_13, %dma_start3A_24] : memref<320000x128xf32, #tpu.memory_space<hbm>> -> memref<128x128xf32, #tpu.memory_space<hbm>>
          %dma_start3A_26 = arith.constant 0 : i32
          %dma_start3A_27 = tpu.memref_slice %arg6[%mul3A_13, %dma_start3A_26] : memref<320000x128xf32, #tpu.memory_space<hbm>> -> memref<128x128xf32, #tpu.memory_space<hbm>>
          tpu.enqueue_dma source(%arg10 : memref<128x128xf32, #tpu.memory_space<vmem>>) target(%dma_start3A_27 : memref<128x128xf32, #tpu.memory_space<hbm>>) target_semaphore(%run_scoped3A : memref<!tpu.dma_semaphore, #tpu.memory_space<semaphore_mem>>)
          %dma_wait3A_28 = arith.constant 0 : i32
          %dma_wait3A_29 = tpu.memref_slice %arg6[%mul3A_13, %dma_wait3A_28] : memref<320000x128xf32, #tpu.memory_space<hbm>> -> memref<128x128xf32, #tpu.memory_space<hbm>>
          %dma_wait3A_30 = arith.constant 0 : i32
          %dma_wait3A_31 = tpu.memref_slice %arg6[%mul3A_13, %dma_wait3A_30] : memref<320000x128xf32, #tpu.memory_space<hbm>> -> memref<128x128xf32, #tpu.memory_space<hbm>>
          tpu.wait_dma2 semaphore(%run_scoped3A : memref<!tpu.dma_semaphore, #tpu.memory_space<semaphore_mem>>) src(%arg10 : memref<128x128xf32, #tpu.memory_space<vmem>>) dst(%dma_wait3A_31 : memref<128x128xf32, #tpu.memory_space<hbm>>)
          tpu.yield
        }) : () -> ()
        "tpu.region"() ({
          %run_scoped3A = tpu.sem_alloc : memref<!tpu.dma_semaphore, #tpu.memory_space<semaphore_mem>>
          %dma_start3A_24 = arith.constant 0 : i32
          %dma_start3A_25 = tpu.memref_slice %arg7[%mul3A_13, %dma_start3A_24] : memref<320000x128xf32, #tpu.memory_space<hbm>> -> memref<128x128xf32, #tpu.memory_space<hbm>>
          %dma_start3A_26 = arith.constant 0 : i32
          %dma_start3A_27 = tpu.memref_slice %arg7[%mul3A_13, %dma_start3A_26] : memref<320000x128xf32, #tpu.memory_space<hbm>> -> memref<128x128xf32, #tpu.memory_space<hbm>>
          tpu.enqueue_dma source(%arg11 : memref<128x128xf32, #tpu.memory_space<vmem>>) target(%dma_start3A_27 : memref<128x128xf32, #tpu.memory_space<hbm>>) target_semaphore(%run_scoped3A : memref<!tpu.dma_semaphore, #tpu.memory_space<semaphore_mem>>)
          %dma_wait3A_28 = arith.constant 0 : i32
          %dma_wait3A_29 = tpu.memref_slice %arg7[%mul3A_13, %dma_wait3A_28] : memref<320000x128xf32, #tpu.memory_space<hbm>> -> memref<128x128xf32, #tpu.memory_space<hbm>>
          %dma_wait3A_30 = arith.constant 0 : i32
          %dma_wait3A_31 = tpu.memref_slice %arg7[%mul3A_13, %dma_wait3A_30] : memref<320000x128xf32, #tpu.memory_space<hbm>> -> memref<128x128xf32, #tpu.memory_space<hbm>>
          tpu.wait_dma2 semaphore(%run_scoped3A : memref<!tpu.dma_semaphore, #tpu.memory_space<semaphore_mem>>) src(%arg11 : memref<128x128xf32, #tpu.memory_space<vmem>>) dst(%dma_wait3A_31 : memref<128x128xf32, #tpu.memory_space<hbm>>)
          tpu.yield
        }) : () -> ()
      } else {
      }
    }
    %scan3A_5 = arith.constant 79 : i32
    return
  }
}

#map = affine_map<(d0, d1) -> (0, 0)>
#map1 = affine_map<(d0, d1) -> (0)>
module attributes {stable_mosaic.version = 14 : i64} {
  func.func @k(%arg0: i32, %arg1: i32, %arg2: memref<10000x128xf32, #tpu.memory_space<hbm>>, %arg3: memref<10000x128xf32, #tpu.memory_space<hbm>>, %arg4: memref<320000xi32, #tpu.memory_space<hbm>>, %arg5: memref<320000xi32, #tpu.memory_space<hbm>>, %arg6: memref<320000x128xf32, #tpu.memory_space<hbm>>, %arg7: memref<320000x128xf32, #tpu.memory_space<hbm>>, %arg8: memref<128xi32, #tpu.memory_space<vmem>>, %arg9: memref<128xi32, #tpu.memory_space<vmem>>, %arg10: memref<128x128xf32, #tpu.memory_space<vmem>>, %arg11: memref<128x128xf32, #tpu.memory_space<vmem>>, %arg12: memref<!tpu.dma_semaphore, #tpu.memory_space<semaphore_mem>>, %arg13: memref<!tpu.dma_semaphore, #tpu.memory_space<semaphore_mem>>) attributes {dimension_semantics = [#tpu.dimension_semantics<core_parallel>, #tpu.dimension_semantics<subcore_parallel>], iteration_bounds = array<i64: 2, 16>, scalar_prefetch = 0 : i64, scratch_operands = 6 : i64, tpu.core_type = #tpu.core_type<sc_vector_subcore>, window_params = [{transform_indices = #map}, {transform_indices = #map}, {transform_indices = #map1}, {transform_indices = #map1}, {transform_indices = #map}, {transform_indices = #map}]} {
    %mul3A = arith.constant 2 : i32
    %mul3A_0 = arith.muli %arg1, %mul3A : i32
    %add3A = arith.addi %mul3A_0, %arg0 : i32
    %scan3A = arith.constant 0 : i32
    %scan3A_1 = arith.constant 0 : i32
    %scan3A_2 = arith.constant 79 : i32
    %scan3A_3 = arith.addi %scan3A_1, %scan3A_2 : i32
    %scan3A_4 = arith.constant 1 : i32
    scf.for %scan3A_6 = %scan3A_1 to %scan3A_3 step %scan3A_4  : i32 {
      %mul3A_7 = arith.constant 32 : i32
      %mul3A_8 = arith.muli %scan3A_6, %mul3A_7 : i32
      %add3A_9 = arith.addi %mul3A_8, %add3A : i32
      %lt3A = arith.constant 2500 : i32
      %lt3A_10 = arith.cmpi slt, %add3A_9, %lt3A : i32
      %convert_element_type3A = arith.extui %lt3A_10 : i1 to i32
      %cond3A = arith.constant 0 : i32
      %cond3A_11 = arith.cmpi ne, %convert_element_type3A, %cond3A : i32
      scf.if %cond3A_11 {
        %mul3A_12 = arith.constant 128 : i32
        %mul3A_13 = arith.muli %add3A_9, %mul3A_12 : i32
        "tpu.region"() ({
          %run_scoped3A = tpu.sem_alloc : memref<!tpu.dma_semaphore, #tpu.memory_space<semaphore_mem>>
          %dma_start3A_24 = tpu.memref_slice %arg4[%mul3A_13] : memref<320000xi32, #tpu.memory_space<hbm>> -> memref<128xi32, #tpu.memory_space<hbm>>
          %dma_start3A_25 = tpu.memref_slice %arg4[%mul3A_13] : memref<320000xi32, #tpu.memory_space<hbm>> -> memref<128xi32, #tpu.memory_space<hbm>>
          tpu.enqueue_dma source(%dma_start3A_25 : memref<128xi32, #tpu.memory_space<hbm>>) target(%arg8 : memref<128xi32, #tpu.memory_space<vmem>>) target_semaphore(%run_scoped3A : memref<!tpu.dma_semaphore, #tpu.memory_space<semaphore_mem>>)
          %dma_wait3A_26 = tpu.memref_slice %arg4[%mul3A_13] : memref<320000xi32, #tpu.memory_space<hbm>> -> memref<128xi32, #tpu.memory_space<hbm>>
          %dma_wait3A_27 = tpu.memref_slice %arg4[%mul3A_13] : memref<320000xi32, #tpu.memory_space<hbm>> -> memref<128xi32, #tpu.memory_space<hbm>>
          tpu.wait_dma2 semaphore(%run_scoped3A : memref<!tpu.dma_semaphore, #tpu.memory_space<semaphore_mem>>) src(%dma_wait3A_27 : memref<128xi32, #tpu.memory_space<hbm>>) dst(%arg8 : memref<128xi32, #tpu.memory_space<vmem>>)
          tpu.yield
        }) : () -> ()
        "tpu.region"() ({
          %run_scoped3A = tpu.sem_alloc : memref<!tpu.dma_semaphore, #tpu.memory_space<semaphore_mem>>
          %dma_start3A_24 = tpu.memref_slice %arg5[%mul3A_13] : memref<320000xi32, #tpu.memory_space<hbm>> -> memref<128xi32, #tpu.memory_space<hbm>>
          %dma_start3A_25 = tpu.memref_slice %arg5[%mul3A_13] : memref<320000xi32, #tpu.memory_space<hbm>> -> memref<128xi32, #tpu.memory_space<hbm>>
          tpu.enqueue_dma source(%dma_start3A_25 : memref<128xi32, #tpu.memory_space<hbm>>) target(%arg9 : memref<128xi32, #tpu.memory_space<vmem>>) target_semaphore(%run_scoped3A : memref<!tpu.dma_semaphore, #tpu.memory_space<semaphore_mem>>)
          %dma_wait3A_26 = tpu.memref_slice %arg5[%mul3A_13] : memref<320000xi32, #tpu.memory_space<hbm>> -> memref<128xi32, #tpu.memory_space<hbm>>
          %dma_wait3A_27 = tpu.memref_slice %arg5[%mul3A_13] : memref<320000xi32, #tpu.memory_space<hbm>> -> memref<128xi32, #tpu.memory_space<hbm>>
          tpu.wait_dma2 semaphore(%run_scoped3A : memref<!tpu.dma_semaphore, #tpu.memory_space<semaphore_mem>>) src(%dma_wait3A_27 : memref<128xi32, #tpu.memory_space<hbm>>) dst(%arg9 : memref<128xi32, #tpu.memory_space<vmem>>)
          tpu.yield
        }) : () -> ()
        %dma_start3A = arith.constant 0 : i32
        %dma_start3A_14 = arith.constant 0 : i32
        %dma_start3A_15 = tpu.memref_slice %arg2[%dma_start3A, %dma_start3A_14] : memref<10000x128xf32, #tpu.memory_space<hbm>> -> memref<10000x128xf32, #tpu.memory_space<hbm>>
        tpu.enqueue_indirect_dma source(%dma_start3A_15 : memref<10000x128xf32, #tpu.memory_space<hbm>>) target(%arg10 : memref<128x128xf32, #tpu.memory_space<vmem>>) offsets(%arg8 : memref<128xi32, #tpu.memory_space<vmem>>) semaphore(%arg12 : memref<!tpu.dma_semaphore, #tpu.memory_space<semaphore_mem>>)
        %dma_start3A_16 = arith.constant 0 : i32
        %dma_start3A_17 = arith.constant 0 : i32
        %dma_start3A_18 = tpu.memref_slice %arg3[%dma_start3A_16, %dma_start3A_17] : memref<10000x128xf32, #tpu.memory_space<hbm>> -> memref<10000x128xf32, #tpu.memory_space<hbm>>
        tpu.enqueue_indirect_dma source(%dma_start3A_18 : memref<10000x128xf32, #tpu.memory_space<hbm>>) target(%arg11 : memref<128x128xf32, #tpu.memory_space<vmem>>) offsets(%arg9 : memref<128xi32, #tpu.memory_space<vmem>>) semaphore(%arg13 : memref<!tpu.dma_semaphore, #tpu.memory_space<semaphore_mem>>)
        %dma_wait3A = arith.constant 0 : i32
        %dma_wait3A_19 = arith.constant 0 : i32
        %dma_wait3A_20 = tpu.memref_slice %arg2[%dma_wait3A, %dma_wait3A_19] : memref<10000x128xf32, #tpu.memory_space<hbm>> -> memref<10000x128xf32, #tpu.memory_space<hbm>>
        tpu.wait_indirect_dma semaphore(%arg12 : memref<!tpu.dma_semaphore, #tpu.memory_space<semaphore_mem>>) src(%dma_wait3A_20 : memref<10000x128xf32, #tpu.memory_space<hbm>>) dst(%arg10 : memref<128x128xf32, #tpu.memory_space<vmem>>)
        %dma_wait3A_21 = arith.constant 0 : i32
        %dma_wait3A_22 = arith.constant 0 : i32
        %dma_wait3A_23 = tpu.memref_slice %arg3[%dma_wait3A_21, %dma_wait3A_22] : memref<10000x128xf32, #tpu.memory_space<hbm>> -> memref<10000x128xf32, #tpu.memory_space<hbm>>
        tpu.wait_indirect_dma semaphore(%arg13 : memref<!tpu.dma_semaphore, #tpu.memory_space<semaphore_mem>>) src(%dma_wait3A_23 : memref<10000x128xf32, #tpu.memory_space<hbm>>) dst(%arg11 : memref<128x128xf32, #tpu.memory_space<vmem>>)
        "tpu.region"() ({
          %run_scoped3A = tpu.sem_alloc : memref<!tpu.dma_semaphore, #tpu.memory_space<semaphore_mem>>
          %dma_start3A_24 = arith.constant 0 : i32
          %dma_start3A_25 = tpu.memref_slice %arg6[%mul3A_13, %dma_start3A_24] : memref<320000x128xf32, #tpu.memory_space<hbm>> -> memref<128x128xf32, #tpu.memory_space<hbm>>
          %dma_start3A_26 = arith.constant 0 : i32
          %dma_start3A_27 = tpu.memref_slice %arg6[%mul3A_13, %dma_start3A_26] : memref<320000x128xf32, #tpu.memory_space<hbm>> -> memref<128x128xf32, #tpu.memory_space<hbm>>
          tpu.enqueue_dma source(%arg10 : memref<128x128xf32, #tpu.memory_space<vmem>>) target(%dma_start3A_27 : memref<128x128xf32, #tpu.memory_space<hbm>>) target_semaphore(%run_scoped3A : memref<!tpu.dma_semaphore, #tpu.memory_space<semaphore_mem>>)
          %dma_wait3A_28 = arith.constant 0 : i32
          %dma_wait3A_29 = tpu.memref_slice %arg6[%mul3A_13, %dma_wait3A_28] : memref<320000x128xf32, #tpu.memory_space<hbm>> -> memref<128x128xf32, #tpu.memory_space<hbm>>
          %dma_wait3A_30 = arith.constant 0 : i32
          %dma_wait3A_31 = tpu.memref_slice %arg6[%mul3A_13, %dma_wait3A_30] : memref<320000x128xf32, #tpu.memory_space<hbm>> -> memref<128x128xf32, #tpu.memory_space<hbm>>
          tpu.wait_dma2 semaphore(%run_scoped3A : memref<!tpu.dma_semaphore, #tpu.memory_space<semaphore_mem>>) src(%arg10 : memref<128x128xf32, #tpu.memory_space<vmem>>) dst(%dma_wait3A_31 : memref<128x128xf32, #tpu.memory_space<hbm>>)
          tpu.yield
        }) : () -> ()
        "tpu.region"() ({
          %run_scoped3A = tpu.sem_alloc : memref<!tpu.dma_semaphore, #tpu.memory_space<semaphore_mem>>
          %dma_start3A_24 = arith.constant 0 : i32
          %dma_start3A_25 = tpu.memref_slice %arg7[%mul3A_13, %dma_start3A_24] : memref<320000x128xf32, #tpu.memory_space<hbm>> -> memref<128x128xf32, #tpu.memory_space<hbm>>
          %dma_start3A_26 = arith.constant 0 : i32
          %dma_start3A_27 = tpu.memref_slice %arg7[%mul3A_13, %dma_start3A_26] : memref<320000x128xf32, #tpu.memory_space<hbm>> -> memref<128x128xf32, #tpu.memory_space<hbm>>
          tpu.enqueue_dma source(%arg11 : memref<128x128xf32, #tpu.memory_space<vmem>>) target(%dma_start3A_27 : memref<128x128xf32, #tpu.memory_space<hbm>>) target_semaphore(%run_scoped3A : memref<!tpu.dma_semaphore, #tpu.memory_space<semaphore_mem>>)
          %dma_wait3A_28 = arith.constant 0 : i32
          %dma_wait3A_29 = tpu.memref_slice %arg7[%mul3A_13, %dma_wait3A_28] : memref<320000x128xf32, #tpu.memory_space<hbm>> -> memref<128x128xf32, #tpu.memory_space<hbm>>
          %dma_wait3A_30 = arith.constant 0 : i32
          %dma_wait3A_31 = tpu.memref_slice %arg7[%mul3A_13, %dma_wait3A_30] : memref<320000x128xf32, #tpu.memory_space<hbm>> -> memref<128x128xf32, #tpu.memory_space<hbm>>
          tpu.wait_dma2 semaphore(%run_scoped3A : memref<!tpu.dma_semaphore, #tpu.memory_space<semaphore_mem>>) src(%arg11 : memref<128x128xf32, #tpu.memory_space<vmem>>) dst(%dma_wait3A_31 : memref<128x128xf32, #tpu.memory_space<hbm>>)
          tpu.yield
        }) : () -> ()
      } else {
      }
    }
    %scan3A_5 = arith.constant 79 : i32
    return
  }
}

#map = affine_map<(d0, d1) -> (0, 0)>
#map1 = affine_map<(d0, d1) -> (0)>
#map2 = affine_map<(d0, d1) -> (0, 0, 0)>
module attributes {stable_mosaic.version = 14 : i64} {
  func.func @k(%arg0: i32, %arg1: i32, %arg2: memref<320000x128xf32, #tpu.memory_space<hbm>>, %arg3: memref<320000xi32, #tpu.memory_space<hbm>>, %arg4: memref<2x10000x128xf32, #tpu.memory_space<hbm>>, %arg5: memref<128xi32, #tpu.memory_space<vmem>>, %arg6: memref<128x128xf32, #tpu.memory_space<vmem>>, %arg7: memref<200x128xf32, #tpu.memory_space<vmem>>, %arg8: memref<10000x128xf32, #tpu.memory_space<vmem_shared>>) attributes {dimension_semantics = [#tpu.dimension_semantics<core_parallel>, #tpu.dimension_semantics<subcore_parallel>], iteration_bounds = array<i64: 2, 16>, scalar_prefetch = 0 : i64, scratch_operands = 4 : i64, tpu.core_type = #tpu.core_type<sc_vector_subcore>, window_params = [{transform_indices = #map}, {transform_indices = #map1}, {transform_indices = #map2}]} {
    %mul3A = arith.constant 2 : i32
    %mul3A_0 = arith.muli %arg1, %mul3A : i32
    %add3A = arith.addi %mul3A_0, %arg0 : i32
    %scan3A = arith.constant 0 : i32
    %scan3A_1 = arith.constant 0 : i32
    %scan3A_2 = arith.constant 1600 : i32
    %scan3A_3 = arith.addi %scan3A_1, %scan3A_2 : i32
    %scan3A_4 = arith.constant 1 : i32
    scf.for %scan3A_25 = %scan3A_1 to %scan3A_3 step %scan3A_4  : i32 {
      %broadcast_in_dim3A = arith.constant 0.000000e+00 : f32
      %broadcast_in_dim3A_26 = vector.broadcast %broadcast_in_dim3A : f32 to vector<16xf32>
      %jit3A = arith.constant 8 : i32
      %div3A = arith.divsi %scan3A_25, %jit3A : i32
      %sign3A = arith.constant 0 : i32
      %sign3A_27 = arith.cmpi sgt, %scan3A_25, %sign3A : i32
      %sign3A_28 = arith.extui %sign3A_27 : i1 to i32
      %sign3A_29 = arith.constant 0 : i32
      %sign3A_30 = arith.cmpi slt, %scan3A_25, %sign3A_29 : i32
      %sign3A_31 = arith.extui %sign3A_30 : i1 to i32
      %sign3A_32 = arith.subi %sign3A_28, %sign3A_31 : i32
      %sign3A_33 = arith.constant 0 : i32
      %sign3A_34 = arith.cmpi sgt, %jit3A, %sign3A_33 : i32
      %sign3A_35 = arith.extui %sign3A_34 : i1 to i32
      %sign3A_36 = arith.constant 0 : i32
      %sign3A_37 = arith.cmpi slt, %jit3A, %sign3A_36 : i32
      %sign3A_38 = arith.extui %sign3A_37 : i1 to i32
      %sign3A_39 = arith.subi %sign3A_35, %sign3A_38 : i32
      %ne3A = arith.cmpi ne, %sign3A_32, %sign3A_39 : i32
      %rem3A = arith.remsi %scan3A_25, %jit3A : i32
      %ne3A_40 = arith.constant 0 : i32
      %ne3A_41 = arith.cmpi ne, %rem3A, %ne3A_40 : i32
      %and3A = arith.andi %ne3A, %ne3A_41 : i1
      %sub3A = arith.constant 1 : i32
      %sub3A_42 = arith.subi %div3A, %sub3A : i32
      %select_n3A = arith.select %and3A, %sub3A_42, %div3A : i32
      %jit3A_43 = arith.constant 8 : i32
      %eq3A = arith.constant 0 : i32
      %eq3A_44 = arith.cmpi eq, %jit3A_43, %eq3A : i32
      %jit3A_45 = arith.constant 1 : i32
      %select_n3A_46 = arith.select %eq3A_44, %jit3A_45, %jit3A_43 : i32
      %rem3A_47 = arith.remsi %scan3A_25, %select_n3A_46 : i32
      %ne3A_48 = arith.constant 0 : i32
      %ne3A_49 = arith.cmpi ne, %rem3A_47, %ne3A_48 : i32
      %lt3A = arith.constant 0 : i32
      %lt3A_50 = arith.cmpi slt, %rem3A_47, %lt3A : i32
      %lt3A_51 = arith.constant 0 : i32
      %lt3A_52 = arith.cmpi slt, %select_n3A_46, %lt3A_51 : i32
      %ne3A_53 = arith.xori %lt3A_50, %lt3A_52 : i1
      %and3A_54 = arith.andi %ne3A_53, %ne3A_49 : i1
      %add3A_55 = arith.addi %rem3A_47, %select_n3A_46 : i32
      %select_n3A_56 = arith.select %and3A_54, %add3A_55, %rem3A_47 : i32
      %mul3A_57 = arith.constant 16 : i32
      %mul3A_58 = arith.muli %select_n3A_56, %mul3A_57 : i32
      %swap3A = arith.index_cast %select_n3A : i32 to index
      %swap3A_59 = arith.index_cast %mul3A_58 : i32 to index
      %swap3A_60 = tpu.vector_load %arg7[%swap3A, %swap3A_59] {strides = array<i32>} : memref<200x128xf32, #tpu.memory_space<vmem>>, vector<1x16xf32>,
      %swap3A_61 = vector.shape_cast %swap3A_60 : vector<1x16xf32> to vector<16xf32>
      %swap3A_62 = vector.shape_cast %broadcast_in_dim3A_26 : vector<16xf32> to vector<1x16xf32>
      tpu.vector_store %arg7[%swap3A, %swap3A_59], %swap3A_62 {strides = array<i32>} : memref<200x128xf32, #tpu.memory_space<vmem>>, vector<1x16xf32>,
    }
    %scan3A_5 = arith.constant 1600 : i32
    %scan3A_6 = arith.constant 0 : i32
    %scan3A_7 = arith.constant 0 : i32
    %scan3A_8 = arith.constant 4 : i32
    %scan3A_9 = arith.addi %scan3A_7, %scan3A_8 : i32
    %scan3A_10 = arith.constant 1 : i32
    scf.for %scan3A_25 = %scan3A_7 to %scan3A_9 step %scan3A_10  : i32 {
      %mul3A_26 = arith.constant 16 : i32
      %mul3A_27 = arith.muli %scan3A_25, %mul3A_26 : i32
      %add3A_28 = arith.addi %mul3A_27, %arg1 : i32
      %lt3A = arith.constant 50 : i32
      %lt3A_29 = arith.cmpi slt, %add3A_28, %lt3A : i32
      %convert_element_type3A = arith.extui %lt3A_29 : i1 to i32
      %cond3A = arith.constant 0 : i32
      %cond3A_30 = arith.cmpi ne, %convert_element_type3A, %cond3A : i32
      scf.if %cond3A_30 {
        %mul3A_31 = arith.constant 200 : i32
        %mul3A_32 = arith.muli %add3A_28, %mul3A_31 : i32
        "tpu.region"() ({
          %run_scoped3A = tpu.sem_alloc : memref<!tpu.dma_semaphore, #tpu.memory_space<semaphore_mem>>
          %dma_start3A = arith.constant 0 : i32
          %dma_start3A_33 = tpu.memref_slice %arg8[%mul3A_32, %dma_start3A] : memref<10000x128xf32, #tpu.memory_space<vmem_shared>> -> memref<200x128xf32, #tpu.memory_space<vmem_shared>>
          %dma_start3A_34 = arith.constant 0 : i32
          %dma_start3A_35 = tpu.memref_slice %arg8[%mul3A_32, %dma_start3A_34] : memref<10000x128xf32, #tpu.memory_space<vmem_shared>> -> memref<200x128xf32, #tpu.memory_space<vmem_shared>>
          tpu.enqueue_dma source(%arg7 : memref<200x128xf32, #tpu.memory_space<vmem>>) target(%dma_start3A_35 : memref<200x128xf32, #tpu.memory_space<vmem_shared>>) target_semaphore(%run_scoped3A : memref<!tpu.dma_semaphore, #tpu.memory_space<semaphore_mem>>)
          %dma_wait3A = arith.constant 0 : i32
          %dma_wait3A_36 = tpu.memref_slice %arg8[%mul3A_32, %dma_wait3A] : memref<10000x128xf32, #tpu.memory_space<vmem_shared>> -> memref<200x128xf32, #tpu.memory_space<vmem_shared>>
          %dma_wait3A_37 = arith.constant 0 : i32
          %dma_wait3A_38 = tpu.memref_slice %arg8[%mul3A_32, %dma_wait3A_37] : memref<10000x128xf32, #tpu.memory_space<vmem_shared>> -> memref<200x128xf32, #tpu.memory_space<vmem_shared>>
          tpu.wait_dma2 semaphore(%run_scoped3A : memref<!tpu.dma_semaphore, #tpu.memory_space<semaphore_mem>>) src(%arg7 : memref<200x128xf32, #tpu.memory_space<vmem>>) dst(%dma_wait3A_38 : memref<200x128xf32, #tpu.memory_space<vmem_shared>>)
          tpu.yield
        }) : () -> ()
      } else {
      }
    }
    %scan3A_11 = arith.constant 4 : i32
    %barrier3A = arith.constant 0 : index
    tpu.barrier barrier_id(%barrier3A)
    %scan3A_12 = arith.constant 0 : i32
    %scan3A_13 = arith.constant 0 : i32
    %scan3A_14 = arith.constant 79 : i32
    %scan3A_15 = arith.addi %scan3A_13, %scan3A_14 : i32
    %scan3A_16 = arith.constant 1 : i32
    scf.for %scan3A_25 = %scan3A_13 to %scan3A_15 step %scan3A_16  : i32 {
      %mul3A_26 = arith.constant 32 : i32
      %mul3A_27 = arith.muli %scan3A_25, %mul3A_26 : i32
      %add3A_28 = arith.addi %mul3A_27, %add3A : i32
      %lt3A = arith.constant 2500 : i32
      %lt3A_29 = arith.cmpi slt, %add3A_28, %lt3A : i32
      %convert_element_type3A = arith.extui %lt3A_29 : i1 to i32
      %cond3A = arith.constant 0 : i32
      %cond3A_30 = arith.cmpi ne, %convert_element_type3A, %cond3A : i32
      scf.if %cond3A_30 {
        %mul3A_31 = arith.constant 128 : i32
        %mul3A_32 = arith.muli %add3A_28, %mul3A_31 : i32
        "tpu.region"() ({
          %run_scoped3A = tpu.sem_alloc : memref<!tpu.dma_semaphore, #tpu.memory_space<semaphore_mem>>
          %dma_start3A = tpu.memref_slice %arg3[%mul3A_32] : memref<320000xi32, #tpu.memory_space<hbm>> -> memref<128xi32, #tpu.memory_space<hbm>>
          %dma_start3A_33 = tpu.memref_slice %arg3[%mul3A_32] : memref<320000xi32, #tpu.memory_space<hbm>> -> memref<128xi32, #tpu.memory_space<hbm>>
          tpu.enqueue_dma source(%dma_start3A_33 : memref<128xi32, #tpu.memory_space<hbm>>) target(%arg5 : memref<128xi32, #tpu.memory_space<vmem>>) target_semaphore(%run_scoped3A : memref<!tpu.dma_semaphore, #tpu.memory_space<semaphore_mem>>)
          %dma_wait3A = tpu.memref_slice %arg3[%mul3A_32] : memref<320000xi32, #tpu.memory_space<hbm>> -> memref<128xi32, #tpu.memory_space<hbm>>
          %dma_wait3A_34 = tpu.memref_slice %arg3[%mul3A_32] : memref<320000xi32, #tpu.memory_space<hbm>> -> memref<128xi32, #tpu.memory_space<hbm>>
          tpu.wait_dma2 semaphore(%run_scoped3A : memref<!tpu.dma_semaphore, #tpu.memory_space<semaphore_mem>>) src(%dma_wait3A_34 : memref<128xi32, #tpu.memory_space<hbm>>) dst(%arg5 : memref<128xi32, #tpu.memory_space<vmem>>)
          tpu.yield
        }) : () -> ()
        "tpu.region"() ({
          %run_scoped3A = tpu.sem_alloc : memref<!tpu.dma_semaphore, #tpu.memory_space<semaphore_mem>>
          %dma_start3A = arith.constant 0 : i32
          %dma_start3A_33 = tpu.memref_slice %arg2[%mul3A_32, %dma_start3A] : memref<320000x128xf32, #tpu.memory_space<hbm>> -> memref<128x128xf32, #tpu.memory_space<hbm>>
          %dma_start3A_34 = arith.constant 0 : i32
          %dma_start3A_35 = tpu.memref_slice %arg2[%mul3A_32, %dma_start3A_34] : memref<320000x128xf32, #tpu.memory_space<hbm>> -> memref<128x128xf32, #tpu.memory_space<hbm>>
          tpu.enqueue_dma source(%dma_start3A_35 : memref<128x128xf32, #tpu.memory_space<hbm>>) target(%arg6 : memref<128x128xf32, #tpu.memory_space<vmem>>) target_semaphore(%run_scoped3A : memref<!tpu.dma_semaphore, #tpu.memory_space<semaphore_mem>>)
          %dma_wait3A = arith.constant 0 : i32
          %dma_wait3A_36 = tpu.memref_slice %arg2[%mul3A_32, %dma_wait3A] : memref<320000x128xf32, #tpu.memory_space<hbm>> -> memref<128x128xf32, #tpu.memory_space<hbm>>
          %dma_wait3A_37 = arith.constant 0 : i32
          %dma_wait3A_38 = tpu.memref_slice %arg2[%mul3A_32, %dma_wait3A_37] : memref<320000x128xf32, #tpu.memory_space<hbm>> -> memref<128x128xf32, #tpu.memory_space<hbm>>
          tpu.wait_dma2 semaphore(%run_scoped3A : memref<!tpu.dma_semaphore, #tpu.memory_space<semaphore_mem>>) src(%dma_wait3A_38 : memref<128x128xf32, #tpu.memory_space<hbm>>) dst(%arg6 : memref<128x128xf32, #tpu.memory_space<vmem>>)
          tpu.yield
        }) : () -> ()
        "tpu.region"() ({
          %run_scoped3A = tpu.sem_alloc : memref<!tpu.dma_semaphore, #tpu.memory_space<semaphore_mem>>
          %dma_start3A = arith.constant 0 : i32
          %dma_start3A_33 = arith.constant 0 : i32
          %dma_start3A_34 = tpu.memref_slice %arg8[%dma_start3A, %dma_start3A_33] : memref<10000x128xf32, #tpu.memory_space<vmem_shared>> -> memref<10000x128xf32, #tpu.memory_space<vmem_shared>>
          tpu.enqueue_indirect_dma source(%arg6 : memref<128x128xf32, #tpu.memory_space<vmem>>) target(%dma_start3A_34 : memref<10000x128xf32, #tpu.memory_space<vmem_shared>>) offsets(%arg5 : memref<128xi32, #tpu.memory_space<vmem>>) semaphore(%run_scoped3A : memref<!tpu.dma_semaphore, #tpu.memory_space<semaphore_mem>>) {add = true}
          %dma_wait3A = arith.constant 0 : i32
          %dma_wait3A_35 = arith.constant 0 : i32
          %dma_wait3A_36 = tpu.memref_slice %arg8[%dma_wait3A, %dma_wait3A_35] : memref<10000x128xf32, #tpu.memory_space<vmem_shared>> -> memref<10000x128xf32, #tpu.memory_space<vmem_shared>>
          tpu.wait_indirect_dma semaphore(%run_scoped3A : memref<!tpu.dma_semaphore, #tpu.memory_space<semaphore_mem>>) src(%arg6 : memref<128x128xf32, #tpu.memory_space<vmem>>) dst(%dma_wait3A_36 : memref<10000x128xf32, #tpu.memory_space<vmem_shared>>)
          tpu.yield
        }) : () -> ()
      } else {
      }
    }
    %scan3A_17 = arith.constant 79 : i32
    %barrier3A_18 = arith.constant 0 : index
    tpu.barrier barrier_id(%barrier3A_18)
    %scan3A_19 = arith.constant 0 : i32
    %scan3A_20 = arith.constant 0 : i32
    %scan3A_21 = arith.constant 4 : i32
    %scan3A_22 = arith.addi %scan3A_20, %scan3A_21 : i32
    %scan3A_23 = arith.constant 1 : i32
    scf.for %scan3A_25 = %scan3A_20 to %scan3A_22 step %scan3A_23  : i32 {
      %mul3A_26 = arith.constant 16 : i32
      %mul3A_27 = arith.muli %scan3A_25, %mul3A_26 : i32
      %add3A_28 = arith.addi %mul3A_27, %arg1 : i32
      %lt3A = arith.constant 50 : i32
      %lt3A_29 = arith.cmpi slt, %add3A_28, %lt3A : i32
      %convert_element_type3A = arith.extui %lt3A_29 : i1 to i32
      %cond3A = arith.constant 0 : i32
      %cond3A_30 = arith.cmpi ne, %convert_element_type3A, %cond3A : i32
      scf.if %cond3A_30 {
        %mul3A_31 = arith.constant 200 : i32
        %mul3A_32 = arith.muli %add3A_28, %mul3A_31 : i32
        "tpu.region"() ({
          %run_scoped3A = tpu.sem_alloc : memref<!tpu.dma_semaphore, #tpu.memory_space<semaphore_mem>>
          %dma_start3A = arith.constant 0 : i32
          %dma_start3A_33 = tpu.memref_slice %arg8[%mul3A_32, %dma_start3A] : memref<10000x128xf32, #tpu.memory_space<vmem_shared>> -> memref<200x128xf32, #tpu.memory_space<vmem_shared>>
          %dma_start3A_34 = arith.constant 0 : i32
          %dma_start3A_35 = tpu.memref_slice %arg8[%mul3A_32, %dma_start3A_34] : memref<10000x128xf32, #tpu.memory_space<vmem_shared>> -> memref<200x128xf32, #tpu.memory_space<vmem_shared>>
          tpu.enqueue_dma source(%dma_start3A_35 : memref<200x128xf32, #tpu.memory_space<vmem_shared>>) target(%arg7 : memref<200x128xf32, #tpu.memory_space<vmem>>) target_semaphore(%run_scoped3A : memref<!tpu.dma_semaphore, #tpu.memory_space<semaphore_mem>>)
          %dma_wait3A = arith.constant 0 : i32
          %dma_wait3A_36 = tpu.memref_slice %arg8[%mul3A_32, %dma_wait3A] : memref<10000x128xf32, #tpu.memory_space<vmem_shared>> -> memref<200x128xf32, #tpu.memory_space<vmem_shared>>
          %dma_wait3A_37 = arith.constant 0 : i32
          %dma_wait3A_38 = tpu.memref_slice %arg8[%mul3A_32, %dma_wait3A_37] : memref<10000x128xf32, #tpu.memory_space<vmem_shared>> -> memref<200x128xf32, #tpu.memory_space<vmem_shared>>
          tpu.wait_dma2 semaphore(%run_scoped3A : memref<!tpu.dma_semaphore, #tpu.memory_space<semaphore_mem>>) src(%dma_wait3A_38 : memref<200x128xf32, #tpu.memory_space<vmem_shared>>) dst(%arg7 : memref<200x128xf32, #tpu.memory_space<vmem>>)
          tpu.yield
        }) : () -> ()
        "tpu.region"() ({
          %run_scoped3A = tpu.sem_alloc : memref<!tpu.dma_semaphore, #tpu.memory_space<semaphore_mem>>
          %dma_start3A = arith.constant 0 : i32
          %dma_start3A_33 = tpu.memref_slice %arg4[%arg0, %mul3A_32, %dma_start3A] : memref<2x10000x128xf32, #tpu.memory_space<hbm>> -> memref<1x200x128xf32, #tpu.memory_space<hbm>>
          %dma_start3A_34 = tpu.memref_squeeze %dma_start3A_33 : memref<1x200x128xf32, #tpu.memory_space<hbm>> -> memref<200x128xf32, #tpu.memory_space<hbm>>
          %dma_start3A_35 = arith.constant 0 : i32
          %dma_start3A_36 = tpu.memref_slice %arg4[%arg0, %mul3A_32, %dma_start3A_35] : memref<2x10000x128xf32, #tpu.memory_space<hbm>> -> memref<1x200x128xf32, #tpu.memory_space<hbm>>
          %dma_start3A_37 = tpu.memref_squeeze %dma_start3A_36 : memref<1x200x128xf32, #tpu.memory_space<hbm>> -> memref<200x128xf32, #tpu.memory_space<hbm>>
          tpu.enqueue_dma source(%arg7 : memref<200x128xf32, #tpu.memory_space<vmem>>) target(%dma_start3A_37 : memref<200x128xf32, #tpu.memory_space<hbm>>) target_semaphore(%run_scoped3A : memref<!tpu.dma_semaphore, #tpu.memory_space<semaphore_mem>>)
          %dma_wait3A = arith.constant 0 : i32
          %dma_wait3A_38 = tpu.memref_slice %arg4[%arg0, %mul3A_32, %dma_wait3A] : memref<2x10000x128xf32, #tpu.memory_space<hbm>> -> memref<1x200x128xf32, #tpu.memory_space<hbm>>
          %dma_wait3A_39 = tpu.memref_squeeze %dma_wait3A_38 : memref<1x200x128xf32, #tpu.memory_space<hbm>> -> memref<200x128xf32, #tpu.memory_space<hbm>>
          %dma_wait3A_40 = arith.constant 0 : i32
          %dma_wait3A_41 = tpu.memref_slice %arg4[%arg0, %mul3A_32, %dma_wait3A_40] : memref<2x10000x128xf32, #tpu.memory_space<hbm>> -> memref<1x200x128xf32, #tpu.memory_space<hbm>>
          %dma_wait3A_42 = tpu.memref_squeeze %dma_wait3A_41 : memref<1x200x128xf32, #tpu.memory_space<hbm>> -> memref<200x128xf32, #tpu.memory_space<hbm>>
          tpu.wait_dma2 semaphore(%run_scoped3A : memref<!tpu.dma_semaphore, #tpu.memory_space<semaphore_mem>>) src(%arg7 : memref<200x128xf32, #tpu.memory_space<vmem>>) dst(%dma_wait3A_42 : memref<200x128xf32, #tpu.memory_space<hbm>>)
          tpu.yield
        }) : () -> ()
      } else {
      }
    }
    %scan3A_24 = arith.constant 4 : i32
    return
  }
}

#map = affine_map<(d0, d1) -> (0, 0)>
#map1 = affine_map<(d0, d1) -> (0)>
module attributes {stable_mosaic.version = 14 : i64} {
  func.func @k(%arg0: i32, %arg1: i32, %arg2: memref<10000x128xf32, #tpu.memory_space<hbm>>, %arg3: memref<10000x128xf32, #tpu.memory_space<hbm>>, %arg4: memref<320000xi32, #tpu.memory_space<hbm>>, %arg5: memref<320000xi32, #tpu.memory_space<hbm>>, %arg6: memref<320000x128xf32, #tpu.memory_space<hbm>>, %arg7: memref<320000x128xf32, #tpu.memory_space<hbm>>, %arg8: memref<128xi32, #tpu.memory_space<vmem>>, %arg9: memref<128xi32, #tpu.memory_space<vmem>>, %arg10: memref<128x128xf32, #tpu.memory_space<vmem>>, %arg11: memref<128x128xf32, #tpu.memory_space<vmem>>, %arg12: memref<!tpu.dma_semaphore, #tpu.memory_space<semaphore_mem>>, %arg13: memref<!tpu.dma_semaphore, #tpu.memory_space<semaphore_mem>>) attributes {dimension_semantics = [#tpu.dimension_semantics<core_parallel>, #tpu.dimension_semantics<subcore_parallel>], iteration_bounds = array<i64: 2, 16>, scalar_prefetch = 0 : i64, scratch_operands = 6 : i64, tpu.core_type = #tpu.core_type<sc_vector_subcore>, window_params = [{transform_indices = #map}, {transform_indices = #map}, {transform_indices = #map1}, {transform_indices = #map1}, {transform_indices = #map}, {transform_indices = #map}]} {
    %mul3A = arith.constant 2 : i32
    %mul3A_0 = arith.muli %arg1, %mul3A : i32
    %add3A = arith.addi %mul3A_0, %arg0 : i32
    %scan3A = arith.constant 0 : i32
    %scan3A_1 = arith.constant 0 : i32
    %scan3A_2 = arith.constant 79 : i32
    %scan3A_3 = arith.addi %scan3A_1, %scan3A_2 : i32
    %scan3A_4 = arith.constant 1 : i32
    scf.for %scan3A_6 = %scan3A_1 to %scan3A_3 step %scan3A_4  : i32 {
      %mul3A_7 = arith.constant 32 : i32
      %mul3A_8 = arith.muli %scan3A_6, %mul3A_7 : i32
      %add3A_9 = arith.addi %mul3A_8, %add3A : i32
      %lt3A = arith.constant 2500 : i32
      %lt3A_10 = arith.cmpi slt, %add3A_9, %lt3A : i32
      %convert_element_type3A = arith.extui %lt3A_10 : i1 to i32
      %cond3A = arith.constant 0 : i32
      %cond3A_11 = arith.cmpi ne, %convert_element_type3A, %cond3A : i32
      scf.if %cond3A_11 {
        %mul3A_12 = arith.constant 128 : i32
        %mul3A_13 = arith.muli %add3A_9, %mul3A_12 : i32
        "tpu.region"() ({
          %run_scoped3A = tpu.sem_alloc : memref<!tpu.dma_semaphore, #tpu.memory_space<semaphore_mem>>
          %dma_start3A_24 = tpu.memref_slice %arg4[%mul3A_13] : memref<320000xi32, #tpu.memory_space<hbm>> -> memref<128xi32, #tpu.memory_space<hbm>>
          %dma_start3A_25 = tpu.memref_slice %arg4[%mul3A_13] : memref<320000xi32, #tpu.memory_space<hbm>> -> memref<128xi32, #tpu.memory_space<hbm>>
          tpu.enqueue_dma source(%dma_start3A_25 : memref<128xi32, #tpu.memory_space<hbm>>) target(%arg8 : memref<128xi32, #tpu.memory_space<vmem>>) target_semaphore(%run_scoped3A : memref<!tpu.dma_semaphore, #tpu.memory_space<semaphore_mem>>)
          %dma_wait3A_26 = tpu.memref_slice %arg4[%mul3A_13] : memref<320000xi32, #tpu.memory_space<hbm>> -> memref<128xi32, #tpu.memory_space<hbm>>
          %dma_wait3A_27 = tpu.memref_slice %arg4[%mul3A_13] : memref<320000xi32, #tpu.memory_space<hbm>> -> memref<128xi32, #tpu.memory_space<hbm>>
          tpu.wait_dma2 semaphore(%run_scoped3A : memref<!tpu.dma_semaphore, #tpu.memory_space<semaphore_mem>>) src(%dma_wait3A_27 : memref<128xi32, #tpu.memory_space<hbm>>) dst(%arg8 : memref<128xi32, #tpu.memory_space<vmem>>)
          tpu.yield
        }) : () -> ()
        "tpu.region"() ({
          %run_scoped3A = tpu.sem_alloc : memref<!tpu.dma_semaphore, #tpu.memory_space<semaphore_mem>>
          %dma_start3A_24 = tpu.memref_slice %arg5[%mul3A_13] : memref<320000xi32, #tpu.memory_space<hbm>> -> memref<128xi32, #tpu.memory_space<hbm>>
          %dma_start3A_25 = tpu.memref_slice %arg5[%mul3A_13] : memref<320000xi32, #tpu.memory_space<hbm>> -> memref<128xi32, #tpu.memory_space<hbm>>
          tpu.enqueue_dma source(%dma_start3A_25 : memref<128xi32, #tpu.memory_space<hbm>>) target(%arg9 : memref<128xi32, #tpu.memory_space<vmem>>) target_semaphore(%run_scoped3A : memref<!tpu.dma_semaphore, #tpu.memory_space<semaphore_mem>>)
          %dma_wait3A_26 = tpu.memref_slice %arg5[%mul3A_13] : memref<320000xi32, #tpu.memory_space<hbm>> -> memref<128xi32, #tpu.memory_space<hbm>>
          %dma_wait3A_27 = tpu.memref_slice %arg5[%mul3A_13] : memref<320000xi32, #tpu.memory_space<hbm>> -> memref<128xi32, #tpu.memory_space<hbm>>
          tpu.wait_dma2 semaphore(%run_scoped3A : memref<!tpu.dma_semaphore, #tpu.memory_space<semaphore_mem>>) src(%dma_wait3A_27 : memref<128xi32, #tpu.memory_space<hbm>>) dst(%arg9 : memref<128xi32, #tpu.memory_space<vmem>>)
          tpu.yield
        }) : () -> ()
        %dma_start3A = arith.constant 0 : i32
        %dma_start3A_14 = arith.constant 0 : i32
        %dma_start3A_15 = tpu.memref_slice %arg2[%dma_start3A, %dma_start3A_14] : memref<10000x128xf32, #tpu.memory_space<hbm>> -> memref<10000x128xf32, #tpu.memory_space<hbm>>
        tpu.enqueue_indirect_dma source(%dma_start3A_15 : memref<10000x128xf32, #tpu.memory_space<hbm>>) target(%arg10 : memref<128x128xf32, #tpu.memory_space<vmem>>) offsets(%arg8 : memref<128xi32, #tpu.memory_space<vmem>>) semaphore(%arg12 : memref<!tpu.dma_semaphore, #tpu.memory_space<semaphore_mem>>)
        %dma_start3A_16 = arith.constant 0 : i32
        %dma_start3A_17 = arith.constant 0 : i32
        %dma_start3A_18 = tpu.memref_slice %arg3[%dma_start3A_16, %dma_start3A_17] : memref<10000x128xf32, #tpu.memory_space<hbm>> -> memref<10000x128xf32, #tpu.memory_space<hbm>>
        tpu.enqueue_indirect_dma source(%dma_start3A_18 : memref<10000x128xf32, #tpu.memory_space<hbm>>) target(%arg11 : memref<128x128xf32, #tpu.memory_space<vmem>>) offsets(%arg9 : memref<128xi32, #tpu.memory_space<vmem>>) semaphore(%arg13 : memref<!tpu.dma_semaphore, #tpu.memory_space<semaphore_mem>>)
        %dma_wait3A = arith.constant 0 : i32
        %dma_wait3A_19 = arith.constant 0 : i32
        %dma_wait3A_20 = tpu.memref_slice %arg2[%dma_wait3A, %dma_wait3A_19] : memref<10000x128xf32, #tpu.memory_space<hbm>> -> memref<10000x128xf32, #tpu.memory_space<hbm>>
        tpu.wait_indirect_dma semaphore(%arg12 : memref<!tpu.dma_semaphore, #tpu.memory_space<semaphore_mem>>) src(%dma_wait3A_20 : memref<10000x128xf32, #tpu.memory_space<hbm>>) dst(%arg10 : memref<128x128xf32, #tpu.memory_space<vmem>>)
        %dma_wait3A_21 = arith.constant 0 : i32
        %dma_wait3A_22 = arith.constant 0 : i32
        %dma_wait3A_23 = tpu.memref_slice %arg3[%dma_wait3A_21, %dma_wait3A_22] : memref<10000x128xf32, #tpu.memory_space<hbm>> -> memref<10000x128xf32, #tpu.memory_space<hbm>>
        tpu.wait_indirect_dma semaphore(%arg13 : memref<!tpu.dma_semaphore, #tpu.memory_space<semaphore_mem>>) src(%dma_wait3A_23 : memref<10000x128xf32, #tpu.memory_space<hbm>>) dst(%arg11 : memref<128x128xf32, #tpu.memory_space<vmem>>)
        "tpu.region"() ({
          %run_scoped3A = tpu.sem_alloc : memref<!tpu.dma_semaphore, #tpu.memory_space<semaphore_mem>>
          %dma_start3A_24 = arith.constant 0 : i32
          %dma_start3A_25 = tpu.memref_slice %arg6[%mul3A_13, %dma_start3A_24] : memref<320000x128xf32, #tpu.memory_space<hbm>> -> memref<128x128xf32, #tpu.memory_space<hbm>>
          %dma_start3A_26 = arith.constant 0 : i32
          %dma_start3A_27 = tpu.memref_slice %arg6[%mul3A_13, %dma_start3A_26] : memref<320000x128xf32, #tpu.memory_space<hbm>> -> memref<128x128xf32, #tpu.memory_space<hbm>>
          tpu.enqueue_dma source(%arg10 : memref<128x128xf32, #tpu.memory_space<vmem>>) target(%dma_start3A_27 : memref<128x128xf32, #tpu.memory_space<hbm>>) target_semaphore(%run_scoped3A : memref<!tpu.dma_semaphore, #tpu.memory_space<semaphore_mem>>)
          %dma_wait3A_28 = arith.constant 0 : i32
          %dma_wait3A_29 = tpu.memref_slice %arg6[%mul3A_13, %dma_wait3A_28] : memref<320000x128xf32, #tpu.memory_space<hbm>> -> memref<128x128xf32, #tpu.memory_space<hbm>>
          %dma_wait3A_30 = arith.constant 0 : i32
          %dma_wait3A_31 = tpu.memref_slice %arg6[%mul3A_13, %dma_wait3A_30] : memref<320000x128xf32, #tpu.memory_space<hbm>> -> memref<128x128xf32, #tpu.memory_space<hbm>>
          tpu.wait_dma2 semaphore(%run_scoped3A : memref<!tpu.dma_semaphore, #tpu.memory_space<semaphore_mem>>) src(%arg10 : memref<128x128xf32, #tpu.memory_space<vmem>>) dst(%dma_wait3A_31 : memref<128x128xf32, #tpu.memory_space<hbm>>)
          tpu.yield
        }) : () -> ()
        "tpu.region"() ({
          %run_scoped3A = tpu.sem_alloc : memref<!tpu.dma_semaphore, #tpu.memory_space<semaphore_mem>>
          %dma_start3A_24 = arith.constant 0 : i32
          %dma_start3A_25 = tpu.memref_slice %arg7[%mul3A_13, %dma_start3A_24] : memref<320000x128xf32, #tpu.memory_space<hbm>> -> memref<128x128xf32, #tpu.memory_space<hbm>>
          %dma_start3A_26 = arith.constant 0 : i32
          %dma_start3A_27 = tpu.memref_slice %arg7[%mul3A_13, %dma_start3A_26] : memref<320000x128xf32, #tpu.memory_space<hbm>> -> memref<128x128xf32, #tpu.memory_space<hbm>>
          tpu.enqueue_dma source(%arg11 : memref<128x128xf32, #tpu.memory_space<vmem>>) target(%dma_start3A_27 : memref<128x128xf32, #tpu.memory_space<hbm>>) target_semaphore(%run_scoped3A : memref<!tpu.dma_semaphore, #tpu.memory_space<semaphore_mem>>)
          %dma_wait3A_28 = arith.constant 0 : i32
          %dma_wait3A_29 = tpu.memref_slice %arg7[%mul3A_13, %dma_wait3A_28] : memref<320000x128xf32, #tpu.memory_space<hbm>> -> memref<128x128xf32, #tpu.memory_space<hbm>>
          %dma_wait3A_30 = arith.constant 0 : i32
          %dma_wait3A_31 = tpu.memref_slice %arg7[%mul3A_13, %dma_wait3A_30] : memref<320000x128xf32, #tpu.memory_space<hbm>> -> memref<128x128xf32, #tpu.memory_space<hbm>>
          tpu.wait_dma2 semaphore(%run_scoped3A : memref<!tpu.dma_semaphore, #tpu.memory_space<semaphore_mem>>) src(%arg11 : memref<128x128xf32, #tpu.memory_space<vmem>>) dst(%dma_wait3A_31 : memref<128x128xf32, #tpu.memory_space<hbm>>)
          tpu.yield
        }) : () -> ()
      } else {
      }
    }
    %scan3A_5 = arith.constant 79 : i32
    return
  }
}

#map = affine_map<(d0, d1) -> (0, 0)>
#map1 = affine_map<(d0, d1) -> (0)>
#map2 = affine_map<(d0, d1) -> (0, 0, 0)>
module attributes {stable_mosaic.version = 14 : i64} {
  func.func @k(%arg0: i32, %arg1: i32, %arg2: memref<320000x128xf32, #tpu.memory_space<hbm>>, %arg3: memref<320000xi32, #tpu.memory_space<hbm>>, %arg4: memref<2x10000x128xf32, #tpu.memory_space<hbm>>, %arg5: memref<128xi32, #tpu.memory_space<vmem>>, %arg6: memref<128x128xf32, #tpu.memory_space<vmem>>, %arg7: memref<200x128xf32, #tpu.memory_space<vmem>>, %arg8: memref<10000x128xf32, #tpu.memory_space<vmem_shared>>) attributes {dimension_semantics = [#tpu.dimension_semantics<core_parallel>, #tpu.dimension_semantics<subcore_parallel>], iteration_bounds = array<i64: 2, 16>, scalar_prefetch = 0 : i64, scratch_operands = 4 : i64, tpu.core_type = #tpu.core_type<sc_vector_subcore>, window_params = [{transform_indices = #map}, {transform_indices = #map1}, {transform_indices = #map2}]} {
    %mul3A = arith.constant 2 : i32
    %mul3A_0 = arith.muli %arg1, %mul3A : i32
    %add3A = arith.addi %mul3A_0, %arg0 : i32
    %scan3A = arith.constant 0 : i32
    %scan3A_1 = arith.constant 0 : i32
    %scan3A_2 = arith.constant 1600 : i32
    %scan3A_3 = arith.addi %scan3A_1, %scan3A_2 : i32
    %scan3A_4 = arith.constant 1 : i32
    scf.for %scan3A_25 = %scan3A_1 to %scan3A_3 step %scan3A_4  : i32 {
      %broadcast_in_dim3A = arith.constant 0.000000e+00 : f32
      %broadcast_in_dim3A_26 = vector.broadcast %broadcast_in_dim3A : f32 to vector<16xf32>
      %jit3A = arith.constant 8 : i32
      %div3A = arith.divsi %scan3A_25, %jit3A : i32
      %sign3A = arith.constant 0 : i32
      %sign3A_27 = arith.cmpi sgt, %scan3A_25, %sign3A : i32
      %sign3A_28 = arith.extui %sign3A_27 : i1 to i32
      %sign3A_29 = arith.constant 0 : i32
      %sign3A_30 = arith.cmpi slt, %scan3A_25, %sign3A_29 : i32
      %sign3A_31 = arith.extui %sign3A_30 : i1 to i32
      %sign3A_32 = arith.subi %sign3A_28, %sign3A_31 : i32
      %sign3A_33 = arith.constant 0 : i32
      %sign3A_34 = arith.cmpi sgt, %jit3A, %sign3A_33 : i32
      %sign3A_35 = arith.extui %sign3A_34 : i1 to i32
      %sign3A_36 = arith.constant 0 : i32
      %sign3A_37 = arith.cmpi slt, %jit3A, %sign3A_36 : i32
      %sign3A_38 = arith.extui %sign3A_37 : i1 to i32
      %sign3A_39 = arith.subi %sign3A_35, %sign3A_38 : i32
      %ne3A = arith.cmpi ne, %sign3A_32, %sign3A_39 : i32
      %rem3A = arith.remsi %scan3A_25, %jit3A : i32
      %ne3A_40 = arith.constant 0 : i32
      %ne3A_41 = arith.cmpi ne, %rem3A, %ne3A_40 : i32
      %and3A = arith.andi %ne3A, %ne3A_41 : i1
      %sub3A = arith.constant 1 : i32
      %sub3A_42 = arith.subi %div3A, %sub3A : i32
      %select_n3A = arith.select %and3A, %sub3A_42, %div3A : i32
      %jit3A_43 = arith.constant 8 : i32
      %eq3A = arith.constant 0 : i32
      %eq3A_44 = arith.cmpi eq, %jit3A_43, %eq3A : i32
      %jit3A_45 = arith.constant 1 : i32
      %select_n3A_46 = arith.select %eq3A_44, %jit3A_45, %jit3A_43 : i32
      %rem3A_47 = arith.remsi %scan3A_25, %select_n3A_46 : i32
      %ne3A_48 = arith.constant 0 : i32
      %ne3A_49 = arith.cmpi ne, %rem3A_47, %ne3A_48 : i32
      %lt3A = arith.constant 0 : i32
      %lt3A_50 = arith.cmpi slt, %rem3A_47, %lt3A : i32
      %lt3A_51 = arith.constant 0 : i32
      %lt3A_52 = arith.cmpi slt, %select_n3A_46, %lt3A_51 : i32
      %ne3A_53 = arith.xori %lt3A_50, %lt3A_52 : i1
      %and3A_54 = arith.andi %ne3A_53, %ne3A_49 : i1
      %add3A_55 = arith.addi %rem3A_47, %select_n3A_46 : i32
      %select_n3A_56 = arith.select %and3A_54, %add3A_55, %rem3A_47 : i32
      %mul3A_57 = arith.constant 16 : i32
      %mul3A_58 = arith.muli %select_n3A_56, %mul3A_57 : i32
      %swap3A = arith.index_cast %select_n3A : i32 to index
      %swap3A_59 = arith.index_cast %mul3A_58 : i32 to index
      %swap3A_60 = tpu.vector_load %arg7[%swap3A, %swap3A_59] {strides = array<i32>} : memref<200x128xf32, #tpu.memory_space<vmem>>, vector<1x16xf32>,
      %swap3A_61 = vector.shape_cast %swap3A_60 : vector<1x16xf32> to vector<16xf32>
      %swap3A_62 = vector.shape_cast %broadcast_in_dim3A_26 : vector<16xf32> to vector<1x16xf32>
      tpu.vector_store %arg7[%swap3A, %swap3A_59], %swap3A_62 {strides = array<i32>} : memref<200x128xf32, #tpu.memory_space<vmem>>, vector<1x16xf32>,
    }
    %scan3A_5 = arith.constant 1600 : i32
    %scan3A_6 = arith.constant 0 : i32
    %scan3A_7 = arith.constant 0 : i32
    %scan3A_8 = arith.constant 4 : i32
    %scan3A_9 = arith.addi %scan3A_7, %scan3A_8 : i32
    %scan3A_10 = arith.constant 1 : i32
    scf.for %scan3A_25 = %scan3A_7 to %scan3A_9 step %scan3A_10  : i32 {
      %mul3A_26 = arith.constant 16 : i32
      %mul3A_27 = arith.muli %scan3A_25, %mul3A_26 : i32
      %add3A_28 = arith.addi %mul3A_27, %arg1 : i32
      %lt3A = arith.constant 50 : i32
      %lt3A_29 = arith.cmpi slt, %add3A_28, %lt3A : i32
      %convert_element_type3A = arith.extui %lt3A_29 : i1 to i32
      %cond3A = arith.constant 0 : i32
      %cond3A_30 = arith.cmpi ne, %convert_element_type3A, %cond3A : i32
      scf.if %cond3A_30 {
        %mul3A_31 = arith.constant 200 : i32
        %mul3A_32 = arith.muli %add3A_28, %mul3A_31 : i32
        "tpu.region"() ({
          %run_scoped3A = tpu.sem_alloc : memref<!tpu.dma_semaphore, #tpu.memory_space<semaphore_mem>>
          %dma_start3A = arith.constant 0 : i32
          %dma_start3A_33 = tpu.memref_slice %arg8[%mul3A_32, %dma_start3A] : memref<10000x128xf32, #tpu.memory_space<vmem_shared>> -> memref<200x128xf32, #tpu.memory_space<vmem_shared>>
          %dma_start3A_34 = arith.constant 0 : i32
          %dma_start3A_35 = tpu.memref_slice %arg8[%mul3A_32, %dma_start3A_34] : memref<10000x128xf32, #tpu.memory_space<vmem_shared>> -> memref<200x128xf32, #tpu.memory_space<vmem_shared>>
          tpu.enqueue_dma source(%arg7 : memref<200x128xf32, #tpu.memory_space<vmem>>) target(%dma_start3A_35 : memref<200x128xf32, #tpu.memory_space<vmem_shared>>) target_semaphore(%run_scoped3A : memref<!tpu.dma_semaphore, #tpu.memory_space<semaphore_mem>>)
          %dma_wait3A = arith.constant 0 : i32
          %dma_wait3A_36 = tpu.memref_slice %arg8[%mul3A_32, %dma_wait3A] : memref<10000x128xf32, #tpu.memory_space<vmem_shared>> -> memref<200x128xf32, #tpu.memory_space<vmem_shared>>
          %dma_wait3A_37 = arith.constant 0 : i32
          %dma_wait3A_38 = tpu.memref_slice %arg8[%mul3A_32, %dma_wait3A_37] : memref<10000x128xf32, #tpu.memory_space<vmem_shared>> -> memref<200x128xf32, #tpu.memory_space<vmem_shared>>
          tpu.wait_dma2 semaphore(%run_scoped3A : memref<!tpu.dma_semaphore, #tpu.memory_space<semaphore_mem>>) src(%arg7 : memref<200x128xf32, #tpu.memory_space<vmem>>) dst(%dma_wait3A_38 : memref<200x128xf32, #tpu.memory_space<vmem_shared>>)
          tpu.yield
        }) : () -> ()
      } else {
      }
    }
    %scan3A_11 = arith.constant 4 : i32
    %barrier3A = arith.constant 0 : index
    tpu.barrier barrier_id(%barrier3A)
    %scan3A_12 = arith.constant 0 : i32
    %scan3A_13 = arith.constant 0 : i32
    %scan3A_14 = arith.constant 79 : i32
    %scan3A_15 = arith.addi %scan3A_13, %scan3A_14 : i32
    %scan3A_16 = arith.constant 1 : i32
    scf.for %scan3A_25 = %scan3A_13 to %scan3A_15 step %scan3A_16  : i32 {
      %mul3A_26 = arith.constant 32 : i32
      %mul3A_27 = arith.muli %scan3A_25, %mul3A_26 : i32
      %add3A_28 = arith.addi %mul3A_27, %add3A : i32
      %lt3A = arith.constant 2500 : i32
      %lt3A_29 = arith.cmpi slt, %add3A_28, %lt3A : i32
      %convert_element_type3A = arith.extui %lt3A_29 : i1 to i32
      %cond3A = arith.constant 0 : i32
      %cond3A_30 = arith.cmpi ne, %convert_element_type3A, %cond3A : i32
      scf.if %cond3A_30 {
        %mul3A_31 = arith.constant 128 : i32
        %mul3A_32 = arith.muli %add3A_28, %mul3A_31 : i32
        "tpu.region"() ({
          %run_scoped3A = tpu.sem_alloc : memref<!tpu.dma_semaphore, #tpu.memory_space<semaphore_mem>>
          %dma_start3A = tpu.memref_slice %arg3[%mul3A_32] : memref<320000xi32, #tpu.memory_space<hbm>> -> memref<128xi32, #tpu.memory_space<hbm>>
          %dma_start3A_33 = tpu.memref_slice %arg3[%mul3A_32] : memref<320000xi32, #tpu.memory_space<hbm>> -> memref<128xi32, #tpu.memory_space<hbm>>
          tpu.enqueue_dma source(%dma_start3A_33 : memref<128xi32, #tpu.memory_space<hbm>>) target(%arg5 : memref<128xi32, #tpu.memory_space<vmem>>) target_semaphore(%run_scoped3A : memref<!tpu.dma_semaphore, #tpu.memory_space<semaphore_mem>>)
          %dma_wait3A = tpu.memref_slice %arg3[%mul3A_32] : memref<320000xi32, #tpu.memory_space<hbm>> -> memref<128xi32, #tpu.memory_space<hbm>>
          %dma_wait3A_34 = tpu.memref_slice %arg3[%mul3A_32] : memref<320000xi32, #tpu.memory_space<hbm>> -> memref<128xi32, #tpu.memory_space<hbm>>
          tpu.wait_dma2 semaphore(%run_scoped3A : memref<!tpu.dma_semaphore, #tpu.memory_space<semaphore_mem>>) src(%dma_wait3A_34 : memref<128xi32, #tpu.memory_space<hbm>>) dst(%arg5 : memref<128xi32, #tpu.memory_space<vmem>>)
          tpu.yield
        }) : () -> ()
        "tpu.region"() ({
          %run_scoped3A = tpu.sem_alloc : memref<!tpu.dma_semaphore, #tpu.memory_space<semaphore_mem>>
          %dma_start3A = arith.constant 0 : i32
          %dma_start3A_33 = tpu.memref_slice %arg2[%mul3A_32, %dma_start3A] : memref<320000x128xf32, #tpu.memory_space<hbm>> -> memref<128x128xf32, #tpu.memory_space<hbm>>
          %dma_start3A_34 = arith.constant 0 : i32
          %dma_start3A_35 = tpu.memref_slice %arg2[%mul3A_32, %dma_start3A_34] : memref<320000x128xf32, #tpu.memory_space<hbm>> -> memref<128x128xf32, #tpu.memory_space<hbm>>
          tpu.enqueue_dma source(%dma_start3A_35 : memref<128x128xf32, #tpu.memory_space<hbm>>) target(%arg6 : memref<128x128xf32, #tpu.memory_space<vmem>>) target_semaphore(%run_scoped3A : memref<!tpu.dma_semaphore, #tpu.memory_space<semaphore_mem>>)
          %dma_wait3A = arith.constant 0 : i32
          %dma_wait3A_36 = tpu.memref_slice %arg2[%mul3A_32, %dma_wait3A] : memref<320000x128xf32, #tpu.memory_space<hbm>> -> memref<128x128xf32, #tpu.memory_space<hbm>>
          %dma_wait3A_37 = arith.constant 0 : i32
          %dma_wait3A_38 = tpu.memref_slice %arg2[%mul3A_32, %dma_wait3A_37] : memref<320000x128xf32, #tpu.memory_space<hbm>> -> memref<128x128xf32, #tpu.memory_space<hbm>>
          tpu.wait_dma2 semaphore(%run_scoped3A : memref<!tpu.dma_semaphore, #tpu.memory_space<semaphore_mem>>) src(%dma_wait3A_38 : memref<128x128xf32, #tpu.memory_space<hbm>>) dst(%arg6 : memref<128x128xf32, #tpu.memory_space<vmem>>)
          tpu.yield
        }) : () -> ()
        "tpu.region"() ({
          %run_scoped3A = tpu.sem_alloc : memref<!tpu.dma_semaphore, #tpu.memory_space<semaphore_mem>>
          %dma_start3A = arith.constant 0 : i32
          %dma_start3A_33 = arith.constant 0 : i32
          %dma_start3A_34 = tpu.memref_slice %arg8[%dma_start3A, %dma_start3A_33] : memref<10000x128xf32, #tpu.memory_space<vmem_shared>> -> memref<10000x128xf32, #tpu.memory_space<vmem_shared>>
          tpu.enqueue_indirect_dma source(%arg6 : memref<128x128xf32, #tpu.memory_space<vmem>>) target(%dma_start3A_34 : memref<10000x128xf32, #tpu.memory_space<vmem_shared>>) offsets(%arg5 : memref<128xi32, #tpu.memory_space<vmem>>) semaphore(%run_scoped3A : memref<!tpu.dma_semaphore, #tpu.memory_space<semaphore_mem>>) {add = true}
          %dma_wait3A = arith.constant 0 : i32
          %dma_wait3A_35 = arith.constant 0 : i32
          %dma_wait3A_36 = tpu.memref_slice %arg8[%dma_wait3A, %dma_wait3A_35] : memref<10000x128xf32, #tpu.memory_space<vmem_shared>> -> memref<10000x128xf32, #tpu.memory_space<vmem_shared>>
          tpu.wait_indirect_dma semaphore(%run_scoped3A : memref<!tpu.dma_semaphore, #tpu.memory_space<semaphore_mem>>) src(%arg6 : memref<128x128xf32, #tpu.memory_space<vmem>>) dst(%dma_wait3A_36 : memref<10000x128xf32, #tpu.memory_space<vmem_shared>>)
          tpu.yield
        }) : () -> ()
      } else {
      }
    }
    %scan3A_17 = arith.constant 79 : i32
    %barrier3A_18 = arith.constant 0 : index
    tpu.barrier barrier_id(%barrier3A_18)
    %scan3A_19 = arith.constant 0 : i32
    %scan3A_20 = arith.constant 0 : i32
    %scan3A_21 = arith.constant 4 : i32
    %scan3A_22 = arith.addi %scan3A_20, %scan3A_21 : i32
    %scan3A_23 = arith.constant 1 : i32
    scf.for %scan3A_25 = %scan3A_20 to %scan3A_22 step %scan3A_23  : i32 {
      %mul3A_26 = arith.constant 16 : i32
      %mul3A_27 = arith.muli %scan3A_25, %mul3A_26 : i32
      %add3A_28 = arith.addi %mul3A_27, %arg1 : i32
      %lt3A = arith.constant 50 : i32
      %lt3A_29 = arith.cmpi slt, %add3A_28, %lt3A : i32
      %convert_element_type3A = arith.extui %lt3A_29 : i1 to i32
      %cond3A = arith.constant 0 : i32
      %cond3A_30 = arith.cmpi ne, %convert_element_type3A, %cond3A : i32
      scf.if %cond3A_30 {
        %mul3A_31 = arith.constant 200 : i32
        %mul3A_32 = arith.muli %add3A_28, %mul3A_31 : i32
        "tpu.region"() ({
          %run_scoped3A = tpu.sem_alloc : memref<!tpu.dma_semaphore, #tpu.memory_space<semaphore_mem>>
          %dma_start3A = arith.constant 0 : i32
          %dma_start3A_33 = tpu.memref_slice %arg8[%mul3A_32, %dma_start3A] : memref<10000x128xf32, #tpu.memory_space<vmem_shared>> -> memref<200x128xf32, #tpu.memory_space<vmem_shared>>
          %dma_start3A_34 = arith.constant 0 : i32
          %dma_start3A_35 = tpu.memref_slice %arg8[%mul3A_32, %dma_start3A_34] : memref<10000x128xf32, #tpu.memory_space<vmem_shared>> -> memref<200x128xf32, #tpu.memory_space<vmem_shared>>
          tpu.enqueue_dma source(%dma_start3A_35 : memref<200x128xf32, #tpu.memory_space<vmem_shared>>) target(%arg7 : memref<200x128xf32, #tpu.memory_space<vmem>>) target_semaphore(%run_scoped3A : memref<!tpu.dma_semaphore, #tpu.memory_space<semaphore_mem>>)
          %dma_wait3A = arith.constant 0 : i32
          %dma_wait3A_36 = tpu.memref_slice %arg8[%mul3A_32, %dma_wait3A] : memref<10000x128xf32, #tpu.memory_space<vmem_shared>> -> memref<200x128xf32, #tpu.memory_space<vmem_shared>>
          %dma_wait3A_37 = arith.constant 0 : i32
          %dma_wait3A_38 = tpu.memref_slice %arg8[%mul3A_32, %dma_wait3A_37] : memref<10000x128xf32, #tpu.memory_space<vmem_shared>> -> memref<200x128xf32, #tpu.memory_space<vmem_shared>>
          tpu.wait_dma2 semaphore(%run_scoped3A : memref<!tpu.dma_semaphore, #tpu.memory_space<semaphore_mem>>) src(%dma_wait3A_38 : memref<200x128xf32, #tpu.memory_space<vmem_shared>>) dst(%arg7 : memref<200x128xf32, #tpu.memory_space<vmem>>)
          tpu.yield
        }) : () -> ()
        "tpu.region"() ({
          %run_scoped3A = tpu.sem_alloc : memref<!tpu.dma_semaphore, #tpu.memory_space<semaphore_mem>>
          %dma_start3A = arith.constant 0 : i32
          %dma_start3A_33 = tpu.memref_slice %arg4[%arg0, %mul3A_32, %dma_start3A] : memref<2x10000x128xf32, #tpu.memory_space<hbm>> -> memref<1x200x128xf32, #tpu.memory_space<hbm>>
          %dma_start3A_34 = tpu.memref_squeeze %dma_start3A_33 : memref<1x200x128xf32, #tpu.memory_space<hbm>> -> memref<200x128xf32, #tpu.memory_space<hbm>>
          %dma_start3A_35 = arith.constant 0 : i32
          %dma_start3A_36 = tpu.memref_slice %arg4[%arg0, %mul3A_32, %dma_start3A_35] : memref<2x10000x128xf32, #tpu.memory_space<hbm>> -> memref<1x200x128xf32, #tpu.memory_space<hbm>>
          %dma_start3A_37 = tpu.memref_squeeze %dma_start3A_36 : memref<1x200x128xf32, #tpu.memory_space<hbm>> -> memref<200x128xf32, #tpu.memory_space<hbm>>
          tpu.enqueue_dma source(%arg7 : memref<200x128xf32, #tpu.memory_space<vmem>>) target(%dma_start3A_37 : memref<200x128xf32, #tpu.memory_space<hbm>>) target_semaphore(%run_scoped3A : memref<!tpu.dma_semaphore, #tpu.memory_space<semaphore_mem>>)
          %dma_wait3A = arith.constant 0 : i32
          %dma_wait3A_38 = tpu.memref_slice %arg4[%arg0, %mul3A_32, %dma_wait3A] : memref<2x10000x128xf32, #tpu.memory_space<hbm>> -> memref<1x200x128xf32, #tpu.memory_space<hbm>>
          %dma_wait3A_39 = tpu.memref_squeeze %dma_wait3A_38 : memref<1x200x128xf32, #tpu.memory_space<hbm>> -> memref<200x128xf32, #tpu.memory_space<hbm>>
          %dma_wait3A_40 = arith.constant 0 : i32
          %dma_wait3A_41 = tpu.memref_slice %arg4[%arg0, %mul3A_32, %dma_wait3A_40] : memref<2x10000x128xf32, #tpu.memory_space<hbm>> -> memref<1x200x128xf32, #tpu.memory_space<hbm>>
          %dma_wait3A_42 = tpu.memref_squeeze %dma_wait3A_41 : memref<1x200x128xf32, #tpu.memory_space<hbm>> -> memref<200x128xf32, #tpu.memory_space<hbm>>
          tpu.wait_dma2 semaphore(%run_scoped3A : memref<!tpu.dma_semaphore, #tpu.memory_space<semaphore_mem>>) src(%arg7 : memref<200x128xf32, #tpu.memory_space<vmem>>) dst(%dma_wait3A_42 : memref<200x128xf32, #tpu.memory_space<hbm>>)
          tpu.yield
        }) : () -> ()
      } else {
      }
    }
    %scan3A_24 = arith.constant 4 : i32
    return
  }
}

#map = affine_map<(d0, d1) -> (0, 0)>
#map1 = affine_map<(d0, d1) -> (0)>
module attributes {stable_mosaic.version = 14 : i64} {
  func.func @k(%arg0: i32, %arg1: i32, %arg2: memref<10000x128xf32, #tpu.memory_space<hbm>>, %arg3: memref<10000x128xf32, #tpu.memory_space<hbm>>, %arg4: memref<320000xi32, #tpu.memory_space<hbm>>, %arg5: memref<320000xi32, #tpu.memory_space<hbm>>, %arg6: memref<320000x128xf32, #tpu.memory_space<hbm>>, %arg7: memref<320000x128xf32, #tpu.memory_space<hbm>>, %arg8: memref<128xi32, #tpu.memory_space<vmem>>, %arg9: memref<128xi32, #tpu.memory_space<vmem>>, %arg10: memref<128x128xf32, #tpu.memory_space<vmem>>, %arg11: memref<128x128xf32, #tpu.memory_space<vmem>>, %arg12: memref<!tpu.dma_semaphore, #tpu.memory_space<semaphore_mem>>, %arg13: memref<!tpu.dma_semaphore, #tpu.memory_space<semaphore_mem>>) attributes {dimension_semantics = [#tpu.dimension_semantics<core_parallel>, #tpu.dimension_semantics<subcore_parallel>], iteration_bounds = array<i64: 2, 16>, scalar_prefetch = 0 : i64, scratch_operands = 6 : i64, tpu.core_type = #tpu.core_type<sc_vector_subcore>, window_params = [{transform_indices = #map}, {transform_indices = #map}, {transform_indices = #map1}, {transform_indices = #map1}, {transform_indices = #map}, {transform_indices = #map}]} {
    %mul3A = arith.constant 2 : i32
    %mul3A_0 = arith.muli %arg1, %mul3A : i32
    %add3A = arith.addi %mul3A_0, %arg0 : i32
    %scan3A = arith.constant 0 : i32
    %scan3A_1 = arith.constant 0 : i32
    %scan3A_2 = arith.constant 79 : i32
    %scan3A_3 = arith.addi %scan3A_1, %scan3A_2 : i32
    %scan3A_4 = arith.constant 1 : i32
    scf.for %scan3A_6 = %scan3A_1 to %scan3A_3 step %scan3A_4  : i32 {
      %mul3A_7 = arith.constant 32 : i32
      %mul3A_8 = arith.muli %scan3A_6, %mul3A_7 : i32
      %add3A_9 = arith.addi %mul3A_8, %add3A : i32
      %lt3A = arith.constant 2500 : i32
      %lt3A_10 = arith.cmpi slt, %add3A_9, %lt3A : i32
      %convert_element_type3A = arith.extui %lt3A_10 : i1 to i32
      %cond3A = arith.constant 0 : i32
      %cond3A_11 = arith.cmpi ne, %convert_element_type3A, %cond3A : i32
      scf.if %cond3A_11 {
        %mul3A_12 = arith.constant 128 : i32
        %mul3A_13 = arith.muli %add3A_9, %mul3A_12 : i32
        "tpu.region"() ({
          %run_scoped3A = tpu.sem_alloc : memref<!tpu.dma_semaphore, #tpu.memory_space<semaphore_mem>>
          %dma_start3A_24 = tpu.memref_slice %arg4[%mul3A_13] : memref<320000xi32, #tpu.memory_space<hbm>> -> memref<128xi32, #tpu.memory_space<hbm>>
          %dma_start3A_25 = tpu.memref_slice %arg4[%mul3A_13] : memref<320000xi32, #tpu.memory_space<hbm>> -> memref<128xi32, #tpu.memory_space<hbm>>
          tpu.enqueue_dma source(%dma_start3A_25 : memref<128xi32, #tpu.memory_space<hbm>>) target(%arg8 : memref<128xi32, #tpu.memory_space<vmem>>) target_semaphore(%run_scoped3A : memref<!tpu.dma_semaphore, #tpu.memory_space<semaphore_mem>>)
          %dma_wait3A_26 = tpu.memref_slice %arg4[%mul3A_13] : memref<320000xi32, #tpu.memory_space<hbm>> -> memref<128xi32, #tpu.memory_space<hbm>>
          %dma_wait3A_27 = tpu.memref_slice %arg4[%mul3A_13] : memref<320000xi32, #tpu.memory_space<hbm>> -> memref<128xi32, #tpu.memory_space<hbm>>
          tpu.wait_dma2 semaphore(%run_scoped3A : memref<!tpu.dma_semaphore, #tpu.memory_space<semaphore_mem>>) src(%dma_wait3A_27 : memref<128xi32, #tpu.memory_space<hbm>>) dst(%arg8 : memref<128xi32, #tpu.memory_space<vmem>>)
          tpu.yield
        }) : () -> ()
        "tpu.region"() ({
          %run_scoped3A = tpu.sem_alloc : memref<!tpu.dma_semaphore, #tpu.memory_space<semaphore_mem>>
          %dma_start3A_24 = tpu.memref_slice %arg5[%mul3A_13] : memref<320000xi32, #tpu.memory_space<hbm>> -> memref<128xi32, #tpu.memory_space<hbm>>
          %dma_start3A_25 = tpu.memref_slice %arg5[%mul3A_13] : memref<320000xi32, #tpu.memory_space<hbm>> -> memref<128xi32, #tpu.memory_space<hbm>>
          tpu.enqueue_dma source(%dma_start3A_25 : memref<128xi32, #tpu.memory_space<hbm>>) target(%arg9 : memref<128xi32, #tpu.memory_space<vmem>>) target_semaphore(%run_scoped3A : memref<!tpu.dma_semaphore, #tpu.memory_space<semaphore_mem>>)
          %dma_wait3A_26 = tpu.memref_slice %arg5[%mul3A_13] : memref<320000xi32, #tpu.memory_space<hbm>> -> memref<128xi32, #tpu.memory_space<hbm>>
          %dma_wait3A_27 = tpu.memref_slice %arg5[%mul3A_13] : memref<320000xi32, #tpu.memory_space<hbm>> -> memref<128xi32, #tpu.memory_space<hbm>>
          tpu.wait_dma2 semaphore(%run_scoped3A : memref<!tpu.dma_semaphore, #tpu.memory_space<semaphore_mem>>) src(%dma_wait3A_27 : memref<128xi32, #tpu.memory_space<hbm>>) dst(%arg9 : memref<128xi32, #tpu.memory_space<vmem>>)
          tpu.yield
        }) : () -> ()
        %dma_start3A = arith.constant 0 : i32
        %dma_start3A_14 = arith.constant 0 : i32
        %dma_start3A_15 = tpu.memref_slice %arg2[%dma_start3A, %dma_start3A_14] : memref<10000x128xf32, #tpu.memory_space<hbm>> -> memref<10000x128xf32, #tpu.memory_space<hbm>>
        tpu.enqueue_indirect_dma source(%dma_start3A_15 : memref<10000x128xf32, #tpu.memory_space<hbm>>) target(%arg10 : memref<128x128xf32, #tpu.memory_space<vmem>>) offsets(%arg8 : memref<128xi32, #tpu.memory_space<vmem>>) semaphore(%arg12 : memref<!tpu.dma_semaphore, #tpu.memory_space<semaphore_mem>>)
        %dma_start3A_16 = arith.constant 0 : i32
        %dma_start3A_17 = arith.constant 0 : i32
        %dma_start3A_18 = tpu.memref_slice %arg3[%dma_start3A_16, %dma_start3A_17] : memref<10000x128xf32, #tpu.memory_space<hbm>> -> memref<10000x128xf32, #tpu.memory_space<hbm>>
        tpu.enqueue_indirect_dma source(%dma_start3A_18 : memref<10000x128xf32, #tpu.memory_space<hbm>>) target(%arg11 : memref<128x128xf32, #tpu.memory_space<vmem>>) offsets(%arg9 : memref<128xi32, #tpu.memory_space<vmem>>) semaphore(%arg13 : memref<!tpu.dma_semaphore, #tpu.memory_space<semaphore_mem>>)
        %dma_wait3A = arith.constant 0 : i32
        %dma_wait3A_19 = arith.constant 0 : i32
        %dma_wait3A_20 = tpu.memref_slice %arg2[%dma_wait3A, %dma_wait3A_19] : memref<10000x128xf32, #tpu.memory_space<hbm>> -> memref<10000x128xf32, #tpu.memory_space<hbm>>
        tpu.wait_indirect_dma semaphore(%arg12 : memref<!tpu.dma_semaphore, #tpu.memory_space<semaphore_mem>>) src(%dma_wait3A_20 : memref<10000x128xf32, #tpu.memory_space<hbm>>) dst(%arg10 : memref<128x128xf32, #tpu.memory_space<vmem>>)
        %dma_wait3A_21 = arith.constant 0 : i32
        %dma_wait3A_22 = arith.constant 0 : i32
        %dma_wait3A_23 = tpu.memref_slice %arg3[%dma_wait3A_21, %dma_wait3A_22] : memref<10000x128xf32, #tpu.memory_space<hbm>> -> memref<10000x128xf32, #tpu.memory_space<hbm>>
        tpu.wait_indirect_dma semaphore(%arg13 : memref<!tpu.dma_semaphore, #tpu.memory_space<semaphore_mem>>) src(%dma_wait3A_23 : memref<10000x128xf32, #tpu.memory_space<hbm>>) dst(%arg11 : memref<128x128xf32, #tpu.memory_space<vmem>>)
        "tpu.region"() ({
          %run_scoped3A = tpu.sem_alloc : memref<!tpu.dma_semaphore, #tpu.memory_space<semaphore_mem>>
          %dma_start3A_24 = arith.constant 0 : i32
          %dma_start3A_25 = tpu.memref_slice %arg6[%mul3A_13, %dma_start3A_24] : memref<320000x128xf32, #tpu.memory_space<hbm>> -> memref<128x128xf32, #tpu.memory_space<hbm>>
          %dma_start3A_26 = arith.constant 0 : i32
          %dma_start3A_27 = tpu.memref_slice %arg6[%mul3A_13, %dma_start3A_26] : memref<320000x128xf32, #tpu.memory_space<hbm>> -> memref<128x128xf32, #tpu.memory_space<hbm>>
          tpu.enqueue_dma source(%arg10 : memref<128x128xf32, #tpu.memory_space<vmem>>) target(%dma_start3A_27 : memref<128x128xf32, #tpu.memory_space<hbm>>) target_semaphore(%run_scoped3A : memref<!tpu.dma_semaphore, #tpu.memory_space<semaphore_mem>>)
          %dma_wait3A_28 = arith.constant 0 : i32
          %dma_wait3A_29 = tpu.memref_slice %arg6[%mul3A_13, %dma_wait3A_28] : memref<320000x128xf32, #tpu.memory_space<hbm>> -> memref<128x128xf32, #tpu.memory_space<hbm>>
          %dma_wait3A_30 = arith.constant 0 : i32
          %dma_wait3A_31 = tpu.memref_slice %arg6[%mul3A_13, %dma_wait3A_30] : memref<320000x128xf32, #tpu.memory_space<hbm>> -> memref<128x128xf32, #tpu.memory_space<hbm>>
          tpu.wait_dma2 semaphore(%run_scoped3A : memref<!tpu.dma_semaphore, #tpu.memory_space<semaphore_mem>>) src(%arg10 : memref<128x128xf32, #tpu.memory_space<vmem>>) dst(%dma_wait3A_31 : memref<128x128xf32, #tpu.memory_space<hbm>>)
          tpu.yield
        }) : () -> ()
        "tpu.region"() ({
          %run_scoped3A = tpu.sem_alloc : memref<!tpu.dma_semaphore, #tpu.memory_space<semaphore_mem>>
          %dma_start3A_24 = arith.constant 0 : i32
          %dma_start3A_25 = tpu.memref_slice %arg7[%mul3A_13, %dma_start3A_24] : memref<320000x128xf32, #tpu.memory_space<hbm>> -> memref<128x128xf32, #tpu.memory_space<hbm>>
          %dma_start3A_26 = arith.constant 0 : i32
          %dma_start3A_27 = tpu.memref_slice %arg7[%mul3A_13, %dma_start3A_26] : memref<320000x128xf32, #tpu.memory_space<hbm>> -> memref<128x128xf32, #tpu.memory_space<hbm>>
          tpu.enqueue_dma source(%arg11 : memref<128x128xf32, #tpu.memory_space<vmem>>) target(%dma_start3A_27 : memref<128x128xf32, #tpu.memory_space<hbm>>) target_semaphore(%run_scoped3A : memref<!tpu.dma_semaphore, #tpu.memory_space<semaphore_mem>>)
          %dma_wait3A_28 = arith.constant 0 : i32
          %dma_wait3A_29 = tpu.memref_slice %arg7[%mul3A_13, %dma_wait3A_28] : memref<320000x128xf32, #tpu.memory_space<hbm>> -> memref<128x128xf32, #tpu.memory_space<hbm>>
          %dma_wait3A_30 = arith.constant 0 : i32
          %dma_wait3A_31 = tpu.memref_slice %arg7[%mul3A_13, %dma_wait3A_30] : memref<320000x128xf32, #tpu.memory_space<hbm>> -> memref<128x128xf32, #tpu.memory_space<hbm>>
          tpu.wait_dma2 semaphore(%run_scoped3A : memref<!tpu.dma_semaphore, #tpu.memory_space<semaphore_mem>>) src(%arg11 : memref<128x128xf32, #tpu.memory_space<vmem>>) dst(%dma_wait3A_31 : memref<128x128xf32, #tpu.memory_space<hbm>>)
          tpu.yield
        }) : () -> ()
      } else {
      }
    }
    %scan3A_5 = arith.constant 79 : i32
    return
  }
}

#map = affine_map<(d0, d1) -> (0, 0)>
#map1 = affine_map<(d0, d1) -> (0)>
#map2 = affine_map<(d0, d1) -> (0, 0, 0)>
module attributes {stable_mosaic.version = 14 : i64} {
  func.func @k(%arg0: i32, %arg1: i32, %arg2: memref<320000x128xf32, #tpu.memory_space<hbm>>, %arg3: memref<320000xi32, #tpu.memory_space<hbm>>, %arg4: memref<2x10000x128xf32, #tpu.memory_space<hbm>>, %arg5: memref<128xi32, #tpu.memory_space<vmem>>, %arg6: memref<128x128xf32, #tpu.memory_space<vmem>>, %arg7: memref<200x128xf32, #tpu.memory_space<vmem>>, %arg8: memref<10000x128xf32, #tpu.memory_space<vmem_shared>>) attributes {dimension_semantics = [#tpu.dimension_semantics<core_parallel>, #tpu.dimension_semantics<subcore_parallel>], iteration_bounds = array<i64: 2, 16>, scalar_prefetch = 0 : i64, scratch_operands = 4 : i64, tpu.core_type = #tpu.core_type<sc_vector_subcore>, window_params = [{transform_indices = #map}, {transform_indices = #map1}, {transform_indices = #map2}]} {
    %mul3A = arith.constant 2 : i32
    %mul3A_0 = arith.muli %arg1, %mul3A : i32
    %add3A = arith.addi %mul3A_0, %arg0 : i32
    %scan3A = arith.constant 0 : i32
    %scan3A_1 = arith.constant 0 : i32
    %scan3A_2 = arith.constant 1600 : i32
    %scan3A_3 = arith.addi %scan3A_1, %scan3A_2 : i32
    %scan3A_4 = arith.constant 1 : i32
    scf.for %scan3A_25 = %scan3A_1 to %scan3A_3 step %scan3A_4  : i32 {
      %broadcast_in_dim3A = arith.constant 0.000000e+00 : f32
      %broadcast_in_dim3A_26 = vector.broadcast %broadcast_in_dim3A : f32 to vector<16xf32>
      %jit3A = arith.constant 8 : i32
      %div3A = arith.divsi %scan3A_25, %jit3A : i32
      %sign3A = arith.constant 0 : i32
      %sign3A_27 = arith.cmpi sgt, %scan3A_25, %sign3A : i32
      %sign3A_28 = arith.extui %sign3A_27 : i1 to i32
      %sign3A_29 = arith.constant 0 : i32
      %sign3A_30 = arith.cmpi slt, %scan3A_25, %sign3A_29 : i32
      %sign3A_31 = arith.extui %sign3A_30 : i1 to i32
      %sign3A_32 = arith.subi %sign3A_28, %sign3A_31 : i32
      %sign3A_33 = arith.constant 0 : i32
      %sign3A_34 = arith.cmpi sgt, %jit3A, %sign3A_33 : i32
      %sign3A_35 = arith.extui %sign3A_34 : i1 to i32
      %sign3A_36 = arith.constant 0 : i32
      %sign3A_37 = arith.cmpi slt, %jit3A, %sign3A_36 : i32
      %sign3A_38 = arith.extui %sign3A_37 : i1 to i32
      %sign3A_39 = arith.subi %sign3A_35, %sign3A_38 : i32
      %ne3A = arith.cmpi ne, %sign3A_32, %sign3A_39 : i32
      %rem3A = arith.remsi %scan3A_25, %jit3A : i32
      %ne3A_40 = arith.constant 0 : i32
      %ne3A_41 = arith.cmpi ne, %rem3A, %ne3A_40 : i32
      %and3A = arith.andi %ne3A, %ne3A_41 : i1
      %sub3A = arith.constant 1 : i32
      %sub3A_42 = arith.subi %div3A, %sub3A : i32
      %select_n3A = arith.select %and3A, %sub3A_42, %div3A : i32
      %jit3A_43 = arith.constant 8 : i32
      %eq3A = arith.constant 0 : i32
      %eq3A_44 = arith.cmpi eq, %jit3A_43, %eq3A : i32
      %jit3A_45 = arith.constant 1 : i32
      %select_n3A_46 = arith.select %eq3A_44, %jit3A_45, %jit3A_43 : i32
      %rem3A_47 = arith.remsi %scan3A_25, %select_n3A_46 : i32
      %ne3A_48 = arith.constant 0 : i32
      %ne3A_49 = arith.cmpi ne, %rem3A_47, %ne3A_48 : i32
      %lt3A = arith.constant 0 : i32
      %lt3A_50 = arith.cmpi slt, %rem3A_47, %lt3A : i32
      %lt3A_51 = arith.constant 0 : i32
      %lt3A_52 = arith.cmpi slt, %select_n3A_46, %lt3A_51 : i32
      %ne3A_53 = arith.xori %lt3A_50, %lt3A_52 : i1
      %and3A_54 = arith.andi %ne3A_53, %ne3A_49 : i1
      %add3A_55 = arith.addi %rem3A_47, %select_n3A_46 : i32
      %select_n3A_56 = arith.select %and3A_54, %add3A_55, %rem3A_47 : i32
      %mul3A_57 = arith.constant 16 : i32
      %mul3A_58 = arith.muli %select_n3A_56, %mul3A_57 : i32
      %swap3A = arith.index_cast %select_n3A : i32 to index
      %swap3A_59 = arith.index_cast %mul3A_58 : i32 to index
      %swap3A_60 = tpu.vector_load %arg7[%swap3A, %swap3A_59] {strides = array<i32>} : memref<200x128xf32, #tpu.memory_space<vmem>>, vector<1x16xf32>,
      %swap3A_61 = vector.shape_cast %swap3A_60 : vector<1x16xf32> to vector<16xf32>
      %swap3A_62 = vector.shape_cast %broadcast_in_dim3A_26 : vector<16xf32> to vector<1x16xf32>
      tpu.vector_store %arg7[%swap3A, %swap3A_59], %swap3A_62 {strides = array<i32>} : memref<200x128xf32, #tpu.memory_space<vmem>>, vector<1x16xf32>,
    }
    %scan3A_5 = arith.constant 1600 : i32
    %scan3A_6 = arith.constant 0 : i32
    %scan3A_7 = arith.constant 0 : i32
    %scan3A_8 = arith.constant 4 : i32
    %scan3A_9 = arith.addi %scan3A_7, %scan3A_8 : i32
    %scan3A_10 = arith.constant 1 : i32
    scf.for %scan3A_25 = %scan3A_7 to %scan3A_9 step %scan3A_10  : i32 {
      %mul3A_26 = arith.constant 16 : i32
      %mul3A_27 = arith.muli %scan3A_25, %mul3A_26 : i32
      %add3A_28 = arith.addi %mul3A_27, %arg1 : i32
      %lt3A = arith.constant 50 : i32
      %lt3A_29 = arith.cmpi slt, %add3A_28, %lt3A : i32
      %convert_element_type3A = arith.extui %lt3A_29 : i1 to i32
      %cond3A = arith.constant 0 : i32
      %cond3A_30 = arith.cmpi ne, %convert_element_type3A, %cond3A : i32
      scf.if %cond3A_30 {
        %mul3A_31 = arith.constant 200 : i32
        %mul3A_32 = arith.muli %add3A_28, %mul3A_31 : i32
        "tpu.region"() ({
          %run_scoped3A = tpu.sem_alloc : memref<!tpu.dma_semaphore, #tpu.memory_space<semaphore_mem>>
          %dma_start3A = arith.constant 0 : i32
          %dma_start3A_33 = tpu.memref_slice %arg8[%mul3A_32, %dma_start3A] : memref<10000x128xf32, #tpu.memory_space<vmem_shared>> -> memref<200x128xf32, #tpu.memory_space<vmem_shared>>
          %dma_start3A_34 = arith.constant 0 : i32
          %dma_start3A_35 = tpu.memref_slice %arg8[%mul3A_32, %dma_start3A_34] : memref<10000x128xf32, #tpu.memory_space<vmem_shared>> -> memref<200x128xf32, #tpu.memory_space<vmem_shared>>
          tpu.enqueue_dma source(%arg7 : memref<200x128xf32, #tpu.memory_space<vmem>>) target(%dma_start3A_35 : memref<200x128xf32, #tpu.memory_space<vmem_shared>>) target_semaphore(%run_scoped3A : memref<!tpu.dma_semaphore, #tpu.memory_space<semaphore_mem>>)
          %dma_wait3A = arith.constant 0 : i32
          %dma_wait3A_36 = tpu.memref_slice %arg8[%mul3A_32, %dma_wait3A] : memref<10000x128xf32, #tpu.memory_space<vmem_shared>> -> memref<200x128xf32, #tpu.memory_space<vmem_shared>>
          %dma_wait3A_37 = arith.constant 0 : i32
          %dma_wait3A_38 = tpu.memref_slice %arg8[%mul3A_32, %dma_wait3A_37] : memref<10000x128xf32, #tpu.memory_space<vmem_shared>> -> memref<200x128xf32, #tpu.memory_space<vmem_shared>>
          tpu.wait_dma2 semaphore(%run_scoped3A : memref<!tpu.dma_semaphore, #tpu.memory_space<semaphore_mem>>) src(%arg7 : memref<200x128xf32, #tpu.memory_space<vmem>>) dst(%dma_wait3A_38 : memref<200x128xf32, #tpu.memory_space<vmem_shared>>)
          tpu.yield
        }) : () -> ()
      } else {
      }
    }
    %scan3A_11 = arith.constant 4 : i32
    %barrier3A = arith.constant 0 : index
    tpu.barrier barrier_id(%barrier3A)
    %scan3A_12 = arith.constant 0 : i32
    %scan3A_13 = arith.constant 0 : i32
    %scan3A_14 = arith.constant 79 : i32
    %scan3A_15 = arith.addi %scan3A_13, %scan3A_14 : i32
    %scan3A_16 = arith.constant 1 : i32
    scf.for %scan3A_25 = %scan3A_13 to %scan3A_15 step %scan3A_16  : i32 {
      %mul3A_26 = arith.constant 32 : i32
      %mul3A_27 = arith.muli %scan3A_25, %mul3A_26 : i32
      %add3A_28 = arith.addi %mul3A_27, %add3A : i32
      %lt3A = arith.constant 2500 : i32
      %lt3A_29 = arith.cmpi slt, %add3A_28, %lt3A : i32
      %convert_element_type3A = arith.extui %lt3A_29 : i1 to i32
      %cond3A = arith.constant 0 : i32
      %cond3A_30 = arith.cmpi ne, %convert_element_type3A, %cond3A : i32
      scf.if %cond3A_30 {
        %mul3A_31 = arith.constant 128 : i32
        %mul3A_32 = arith.muli %add3A_28, %mul3A_31 : i32
        "tpu.region"() ({
          %run_scoped3A = tpu.sem_alloc : memref<!tpu.dma_semaphore, #tpu.memory_space<semaphore_mem>>
          %dma_start3A = tpu.memref_slice %arg3[%mul3A_32] : memref<320000xi32, #tpu.memory_space<hbm>> -> memref<128xi32, #tpu.memory_space<hbm>>
          %dma_start3A_33 = tpu.memref_slice %arg3[%mul3A_32] : memref<320000xi32, #tpu.memory_space<hbm>> -> memref<128xi32, #tpu.memory_space<hbm>>
          tpu.enqueue_dma source(%dma_start3A_33 : memref<128xi32, #tpu.memory_space<hbm>>) target(%arg5 : memref<128xi32, #tpu.memory_space<vmem>>) target_semaphore(%run_scoped3A : memref<!tpu.dma_semaphore, #tpu.memory_space<semaphore_mem>>)
          %dma_wait3A = tpu.memref_slice %arg3[%mul3A_32] : memref<320000xi32, #tpu.memory_space<hbm>> -> memref<128xi32, #tpu.memory_space<hbm>>
          %dma_wait3A_34 = tpu.memref_slice %arg3[%mul3A_32] : memref<320000xi32, #tpu.memory_space<hbm>> -> memref<128xi32, #tpu.memory_space<hbm>>
          tpu.wait_dma2 semaphore(%run_scoped3A : memref<!tpu.dma_semaphore, #tpu.memory_space<semaphore_mem>>) src(%dma_wait3A_34 : memref<128xi32, #tpu.memory_space<hbm>>) dst(%arg5 : memref<128xi32, #tpu.memory_space<vmem>>)
          tpu.yield
        }) : () -> ()
        "tpu.region"() ({
          %run_scoped3A = tpu.sem_alloc : memref<!tpu.dma_semaphore, #tpu.memory_space<semaphore_mem>>
          %dma_start3A = arith.constant 0 : i32
          %dma_start3A_33 = tpu.memref_slice %arg2[%mul3A_32, %dma_start3A] : memref<320000x128xf32, #tpu.memory_space<hbm>> -> memref<128x128xf32, #tpu.memory_space<hbm>>
          %dma_start3A_34 = arith.constant 0 : i32
          %dma_start3A_35 = tpu.memref_slice %arg2[%mul3A_32, %dma_start3A_34] : memref<320000x128xf32, #tpu.memory_space<hbm>> -> memref<128x128xf32, #tpu.memory_space<hbm>>
          tpu.enqueue_dma source(%dma_start3A_35 : memref<128x128xf32, #tpu.memory_space<hbm>>) target(%arg6 : memref<128x128xf32, #tpu.memory_space<vmem>>) target_semaphore(%run_scoped3A : memref<!tpu.dma_semaphore, #tpu.memory_space<semaphore_mem>>)
          %dma_wait3A = arith.constant 0 : i32
          %dma_wait3A_36 = tpu.memref_slice %arg2[%mul3A_32, %dma_wait3A] : memref<320000x128xf32, #tpu.memory_space<hbm>> -> memref<128x128xf32, #tpu.memory_space<hbm>>
          %dma_wait3A_37 = arith.constant 0 : i32
          %dma_wait3A_38 = tpu.memref_slice %arg2[%mul3A_32, %dma_wait3A_37] : memref<320000x128xf32, #tpu.memory_space<hbm>> -> memref<128x128xf32, #tpu.memory_space<hbm>>
          tpu.wait_dma2 semaphore(%run_scoped3A : memref<!tpu.dma_semaphore, #tpu.memory_space<semaphore_mem>>) src(%dma_wait3A_38 : memref<128x128xf32, #tpu.memory_space<hbm>>) dst(%arg6 : memref<128x128xf32, #tpu.memory_space<vmem>>)
          tpu.yield
        }) : () -> ()
        "tpu.region"() ({
          %run_scoped3A = tpu.sem_alloc : memref<!tpu.dma_semaphore, #tpu.memory_space<semaphore_mem>>
          %dma_start3A = arith.constant 0 : i32
          %dma_start3A_33 = arith.constant 0 : i32
          %dma_start3A_34 = tpu.memref_slice %arg8[%dma_start3A, %dma_start3A_33] : memref<10000x128xf32, #tpu.memory_space<vmem_shared>> -> memref<10000x128xf32, #tpu.memory_space<vmem_shared>>
          tpu.enqueue_indirect_dma source(%arg6 : memref<128x128xf32, #tpu.memory_space<vmem>>) target(%dma_start3A_34 : memref<10000x128xf32, #tpu.memory_space<vmem_shared>>) offsets(%arg5 : memref<128xi32, #tpu.memory_space<vmem>>) semaphore(%run_scoped3A : memref<!tpu.dma_semaphore, #tpu.memory_space<semaphore_mem>>) {add = true}
          %dma_wait3A = arith.constant 0 : i32
          %dma_wait3A_35 = arith.constant 0 : i32
          %dma_wait3A_36 = tpu.memref_slice %arg8[%dma_wait3A, %dma_wait3A_35] : memref<10000x128xf32, #tpu.memory_space<vmem_shared>> -> memref<10000x128xf32, #tpu.memory_space<vmem_shared>>
          tpu.wait_indirect_dma semaphore(%run_scoped3A : memref<!tpu.dma_semaphore, #tpu.memory_space<semaphore_mem>>) src(%arg6 : memref<128x128xf32, #tpu.memory_space<vmem>>) dst(%dma_wait3A_36 : memref<10000x128xf32, #tpu.memory_space<vmem_shared>>)
          tpu.yield
        }) : () -> ()
      } else {
      }
    }
    %scan3A_17 = arith.constant 79 : i32
    %barrier3A_18 = arith.constant 0 : index
    tpu.barrier barrier_id(%barrier3A_18)
    %scan3A_19 = arith.constant 0 : i32
    %scan3A_20 = arith.constant 0 : i32
    %scan3A_21 = arith.constant 4 : i32
    %scan3A_22 = arith.addi %scan3A_20, %scan3A_21 : i32
    %scan3A_23 = arith.constant 1 : i32
    scf.for %scan3A_25 = %scan3A_20 to %scan3A_22 step %scan3A_23  : i32 {
      %mul3A_26 = arith.constant 16 : i32
      %mul3A_27 = arith.muli %scan3A_25, %mul3A_26 : i32
      %add3A_28 = arith.addi %mul3A_27, %arg1 : i32
      %lt3A = arith.constant 50 : i32
      %lt3A_29 = arith.cmpi slt, %add3A_28, %lt3A : i32
      %convert_element_type3A = arith.extui %lt3A_29 : i1 to i32
      %cond3A = arith.constant 0 : i32
      %cond3A_30 = arith.cmpi ne, %convert_element_type3A, %cond3A : i32
      scf.if %cond3A_30 {
        %mul3A_31 = arith.constant 200 : i32
        %mul3A_32 = arith.muli %add3A_28, %mul3A_31 : i32
        "tpu.region"() ({
          %run_scoped3A = tpu.sem_alloc : memref<!tpu.dma_semaphore, #tpu.memory_space<semaphore_mem>>
          %dma_start3A = arith.constant 0 : i32
          %dma_start3A_33 = tpu.memref_slice %arg8[%mul3A_32, %dma_start3A] : memref<10000x128xf32, #tpu.memory_space<vmem_shared>> -> memref<200x128xf32, #tpu.memory_space<vmem_shared>>
          %dma_start3A_34 = arith.constant 0 : i32
          %dma_start3A_35 = tpu.memref_slice %arg8[%mul3A_32, %dma_start3A_34] : memref<10000x128xf32, #tpu.memory_space<vmem_shared>> -> memref<200x128xf32, #tpu.memory_space<vmem_shared>>
          tpu.enqueue_dma source(%dma_start3A_35 : memref<200x128xf32, #tpu.memory_space<vmem_shared>>) target(%arg7 : memref<200x128xf32, #tpu.memory_space<vmem>>) target_semaphore(%run_scoped3A : memref<!tpu.dma_semaphore, #tpu.memory_space<semaphore_mem>>)
          %dma_wait3A = arith.constant 0 : i32
          %dma_wait3A_36 = tpu.memref_slice %arg8[%mul3A_32, %dma_wait3A] : memref<10000x128xf32, #tpu.memory_space<vmem_shared>> -> memref<200x128xf32, #tpu.memory_space<vmem_shared>>
          %dma_wait3A_37 = arith.constant 0 : i32
          %dma_wait3A_38 = tpu.memref_slice %arg8[%mul3A_32, %dma_wait3A_37] : memref<10000x128xf32, #tpu.memory_space<vmem_shared>> -> memref<200x128xf32, #tpu.memory_space<vmem_shared>>
          tpu.wait_dma2 semaphore(%run_scoped3A : memref<!tpu.dma_semaphore, #tpu.memory_space<semaphore_mem>>) src(%dma_wait3A_38 : memref<200x128xf32, #tpu.memory_space<vmem_shared>>) dst(%arg7 : memref<200x128xf32, #tpu.memory_space<vmem>>)
          tpu.yield
        }) : () -> ()
        "tpu.region"() ({
          %run_scoped3A = tpu.sem_alloc : memref<!tpu.dma_semaphore, #tpu.memory_space<semaphore_mem>>
          %dma_start3A = arith.constant 0 : i32
          %dma_start3A_33 = tpu.memref_slice %arg4[%arg0, %mul3A_32, %dma_start3A] : memref<2x10000x128xf32, #tpu.memory_space<hbm>> -> memref<1x200x128xf32, #tpu.memory_space<hbm>>
          %dma_start3A_34 = tpu.memref_squeeze %dma_start3A_33 : memref<1x200x128xf32, #tpu.memory_space<hbm>> -> memref<200x128xf32, #tpu.memory_space<hbm>>
          %dma_start3A_35 = arith.constant 0 : i32
          %dma_start3A_36 = tpu.memref_slice %arg4[%arg0, %mul3A_32, %dma_start3A_35] : memref<2x10000x128xf32, #tpu.memory_space<hbm>> -> memref<1x200x128xf32, #tpu.memory_space<hbm>>
          %dma_start3A_37 = tpu.memref_squeeze %dma_start3A_36 : memref<1x200x128xf32, #tpu.memory_space<hbm>> -> memref<200x128xf32, #tpu.memory_space<hbm>>
          tpu.enqueue_dma source(%arg7 : memref<200x128xf32, #tpu.memory_space<vmem>>) target(%dma_start3A_37 : memref<200x128xf32, #tpu.memory_space<hbm>>) target_semaphore(%run_scoped3A : memref<!tpu.dma_semaphore, #tpu.memory_space<semaphore_mem>>)
          %dma_wait3A = arith.constant 0 : i32
          %dma_wait3A_38 = tpu.memref_slice %arg4[%arg0, %mul3A_32, %dma_wait3A] : memref<2x10000x128xf32, #tpu.memory_space<hbm>> -> memref<1x200x128xf32, #tpu.memory_space<hbm>>
          %dma_wait3A_39 = tpu.memref_squeeze %dma_wait3A_38 : memref<1x200x128xf32, #tpu.memory_space<hbm>> -> memref<200x128xf32, #tpu.memory_space<hbm>>
          %dma_wait3A_40 = arith.constant 0 : i32
          %dma_wait3A_41 = tpu.memref_slice %arg4[%arg0, %mul3A_32, %dma_wait3A_40] : memref<2x10000x128xf32, #tpu.memory_space<hbm>> -> memref<1x200x128xf32, #tpu.memory_space<hbm>>
          %dma_wait3A_42 = tpu.memref_squeeze %dma_wait3A_41 : memref<1x200x128xf32, #tpu.memory_space<hbm>> -> memref<200x128xf32, #tpu.memory_space<hbm>>
          tpu.wait_dma2 semaphore(%run_scoped3A : memref<!tpu.dma_semaphore, #tpu.memory_space<semaphore_mem>>) src(%arg7 : memref<200x128xf32, #tpu.memory_space<vmem>>) dst(%dma_wait3A_42 : memref<200x128xf32, #tpu.memory_space<hbm>>)
          tpu.yield
        }) : () -> ()
      } else {
      }
    }
    %scan3A_24 = arith.constant 4 : i32
    return
  }
}

module attributes {stable_mosaic.version = 14 : i64} {
  func.func @body(%arg0: i32, %arg1: memref<2000x128xf32, #tpu.memory_space<vmem>>, %arg2: memref<128x128xf32, #tpu.memory_space<vmem>>, %arg3: memref<1x128xf32, #tpu.memory_space<vmem>>, %arg4: memref<128x128xf32, #tpu.memory_space<vmem>>, %arg5: memref<1x128xf32, #tpu.memory_space<vmem>>, %arg6: memref<1x128xf32, #tpu.memory_space<vmem>>, %arg7: memref<1x128xf32, #tpu.memory_space<vmem>>, %arg8: memref<2000x128xf32, #tpu.memory_space<vmem>>) attributes {dimension_semantics = [#tpu.dimension_semantics<arbitrary>], iteration_bounds = array<i64: 5>, scalar_prefetch = 0 : i64, scratch_operands = 0 : i64, tpu.core_type = #tpu.core_type<tc>, window_params = [{transform_indices = @transform_0, window_bounds = array<i64: 2000, 128>}, {pipeline_mode = #tpu.pipeline_mode<synchronous>, transform_indices = @transform_1, window_bounds = array<i64: 128, 128>}, {pipeline_mode = #tpu.pipeline_mode<synchronous>, transform_indices = @transform_2, window_bounds = array<i64: 1, 128>}, {pipeline_mode = #tpu.pipeline_mode<synchronous>, transform_indices = @transform_3, window_bounds = array<i64: 128, 128>}, {pipeline_mode = #tpu.pipeline_mode<synchronous>, transform_indices = @transform_4, window_bounds = array<i64: 1, 128>}, {pipeline_mode = #tpu.pipeline_mode<synchronous>, transform_indices = @transform_5, window_bounds = array<i64: 1, 128>}, {pipeline_mode = #tpu.pipeline_mode<synchronous>, transform_indices = @transform_6, window_bounds = array<i64: 1, 128>}, {transform_indices = @transform_7, window_bounds = array<i64: 2000, 128>}]} {
    %get3A = arith.constant 0 : index
    %get3A_0 = arith.constant 0 : index
    %get3A_1 = vector.load %arg1[%get3A, %get3A_0] : memref<2000x128xf32, #tpu.memory_space<vmem>>, vector<2000x128xf32>
    %get3A_2 = arith.constant 0 : index
    %get3A_3 = arith.constant 0 : index
    %get3A_4 = vector.load %arg2[%get3A_2, %get3A_3] : memref<128x128xf32, #tpu.memory_space<vmem>>, vector<128x128xf32>
    %dot_general3A = arith.constant dense<0.000000e+00> : vector<2000x128xf32>
    %dot_general3A_5 = tpu.matmul %get3A_1, %get3A_4, %dot_general3A {dimension_numbers = #tpu.dot_dimension_numbers<[1], [0], [0], [1], [0, 0, 1, 1], [], []>, transpose_lhs_hint = false} : vector<2000x128xf32>, vector<128x128xf32>, vector<2000x128xf32> -> vector<2000x128xf32>
    %get3A_6 = arith.constant 0 : index
    %get3A_7 = arith.constant 0 : index
    %get3A_8 = vector.load %arg3[%get3A_6, %get3A_7] : memref<1x128xf32, #tpu.memory_space<vmem>>, vector<1x128xf32>
    %add3A = vector.broadcast %get3A_8 : vector<1x128xf32> to vector<2000x128xf32>
    %add3A_9 = arith.addf %dot_general3A_5, %add3A : vector<2000x128xf32>
    %max3A = arith.constant 0.000000e+00 : f32
    %max3A_10 = vector.broadcast %max3A : f32 to vector<2000x128xf32>
    %max3A_11 = arith.maximumf %add3A_9, %max3A_10 : vector<2000x128xf32>
    %get3A_12 = arith.constant 0 : index
    %get3A_13 = arith.constant 0 : index
    %get3A_14 = vector.load %arg4[%get3A_12, %get3A_13] : memref<128x128xf32, #tpu.memory_space<vmem>>, vector<128x128xf32>
    %dot_general3A_15 = arith.constant dense<0.000000e+00> : vector<2000x128xf32>
    %dot_general3A_16 = tpu.matmul %max3A_11, %get3A_14, %dot_general3A_15 {dimension_numbers = #tpu.dot_dimension_numbers<[1], [0], [0], [1], [0, 0, 1, 1], [], []>, transpose_lhs_hint = false} : vector<2000x128xf32>, vector<128x128xf32>, vector<2000x128xf32> -> vector<2000x128xf32>
    %get3A_17 = arith.constant 0 : index
    %get3A_18 = arith.constant 0 : index
    %get3A_19 = vector.load %arg5[%get3A_17, %get3A_18] : memref<1x128xf32, #tpu.memory_space<vmem>>, vector<1x128xf32>
    %add3A_20 = vector.broadcast %get3A_19 : vector<1x128xf32> to vector<2000x128xf32>
    %add3A_21 = arith.addf %dot_general3A_16, %add3A_20 : vector<2000x128xf32>
    %get3A_22 = arith.constant 0 : index
    %get3A_23 = arith.constant 0 : index
    %get3A_24 = vector.load %arg6[%get3A_22, %get3A_23] : memref<1x128xf32, #tpu.memory_space<vmem>>, vector<1x128xf32>
    %get3A_25 = arith.constant 0 : index
    %get3A_26 = arith.constant 0 : index
    %get3A_27 = vector.load %arg7[%get3A_25, %get3A_26] : memref<1x128xf32, #tpu.memory_space<vmem>>, vector<1x128xf32>
    %reduce_sum3A = arith.constant dense<0.000000e+00> : vector<2000xf32>
    %reduce_sum3A_28 = vector.multi_reduction <add>, %add3A_21, %reduce_sum3A [1] : vector<2000x128xf32> to vector<2000xf32>
    %broadcast_in_dim3A = vector.shape_cast %reduce_sum3A_28 : vector<2000xf32> to vector<2000x1xf32>
    %div3A = arith.constant 1.280000e+02 : f32
    %div3A_29 = vector.broadcast %div3A : f32 to vector<2000x1xf32>
    %div3A_30 = arith.divf %broadcast_in_dim3A, %div3A_29 : vector<2000x1xf32>
    %sub3A = vector.broadcast %div3A_30 : vector<2000x1xf32> to vector<2000x128xf32>
    %sub3A_31 = arith.subf %add3A_21, %sub3A : vector<2000x128xf32>
    %mul3A = arith.mulf %sub3A_31, %sub3A_31 : vector<2000x128xf32>
    %reduce_sum3A_32 = arith.constant dense<0.000000e+00> : vector<2000xf32>
    %reduce_sum3A_33 = vector.multi_reduction <add>, %mul3A, %reduce_sum3A_32 [1] : vector<2000x128xf32> to vector<2000xf32>
    %broadcast_in_dim3A_34 = vector.shape_cast %reduce_sum3A_33 : vector<2000xf32> to vector<2000x1xf32>
    %div3A_35 = arith.constant 1.280000e+02 : f32
    %div3A_36 = vector.broadcast %div3A_35 : f32 to vector<2000x1xf32>
    %div3A_37 = arith.divf %broadcast_in_dim3A_34, %div3A_36 : vector<2000x1xf32>
    %add3A_38 = arith.constant 9.99999974E-6 : f32
    %add3A_39 = vector.broadcast %add3A_38 : f32 to vector<2000x1xf32>
    %add3A_40 = arith.addf %div3A_37, %add3A_39 : vector<2000x1xf32>
    %rsqrt3A = math.rsqrt %add3A_40 : vector<2000x1xf32>
    %mul3A_41 = vector.broadcast %rsqrt3A : vector<2000x1xf32> to vector<2000x128xf32>
    %mul3A_42 = arith.mulf %sub3A_31, %mul3A_41 : vector<2000x128xf32>
    %mul3A_43 = vector.broadcast %get3A_24 : vector<1x128xf32> to vector<2000x128xf32>
    %mul3A_44 = arith.mulf %mul3A_42, %mul3A_43 : vector<2000x128xf32>
    %add3A_45 = vector.broadcast %get3A_27 : vector<1x128xf32> to vector<2000x128xf32>
    %add3A_46 = arith.addf %mul3A_44, %add3A_45 : vector<2000x128xf32>
    %swap3A = arith.constant 0 : index
    %swap3A_47 = arith.constant 0 : index
    %swap3A_48 = vector.load %arg8[%swap3A, %swap3A_47] : memref<2000x128xf32, #tpu.memory_space<vmem>>, vector<2000x128xf32>
    tpu.vector_store %arg8[%swap3A, %swap3A_47], %add3A_46 {strides = array<i32>} : memref<2000x128xf32, #tpu.memory_space<vmem>>, vector<2000x128xf32>,
    return
  }
  func.func @transform_0(%arg0: i32) -> (i32, i32) {
    %c0_i32 = arith.constant 0 : i32
    %c0_i32_0 = arith.constant 0 : i32
    return %arg0, %c0_i32 : i32, i32
  }
  func.func @transform_1(%arg0: i32) -> (i32, i32) {
    %c0_i32 = arith.constant 0 : i32
    %c0_i32_0 = arith.constant 0 : i32
    %c0_i32_1 = arith.constant 0 : i32
    return %c0_i32, %c0_i32_0 : i32, i32
  }
  func.func @transform_2(%arg0: i32) -> (i32, i32) {
    %c0_i32 = arith.constant 0 : i32
    %c0_i32_0 = arith.constant 0 : i32
    %c0_i32_1 = arith.constant 0 : i32
    return %c0_i32, %c0_i32_0 : i32, i32
  }
  func.func @transform_3(%arg0: i32) -> (i32, i32) {
    %c0_i32 = arith.constant 0 : i32
    %c0_i32_0 = arith.constant 0 : i32
    %c0_i32_1 = arith.constant 0 : i32
    return %c0_i32, %c0_i32_0 : i32, i32
  }
  func.func @transform_4(%arg0: i32) -> (i32, i32) {
    %c0_i32 = arith.constant 0 : i32
    %c0_i32_0 = arith.constant 0 : i32
    %c0_i32_1 = arith.constant 0 : i32
    return %c0_i32, %c0_i32_0 : i32, i32
  }
  func.func @transform_5(%arg0: i32) -> (i32, i32) {
    %c0_i32 = arith.constant 0 : i32
    %c0_i32_0 = arith.constant 0 : i32
    %c0_i32_1 = arith.constant 0 : i32
    return %c0_i32, %c0_i32_0 : i32, i32
  }
  func.func @transform_6(%arg0: i32) -> (i32, i32) {
    %c0_i32 = arith.constant 0 : i32
    %c0_i32_0 = arith.constant 0 : i32
    %c0_i32_1 = arith.constant 0 : i32
    return %c0_i32, %c0_i32_0 : i32, i32
  }
  func.func @transform_7(%arg0: i32) -> (i32, i32) {
    %c0_i32 = arith.constant 0 : i32
    %c0_i32_0 = arith.constant 0 : i32
    return %arg0, %c0_i32 : i32, i32
  }
}

module attributes {stable_mosaic.version = 14 : i64} {
  func.func @body(%arg0: i32, %arg1: i32, %arg2: memref<2000x128xf32, #tpu.memory_space<vmem>>, %arg3: memref<1x128x128xf32, #tpu.memory_space<vmem>>, %arg4: memref<1x2000x128xf32, #tpu.memory_space<vmem>>) attributes {dimension_semantics = [#tpu.dimension_semantics<arbitrary>, #tpu.dimension_semantics<arbitrary>], iteration_bounds = array<i64: 2, 5>, scalar_prefetch = 0 : i64, scratch_operands = 0 : i64, tpu.core_type = #tpu.core_type<tc>, window_params = [{transform_indices = @transform_0, window_bounds = array<i64: 2000, 128>}, {transform_indices = @transform_1, window_bounds = array<i64: 1, 128, 128>}, {transform_indices = @transform_2, window_bounds = array<i64: 1, 2000, 128>}]} {
    %get3A = arith.constant 0 : index
    %get3A_0 = arith.constant 0 : index
    %get3A_1 = vector.load %arg2[%get3A, %get3A_0] : memref<2000x128xf32, #tpu.memory_space<vmem>>, vector<2000x128xf32>
    %get3A_2 = arith.constant 0 : index
    %get3A_3 = arith.constant 0 : index
    %get3A_4 = arith.constant 0 : index
    %get3A_5 = vector.load %arg3[%get3A_2, %get3A_3, %get3A_4] : memref<1x128x128xf32, #tpu.memory_space<vmem>>, vector<1x128x128xf32>
    %get3A_6 = vector.shape_cast %get3A_5 : vector<1x128x128xf32> to vector<128x128xf32>
    %dot_general3A = arith.constant dense<0.000000e+00> : vector<2000x128xf32>
    %dot_general3A_7 = tpu.matmul %get3A_1, %get3A_6, %dot_general3A {dimension_numbers = #tpu.dot_dimension_numbers<[1], [0], [0], [1], [0, 0, 1, 1], [], []>, transpose_lhs_hint = false} : vector<2000x128xf32>, vector<128x128xf32>, vector<2000x128xf32> -> vector<2000x128xf32>
    %broadcast_in_dim3A = vector.shape_cast %dot_general3A_7 : vector<2000x128xf32> to vector<1x2000x128xf32>
    %swap3A = arith.constant 0 : index
    %swap3A_8 = arith.constant 0 : index
    %swap3A_9 = arith.constant 0 : index
    %swap3A_10 = vector.load %arg4[%swap3A, %swap3A_8, %swap3A_9] : memref<1x2000x128xf32, #tpu.memory_space<vmem>>, vector<1x2000x128xf32>
    tpu.vector_store %arg4[%swap3A, %swap3A_8, %swap3A_9], %broadcast_in_dim3A {strides = array<i32>} : memref<1x2000x128xf32, #tpu.memory_space<vmem>>, vector<1x2000x128xf32>,
    return
  }
  func.func @transform_0(%arg0: i32, %arg1: i32) -> (i32, i32) {
    %c0_i32 = arith.constant 0 : i32
    %c0_i32_0 = arith.constant 0 : i32
    return %arg1, %c0_i32 : i32, i32
  }
  func.func @transform_1(%arg0: i32, %arg1: i32) -> (i32, i32, i32) {
    %c0_i32 = arith.constant 0 : i32
    %c0_i32_0 = arith.constant 0 : i32
    %c0_i32_1 = arith.constant 0 : i32
    return %arg0, %c0_i32, %c0_i32_0 : i32, i32, i32
  }
  func.func @transform_2(%arg0: i32, %arg1: i32) -> (i32, i32, i32) {
    %c0_i32 = arith.constant 0 : i32
    %c0_i32_0 = arith.constant 0 : i32
    return %arg0, %arg1, %c0_i32 : i32, i32, i32
  }
}

module attributes {stable_mosaic.version = 14 : i64} {
  func.func @body(%arg0: i32, %arg1: memref<2560x128xf32, #tpu.memory_space<vmem>>, %arg2: memref<2560x128xf32, #tpu.memory_space<vmem>>, %arg3: memref<2560x128xf32, #tpu.memory_space<vmem>>, %arg4: memref<128x128xf32, #tpu.memory_space<vmem>>, %arg5: memref<1x128xf32, #tpu.memory_space<vmem>>, %arg6: memref<128x128xf32, #tpu.memory_space<vmem>>, %arg7: memref<1x128xf32, #tpu.memory_space<vmem>>, %arg8: memref<1x128xf32, #tpu.memory_space<vmem>>, %arg9: memref<1x128xf32, #tpu.memory_space<vmem>>, %arg10: memref<2560x128xf32, #tpu.memory_space<vmem>>) attributes {dimension_semantics = [#tpu.dimension_semantics<arbitrary>], iteration_bounds = array<i64: 125>, scalar_prefetch = 0 : i64, scratch_operands = 0 : i64, tpu.core_type = #tpu.core_type<tc>, window_params = [{transform_indices = @transform_0, window_bounds = array<i64: 2560, 128>}, {transform_indices = @transform_1, window_bounds = array<i64: 2560, 128>}, {transform_indices = @transform_2, window_bounds = array<i64: 2560, 128>}, {pipeline_mode = #tpu.pipeline_mode<synchronous>, transform_indices = @transform_3, window_bounds = array<i64: 128, 128>}, {pipeline_mode = #tpu.pipeline_mode<synchronous>, transform_indices = @transform_4, window_bounds = array<i64: 1, 128>}, {pipeline_mode = #tpu.pipeline_mode<synchronous>, transform_indices = @transform_5, window_bounds = array<i64: 128, 128>}, {pipeline_mode = #tpu.pipeline_mode<synchronous>, transform_indices = @transform_6, window_bounds = array<i64: 1, 128>}, {pipeline_mode = #tpu.pipeline_mode<synchronous>, transform_indices = @transform_7, window_bounds = array<i64: 1, 128>}, {pipeline_mode = #tpu.pipeline_mode<synchronous>, transform_indices = @transform_8, window_bounds = array<i64: 1, 128>}, {transform_indices = @transform_9, window_bounds = array<i64: 2560, 128>}]} {
    %get3A = arith.constant 0 : index
    %get3A_0 = arith.constant 0 : index
    %get3A_1 = vector.load %arg1[%get3A, %get3A_0] : memref<2560x128xf32, #tpu.memory_space<vmem>>, vector<2560x128xf32>
    %get3A_2 = arith.constant 0 : index
    %get3A_3 = arith.constant 0 : index
    %get3A_4 = vector.load %arg4[%get3A_2, %get3A_3] : memref<128x128xf32, #tpu.memory_space<vmem>>, vector<128x128xf32>
    %dot_general3A = arith.constant dense<0.000000e+00> : vector<2560x128xf32>
    %dot_general3A_5 = tpu.matmul %get3A_1, %get3A_4, %dot_general3A {dimension_numbers = #tpu.dot_dimension_numbers<[1], [0], [0], [1], [0, 0, 1, 1], [], []>, transpose_lhs_hint = false} : vector<2560x128xf32>, vector<128x128xf32>, vector<2560x128xf32> -> vector<2560x128xf32>
    %get3A_6 = arith.constant 0 : index
    %get3A_7 = arith.constant 0 : index
    %get3A_8 = vector.load %arg2[%get3A_6, %get3A_7] : memref<2560x128xf32, #tpu.memory_space<vmem>>, vector<2560x128xf32>
    %add3A = arith.addf %dot_general3A_5, %get3A_8 : vector<2560x128xf32>
    %get3A_9 = arith.constant 0 : index
    %get3A_10 = arith.constant 0 : index
    %get3A_11 = vector.load %arg3[%get3A_9, %get3A_10] : memref<2560x128xf32, #tpu.memory_space<vmem>>, vector<2560x128xf32>
    %add3A_12 = arith.addf %add3A, %get3A_11 : vector<2560x128xf32>
    %get3A_13 = arith.constant 0 : index
    %get3A_14 = arith.constant 0 : index
    %get3A_15 = vector.load %arg5[%get3A_13, %get3A_14] : memref<1x128xf32, #tpu.memory_space<vmem>>, vector<1x128xf32>
    %add3A_16 = vector.broadcast %get3A_15 : vector<1x128xf32> to vector<2560x128xf32>
    %add3A_17 = arith.addf %add3A_12, %add3A_16 : vector<2560x128xf32>
    %max3A = arith.constant 0.000000e+00 : f32
    %max3A_18 = vector.broadcast %max3A : f32 to vector<2560x128xf32>
    %max3A_19 = arith.maximumf %add3A_17, %max3A_18 : vector<2560x128xf32>
    %get3A_20 = arith.constant 0 : index
    %get3A_21 = arith.constant 0 : index
    %get3A_22 = vector.load %arg6[%get3A_20, %get3A_21] : memref<128x128xf32, #tpu.memory_space<vmem>>, vector<128x128xf32>
    %dot_general3A_23 = arith.constant dense<0.000000e+00> : vector<2560x128xf32>
    %dot_general3A_24 = tpu.matmul %max3A_19, %get3A_22, %dot_general3A_23 {dimension_numbers = #tpu.dot_dimension_numbers<[1], [0], [0], [1], [0, 0, 1, 1], [], []>, transpose_lhs_hint = false} : vector<2560x128xf32>, vector<128x128xf32>, vector<2560x128xf32> -> vector<2560x128xf32>
    %get3A_25 = arith.constant 0 : index
    %get3A_26 = arith.constant 0 : index
    %get3A_27 = vector.load %arg7[%get3A_25, %get3A_26] : memref<1x128xf32, #tpu.memory_space<vmem>>, vector<1x128xf32>
    %add3A_28 = vector.broadcast %get3A_27 : vector<1x128xf32> to vector<2560x128xf32>
    %add3A_29 = arith.addf %dot_general3A_24, %add3A_28 : vector<2560x128xf32>
    %get3A_30 = arith.constant 0 : index
    %get3A_31 = arith.constant 0 : index
    %get3A_32 = vector.load %arg8[%get3A_30, %get3A_31] : memref<1x128xf32, #tpu.memory_space<vmem>>, vector<1x128xf32>
    %get3A_33 = arith.constant 0 : index
    %get3A_34 = arith.constant 0 : index
    %get3A_35 = vector.load %arg9[%get3A_33, %get3A_34] : memref<1x128xf32, #tpu.memory_space<vmem>>, vector<1x128xf32>
    %reduce_sum3A = arith.constant dense<0.000000e+00> : vector<2560xf32>
    %reduce_sum3A_36 = vector.multi_reduction <add>, %add3A_29, %reduce_sum3A [1] : vector<2560x128xf32> to vector<2560xf32>
    %broadcast_in_dim3A = vector.shape_cast %reduce_sum3A_36 : vector<2560xf32> to vector<2560x1xf32>
    %div3A = arith.constant 1.280000e+02 : f32
    %div3A_37 = vector.broadcast %div3A : f32 to vector<2560x1xf32>
    %div3A_38 = arith.divf %broadcast_in_dim3A, %div3A_37 : vector<2560x1xf32>
    %sub3A = vector.broadcast %div3A_38 : vector<2560x1xf32> to vector<2560x128xf32>
    %sub3A_39 = arith.subf %add3A_29, %sub3A : vector<2560x128xf32>
    %mul3A = arith.mulf %sub3A_39, %sub3A_39 : vector<2560x128xf32>
    %reduce_sum3A_40 = arith.constant dense<0.000000e+00> : vector<2560xf32>
    %reduce_sum3A_41 = vector.multi_reduction <add>, %mul3A, %reduce_sum3A_40 [1] : vector<2560x128xf32> to vector<2560xf32>
    %broadcast_in_dim3A_42 = vector.shape_cast %reduce_sum3A_41 : vector<2560xf32> to vector<2560x1xf32>
    %div3A_43 = arith.constant 1.280000e+02 : f32
    %div3A_44 = vector.broadcast %div3A_43 : f32 to vector<2560x1xf32>
    %div3A_45 = arith.divf %broadcast_in_dim3A_42, %div3A_44 : vector<2560x1xf32>
    %add3A_46 = arith.constant 9.99999974E-6 : f32
    %add3A_47 = vector.broadcast %add3A_46 : f32 to vector<2560x1xf32>
    %add3A_48 = arith.addf %div3A_45, %add3A_47 : vector<2560x1xf32>
    %rsqrt3A = math.rsqrt %add3A_48 : vector<2560x1xf32>
    %mul3A_49 = vector.broadcast %rsqrt3A : vector<2560x1xf32> to vector<2560x128xf32>
    %mul3A_50 = arith.mulf %sub3A_39, %mul3A_49 : vector<2560x128xf32>
    %mul3A_51 = vector.broadcast %get3A_32 : vector<1x128xf32> to vector<2560x128xf32>
    %mul3A_52 = arith.mulf %mul3A_50, %mul3A_51 : vector<2560x128xf32>
    %add3A_53 = vector.broadcast %get3A_35 : vector<1x128xf32> to vector<2560x128xf32>
    %add3A_54 = arith.addf %mul3A_52, %add3A_53 : vector<2560x128xf32>
    %add3A_55 = arith.addf %get3A_1, %add3A_54 : vector<2560x128xf32>
    %swap3A = arith.constant 0 : index
    %swap3A_56 = arith.constant 0 : index
    %swap3A_57 = vector.load %arg10[%swap3A, %swap3A_56] : memref<2560x128xf32, #tpu.memory_space<vmem>>, vector<2560x128xf32>
    tpu.vector_store %arg10[%swap3A, %swap3A_56], %add3A_55 {strides = array<i32>} : memref<2560x128xf32, #tpu.memory_space<vmem>>, vector<2560x128xf32>,
    return
  }
  func.func @transform_0(%arg0: i32) -> (i32, i32) {
    %c0_i32 = arith.constant 0 : i32
    %c0_i32_0 = arith.constant 0 : i32
    return %arg0, %c0_i32 : i32, i32
  }
  func.func @transform_1(%arg0: i32) -> (i32, i32) {
    %c0_i32 = arith.constant 0 : i32
    %c0_i32_0 = arith.constant 0 : i32
    return %arg0, %c0_i32 : i32, i32
  }
  func.func @transform_2(%arg0: i32) -> (i32, i32) {
    %c0_i32 = arith.constant 0 : i32
    %c0_i32_0 = arith.constant 0 : i32
    return %arg0, %c0_i32 : i32, i32
  }
  func.func @transform_3(%arg0: i32) -> (i32, i32) {
    %c0_i32 = arith.constant 0 : i32
    %c0_i32_0 = arith.constant 0 : i32
    %c0_i32_1 = arith.constant 0 : i32
    return %c0_i32, %c0_i32_0 : i32, i32
  }
  func.func @transform_4(%arg0: i32) -> (i32, i32) {
    %c0_i32 = arith.constant 0 : i32
    %c0_i32_0 = arith.constant 0 : i32
    %c0_i32_1 = arith.constant 0 : i32
    return %c0_i32, %c0_i32_0 : i32, i32
  }
  func.func @transform_5(%arg0: i32) -> (i32, i32) {
    %c0_i32 = arith.constant 0 : i32
    %c0_i32_0 = arith.constant 0 : i32
    %c0_i32_1 = arith.constant 0 : i32
    return %c0_i32, %c0_i32_0 : i32, i32
  }
  func.func @transform_6(%arg0: i32) -> (i32, i32) {
    %c0_i32 = arith.constant 0 : i32
    %c0_i32_0 = arith.constant 0 : i32
    %c0_i32_1 = arith.constant 0 : i32
    return %c0_i32, %c0_i32_0 : i32, i32
  }
  func.func @transform_7(%arg0: i32) -> (i32, i32) {
    %c0_i32 = arith.constant 0 : i32
    %c0_i32_0 = arith.constant 0 : i32
    %c0_i32_1 = arith.constant 0 : i32
    return %c0_i32, %c0_i32_0 : i32, i32
  }
  func.func @transform_8(%arg0: i32) -> (i32, i32) {
    %c0_i32 = arith.constant 0 : i32
    %c0_i32_0 = arith.constant 0 : i32
    %c0_i32_1 = arith.constant 0 : i32
    return %c0_i32, %c0_i32_0 : i32, i32
  }
  func.func @transform_9(%arg0: i32) -> (i32, i32) {
    %c0_i32 = arith.constant 0 : i32
    %c0_i32_0 = arith.constant 0 : i32
    return %arg0, %c0_i32 : i32, i32
  }
}

module attributes {stable_mosaic.version = 14 : i64} {
  func.func @body(%arg0: i32, %arg1: memref<2560x16xf32, #tpu.memory_space<vmem>>, %arg2: memref<16x128xf32, #tpu.memory_space<vmem>>, %arg3: memref<1x128xf32, #tpu.memory_space<vmem>>, %arg4: memref<128x128xf32, #tpu.memory_space<vmem>>, %arg5: memref<1x128xf32, #tpu.memory_space<vmem>>, %arg6: memref<1x128xf32, #tpu.memory_space<vmem>>, %arg7: memref<1x128xf32, #tpu.memory_space<vmem>>, %arg8: memref<2560x128xf32, #tpu.memory_space<vmem>>) attributes {dimension_semantics = [#tpu.dimension_semantics<arbitrary>], iteration_bounds = array<i64: 125>, scalar_prefetch = 0 : i64, scratch_operands = 0 : i64, tpu.core_type = #tpu.core_type<tc>, window_params = [{transform_indices = @transform_0, window_bounds = array<i64: 2560, 16>}, {pipeline_mode = #tpu.pipeline_mode<synchronous>, transform_indices = @transform_1, window_bounds = array<i64: 16, 128>}, {pipeline_mode = #tpu.pipeline_mode<synchronous>, transform_indices = @transform_2, window_bounds = array<i64: 1, 128>}, {pipeline_mode = #tpu.pipeline_mode<synchronous>, transform_indices = @transform_3, window_bounds = array<i64: 128, 128>}, {pipeline_mode = #tpu.pipeline_mode<synchronous>, transform_indices = @transform_4, window_bounds = array<i64: 1, 128>}, {pipeline_mode = #tpu.pipeline_mode<synchronous>, transform_indices = @transform_5, window_bounds = array<i64: 1, 128>}, {pipeline_mode = #tpu.pipeline_mode<synchronous>, transform_indices = @transform_6, window_bounds = array<i64: 1, 128>}, {transform_indices = @transform_7, window_bounds = array<i64: 2560, 128>}]} {
    %get3A = arith.constant 0 : index
    %get3A_0 = arith.constant 0 : index
    %get3A_1 = vector.load %arg1[%get3A, %get3A_0] : memref<2560x16xf32, #tpu.memory_space<vmem>>, vector<2560x16xf32>
    %get3A_2 = arith.constant 0 : index
    %get3A_3 = arith.constant 0 : index
    %get3A_4 = vector.load %arg2[%get3A_2, %get3A_3] : memref<16x128xf32, #tpu.memory_space<vmem>>, vector<16x128xf32>
    %dot_general3A = arith.constant dense<0.000000e+00> : vector<2560x128xf32>
    %dot_general3A_5 = tpu.matmul %get3A_1, %get3A_4, %dot_general3A {dimension_numbers = #tpu.dot_dimension_numbers<[1], [0], [0], [1], [0, 0, 1, 1], [], []>, transpose_lhs_hint = false} : vector<2560x16xf32>, vector<16x128xf32>, vector<2560x128xf32> -> vector<2560x128xf32>
    %get3A_6 = arith.constant 0 : index
    %get3A_7 = arith.constant 0 : index
    %get3A_8 = vector.load %arg3[%get3A_6, %get3A_7] : memref<1x128xf32, #tpu.memory_space<vmem>>, vector<1x128xf32>
    %add3A = vector.broadcast %get3A_8 : vector<1x128xf32> to vector<2560x128xf32>
    %add3A_9 = arith.addf %dot_general3A_5, %add3A : vector<2560x128xf32>
    %max3A = arith.constant 0.000000e+00 : f32
    %max3A_10 = vector.broadcast %max3A : f32 to vector<2560x128xf32>
    %max3A_11 = arith.maximumf %add3A_9, %max3A_10 : vector<2560x128xf32>
    %get3A_12 = arith.constant 0 : index
    %get3A_13 = arith.constant 0 : index
    %get3A_14 = vector.load %arg4[%get3A_12, %get3A_13] : memref<128x128xf32, #tpu.memory_space<vmem>>, vector<128x128xf32>
    %dot_general3A_15 = arith.constant dense<0.000000e+00> : vector<2560x128xf32>
    %dot_general3A_16 = tpu.matmul %max3A_11, %get3A_14, %dot_general3A_15 {dimension_numbers = #tpu.dot_dimension_numbers<[1], [0], [0], [1], [0, 0, 1, 1], [], []>, transpose_lhs_hint = false} : vector<2560x128xf32>, vector<128x128xf32>, vector<2560x128xf32> -> vector<2560x128xf32>
    %get3A_17 = arith.constant 0 : index
    %get3A_18 = arith.constant 0 : index
    %get3A_19 = vector.load %arg5[%get3A_17, %get3A_18] : memref<1x128xf32, #tpu.memory_space<vmem>>, vector<1x128xf32>
    %add3A_20 = vector.broadcast %get3A_19 : vector<1x128xf32> to vector<2560x128xf32>
    %add3A_21 = arith.addf %dot_general3A_16, %add3A_20 : vector<2560x128xf32>
    %get3A_22 = arith.constant 0 : index
    %get3A_23 = arith.constant 0 : index
    %get3A_24 = vector.load %arg6[%get3A_22, %get3A_23] : memref<1x128xf32, #tpu.memory_space<vmem>>, vector<1x128xf32>
    %get3A_25 = arith.constant 0 : index
    %get3A_26 = arith.constant 0 : index
    %get3A_27 = vector.load %arg7[%get3A_25, %get3A_26] : memref<1x128xf32, #tpu.memory_space<vmem>>, vector<1x128xf32>
    %reduce_sum3A = arith.constant dense<0.000000e+00> : vector<2560xf32>
    %reduce_sum3A_28 = vector.multi_reduction <add>, %add3A_21, %reduce_sum3A [1] : vector<2560x128xf32> to vector<2560xf32>
    %broadcast_in_dim3A = vector.shape_cast %reduce_sum3A_28 : vector<2560xf32> to vector<2560x1xf32>
    %div3A = arith.constant 1.280000e+02 : f32
    %div3A_29 = vector.broadcast %div3A : f32 to vector<2560x1xf32>
    %div3A_30 = arith.divf %broadcast_in_dim3A, %div3A_29 : vector<2560x1xf32>
    %sub3A = vector.broadcast %div3A_30 : vector<2560x1xf32> to vector<2560x128xf32>
    %sub3A_31 = arith.subf %add3A_21, %sub3A : vector<2560x128xf32>
    %mul3A = arith.mulf %sub3A_31, %sub3A_31 : vector<2560x128xf32>
    %reduce_sum3A_32 = arith.constant dense<0.000000e+00> : vector<2560xf32>
    %reduce_sum3A_33 = vector.multi_reduction <add>, %mul3A, %reduce_sum3A_32 [1] : vector<2560x128xf32> to vector<2560xf32>
    %broadcast_in_dim3A_34 = vector.shape_cast %reduce_sum3A_33 : vector<2560xf32> to vector<2560x1xf32>
    %div3A_35 = arith.constant 1.280000e+02 : f32
    %div3A_36 = vector.broadcast %div3A_35 : f32 to vector<2560x1xf32>
    %div3A_37 = arith.divf %broadcast_in_dim3A_34, %div3A_36 : vector<2560x1xf32>
    %add3A_38 = arith.constant 9.99999974E-6 : f32
    %add3A_39 = vector.broadcast %add3A_38 : f32 to vector<2560x1xf32>
    %add3A_40 = arith.addf %div3A_37, %add3A_39 : vector<2560x1xf32>
    %rsqrt3A = math.rsqrt %add3A_40 : vector<2560x1xf32>
    %mul3A_41 = vector.broadcast %rsqrt3A : vector<2560x1xf32> to vector<2560x128xf32>
    %mul3A_42 = arith.mulf %sub3A_31, %mul3A_41 : vector<2560x128xf32>
    %mul3A_43 = vector.broadcast %get3A_24 : vector<1x128xf32> to vector<2560x128xf32>
    %mul3A_44 = arith.mulf %mul3A_42, %mul3A_43 : vector<2560x128xf32>
    %add3A_45 = vector.broadcast %get3A_27 : vector<1x128xf32> to vector<2560x128xf32>
    %add3A_46 = arith.addf %mul3A_44, %add3A_45 : vector<2560x128xf32>
    %swap3A = arith.constant 0 : index
    %swap3A_47 = arith.constant 0 : index
    %swap3A_48 = vector.load %arg8[%swap3A, %swap3A_47] : memref<2560x128xf32, #tpu.memory_space<vmem>>, vector<2560x128xf32>
    tpu.vector_store %arg8[%swap3A, %swap3A_47], %add3A_46 {strides = array<i32>} : memref<2560x128xf32, #tpu.memory_space<vmem>>, vector<2560x128xf32>,
    return
  }
  func.func @transform_0(%arg0: i32) -> (i32, i32) {
    %c0_i32 = arith.constant 0 : i32
    %c0_i32_0 = arith.constant 0 : i32
    return %arg0, %c0_i32 : i32, i32
  }
  func.func @transform_1(%arg0: i32) -> (i32, i32) {
    %c0_i32 = arith.constant 0 : i32
    %c0_i32_0 = arith.constant 0 : i32
    %c0_i32_1 = arith.constant 0 : i32
    return %c0_i32, %c0_i32_0 : i32, i32
  }
  func.func @transform_2(%arg0: i32) -> (i32, i32) {
    %c0_i32 = arith.constant 0 : i32
    %c0_i32_0 = arith.constant 0 : i32
    %c0_i32_1 = arith.constant 0 : i32
    return %c0_i32, %c0_i32_0 : i32, i32
  }
  func.func @transform_3(%arg0: i32) -> (i32, i32) {
    %c0_i32 = arith.constant 0 : i32
    %c0_i32_0 = arith.constant 0 : i32
    %c0_i32_1 = arith.constant 0 : i32
    return %c0_i32, %c0_i32_0 : i32, i32
  }
  func.func @transform_4(%arg0: i32) -> (i32, i32) {
    %c0_i32 = arith.constant 0 : i32
    %c0_i32_0 = arith.constant 0 : i32
    %c0_i32_1 = arith.constant 0 : i32
    return %c0_i32, %c0_i32_0 : i32, i32
  }
  func.func @transform_5(%arg0: i32) -> (i32, i32) {
    %c0_i32 = arith.constant 0 : i32
    %c0_i32_0 = arith.constant 0 : i32
    %c0_i32_1 = arith.constant 0 : i32
    return %c0_i32, %c0_i32_0 : i32, i32
  }
  func.func @transform_6(%arg0: i32) -> (i32, i32) {
    %c0_i32 = arith.constant 0 : i32
    %c0_i32_0 = arith.constant 0 : i32
    %c0_i32_1 = arith.constant 0 : i32
    return %c0_i32, %c0_i32_0 : i32, i32
  }
  func.func @transform_7(%arg0: i32) -> (i32, i32) {
    %c0_i32 = arith.constant 0 : i32
    %c0_i32_0 = arith.constant 0 : i32
    return %arg0, %c0_i32 : i32, i32
  }
}

module attributes {stable_mosaic.version = 14 : i64} {
  func.func @body(%arg0: i32, %arg1: memref<2000x128xf32, #tpu.memory_space<vmem>>, %arg2: memref<2x2000x128xf32, #tpu.memory_space<vmem>>, %arg3: memref<128x128xf32, #tpu.memory_space<vmem>>, %arg4: memref<128x128xf32, #tpu.memory_space<vmem>>, %arg5: memref<1x128xf32, #tpu.memory_space<vmem>>, %arg6: memref<128x128xf32, #tpu.memory_space<vmem>>, %arg7: memref<1x128xf32, #tpu.memory_space<vmem>>, %arg8: memref<1x128xf32, #tpu.memory_space<vmem>>, %arg9: memref<1x128xf32, #tpu.memory_space<vmem>>, %arg10: memref<2000x128xf32, #tpu.memory_space<vmem>>) attributes {dimension_semantics = [#tpu.dimension_semantics<arbitrary>], iteration_bounds = array<i64: 5>, scalar_prefetch = 0 : i64, scratch_operands = 0 : i64, tpu.core_type = #tpu.core_type<tc>, window_params = [{transform_indices = @transform_0, window_bounds = array<i64: 2000, 128>}, {transform_indices = @transform_1, window_bounds = array<i64: 2, 2000, 128>}, {pipeline_mode = #tpu.pipeline_mode<synchronous>, transform_indices = @transform_2, window_bounds = array<i64: 128, 128>}, {pipeline_mode = #tpu.pipeline_mode<synchronous>, transform_indices = @transform_3, window_bounds = array<i64: 128, 128>}, {pipeline_mode = #tpu.pipeline_mode<synchronous>, transform_indices = @transform_4, window_bounds = array<i64: 1, 128>}, {pipeline_mode = #tpu.pipeline_mode<synchronous>, transform_indices = @transform_5, window_bounds = array<i64: 128, 128>}, {pipeline_mode = #tpu.pipeline_mode<synchronous>, transform_indices = @transform_6, window_bounds = array<i64: 1, 128>}, {pipeline_mode = #tpu.pipeline_mode<synchronous>, transform_indices = @transform_7, window_bounds = array<i64: 1, 128>}, {pipeline_mode = #tpu.pipeline_mode<synchronous>, transform_indices = @transform_8, window_bounds = array<i64: 1, 128>}, {transform_indices = @transform_9, window_bounds = array<i64: 2000, 128>}]} {
    %get3A = arith.constant 0 : index
    %get3A_0 = arith.constant 0 : index
    %get3A_1 = vector.load %arg1[%get3A, %get3A_0] : memref<2000x128xf32, #tpu.memory_space<vmem>>, vector<2000x128xf32>
    %get3A_2 = arith.constant 0 : index
    %get3A_3 = arith.constant 0 : index
    %get3A_4 = arith.constant 0 : index
    %get3A_5 = vector.load %arg2[%get3A_2, %get3A_3, %get3A_4] : memref<2x2000x128xf32, #tpu.memory_space<vmem>>, vector<1x2000x128xf32>
    %get3A_6 = vector.shape_cast %get3A_5 : vector<1x2000x128xf32> to vector<2000x128xf32>
    %get3A_7 = arith.constant 1 : index
    %get3A_8 = arith.constant 0 : index
    %get3A_9 = arith.constant 0 : index
    %get3A_10 = vector.load %arg2[%get3A_7, %get3A_8, %get3A_9] : memref<2x2000x128xf32, #tpu.memory_space<vmem>>, vector<1x2000x128xf32>
    %get3A_11 = vector.shape_cast %get3A_10 : vector<1x2000x128xf32> to vector<2000x128xf32>
    %add3A = arith.addf %get3A_6, %get3A_11 : vector<2000x128xf32>
    %get3A_12 = arith.constant 0 : index
    %get3A_13 = arith.constant 0 : index
    %get3A_14 = vector.load %arg3[%get3A_12, %get3A_13] : memref<128x128xf32, #tpu.memory_space<vmem>>, vector<128x128xf32>
    %dot_general3A = arith.constant dense<0.000000e+00> : vector<2000x128xf32>
    %dot_general3A_15 = tpu.matmul %get3A_1, %get3A_14, %dot_general3A {dimension_numbers = #tpu.dot_dimension_numbers<[1], [0], [0], [1], [0, 0, 1, 1], [], []>, transpose_lhs_hint = false} : vector<2000x128xf32>, vector<128x128xf32>, vector<2000x128xf32> -> vector<2000x128xf32>
    %get3A_16 = arith.constant 0 : index
    %get3A_17 = arith.constant 0 : index
    %get3A_18 = vector.load %arg4[%get3A_16, %get3A_17] : memref<128x128xf32, #tpu.memory_space<vmem>>, vector<128x128xf32>
    %dot_general3A_19 = arith.constant dense<0.000000e+00> : vector<2000x128xf32>
    %dot_general3A_20 = tpu.matmul %add3A, %get3A_18, %dot_general3A_19 {dimension_numbers = #tpu.dot_dimension_numbers<[1], [0], [0], [1], [0, 0, 1, 1], [], []>, transpose_lhs_hint = false} : vector<2000x128xf32>, vector<128x128xf32>, vector<2000x128xf32> -> vector<2000x128xf32>
    %add3A_21 = arith.addf %dot_general3A_15, %dot_general3A_20 : vector<2000x128xf32>
    %get3A_22 = arith.constant 0 : index
    %get3A_23 = arith.constant 0 : index
    %get3A_24 = vector.load %arg5[%get3A_22, %get3A_23] : memref<1x128xf32, #tpu.memory_space<vmem>>, vector<1x128xf32>
    %add3A_25 = vector.broadcast %get3A_24 : vector<1x128xf32> to vector<2000x128xf32>
    %add3A_26 = arith.addf %add3A_21, %add3A_25 : vector<2000x128xf32>
    %max3A = arith.constant 0.000000e+00 : f32
    %max3A_27 = vector.broadcast %max3A : f32 to vector<2000x128xf32>
    %max3A_28 = arith.maximumf %add3A_26, %max3A_27 : vector<2000x128xf32>
    %get3A_29 = arith.constant 0 : index
    %get3A_30 = arith.constant 0 : index
    %get3A_31 = vector.load %arg6[%get3A_29, %get3A_30] : memref<128x128xf32, #tpu.memory_space<vmem>>, vector<128x128xf32>
    %dot_general3A_32 = arith.constant dense<0.000000e+00> : vector<2000x128xf32>
    %dot_general3A_33 = tpu.matmul %max3A_28, %get3A_31, %dot_general3A_32 {dimension_numbers = #tpu.dot_dimension_numbers<[1], [0], [0], [1], [0, 0, 1, 1], [], []>, transpose_lhs_hint = false} : vector<2000x128xf32>, vector<128x128xf32>, vector<2000x128xf32> -> vector<2000x128xf32>
    %get3A_34 = arith.constant 0 : index
    %get3A_35 = arith.constant 0 : index
    %get3A_36 = vector.load %arg7[%get3A_34, %get3A_35] : memref<1x128xf32, #tpu.memory_space<vmem>>, vector<1x128xf32>
    %add3A_37 = vector.broadcast %get3A_36 : vector<1x128xf32> to vector<2000x128xf32>
    %add3A_38 = arith.addf %dot_general3A_33, %add3A_37 : vector<2000x128xf32>
    %get3A_39 = arith.constant 0 : index
    %get3A_40 = arith.constant 0 : index
    %get3A_41 = vector.load %arg8[%get3A_39, %get3A_40] : memref<1x128xf32, #tpu.memory_space<vmem>>, vector<1x128xf32>
    %get3A_42 = arith.constant 0 : index
    %get3A_43 = arith.constant 0 : index
    %get3A_44 = vector.load %arg9[%get3A_42, %get3A_43] : memref<1x128xf32, #tpu.memory_space<vmem>>, vector<1x128xf32>
    %reduce_sum3A = arith.constant dense<0.000000e+00> : vector<2000xf32>
    %reduce_sum3A_45 = vector.multi_reduction <add>, %add3A_38, %reduce_sum3A [1] : vector<2000x128xf32> to vector<2000xf32>
    %broadcast_in_dim3A = vector.shape_cast %reduce_sum3A_45 : vector<2000xf32> to vector<2000x1xf32>
    %div3A = arith.constant 1.280000e+02 : f32
    %div3A_46 = vector.broadcast %div3A : f32 to vector<2000x1xf32>
    %div3A_47 = arith.divf %broadcast_in_dim3A, %div3A_46 : vector<2000x1xf32>
    %sub3A = vector.broadcast %div3A_47 : vector<2000x1xf32> to vector<2000x128xf32>
    %sub3A_48 = arith.subf %add3A_38, %sub3A : vector<2000x128xf32>
    %mul3A = arith.mulf %sub3A_48, %sub3A_48 : vector<2000x128xf32>
    %reduce_sum3A_49 = arith.constant dense<0.000000e+00> : vector<2000xf32>
    %reduce_sum3A_50 = vector.multi_reduction <add>, %mul3A, %reduce_sum3A_49 [1] : vector<2000x128xf32> to vector<2000xf32>
    %broadcast_in_dim3A_51 = vector.shape_cast %reduce_sum3A_50 : vector<2000xf32> to vector<2000x1xf32>
    %div3A_52 = arith.constant 1.280000e+02 : f32
    %div3A_53 = vector.broadcast %div3A_52 : f32 to vector<2000x1xf32>
    %div3A_54 = arith.divf %broadcast_in_dim3A_51, %div3A_53 : vector<2000x1xf32>
    %add3A_55 = arith.constant 9.99999974E-6 : f32
    %add3A_56 = vector.broadcast %add3A_55 : f32 to vector<2000x1xf32>
    %add3A_57 = arith.addf %div3A_54, %add3A_56 : vector<2000x1xf32>
    %rsqrt3A = math.rsqrt %add3A_57 : vector<2000x1xf32>
    %mul3A_58 = vector.broadcast %rsqrt3A : vector<2000x1xf32> to vector<2000x128xf32>
    %mul3A_59 = arith.mulf %sub3A_48, %mul3A_58 : vector<2000x128xf32>
    %mul3A_60 = vector.broadcast %get3A_41 : vector<1x128xf32> to vector<2000x128xf32>
    %mul3A_61 = arith.mulf %mul3A_59, %mul3A_60 : vector<2000x128xf32>
    %add3A_62 = vector.broadcast %get3A_44 : vector<1x128xf32> to vector<2000x128xf32>
    %add3A_63 = arith.addf %mul3A_61, %add3A_62 : vector<2000x128xf32>
    %add3A_64 = arith.addf %get3A_1, %add3A_63 : vector<2000x128xf32>
    %swap3A = arith.constant 0 : index
    %swap3A_65 = arith.constant 0 : index
    %swap3A_66 = vector.load %arg10[%swap3A, %swap3A_65] : memref<2000x128xf32, #tpu.memory_space<vmem>>, vector<2000x128xf32>
    tpu.vector_store %arg10[%swap3A, %swap3A_65], %add3A_64 {strides = array<i32>} : memref<2000x128xf32, #tpu.memory_space<vmem>>, vector<2000x128xf32>,
    return
  }
  func.func @transform_0(%arg0: i32) -> (i32, i32) {
    %c0_i32 = arith.constant 0 : i32
    %c0_i32_0 = arith.constant 0 : i32
    return %arg0, %c0_i32 : i32, i32
  }
  func.func @transform_1(%arg0: i32) -> (i32, i32, i32) {
    %c0_i32 = arith.constant 0 : i32
    %c0_i32_0 = arith.constant 0 : i32
    %c0_i32_1 = arith.constant 0 : i32
    return %c0_i32, %arg0, %c0_i32_0 : i32, i32, i32
  }
  func.func @transform_2(%arg0: i32) -> (i32, i32) {
    %c0_i32 = arith.constant 0 : i32
    %c0_i32_0 = arith.constant 0 : i32
    %c0_i32_1 = arith.constant 0 : i32
    return %c0_i32, %c0_i32_0 : i32, i32
  }
  func.func @transform_3(%arg0: i32) -> (i32, i32) {
    %c0_i32 = arith.constant 0 : i32
    %c0_i32_0 = arith.constant 0 : i32
    %c0_i32_1 = arith.constant 0 : i32
    return %c0_i32, %c0_i32_0 : i32, i32
  }
  func.func @transform_4(%arg0: i32) -> (i32, i32) {
    %c0_i32 = arith.constant 0 : i32
    %c0_i32_0 = arith.constant 0 : i32
    %c0_i32_1 = arith.constant 0 : i32
    return %c0_i32, %c0_i32_0 : i32, i32
  }
  func.func @transform_5(%arg0: i32) -> (i32, i32) {
    %c0_i32 = arith.constant 0 : i32
    %c0_i32_0 = arith.constant 0 : i32
    %c0_i32_1 = arith.constant 0 : i32
    return %c0_i32, %c0_i32_0 : i32, i32
  }
  func.func @transform_6(%arg0: i32) -> (i32, i32) {
    %c0_i32 = arith.constant 0 : i32
    %c0_i32_0 = arith.constant 0 : i32
    %c0_i32_1 = arith.constant 0 : i32
    return %c0_i32, %c0_i32_0 : i32, i32
  }
  func.func @transform_7(%arg0: i32) -> (i32, i32) {
    %c0_i32 = arith.constant 0 : i32
    %c0_i32_0 = arith.constant 0 : i32
    %c0_i32_1 = arith.constant 0 : i32
    return %c0_i32, %c0_i32_0 : i32, i32
  }
  func.func @transform_8(%arg0: i32) -> (i32, i32) {
    %c0_i32 = arith.constant 0 : i32
    %c0_i32_0 = arith.constant 0 : i32
    %c0_i32_1 = arith.constant 0 : i32
    return %c0_i32, %c0_i32_0 : i32, i32
  }
  func.func @transform_9(%arg0: i32) -> (i32, i32) {
    %c0_i32 = arith.constant 0 : i32
    %c0_i32_0 = arith.constant 0 : i32
    return %arg0, %c0_i32 : i32, i32
  }
}

module attributes {stable_mosaic.version = 14 : i64} {
  func.func @body(%arg0: i32, %arg1: memref<2000x128xf32, #tpu.memory_space<vmem>>, %arg2: memref<128x128xf32, #tpu.memory_space<vmem>>, %arg3: memref<1x128xf32, #tpu.memory_space<vmem>>, %arg4: memref<128x128xf32, #tpu.memory_space<vmem>>, %arg5: memref<1x128xf32, #tpu.memory_space<vmem>>, %arg6: memref<2000x128xf32, #tpu.memory_space<vmem>>) attributes {dimension_semantics = [#tpu.dimension_semantics<arbitrary>], iteration_bounds = array<i64: 5>, scalar_prefetch = 0 : i64, scratch_operands = 0 : i64, tpu.core_type = #tpu.core_type<tc>, window_params = [{transform_indices = @transform_0, window_bounds = array<i64: 2000, 128>}, {pipeline_mode = #tpu.pipeline_mode<synchronous>, transform_indices = @transform_1, window_bounds = array<i64: 128, 128>}, {pipeline_mode = #tpu.pipeline_mode<synchronous>, transform_indices = @transform_2, window_bounds = array<i64: 1, 128>}, {pipeline_mode = #tpu.pipeline_mode<synchronous>, transform_indices = @transform_3, window_bounds = array<i64: 128, 128>}, {pipeline_mode = #tpu.pipeline_mode<synchronous>, transform_indices = @transform_4, window_bounds = array<i64: 1, 128>}, {transform_indices = @transform_5, window_bounds = array<i64: 2000, 128>}]} {
    %get3A = arith.constant 0 : index
    %get3A_0 = arith.constant 0 : index
    %get3A_1 = vector.load %arg1[%get3A, %get3A_0] : memref<2000x128xf32, #tpu.memory_space<vmem>>, vector<2000x128xf32>
    %get3A_2 = arith.constant 0 : index
    %get3A_3 = arith.constant 0 : index
    %get3A_4 = vector.load %arg2[%get3A_2, %get3A_3] : memref<128x128xf32, #tpu.memory_space<vmem>>, vector<128x128xf32>
    %dot_general3A = arith.constant dense<0.000000e+00> : vector<2000x128xf32>
    %dot_general3A_5 = tpu.matmul %get3A_1, %get3A_4, %dot_general3A {dimension_numbers = #tpu.dot_dimension_numbers<[1], [0], [0], [1], [0, 0, 1, 1], [], []>, transpose_lhs_hint = false} : vector<2000x128xf32>, vector<128x128xf32>, vector<2000x128xf32> -> vector<2000x128xf32>
    %get3A_6 = arith.constant 0 : index
    %get3A_7 = arith.constant 0 : index
    %get3A_8 = vector.load %arg3[%get3A_6, %get3A_7] : memref<1x128xf32, #tpu.memory_space<vmem>>, vector<1x128xf32>
    %add3A = vector.broadcast %get3A_8 : vector<1x128xf32> to vector<2000x128xf32>
    %add3A_9 = arith.addf %dot_general3A_5, %add3A : vector<2000x128xf32>
    %max3A = arith.constant 0.000000e+00 : f32
    %max3A_10 = vector.broadcast %max3A : f32 to vector<2000x128xf32>
    %max3A_11 = arith.maximumf %add3A_9, %max3A_10 : vector<2000x128xf32>
    %get3A_12 = arith.constant 0 : index
    %get3A_13 = arith.constant 0 : index
    %get3A_14 = vector.load %arg4[%get3A_12, %get3A_13] : memref<128x128xf32, #tpu.memory_space<vmem>>, vector<128x128xf32>
    %dot_general3A_15 = arith.constant dense<0.000000e+00> : vector<2000x128xf32>
    %dot_general3A_16 = tpu.matmul %max3A_11, %get3A_14, %dot_general3A_15 {dimension_numbers = #tpu.dot_dimension_numbers<[1], [0], [0], [1], [0, 0, 1, 1], [], []>, transpose_lhs_hint = false} : vector<2000x128xf32>, vector<128x128xf32>, vector<2000x128xf32> -> vector<2000x128xf32>
    %get3A_17 = arith.constant 0 : index
    %get3A_18 = arith.constant 0 : index
    %get3A_19 = vector.load %arg5[%get3A_17, %get3A_18] : memref<1x128xf32, #tpu.memory_space<vmem>>, vector<1x128xf32>
    %add3A_20 = vector.broadcast %get3A_19 : vector<1x128xf32> to vector<2000x128xf32>
    %add3A_21 = arith.addf %dot_general3A_16, %add3A_20 : vector<2000x128xf32>
    %swap3A = arith.constant 0 : index
    %swap3A_22 = arith.constant 0 : index
    %swap3A_23 = vector.load %arg6[%swap3A, %swap3A_22] : memref<2000x128xf32, #tpu.memory_space<vmem>>, vector<2000x128xf32>
    tpu.vector_store %arg6[%swap3A, %swap3A_22], %add3A_21 {strides = array<i32>} : memref<2000x128xf32, #tpu.memory_space<vmem>>, vector<2000x128xf32>,
    return
  }
  func.func @transform_0(%arg0: i32) -> (i32, i32) {
    %c0_i32 = arith.constant 0 : i32
    %c0_i32_0 = arith.constant 0 : i32
    return %arg0, %c0_i32 : i32, i32
  }
  func.func @transform_1(%arg0: i32) -> (i32, i32) {
    %c0_i32 = arith.constant 0 : i32
    %c0_i32_0 = arith.constant 0 : i32
    %c0_i32_1 = arith.constant 0 : i32
    return %c0_i32, %c0_i32_0 : i32, i32
  }
  func.func @transform_2(%arg0: i32) -> (i32, i32) {
    %c0_i32 = arith.constant 0 : i32
    %c0_i32_0 = arith.constant 0 : i32
    %c0_i32_1 = arith.constant 0 : i32
    return %c0_i32, %c0_i32_0 : i32, i32
  }
  func.func @transform_3(%arg0: i32) -> (i32, i32) {
    %c0_i32 = arith.constant 0 : i32
    %c0_i32_0 = arith.constant 0 : i32
    %c0_i32_1 = arith.constant 0 : i32
    return %c0_i32, %c0_i32_0 : i32, i32
  }
  func.func @transform_4(%arg0: i32) -> (i32, i32) {
    %c0_i32 = arith.constant 0 : i32
    %c0_i32_0 = arith.constant 0 : i32
    %c0_i32_1 = arith.constant 0 : i32
    return %c0_i32, %c0_i32_0 : i32, i32
  }
  func.func @transform_5(%arg0: i32) -> (i32, i32) {
    %c0_i32 = arith.constant 0 : i32
    %c0_i32_0 = arith.constant 0 : i32
    return %arg0, %c0_i32 : i32, i32
  }
}

</mosaic_0001>

<sc_bundles>
// kernel: kernel.25.cloned.1.call-start
scs
__scs_entry_jumppad:
0x0: {  	(pc) =	sbr.rel $0x88, $3  }
0x1: {  	(tag) =	ssettag $0x0;
	lr =	simm.s32 $0x1  }
0x2: {  	[smem:$0x3F5E] =	sst lr;
	_ =	strace $0xD0000000  }
0x3: {  	_ = 	snop  }
0x4: {  	_ = 	snop  }
0x5: {  	_ = 	snop  }
0x6: {  	_ = 	snop  }
0x7: {  	_ = 	snop  }
__scs_overlays_trampoline_lowered:
0x8: {  	[smem:$0x3F6D] =	sst s0  }
0x9: {  	[smem:$0x3F6E] =	sst s1  }
0xa: {  	[smem:$0x3F6F] =	sst s2  }
0xb: {  	[smem:$0x3F70] =	sst s3  }
0xc: {  	[smem:$0x3F71] =	sst s4  }
0xd: {  	[smem:$0x3F72] =	sst s5  }
0xe: {  	[smem:$0x3F73] =	sst s6  }
0xf: {  	[smem:$0x3F74] =	sst s7  }
0x10: {  	[smem:$0x3F75] =	sst s8  }
0x11: {  	[smem:$0x3F76] =	sst s9;
	s0 =	simm.s32 @!p0 $0x0  }
0x12: {  	s1 =	sld [smem:$0x3F5C];
	s0 =	simm.s32 @p0 $0x1  }
0x13: {  	[smem:$0x3F77] =	sst s0;
	s0 =	simm.s32 @!p1 $0x0  }
0x14: {  	s2 =	sld [smem:$0x3F5B];
	s0 =	simm.s32 @p1 $0x1  }
0x15: {  	[smem:$0x3F78] =	sst s0;
	s0 =	simm.s32 @!p2 $0x0  }
0x16: {  	s3 =	sld [smem:$0x3FDB];
	s0 =	simm.s32 @p2 $0x1  }
0x17: {  	s4 =	simm.s32 $0x1BF5;
	[smem:$0x3F7A] =	sst s0  }
0x18: {  	s0 =	sld [smem:$0x3F5D];
	_ =	swait.ge [sflag:s4], $0x0  }
0x19: {  	s7 =	sld [smem:$0x3F5E]  }
0x1a: {  	s8 =	sadd.s32 $0xFFFFE003, lr  }
0x1b: {  	s9 =	sadd.s32 $0xFFFFFEF7, lr;
	s5 =	simm.s32 $0xFFFFFFFF;
	p2 =	slt.u32 s8, $0xFFFFF086  }
0x1c: {  	p1 =	slt.u32 s9, $0xF7A;
	s5 =	simm.s32 @!p2 $0x0  }
0x1d: {  	s5 =	simm.s32 @p1 $0x1;
	p0 =	seq.s32 s7, s2  }
0x1e: {  	s7 =	smul.u32 @!p0 $0xF7A, s2;
	p2 =	seq.s32 @!p0 s5, $0x0  }
0x1f: {  	s9 =	smul.u32 $0xF7A, s1;
	s8 =	simm.s32 @!p0 $0x1BF5;
	p2 =	por !p2, p0  }
0x20: {  	[sflag:s8] =	ssyncset.s32 @!p0 $0xFFFFF086;
	s6 =	sadd.s32 @!p0 s3, s7;
	s7 =	simm.s32 @!p0 $0x108  }
0x21: {  	s3 =	sadd.s32 s3, s9;
	s6 =	sadd.s32 @!p0 $0x88, s6;
	s7 =	simm.s32 @p2 $0x1082  }
0x22: {  	[simem:s7], [sflag:s8] =	dma.local @!p0 [hbm:s6], $0xF7A  }
0x23: {  	s9 =	sor.u32 $0xD0000000, s2;
	s6 =	simm.s32 $0x108;
	_ =	swait.ge @!p0 [sflag:s8], $0x0  }
0x24: {  	s3 =	sadd.s32 $0x88, s3;
	s6 =	simm.s32 @!p1 $0x1082;
	[sflag:s4] =	ssyncset.s32 $0xFFFFF086  }
0x25: {  	[simem:s6], [sflag:s4] =	dma.local [hbm:s3], $0xF7A  }
0x26: {  	[smem:$0x3F5E] =	sst s1;
	(tag) =	ssettag s2;
	_ =	strace s9  }
0x27: {  	s1 =	sld [smem:$0x3F6E]  }
0x28: {  	s2 =	sld [smem:$0x3F6F]  }
0x29: {  	s4 =	sld [smem:$0x3F71]  }
0x2a: {  	p0 =	seq.s32 s5, $0x0;
	s5 =	sld [smem:$0x3F72]  }
0x2b: {  	s6 =	sld [smem:$0x3F73]  }
0x2c: {  	s7 =	sld [smem:$0x3F74]  }
0x2d: {  	s3 =	simm.s32 $0x108;
	s8 =	sld [smem:$0x3F75]  }
0x2e: {  	s3 =	simm.s32 @!p0 $0x1082;
	s9 =	sld [smem:$0x3F76]  }
0x2f: {  	lr =	sadd.s32 s0, s3;
	s0 =	sld [smem:$0x3F6D]  }
0x30: {  	s3 =	sld [smem:$0x3F70]  }
0x31: {  	[smem:$0x3F79] =	sst s10  }
0x32: {  	s10 =	sld [smem:$0x3F77];
	_ =	sdelay $0x3  }
0x33: {  	p0 =	seq.s32 s10, $0x1;
	s10 =	sld [smem:$0x3F79];
	_ =	sdelay $0x3  }
0x34: {  	[smem:$0x3F79] =	sst s10  }
0x35: {  	s10 =	sld [smem:$0x3F78];
	_ =	sdelay $0x3  }
0x36: {  	p1 =	seq.s32 s10, $0x1;
	s10 =	sld [smem:$0x3F79];
	_ =	sdelay $0x3  }
0x37: {  	[smem:$0x3F79] =	sst s10  }
0x38: {  	s10 =	sld [smem:$0x3F7A]  }
0x39: {  	_ = 	snop;
	(pc) =	sbr.ind lr, $3  }
0x3a: {  	_ = 	snop  }
0x3b: {  	_ = 	snop  }
0x3c: {  	p2 =	seq.s32 s10, $0x1;
	s10 =	sld [smem:$0x3F79]  }
0x3d: {  	_ =	shalt  }
0x3e: {  	_ =	shalt  }
0x3f: {  	_ =	shalt  }
0x40: {  	_ =	shalt  }
0x41: {  	_ =	shalt  }
0x42: {  	_ =	shalt  }
0x43: {  	_ =	shalt  }
0x44: {  	_ =	shalt  }
0x45: {  	_ =	shalt  }
0x46: {  	_ =	shalt  }
0x47: {  	_ =	shalt  }
0x48: {  	_ =	shalt  }
0x49: {  	_ =	shalt  }
0x4a: {  	_ =	shalt  }
0x4b: {  	_ =	shalt  }
0x4c: {  	_ =	shalt  }
0x4d: {  	_ =	shalt  }
0x4e: {  	_ =	shalt  }
0x4f: {  	_ =	shalt  }
0x50: {  	_ =	shalt  }
0x51: {  	_ =	shalt  }
0x52: {  	_ =	shalt  }
0x53: {  	_ =	shalt  }
0x54: {  	_ =	shalt  }
0x55: {  	_ =	shalt  }
0x56: {  	_ =	shalt  }
0x57: {  	_ =	shalt  }
0x58: {  	_ =	shalt  }
0x59: {  	_ =	shalt  }
0x5a: {  	_ =	shalt  }
0x5b: {  	_ =	shalt  }
0x5c: {  	_ =	shalt  }
0x5d: {  	_ =	shalt  }
0x5e: {  	_ =	shalt  }
0x5f: {  	_ =	shalt  }
0x60: {  	_ =	shalt  }
0x61: {  	_ =	shalt  }
0x62: {  	_ =	shalt  }
0x63: {  	_ =	shalt  }
0x64: {  	_ =	shalt  }
0x65: {  	_ =	shalt  }
0x66: {  	_ =	shalt  }
0x67: {  	_ =	shalt  }
0x68: {  	_ =	shalt  }
0x69: {  	_ =	shalt  }
0x6a: {  	_ =	shalt  }
0x6b: {  	_ =	shalt  }
0x6c: {  	_ =	shalt  }
0x6d: {  	_ =	shalt  }
0x6e: {  	_ =	shalt  }
0x6f: {  	_ =	shalt  }
0x70: {  	_ =	shalt  }
0x71: {  	_ =	shalt  }
0x72: {  	_ =	shalt  }
0x73: {  	_ =	shalt  }
0x74: {  	_ =	shalt  }
0x75: {  	_ =	shalt  }
0x76: {  	_ =	shalt  }
0x77: {  	_ =	shalt  }
0x78: {  	_ =	shalt  }
0x79: {  	_ =	shalt  }
0x7a: {  	_ =	shalt  }
0x7b: {  	_ =	shalt  }
0x7c: {  	_ =	shalt  }
0x7d: {  	_ =	shalt  }
0x7e: {  	_ =	shalt  }
0x7f: {  	_ =	shalt  }
0x80: {  	_ =	shalt  }
0x81: {  	_ =	shalt  }
0x82: {  	_ =	shalt  }
0x83: {  	_ =	shalt  }
0x84: {  	_ =	shalt  }
0x85: {  	_ =	shalt  }
0x86: {  	_ =	shalt  }
0x87: {  	_ =	shalt  }
.Lfunc_end0:
.L_simem_size_0:
called_computation_lowered:
.L_overlay_start_0:
0x88: {  	s2 =	sld [smem:$0x3FD9]  }
0x89: {  	s3 =	sld [smem:$0x3FFE];
	_ =	sdelay $0x1  }
0x8a: {  	s1 =	srdreg.scid  }
0x8b: {  	s0 =	sand.u32 $0x1, s1  }
0x8c: {  	s16 =	sshll.u32 s0, $0xA;
	s2 =	sadd.s32 s3, s2  }
0x8d: {  	s2 =	sadd.s32 s2, s16  }
0x8e: {  	[smem:$0x3F85] =	sst s2  }
0x8f: {  	_ = 	snop  }
0x90: {  	(tm) =	ssettm $0x1  }
0x91: {  	s17 =	sld [smem:$0x3FFB];
	_ =	sdelay $0x3  }
0x92: {  	_ =	strace s17  }
0x93: {  	s2 =	sld [smem:$0x3FFC];
	_ =	sdelay $0x3  }
0x94: {  	_ =	strace s2  }
0x95: {  	s2 =	sld [smem:$0x3FFD];
	_ =	sdelay $0x3  }
0x96: {  	_ =	strace s2  }
0x97: {  	_ =	strace $0x8FFFFFFF  }
0x98: {  	s18 =	sld [smem:$0x3FDB];
	_ =	sdelay $0x1  }
0x99: {  	s19 =	simm.s32 $_scs_section_size  }
0x9a: {  	s4 =	simm.s32 $_size__tile_overlayer_lowered;
	s5 =	simm.s32 $_tile_overlayer_lowered  }
0x9b: {  	s22 =	simm.s32 $0x1BFF;
	s21 =	sshll.u32 s5, $0x1;
	s2 =	sadd.s32 s19, s18  }
0x9c: {  	s6 =	simm.s32 $0x0;
	s20 =	sshll.u32 s4, $0x1;
	s4 =	sadd.s32 s21, s2  }
0x9d: {  	[timem:s6], [sflag:s22] =	dma.local [hbm:s4], s20  }
0x9e: {  	_ =	swait.ge [sflag:s22], s20  }
0x9f: {  	s3 =	ssub.s32 $0x0, s20;
	[sflag:s22] =	ssyncset.done $0x0  }
0xa0: {  	[sflag:s22] =	ssyncadd.s32 s3;
	_ =	sdelay $0x1  }
0xa1: {  	s23 =	simm.s32 $0x1B8B  }
0xa2: {  	_ =	swait.ge [sflag:s23], $0x1  }
0xa3: {  	[sflag:s23] =	ssyncset.done $0x0  }
0xa4: {  	s25 =	simm.s32 $0x1B8E;
	s24 =	sld [smem:$0x3FFE];
	[sflag:s23] =	ssyncadd.s32 $0xFFFFFFFF  }
0xa5: {  	s26 =	simm.s32 $execute0_lowered;
	[smem:$0x3FD2] =	sst s25  }
0xa6: {  	s4 =	sshll.u32 s26, $0x1;
	_ =	strace $0x80000046;
	[dreg:$0x1] =	wrdreg $0xFFFFFFFF  }
0xa7: {  	s28 =	simm.s32 $_size_execute0_lowered;
	s2 =	sadd.s32 s2, s4;
	[dreg:$0x0] =	wrdreg $0x0  }
0xa8: {  	s4 =	sshll.u32 s28, $0x1;
	[dreg:$0x2] =	wrdreg s2  }
0xa9: {  	[dreg:$0x3] =	wrdreg s4  }
0xaa: {  	[dreg:$0x4] =	wrdreg $0xC0  }
0xab: {  	_ =	task [dreg:s6], $0x5FFFF  }
0xac: {  	[dreg:$0x1] =	wrdreg $0xFFFFFFFF  }
0xad: {  	[dreg:$0x0] =	wrdreg $0x60  }
0xae: {  	[dreg:$0x2] =	wrdreg s24  }
0xaf: {  	[dreg:$0x3] =	wrdreg $0x9  }
0xb0: {  	_ =	task.clear_ibuf [dreg:s6], $0x4FFFF;
	_ =	strace $0x90000046  }
0xb1: {  	s29 =	simm.s32 $0x9;
	_ =	strace $0x80000048  }
0xb2: {  	_ =	swait.ge [sflag:s29], $0x1  }
0xb3: {  	[sflag:s29] =	ssyncadd.s32 $0xFFFFFFFF  }
0xb4: {  	_ =	strace $0x90000048  }
0xb5: {  	_ =	sfence  }
0xb6: {  	s30 =	sld [smem:$0x0];
	_ =	sdelay $0x2  }
0xb7: {  	s31 =	sshll.u32 s1, $0xD;
	s1 =	sshrl.u32 s1, $0x2  }
0xb8: {  	s3 =	sand.u32 $0x4000, s31;
	s1 =	sadd.s32 s1, s30  }
0xb9: {  	s0 =	sor.u32 s3, s0;
	s1 =	sshll.u32 s1, $0x11  }
0xba: {  	s0 =	sor.u32 s1, s0  }
0xbb: {  	s0 =	sadd.s32 $0x8F2B, s0  }
0xbc: {  	[sflag:s0] =	ssyncadd.remote.s32 $0x1  }
0xbd: {  	_ =	sfence.sel $0xFFFF  }
0xbe: {  	[dreg:$0x0] =	wrdreg $0xFFFFFFFF;
	(pc) =	sbr.abs _section_cstart, $3  }
0xbf: {  	[dreg:$0x1] =	wrdreg $0xFFFFFFFF  }
0xc0: {  	_ =	task.clear_ibuf [dreg:s6], $0x2FFFF;
	_ =	strace $0x9FFFFFFF  }
0xc1: {  	(tm) =	ssettm $0x7FFFFFFF  }
tec
execute0_lowered:
.L_overlay_start_1:
0x0: {  	(tag) =	ssettag $0x1  }
0x1: {  	s5 =	rddreg [dreg:$0x0]  }
0x2: {  	s0 =	rddreg [dreg:$0x1];
	s1 =	simm.s32 $0x0;
	s4 =	srdreg.scid  }
0x3: {  	s2 =	stileid.u32;
	[smem:$0x7FF] =	sst s1  }
0x4: {  	s3 =	sadd.s32 $0x4A600, s5;
	s6 =	sand.u32 $0x1, s4;
	s4 =	sadd.s32 $0x23400, s5  }
0x5: {  	s7 =	sshll.u32 s2, $0x5;
	s9 =	sshll.u32 s2, $0xC;
	_ =	strace $0x80000047  }
0x6: {  	s8 =	ssub.s32 $0x2, s6;
	s7 =	sadd.s32 s7, s5;
	s9 =	sadd.s32 s9, s5  }
0x7: {  	s31 =	sshll.u32 s6, $0x4;
	s11 =	sshll.u32 s6, $0xB;
	s10 =	sshrl.u32 s8, $0x1  }
0x8: {  	s5 =	sshll.u32 s2, $0x1;
	s11 =	sadd.s32 s11, s9;
	s8 =	ssub.s32 s8, s10  }
0x9: {  	s10 =	sadd.s32 s31, s7;
	s9 =	sadd.s32 $0x553800, s11;
	s6 =	smax.u32 s8, $0x1  }
0xa: {  	s7 =	sadd.s32 $0x18E00, s10;
	s8 =	sadd.s32 $0xF000, s10;
	s10 =	sadd.s32 $0x71800, s11  }
.LBB2_1:
0xb: {  	p0 =	sgt.u32 s5, $0x9C3  }
0xc: {  	s11 =	sadd.s32 @!p0 $0x0, s8;
	s12 =	simm.s32 @!p0 $0x0;
	s15 =	simm.s32 @!p0 $0x4  }
0xd: {  	[tilespmem:s12], [sflag:$0x4] =	stream.linear.gather @!p0 [hbm4b:s11+s12], $0x80, $0x38;
	[tilespmem:$0x8100] =	vst v63  }
0xe: {  	_ =	swait.ge @!p0 [sflag:s15], $0x80;
	p0 =	por p0, p0  }
0xf: {  	[sflag:s15] =	ssyncset.done @!p0 $0x0  }
0x10: {  	s11 =	sadd.s32 @!p0 $0x0, s7;
	s13 =	simm.s32 @!p0 $0x80;
	[sflag:s15] =	ssyncadd.s32 @!p0 $0xFFFFFF80  }
0x11: {  	[tilespmem:s13], [sflag:$0x4] =	stream.linear.gather @!p0 [hbm4b:s11+s12], $0x80, $0x38;
	[tilespmem:$0x8100] =	vst v63  }
0x12: {  	_ =	swait.ge @!p0 [sflag:s15], $0x80  }
0x13: {  	[sflag:s15] =	ssyncset.done @!p0 $0x0  }
0x14: {  	s11 =	simm.s32 @!p0 $0x100;
	[sflag:s15] =	ssyncadd.s32 @!p0 $0xFFFFFF80  }
0x15: {  	[tilespmem:s11], [sflag:$0x1] =	stream.indirect.gather @!p0 [hbm4b:s3+s13], $0x80, s12, s13, $0xb8;
	[tilespmem:$0x8100] =	vst v63  }
0x16: {  	s16 =	simm.s32 @!p0 $0x4100;
	s14 =	simm.s32 @!p0 $0x1  }
0x17: {  	[tilespmem:s16], [sflag:$0x2] =	stream.indirect.gather @!p0 [hbm4b:s4+s13], $0x80, s13, s13, $0xb8;
	[tilespmem:$0x8100] =	vst v63  }
0x18: {  	_ =	swait.ge @!p0 [sflag:s14], $0x4000  }
0x19: {  	[sflag:s14] =	ssyncset.done @!p0 $0x0  }
0x1a: {  	s13 =	simm.s32 @!p0 $0x2;
	[sflag:s14] =	ssyncadd.s32 @!p0 $0xFFFFC000  }
0x1b: {  	_ =	swait.ge @!p0 [sflag:s13], $0x4000  }
0x1c: {  	[sflag:s13] =	ssyncset.done @!p0 $0x0  }
0x1d: {  	[sflag:s13] =	ssyncadd.s32 @!p0 $0xFFFFC000  }
0x1e: {  	[hbm4b:s10+s12] =	stream.linear.scatter @!p0 [tilespmem:s11], [sflag:$0x4], $0x4000, $0x38;
	[tilespmem:$0x8100] =	vst v63  }
0x1f: {  	_ =	swait.ge @!p0 [sflag:s15], $0x4000  }
0x20: {  	[sflag:s15] =	ssyncset.done @!p0 $0x0  }
0x21: {  	s14 =	simm.s32 $0x400;
	s13 =	simm.s32 $0x200;
	[sflag:s15] =	ssyncadd.s32 @!p0 $0xFFFFC000  }
0x22: {  	[hbm4b:s9+s12] =	stream.linear.scatter @!p0 [tilespmem:s16], [sflag:$0x3], $0x4000, $0x38;
	[tilespmem:$0x8100] =	vst v63  }
0x23: {  	s11 =	sadd.s32 $0x10000, s10;
	s15 =	sadd.s32 $0x20, s5;
	s16 =	simm.s32 @!p0 $0x3  }
0x24: {  	p2 =	sgt.u32 s15, $0x9C3;
	s12 =	sadd.s32 $0x10000, s9;
	_ =	swait.ge @!p0 [sflag:s16], $0x4000  }
.LBB2_2:
0x25: {  	s17 =	sadd.s32 @!p2 s13, s8  }
0x26: {  	s18 =	simm.s32 @!p2 $0x0;
	[sflag:s16] =	ssyncset.done @!p0 $0x0;
	s19 =	smov.u32 s14  }
0x27: {  	s14 =	sadd.s32 $0x200, s14;
	s20 =	simm.s32 @!p2 $0x4;
	[sflag:s16] =	ssyncadd.s32 @!p0 $0xFFFFC000  }
0x28: {  	[tilespmem:s18], [sflag:$0x4] =	stream.linear.gather @!p2 [hbm4b:s17+s18], $0x80, $0x38;
	[tilespmem:$0x8100] =	vst v63  }
0x29: {  	p1 =	sne.s32 s14, $0x9E00;
	p0 =	por p2, p2;
	_ =	swait.ge @!p2 [sflag:s20], $0x80  }
0x2a: {  	[sflag:s20] =	ssyncset.done @!p0 $0x0  }
0x2b: {  	s13 =	sadd.s32 @!p0 s13, s7;
	s16 =	simm.s32 @!p0 $0x80;
	[sflag:s20] =	ssyncadd.s32 @!p0 $0xFFFFFF80  }
0x2c: {  	[tilespmem:s16], [sflag:$0x4] =	stream.linear.gather @!p0 [hbm4b:s13+s18], $0x80, $0x38;
	[tilespmem:$0x8100] =	vst v63  }
0x2d: {  	s13 =	smov.u32 s19;
	_ =	swait.ge @!p0 [sflag:s20], $0x80  }
0x2e: {  	[sflag:s20] =	ssyncset.done @!p0 $0x0  }
0x2f: {  	s17 =	simm.s32 @!p0 $0x100;
	[sflag:s20] =	ssyncadd.s32 @!p0 $0xFFFFFF80  }
0x30: {  	[tilespmem:s17], [sflag:$0x1] =	stream.indirect.gather @!p0 [hbm4b:s3+s16], $0x80, s18, s16, $0xb8;
	[tilespmem:$0x8100] =	vst v63  }
0x31: {  	s21 =	simm.s32 @!p0 $0x1;
	s19 =	simm.s32 @!p0 $0x4100  }
0x32: {  	[tilespmem:s19], [sflag:$0x2] =	stream.indirect.gather @!p0 [hbm4b:s4+s16], $0x80, s16, s16, $0xb8;
	[tilespmem:$0x8100] =	vst v63  }
0x33: {  	_ =	swait.ge @!p0 [sflag:s21], $0x4000  }
0x34: {  	[sflag:s21] =	ssyncset.done @!p0 $0x0  }
0x35: {  	s16 =	simm.s32 @!p0 $0x2;
	[sflag:s21] =	ssyncadd.s32 @!p0 $0xFFFFC000  }
0x36: {  	_ =	swait.ge @!p0 [sflag:s16], $0x4000  }
0x37: {  	[sflag:s16] =	ssyncset.done @!p0 $0x0  }
0x38: {  	[sflag:s16] =	ssyncadd.s32 @!p0 $0xFFFFC000  }
0x39: {  	[hbm4b:s11+s18] =	stream.linear.scatter @!p0 [tilespmem:s17], [sflag:$0x4], $0x4000, $0x38;
	[tilespmem:$0x8100] =	vst v63  }
.Ltmp0:
0x3a: {  	_ =	swait.ge @!p0 [sflag:s20], $0x4000;
	(pc) =	sbr.rel @p1 .LBB2_2-.Ltmp0, $4  }
0x3b: {  	s11 =	sadd.s32 $0x10000, s11;
	[sflag:s20] =	ssyncset.done @!p0 $0x0  }
0x3c: {  	s15 =	sadd.s32 $0x20, s15;
	s16 =	simm.s32 @!p0 $0x3;
	[sflag:s20] =	ssyncadd.s32 @!p0 $0xFFFFC000  }
0x3d: {  	[hbm4b:s12+s18] =	stream.linear.scatter @!p0 [tilespmem:s19], [sflag:$0x3], $0x4000, $0x38;
	[tilespmem:$0x8100] =	vst v63  }
0x3e: {  	p2 =	sgt.u32 s15, $0x9C3;
	s12 =	sadd.s32 $0x10000, s12;
	_ =	swait.ge @!p0 [sflag:s16], $0x4000  }
0x3f: {  	s14 =	sadd.s32 @!p2 s13, s8;
	[sflag:s16] =	ssyncset.done @!p0 $0x0  }
0x40: {  	s15 =	simm.s32 @!p2 $0x0;
	s17 =	simm.s32 @!p2 $0x4;
	[sflag:s16] =	ssyncadd.s32 @!p0 $0xFFFFC000  }
0x41: {  	[tilespmem:s15], [sflag:$0x4] =	stream.linear.gather @!p2 [hbm4b:s14+s15], $0x80, $0x38;
	[tilespmem:$0x8100] =	vst v63  }
0x42: {  	p0 =	por p2, p2;
	_ =	swait.ge @!p2 [sflag:s17], $0x80  }
0x43: {  	[sflag:s17] =	ssyncset.done @!p0 $0x0  }
0x44: {  	s13 =	sadd.s32 @!p0 s13, s7;
	s14 =	simm.s32 @!p0 $0x80;
	[sflag:s17] =	ssyncadd.s32 @!p0 $0xFFFFFF80  }
0x45: {  	[tilespmem:s14], [sflag:$0x4] =	stream.linear.gather @!p0 [hbm4b:s13+s15], $0x80, $0x38;
	[tilespmem:$0x8100] =	vst v63  }
0x46: {  	_ =	swait.ge @!p0 [sflag:s17], $0x80  }
0x47: {  	[sflag:s17] =	ssyncset.done @!p0 $0x0  }
0x48: {  	s13 =	simm.s32 @!p0 $0x100;
	[sflag:s17] =	ssyncadd.s32 @!p0 $0xFFFFFF80  }
0x49: {  	[tilespmem:s13], [sflag:$0x1] =	stream.indirect.gather @!p0 [hbm4b:s3+s14], $0x80, s15, s14, $0xb8;
	[tilespmem:$0x8100] =	vst v63  }
0x4a: {  	s16 =	simm.s32 @!p0 $0x4100;
	s18 =	simm.s32 @!p0 $0x1  }
0x4b: {  	[tilespmem:s16], [sflag:$0x2] =	stream.indirect.gather @!p0 [hbm4b:s4+s14], $0x80, s14, s14, $0xb8;
	[tilespmem:$0x8100] =	vst v63  }
0x4c: {  	_ =	swait.ge @!p0 [sflag:s18], $0x4000  }
0x4d: {  	[sflag:s18] =	ssyncset.done @!p0 $0x0  }
0x4e: {  	s14 =	simm.s32 @!p0 $0x2;
	[sflag:s18] =	ssyncadd.s32 @!p0 $0xFFFFC000  }
0x4f: {  	_ =	swait.ge @!p0 [sflag:s14], $0x4000  }
0x50: {  	[sflag:s14] =	ssyncset.done @!p0 $0x0  }
0x51: {  	[sflag:s14] =	ssyncadd.s32 @!p0 $0xFFFFC000  }
0x52: {  	[hbm4b:s11+s15] =	stream.linear.scatter @!p0 [tilespmem:s13], [sflag:$0x4], $0x4000, $0x38;
	[tilespmem:$0x8100] =	vst v63  }
0x53: {  	s1 =	sadd.s32 $0x1, s1;
	_ =	swait.ge @!p0 [sflag:s17], $0x4000  }
0x54: {  	p1 =	sne.s32 s1, s6;
	[sflag:s17] =	ssyncset.done @!p0 $0x0  }
.Ltmp1:
0x55: {  	s11 =	simm.s32 @!p0 $0x3;
	[sflag:s17] =	ssyncadd.s32 @!p0 $0xFFFFC000;
	(pc) =	sbr.rel @p1 .LBB2_1-.Ltmp1, $4  }
0x56: {  	[hbm4b:s12+s15] =	stream.linear.scatter @!p0 [tilespmem:s16], [sflag:$0x3], $0x4000, $0x38;
	[tilespmem:$0x8100] =	vst v63  }
0x57: {  	_ =	swait.ge @!p0 [sflag:s11], $0x4000  }
0x58: {  	[sflag:s11] =	ssyncset.done @!p0 $0x0  }
0x59: {  	[sflag:s11] =	ssyncadd.s32 @!p0 $0xFFFFC000  }
0x5a: {  	_ =	sfence.sel $0x180000  }
0x5b: {  	[bflag:$0x0] =	sbarrier.arrive $0xFFFF  }
0x5c: {  	p0 =	sne.s32 s2, $0x0;
	_ =	strace $0x90000047  }
0x5d: {  	s0 =	sadd.s32 @!p0 $0x100000, s0;
	[bflag:$0x2] =	sbarrier.arrive $0xFFFF  }
0x5e: {  	[sflag:s0] =	ssyncadd.tile.s32 @!p0 $0x1;
	_ =	shalt  }
.Lfunc_end2:
_tile_overlayer_lowered:
.L_overlay_start_2:
0x5f: {  	(tag) =	ssettag $0x2  }
0x60: {  	s0 =	rddreg [dreg:$0x0];
	s2 =	stileid.u32  }
0x61: {  	s1 =	rddreg [dreg:$0x1];
	p0 =	sne.s32 s2, $0x0  }
0x62: {  	s3 =	rddreg [dreg:$0x2];
	[bflag:$0x3] =	sbarrier.arrive $0xFFFF;
	s2 =	simm.s32 @!p0 $0x1C03  }
0x63: {  	[timem:s3], [sflag:s2] =	dma.local @!p0 [hbm:s0], s1  }
0x64: {  	s0 =	simm.s32 @!p0 $0x3  }
0x65: {  	_ =	swait.ge @!p0 [sflag:s0], s1  }
0x66: {  	s1 =	ssub.s32 @!p0 $0x0, s1;
	[sflag:s0] =	ssyncset.done @!p0 $0x0  }
0x67: {  	[sflag:s0] =	ssyncadd.s32 @!p0 s1  }
0x68: {  	[bflag:$0x3] =	sbarrier.arrive $0xFFFF  }
0x69: {  	_ =	shalt  }

// kernel: kernel.28.cloned.1.call-start
scs
__scs_entry_jumppad:
0x0: {  	(pc) =	sbr.rel $0x88, $3  }
0x1: {  	(tag) =	ssettag $0x0;
	lr =	simm.s32 $0x1  }
0x2: {  	[smem:$0x3F5E] =	sst lr;
	_ =	strace $0xD0000000  }
0x3: {  	_ = 	snop  }
0x4: {  	_ = 	snop  }
0x5: {  	_ = 	snop  }
0x6: {  	_ = 	snop  }
0x7: {  	_ = 	snop  }
__scs_overlays_trampoline_lowered:
0x8: {  	[smem:$0x3F6D] =	sst s0  }
0x9: {  	[smem:$0x3F6E] =	sst s1  }
0xa: {  	[smem:$0x3F6F] =	sst s2  }
0xb: {  	[smem:$0x3F70] =	sst s3  }
0xc: {  	[smem:$0x3F71] =	sst s4  }
0xd: {  	[smem:$0x3F72] =	sst s5  }
0xe: {  	[smem:$0x3F73] =	sst s6  }
0xf: {  	[smem:$0x3F74] =	sst s7  }
0x10: {  	[smem:$0x3F75] =	sst s8  }
0x11: {  	[smem:$0x3F76] =	sst s9;
	s0 =	simm.s32 @!p0 $0x0  }
0x12: {  	s1 =	sld [smem:$0x3F5C];
	s0 =	simm.s32 @p0 $0x1  }
0x13: {  	[smem:$0x3F77] =	sst s0;
	s0 =	simm.s32 @!p1 $0x0  }
0x14: {  	s2 =	sld [smem:$0x3F5B];
	s0 =	simm.s32 @p1 $0x1  }
0x15: {  	[smem:$0x3F78] =	sst s0;
	s0 =	simm.s32 @!p2 $0x0  }
0x16: {  	s3 =	sld [smem:$0x3FDB];
	s0 =	simm.s32 @p2 $0x1  }
0x17: {  	s4 =	simm.s32 $0x1BF5;
	[smem:$0x3F7A] =	sst s0  }
0x18: {  	s0 =	sld [smem:$0x3F5D];
	_ =	swait.ge [sflag:s4], $0x0  }
0x19: {  	s7 =	sld [smem:$0x3F5E]  }
0x1a: {  	s8 =	sadd.s32 $0xFFFFE003, lr  }
0x1b: {  	s9 =	sadd.s32 $0xFFFFFEF7, lr;
	s5 =	simm.s32 $0xFFFFFFFF;
	p2 =	slt.u32 s8, $0xFFFFF086  }
0x1c: {  	p1 =	slt.u32 s9, $0xF7A;
	s5 =	simm.s32 @!p2 $0x0  }
0x1d: {  	s5 =	simm.s32 @p1 $0x1;
	p0 =	seq.s32 s7, s2  }
0x1e: {  	s7 =	smul.u32 @!p0 $0xF7A, s2;
	p2 =	seq.s32 @!p0 s5, $0x0  }
0x1f: {  	s9 =	smul.u32 $0xF7A, s1;
	s8 =	simm.s32 @!p0 $0x1BF5;
	p2 =	por !p2, p0  }
0x20: {  	[sflag:s8] =	ssyncset.s32 @!p0 $0xFFFFF086;
	s6 =	sadd.s32 @!p0 s3, s7;
	s7 =	simm.s32 @!p0 $0x108  }
0x21: {  	s3 =	sadd.s32 s3, s9;
	s6 =	sadd.s32 @!p0 $0x88, s6;
	s7 =	simm.s32 @p2 $0x1082  }
0x22: {  	[simem:s7], [sflag:s8] =	dma.local @!p0 [hbm:s6], $0xF7A  }
0x23: {  	s9 =	sor.u32 $0xD0000000, s2;
	s6 =	simm.s32 $0x108;
	_ =	swait.ge @!p0 [sflag:s8], $0x0  }
0x24: {  	s3 =	sadd.s32 $0x88, s3;
	s6 =	simm.s32 @!p1 $0x1082;
	[sflag:s4] =	ssyncset.s32 $0xFFFFF086  }
0x25: {  	[simem:s6], [sflag:s4] =	dma.local [hbm:s3], $0xF7A  }
0x26: {  	[smem:$0x3F5E] =	sst s1;
	(tag) =	ssettag s2;
	_ =	strace s9  }
0x27: {  	s1 =	sld [smem:$0x3F6E]  }
0x28: {  	s2 =	sld [smem:$0x3F6F]  }
0x29: {  	s4 =	sld [smem:$0x3F71]  }
0x2a: {  	p0 =	seq.s32 s5, $0x0;
	s5 =	sld [smem:$0x3F72]  }
0x2b: {  	s6 =	sld [smem:$0x3F73]  }
0x2c: {  	s7 =	sld [smem:$0x3F74]  }
0x2d: {  	s3 =	simm.s32 $0x108;
	s8 =	sld [smem:$0x3F75]  }
0x2e: {  	s3 =	simm.s32 @!p0 $0x1082;
	s9 =	sld [smem:$0x3F76]  }
0x2f: {  	lr =	sadd.s32 s0, s3;
	s0 =	sld [smem:$0x3F6D]  }
0x30: {  	s3 =	sld [smem:$0x3F70]  }
0x31: {  	[smem:$0x3F79] =	sst s10  }
0x32: {  	s10 =	sld [smem:$0x3F77];
	_ =	sdelay $0x3  }
0x33: {  	p0 =	seq.s32 s10, $0x1;
	s10 =	sld [smem:$0x3F79];
	_ =	sdelay $0x3  }
0x34: {  	[smem:$0x3F79] =	sst s10  }
0x35: {  	s10 =	sld [smem:$0x3F78];
	_ =	sdelay $0x3  }
0x36: {  	p1 =	seq.s32 s10, $0x1;
	s10 =	sld [smem:$0x3F79];
	_ =	sdelay $0x3  }
0x37: {  	[smem:$0x3F79] =	sst s10  }
0x38: {  	s10 =	sld [smem:$0x3F7A]  }
0x39: {  	_ = 	snop;
	(pc) =	sbr.ind lr, $3  }
0x3a: {  	_ = 	snop  }
0x3b: {  	_ = 	snop  }
0x3c: {  	p2 =	seq.s32 s10, $0x1;
	s10 =	sld [smem:$0x3F79]  }
0x3d: {  	_ =	shalt  }
0x3e: {  	_ =	shalt  }
0x3f: {  	_ =	shalt  }
0x40: {  	_ =	shalt  }
0x41: {  	_ =	shalt  }
0x42: {  	_ =	shalt  }
0x43: {  	_ =	shalt  }
0x44: {  	_ =	shalt  }
0x45: {  	_ =	shalt  }
0x46: {  	_ =	shalt  }
0x47: {  	_ =	shalt  }
0x48: {  	_ =	shalt  }
0x49: {  	_ =	shalt  }
0x4a: {  	_ =	shalt  }
0x4b: {  	_ =	shalt  }
0x4c: {  	_ =	shalt  }
0x4d: {  	_ =	shalt  }
0x4e: {  	_ =	shalt  }
0x4f: {  	_ =	shalt  }
0x50: {  	_ =	shalt  }
0x51: {  	_ =	shalt  }
0x52: {  	_ =	shalt  }
0x53: {  	_ =	shalt  }
0x54: {  	_ =	shalt  }
0x55: {  	_ =	shalt  }
0x56: {  	_ =	shalt  }
0x57: {  	_ =	shalt  }
0x58: {  	_ =	shalt  }
0x59: {  	_ =	shalt  }
0x5a: {  	_ =	shalt  }
0x5b: {  	_ =	shalt  }
0x5c: {  	_ =	shalt  }
0x5d: {  	_ =	shalt  }
0x5e: {  	_ =	shalt  }
0x5f: {  	_ =	shalt  }
0x60: {  	_ =	shalt  }
0x61: {  	_ =	shalt  }
0x62: {  	_ =	shalt  }
0x63: {  	_ =	shalt  }
0x64: {  	_ =	shalt  }
0x65: {  	_ =	shalt  }
0x66: {  	_ =	shalt  }
0x67: {  	_ =	shalt  }
0x68: {  	_ =	shalt  }
0x69: {  	_ =	shalt  }
0x6a: {  	_ =	shalt  }
0x6b: {  	_ =	shalt  }
0x6c: {  	_ =	shalt  }
0x6d: {  	_ =	shalt  }
0x6e: {  	_ =	shalt  }
0x6f: {  	_ =	shalt  }
0x70: {  	_ =	shalt  }
0x71: {  	_ =	shalt  }
0x72: {  	_ =	shalt  }
0x73: {  	_ =	shalt  }
0x74: {  	_ =	shalt  }
0x75: {  	_ =	shalt  }
0x76: {  	_ =	shalt  }
0x77: {  	_ =	shalt  }
0x78: {  	_ =	shalt  }
0x79: {  	_ =	shalt  }
0x7a: {  	_ =	shalt  }
0x7b: {  	_ =	shalt  }
0x7c: {  	_ =	shalt  }
0x7d: {  	_ =	shalt  }
0x7e: {  	_ =	shalt  }
0x7f: {  	_ =	shalt  }
0x80: {  	_ =	shalt  }
0x81: {  	_ =	shalt  }
0x82: {  	_ =	shalt  }
0x83: {  	_ =	shalt  }
0x84: {  	_ =	shalt  }
0x85: {  	_ =	shalt  }
0x86: {  	_ =	shalt  }
0x87: {  	_ =	shalt  }
.Lfunc_end0:
.L_simem_size_0:
called_computation.1_lowered:
.L_overlay_start_0:
0x88: {  	s2 =	sld [smem:$0x3FD9]  }
0x89: {  	s3 =	sld [smem:$0x3FFE];
	_ =	sdelay $0x1  }
0x8a: {  	s1 =	srdreg.scid  }
0x8b: {  	s0 =	sand.u32 $0x1, s1  }
0x8c: {  	s16 =	sshll.u32 s0, $0xA;
	s2 =	sadd.s32 s3, s2  }
0x8d: {  	s2 =	sadd.s32 s2, s16  }
0x8e: {  	[smem:$0x3F85] =	sst s2  }
0x8f: {  	_ = 	snop  }
0x90: {  	(tm) =	ssettm $0x1  }
0x91: {  	s17 =	sld [smem:$0x3FFB];
	_ =	sdelay $0x3  }
0x92: {  	_ =	strace s17  }
0x93: {  	s2 =	sld [smem:$0x3FFC];
	_ =	sdelay $0x3  }
0x94: {  	_ =	strace s2  }
0x95: {  	s2 =	sld [smem:$0x3FFD];
	_ =	sdelay $0x3  }
0x96: {  	_ =	strace s2  }
0x97: {  	_ =	strace $0x8FFFFFFF  }
0x98: {  	s18 =	sld [smem:$0x3FDB];
	_ =	sdelay $0x1  }
0x99: {  	s19 =	simm.s32 $_scs_section_size  }
0x9a: {  	s4 =	simm.s32 $_size__tile_overlayer_lowered;
	s5 =	simm.s32 $_tile_overlayer_lowered  }
0x9b: {  	s22 =	simm.s32 $0x1BFF;
	s21 =	sshll.u32 s5, $0x1;
	s2 =	sadd.s32 s19, s18  }
0x9c: {  	s6 =	simm.s32 $0x0;
	s20 =	sshll.u32 s4, $0x1;
	s4 =	sadd.s32 s21, s2  }
0x9d: {  	[timem:s6], [sflag:s22] =	dma.local [hbm:s4], s20  }
0x9e: {  	_ =	swait.ge [sflag:s22], s20  }
0x9f: {  	s3 =	ssub.s32 $0x0, s20;
	[sflag:s22] =	ssyncset.done $0x0  }
0xa0: {  	[sflag:s22] =	ssyncadd.s32 s3;
	_ =	sdelay $0x1  }
0xa1: {  	s23 =	simm.s32 $0x1B8B  }
0xa2: {  	_ =	swait.ge [sflag:s23], $0x1  }
0xa3: {  	[sflag:s23] =	ssyncset.done $0x0  }
0xa4: {  	s25 =	simm.s32 $0x1B8E;
	s24 =	sld [smem:$0x3FFE];
	[sflag:s23] =	ssyncadd.s32 $0xFFFFFFFF  }
0xa5: {  	s26 =	simm.s32 $execute0_lowered;
	[smem:$0x3FD2] =	sst s25  }
0xa6: {  	s4 =	sshll.u32 s26, $0x1;
	_ =	strace $0x80000049;
	[dreg:$0x1] =	wrdreg $0xFFFFFFFF  }
0xa7: {  	s28 =	simm.s32 $_size_execute0_lowered;
	s2 =	sadd.s32 s2, s4;
	[dreg:$0x0] =	wrdreg $0x0  }
0xa8: {  	s4 =	sshll.u32 s28, $0x1;
	[dreg:$0x2] =	wrdreg s2  }
0xa9: {  	[dreg:$0x3] =	wrdreg s4  }
0xaa: {  	[dreg:$0x4] =	wrdreg $0xC0  }
0xab: {  	_ =	task [dreg:s6], $0x5FFFF  }
0xac: {  	[dreg:$0x1] =	wrdreg $0xFFFFFFFF  }
0xad: {  	[dreg:$0x0] =	wrdreg $0x60  }
0xae: {  	[dreg:$0x2] =	wrdreg s24  }
0xaf: {  	[dreg:$0x3] =	wrdreg $0xA4800  }
0xb0: {  	[dreg:$0x4] =	wrdreg $0x9  }
0xb1: {  	_ =	task.clear_ibuf [dreg:s6], $0x5FFFF;
	_ =	strace $0x90000049  }
0xb2: {  	s29 =	simm.s32 $0x9;
	_ =	strace $0x8000004B  }
0xb3: {  	_ =	swait.ge [sflag:s29], $0x1  }
0xb4: {  	[sflag:s29] =	ssyncadd.s32 $0xFFFFFFFF  }
0xb5: {  	_ =	strace $0x9000004B  }
0xb6: {  	_ =	sfence  }
0xb7: {  	s30 =	sld [smem:$0x0];
	_ =	sdelay $0x2  }
0xb8: {  	s31 =	sshll.u32 s1, $0xD;
	s1 =	sshrl.u32 s1, $0x2  }
0xb9: {  	s3 =	sand.u32 $0x4000, s31;
	s1 =	sadd.s32 s1, s30  }
0xba: {  	s0 =	sor.u32 s3, s0;
	s1 =	sshll.u32 s1, $0x11  }
0xbb: {  	s0 =	sor.u32 s1, s0  }
0xbc: {  	s0 =	sadd.s32 $0x8F2B, s0  }
0xbd: {  	[sflag:s0] =	ssyncadd.remote.s32 $0x1  }
0xbe: {  	_ =	sfence.sel $0xFFFF  }
0xbf: {  	[dreg:$0x0] =	wrdreg $0xFFFFFFFF;
	(pc) =	sbr.abs _section_cstart, $3  }
0xc0: {  	[dreg:$0x1] =	wrdreg $0xFFFFFFFF  }
0xc1: {  	_ =	task.clear_ibuf [dreg:s6], $0x2FFFF;
	_ =	strace $0x9FFFFFFF  }
0xc2: {  	(tm) =	ssettm $0x7FFFFFFF  }
0xc3: {  	_ =	shalt  }
tec
execute0_lowered:
.L_overlay_start_1:
0x0: {  	(tag) =	ssettag $0x1  }
0x1: {  	s4 =	rddreg [dreg:$0x0]  }
0x2: {  	s1 =	rddreg [dreg:$0x1];
	s2 =	stileid.u32  }
0x3: {  	s5 =	srdreg.scid;
	s22 =	smul.u32 $0x19000, s2  }
0x4: {  	s0 =	rddreg [dreg:$0x2];
	s13 =	sand.u32 $0x1, s5;
	s12 =	smul.u32 $0x6400, s2  }
0x5: {  	s3 =	simm.s32 $0x0;
	s9 =	sor.u32 $0x10, s2;
	s17 =	smul.u32 $0x138800, s13  }
0x6: {  	[smem:$0x7FF] =	sst s3;
	s10 =	sor.u32 $0x20, s2;
	s23 =	smul.u32 $0x19000, s9  }
0x7: {  	s6 =	sshll.u32 s2, $0xC;
	s18 =	sor.u32 $0x30, s2;
	s8 =	smul.u32 $0x19000, s10  }
0x8: {  	s7 =	sshll.u32 s2, $0x5;
	s16 =	sadd.s32 $0x22C00, s4;
	s11 =	smul.u32 $0x19000, s18  }
0x9: {  	_ =	strace $0x8000004A;
	s14 =	sadd.s32 s6, s4;
	s19 =	smul.u32 $0x6400, s9  }
0xa: {  	s15 =	sadd.s32 s7, s4;
	s5 =	ssub.s32 $0x2, s13;
	s10 =	smul.u32 $0x6400, s10  }
0xb: {  	s4 =	sshll.u32 s2, $0x1;
	s20 =	smul.u32 $0x6400, s18;
	s30 =	sshll.u32 s13, $0xB  }
0xc: {  	s31 =	sshll.u32 s13, $0x4;
	p0 =	sgt.u32 s18, $0x31;
	s18 =	simm.s32 $0x2  }
0xd: {  	s21 =	sshrl.u32 s5, $0x1;
	s6 =	sshrl.u32 s22, $0x2;
	s14 =	sadd.s32 s30, s14  }
0xe: {  	s15 =	sadd.s32 s31, s15;
	s5 =	ssub.s32 s5, s21;
	s6 =	sadd.s32 s6, s1  }
0xf: {  	s7 =	sshrl.u32 s23, $0x2;
	s8 =	sshrl.u32 s8, $0x2;
	s24 =	sshrl.u32 s11, $0x2  }
0x10: {  	s25 =	sadd.s32 s17, s12;
	s26 =	sadd.s32 s17, s19;
	s28 =	sadd.s32 s17, s10  }
0x11: {  	s17 =	sadd.s32 s17, s20;
	s14 =	sadd.s32 $0xA35800, s14;
	s15 =	sadd.s32 $0x18E00, s15  }
0x12: {  	s19 =	simm.s32 $0x0;
	s5 =	smax.u32 s5, $0x1;
	s7 =	sadd.s32 s7, s1  }
0x13: {  	s8 =	sadd.s32 s8, s1;
	s9 =	sadd.s32 s24, s1;
	s11 =	sshrl.u32 s25, $0x3  }
0x14: {  	s12 =	sshrl.u32 s26, $0x3;
	s29 =	sshrl.u32 s28, $0x3;
	s17 =	sshrl.u32 s17, $0x3  }
0x15: {  	s10 =	sadd.s32 s16, s11;
	s11 =	sadd.s32 s16, s12;
	s12 =	sadd.s32 s16, s29  }
0x16: {  	v0 =	vimm.f32 $0.0e+00;
	s13 =	sadd.s32 s16, s17;
	s16 =	simm.s32 $0x4080;
	s17 =	simm.s32 $0x1  }
.LBB2_1:
0x17: {  	s20 =	sand.u32 $0x1FE00, s3  }
0x18: {  	s21 =	sand.u32 $0x70, s3;
	s22 =	sshrl.u32 s20, $0x2  }
0x19: {  	s20 =	simm.s32 $0x40;
	s22 =	sor.u32 s21, s22;
	s21 =	simm.s32 $0x0  }
.LBB2_2:
0x1a: {  	p1 =	sne.s32 s20, $0x18FC0  }
0x1b: {  	[tilespmem:s22+$0x4080] =	vst v0;
	s21 =	sadd.s32 $0x10, s21;
	s22 =	smov.u32 s20;
	s20 =	sadd.s32 $0x40, s20  }
.Ltmp0:
0x1c: {  	(pc) =	sbr.rel @p1 .LBB2_2-.Ltmp0, $4  }
0x1d: {  	_ = 	snop  }
0x1e: {  	s22 =	sand.u32 $0x1FE00, s22  }
0x1f: {  	s23 =	sand.u32 $0x70, s21;
	s22 =	sshrl.u32 s22, $0x2  }
0x20: {  	s22 =	sor.u32 s23, s22  }
0x21: {  	[tilespmem:s22+$0x4080] =	vst v0  }
0x22: {  	[spmem:s6] =	stream.linear.scatter [tilespmem:s16], [sflag:$0x1], $0x6400, $0x38;
	[tilespmem:$0x1DD00] =	vst v63  }
0x23: {  	_ =	swait.ge [sflag:s17], $0x6400  }
0x24: {  	[sflag:s17] =	ssyncset.done $0x0  }
0x25: {  	[sflag:s17] =	ssyncadd.s32 $0xFFFF9C00  }
0x26: {  	[spmem:s7] =	stream.linear.scatter [tilespmem:s16], [sflag:$0x1], $0x6400, $0x38;
	[tilespmem:$0x1DD00] =	vst v63  }
0x27: {  	_ =	swait.ge [sflag:s17], $0x6400  }
0x28: {  	[sflag:s17] =	ssyncset.done $0x0  }
0x29: {  	[sflag:s17] =	ssyncadd.s32 $0xFFFF9C00  }
0x2a: {  	[spmem:s8] =	stream.linear.scatter [tilespmem:s16], [sflag:$0x1], $0x6400, $0x38;
	[tilespmem:$0x1DD00] =	vst v63  }
0x2b: {  	_ =	swait.ge [sflag:s17], $0x6400  }
0x2c: {  	[sflag:s17] =	ssyncset.done $0x0  }
0x2d: {  	s20 =	simm.s32 @!p0 $0x4080;
	[sflag:s17] =	ssyncadd.s32 $0xFFFF9C00  }
0x2e: {  	[spmem:s9] =	stream.linear.scatter @!p0 [tilespmem:s20], [sflag:$0x1], $0x6400, $0x38;
	[tilespmem:$0x1DD00] =	vst v63  }
0x2f: {  	s20 =	simm.s32 @!p0 $0x1  }
0x30: {  	_ =	swait.ge @!p0 [sflag:s20], $0x6400  }
0x31: {  	s21 =	sadd.s32 $0x0, s4;
	[sflag:s20] =	ssyncset.done @!p0 $0x0  }
0x32: {  	p1 =	sgt.u32 s21, $0x9C3;
	[sflag:s20] =	ssyncadd.s32 @!p0 $0xFFFF9C00  }
0x33: {  	s22 =	simm.s32 @!p1 $0x2;
	s20 =	simm.s32 @!p1 $0x0;
	[bflag:$0x0] =	sbarrier.arrive $0xFFFF  }
0x34: {  	[tilespmem:s20], [sflag:$0x2] =	stream.linear.gather @!p1 [hbm4b:s15+s20], $0x80, $0x38;
	[tilespmem:$0x1DD00] =	vst v63  }
0x35: {  	_ =	swait.ge @!p1 [sflag:s22], $0x80  }
0x36: {  	[sflag:s22] =	ssyncset.done @!p1 $0x0;
	p1 =	por p1, p1  }
0x37: {  	[sflag:s22] =	ssyncadd.s32 @!p1 $0xFFFFFF80;
	s24 =	simm.s32 @!p1 $0x80  }
0x38: {  	[tilespmem:s24], [sflag:$0x2] =	stream.linear.gather @!p1 [hbm4b:s14+s20], $0x4000, $0x38;
	[tilespmem:$0x1DD00] =	vst v63  }
0x39: {  	_ =	swait.ge @!p1 [sflag:s22], $0x4000  }
0x3a: {  	[sflag:s22] =	ssyncset.done @!p1 $0x0  }
0x3b: {  	s31 =	sadd.s32 $0x20, s4;
	s23 =	simm.s32 @!p1 $0x1;
	[sflag:s22] =	ssyncadd.s32 @!p1 $0xFFFFC000  }
0x3c: {  	[spmem:s1] =	stream.indirect.scatter.add.f32 @!p1 [tilespmem:s24], [sflag:$0x1], $0x80, s20, s24, $0xb8;
	[tilespmem:$0x1DD00] =	vst v63  }
0x3d: {  	s21 =	simm.s32 $0x40;
	p2 =	sgt.u32 s31, $0x9C3;
	_ =	swait.ge @!p1 [sflag:s23], $0x4000  }
0x3e: {  	s22 =	sadd.s32 $0x200, s15;
	s20 =	sadd.s32 $0x10000, s14;
	[sflag:s23] =	ssyncset.done @!p1 $0x0  }
.LBB2_4:
0x3f: {  	s24 =	simm.s32 @!p2 $0x0;
	s25 =	simm.s32 @!p2 $0x2;
	[sflag:s23] =	ssyncadd.s32 @!p1 $0xFFFFC000  }
0x40: {  	[tilespmem:s24], [sflag:$0x2] =	stream.linear.gather @!p2 [hbm4b:s22+s24], $0x80, $0x38;
	[tilespmem:$0x1DD00] =	vst v63  }
0x41: {  	s26 =	smov.u32 s21;
	s21 =	sadd.s32 $0x20, s21;
	_ =	swait.ge @!p2 [sflag:s25], $0x80  }
0x42: {  	p1 =	por p2, p2;
	p3 =	sne.s32 s21, $0x9E0;
	[sflag:s25] =	ssyncset.done @!p2 $0x0  }
0x43: {  	s28 =	simm.s32 @!p1 $0x80;
	[sflag:s25] =	ssyncadd.s32 @!p1 $0xFFFFFF80  }
0x44: {  	[tilespmem:s28], [sflag:$0x2] =	stream.linear.gather @!p1 [hbm4b:s20+s24], $0x4000, $0x38;
	[tilespmem:$0x1DD00] =	vst v63  }
0x45: {  	_ =	swait.ge @!p1 [sflag:s25], $0x4000  }
.Ltmp1:
0x46: {  	[sflag:s25] =	ssyncset.done @!p1 $0x0;
	(pc) =	sbr.rel @p3 .LBB2_4-.Ltmp1, $4  }
0x47: {  	s23 =	simm.s32 @!p1 $0x1;
	[sflag:s25] =	ssyncadd.s32 @!p1 $0xFFFFC000  }
0x48: {  	[spmem:s1] =	stream.indirect.scatter.add.f32 @!p1 [tilespmem:s28], [sflag:$0x1], $0x80, s24, s28, $0xb8;
	[tilespmem:$0x1DD00] =	vst v63  }
0x49: {  	s22 =	sadd.s32 $0x200, s22;
	s24 =	sadd.s32 s26, s4;
	_ =	swait.ge @!p1 [sflag:s23], $0x4000  }
0x4a: {  	s20 =	sadd.s32 $0x10000, s20;
	p2 =	sgt.u32 s24, $0x9C3;
	[sflag:s23] =	ssyncset.done @!p1 $0x0  }
0x4b: {  	s21 =	simm.s32 @!p2 $0x0;
	s24 =	simm.s32 @!p2 $0x2;
	[sflag:s23] =	ssyncadd.s32 @!p1 $0xFFFFC000  }
0x4c: {  	[tilespmem:s21], [sflag:$0x2] =	stream.linear.gather @!p2 [hbm4b:s22+s21], $0x80, $0x38;
	[tilespmem:$0x1DD00] =	vst v63  }
0x4d: {  	_ =	swait.ge @!p2 [sflag:s24], $0x80  }
0x4e: {  	p1 =	por p2, p2;
	[sflag:s24] =	ssyncset.done @!p2 $0x0  }
0x4f: {  	s22 =	simm.s32 @!p1 $0x80;
	[sflag:s24] =	ssyncadd.s32 @!p1 $0xFFFFFF80  }
0x50: {  	[tilespmem:s22], [sflag:$0x2] =	stream.linear.gather @!p1 [hbm4b:s20+s21], $0x4000, $0x38;
	[tilespmem:$0x1DD00] =	vst v63  }
0x51: {  	_ =	swait.ge @!p1 [sflag:s24], $0x4000  }
0x52: {  	[sflag:s24] =	ssyncset.done @!p1 $0x0  }
0x53: {  	s20 =	simm.s32 @!p1 $0x1;
	[sflag:s24] =	ssyncadd.s32 @!p1 $0xFFFFC000  }
0x54: {  	[spmem:s1] =	stream.indirect.scatter.add.f32 @!p1 [tilespmem:s22], [sflag:$0x1], $0x80, s21, s22, $0xb8;
	[tilespmem:$0x1DD00] =	vst v63  }
0x55: {  	_ =	swait.ge @!p1 [sflag:s20], $0x4000  }
0x56: {  	[sflag:s20] =	ssyncset.done @!p1 $0x0  }
0x57: {  	[sflag:s20] =	ssyncadd.s32 @!p1 $0xFFFFC000  }
0x58: {  	[bflag:$0x0] =	sbarrier.arrive $0xFFFF  }
0x59: {  	[tilespmem:s16], [sflag:$0x2] =	stream.linear.gather [spmem:s6], $0x6400, $0x38;
	[tilespmem:$0x1DD00] =	vst v63  }
0x5a: {  	_ =	swait.ge [sflag:s18], $0x6400  }
0x5b: {  	[sflag:s18] =	ssyncset.done $0x0  }
0x5c: {  	[sflag:s18] =	ssyncadd.s32 $0xFFFF9C00  }
0x5d: {  	[hbm4b:s10+s3] =	stream.linear.scatter [tilespmem:s16], [sflag:$0x1], $0x6400, $0x38;
	[tilespmem:$0x1DD00] =	vst v63  }
0x5e: {  	_ =	swait.ge [sflag:s17], $0x6400  }
0x5f: {  	[sflag:s17] =	ssyncset.done $0x0  }
0x60: {  	[sflag:s17] =	ssyncadd.s32 $0xFFFF9C00  }
0x61: {  	[tilespmem:s16], [sflag:$0x2] =	stream.linear.gather [spmem:s7], $0x6400, $0x38;
	[tilespmem:$0x1DD00] =	vst v63  }
0x62: {  	_ =	swait.ge [sflag:s18], $0x6400  }
0x63: {  	[sflag:s18] =	ssyncset.done $0x0  }
0x64: {  	[sflag:s18] =	ssyncadd.s32 $0xFFFF9C00  }
0x65: {  	[hbm4b:s11+s3] =	stream.linear.scatter [tilespmem:s16], [sflag:$0x1], $0x6400, $0x38;
	[tilespmem:$0x1DD00] =	vst v63  }
0x66: {  	_ =	swait.ge [sflag:s17], $0x6400  }
0x67: {  	[sflag:s17] =	ssyncset.done $0x0  }
0x68: {  	[sflag:s17] =	ssyncadd.s32 $0xFFFF9C00  }
0x69: {  	[tilespmem:s16], [sflag:$0x2] =	stream.linear.gather [spmem:s8], $0x6400, $0x38;
	[tilespmem:$0x1DD00] =	vst v63  }
0x6a: {  	_ =	swait.ge [sflag:s18], $0x6400  }
0x6b: {  	[sflag:s18] =	ssyncset.done $0x0  }
0x6c: {  	[sflag:s18] =	ssyncadd.s32 $0xFFFF9C00  }
0x6d: {  	[hbm4b:s12+s3] =	stream.linear.scatter [tilespmem:s16], [sflag:$0x1], $0x6400, $0x38;
	[tilespmem:$0x1DD00] =	vst v63  }
0x6e: {  	_ =	swait.ge [sflag:s17], $0x6400  }
0x6f: {  	[sflag:s17] =	ssyncset.done $0x0  }
0x70: {  	s21 =	simm.s32 @!p0 $0x2;
	s20 =	simm.s32 @!p0 $0x4080;
	[sflag:s17] =	ssyncadd.s32 $0xFFFF9C00  }
0x71: {  	[tilespmem:s20], [sflag:$0x2] =	stream.linear.gather @!p0 [spmem:s9], $0x6400, $0x38;
	[tilespmem:$0x1DD00] =	vst v63  }
0x72: {  	_ =	swait.ge @!p0 [sflag:s21], $0x6400  }
0x73: {  	s19 =	sadd.s32 $0x1, s19;
	[sflag:s21] =	ssyncset.done @!p0 $0x0  }
0x74: {  	p1 =	sne.s32 s19, s5;
	[sflag:s21] =	ssyncadd.s32 @!p0 $0xFFFF9C00;
	s21 =	simm.s32 @!p0 $0x0  }
0x75: {  	[hbm4b:s13+s21] =	stream.linear.scatter @!p0 [tilespmem:s20], [sflag:$0x1], $0x6400, $0x38;
	[tilespmem:$0x1DD00] =	vst v63  }
.Ltmp2:
0x76: {  	_ = 	snop;
	(pc) =	sbr.rel @p1 .LBB2_1-.Ltmp2, $4  }
0x77: {  	s20 =	simm.s32 @!p0 $0x1  }
0x78: {  	_ =	swait.ge @!p0 [sflag:s20], $0x6400  }
0x79: {  	[sflag:s20] =	ssyncset.done @!p0 $0x0  }
0x7a: {  	[sflag:s20] =	ssyncadd.s32 @!p0 $0xFFFF9C00  }
0x7b: {  	_ =	sfence.sel $0x180000  }
0x7c: {  	[bflag:$0x0] =	sbarrier.arrive $0xFFFF  }
0x7d: {  	p0 =	sne.s32 s2, $0x0;
	_ =	strace $0x9000004A  }
0x7e: {  	s0 =	sadd.s32 @!p0 $0x100000, s0;
	[bflag:$0x2] =	sbarrier.arrive $0xFFFF  }
0x7f: {  	[sflag:s0] =	ssyncadd.tile.s32 @!p0 $0x1;
	_ =	shalt  }
.Lfunc_end2:
_tile_overlayer_lowered:
.L_overlay_start_2:
0x80: {  	(tag) =	ssettag $0x2  }
0x81: {  	s0 =	rddreg [dreg:$0x0];
	s2 =	stileid.u32  }
0x82: {  	s1 =	rddreg [dreg:$0x1];
	p0 =	sne.s32 s2, $0x0  }
0x83: {  	s3 =	rddreg [dreg:$0x2];
	[bflag:$0x3] =	sbarrier.arrive $0xFFFF;
	s2 =	simm.s32 @!p0 $0x1C01  }
0x84: {  	[timem:s3], [sflag:s2] =	dma.local @!p0 [hbm:s0], s1  }
0x85: {  	s0 =	simm.s32 @!p0 $0x1  }
0x86: {  	_ =	swait.ge @!p0 [sflag:s0], s1  }
0x87: {  	s1 =	ssub.s32 @!p0 $0x0, s1;
	[sflag:s0] =	ssyncset.done @!p0 $0x0  }
0x88: {  	[sflag:s0] =	ssyncadd.s32 @!p0 s1  }
0x89: {  	[bflag:$0x3] =	sbarrier.arrive $0xFFFF  }
0x8a: {  	_ =	shalt  }

// kernel: kernel.31.cloned.1.call-start
scs
__scs_entry_jumppad:
0x0: {  	(pc) =	sbr.rel $0x88, $3  }
0x1: {  	(tag) =	ssettag $0x0;
	lr =	simm.s32 $0x1  }
0x2: {  	[smem:$0x3F5E] =	sst lr;
	_ =	strace $0xD0000000  }
0x3: {  	_ = 	snop  }
0x4: {  	_ = 	snop  }
0x5: {  	_ = 	snop  }
0x6: {  	_ = 	snop  }
0x7: {  	_ = 	snop  }
__scs_overlays_trampoline_lowered:
0x8: {  	[smem:$0x3F6D] =	sst s0  }
0x9: {  	[smem:$0x3F6E] =	sst s1  }
0xa: {  	[smem:$0x3F6F] =	sst s2  }
0xb: {  	[smem:$0x3F70] =	sst s3  }
0xc: {  	[smem:$0x3F71] =	sst s4  }
0xd: {  	[smem:$0x3F72] =	sst s5  }
0xe: {  	[smem:$0x3F73] =	sst s6  }
0xf: {  	[smem:$0x3F74] =	sst s7  }
0x10: {  	[smem:$0x3F75] =	sst s8  }
0x11: {  	[smem:$0x3F76] =	sst s9;
	s0 =	simm.s32 @!p0 $0x0  }
0x12: {  	s1 =	sld [smem:$0x3F5C];
	s0 =	simm.s32 @p0 $0x1  }
0x13: {  	[smem:$0x3F77] =	sst s0;
	s0 =	simm.s32 @!p1 $0x0  }
0x14: {  	s2 =	sld [smem:$0x3F5B];
	s0 =	simm.s32 @p1 $0x1  }
0x15: {  	[smem:$0x3F78] =	sst s0;
	s0 =	simm.s32 @!p2 $0x0  }
0x16: {  	s3 =	sld [smem:$0x3FDB];
	s0 =	simm.s32 @p2 $0x1  }
0x17: {  	s4 =	simm.s32 $0x1BF5;
	[smem:$0x3F7A] =	sst s0  }
0x18: {  	s0 =	sld [smem:$0x3F5D];
	_ =	swait.ge [sflag:s4], $0x0  }
0x19: {  	s7 =	sld [smem:$0x3F5E]  }
0x1a: {  	s8 =	sadd.s32 $0xFFFFE003, lr  }
0x1b: {  	s9 =	sadd.s32 $0xFFFFFEF7, lr;
	s5 =	simm.s32 $0xFFFFFFFF;
	p2 =	slt.u32 s8, $0xFFFFF086  }
0x1c: {  	p1 =	slt.u32 s9, $0xF7A;
	s5 =	simm.s32 @!p2 $0x0  }
0x1d: {  	s5 =	simm.s32 @p1 $0x1;
	p0 =	seq.s32 s7, s2  }
0x1e: {  	s7 =	smul.u32 @!p0 $0xF7A, s2;
	p2 =	seq.s32 @!p0 s5, $0x0  }
0x1f: {  	s9 =	smul.u32 $0xF7A, s1;
	s8 =	simm.s32 @!p0 $0x1BF5;
	p2 =	por !p2, p0  }
0x20: {  	[sflag:s8] =	ssyncset.s32 @!p0 $0xFFFFF086;
	s6 =	sadd.s32 @!p0 s3, s7;
	s7 =	simm.s32 @!p0 $0x108  }
0x21: {  	s3 =	sadd.s32 s3, s9;
	s6 =	sadd.s32 @!p0 $0x88, s6;
	s7 =	simm.s32 @p2 $0x1082  }
0x22: {  	[simem:s7], [sflag:s8] =	dma.local @!p0 [hbm:s6], $0xF7A  }
0x23: {  	s9 =	sor.u32 $0xD0000000, s2;
	s6 =	simm.s32 $0x108;
	_ =	swait.ge @!p0 [sflag:s8], $0x0  }
0x24: {  	s3 =	sadd.s32 $0x88, s3;
	s6 =	simm.s32 @!p1 $0x1082;
	[sflag:s4] =	ssyncset.s32 $0xFFFFF086  }
0x25: {  	[simem:s6], [sflag:s4] =	dma.local [hbm:s3], $0xF7A  }
0x26: {  	[smem:$0x3F5E] =	sst s1;
	(tag) =	ssettag s2;
	_ =	strace s9  }
0x27: {  	s1 =	sld [smem:$0x3F6E]  }
0x28: {  	s2 =	sld [smem:$0x3F6F]  }
0x29: {  	s4 =	sld [smem:$0x3F71]  }
0x2a: {  	p0 =	seq.s32 s5, $0x0;
	s5 =	sld [smem:$0x3F72]  }
0x2b: {  	s6 =	sld [smem:$0x3F73]  }
0x2c: {  	s7 =	sld [smem:$0x3F74]  }
0x2d: {  	s3 =	simm.s32 $0x108;
	s8 =	sld [smem:$0x3F75]  }
0x2e: {  	s3 =	simm.s32 @!p0 $0x1082;
	s9 =	sld [smem:$0x3F76]  }
0x2f: {  	lr =	sadd.s32 s0, s3;
	s0 =	sld [smem:$0x3F6D]  }
0x30: {  	s3 =	sld [smem:$0x3F70]  }
0x31: {  	[smem:$0x3F79] =	sst s10  }
0x32: {  	s10 =	sld [smem:$0x3F77];
	_ =	sdelay $0x3  }
0x33: {  	p0 =	seq.s32 s10, $0x1;
	s10 =	sld [smem:$0x3F79];
	_ =	sdelay $0x3  }
0x34: {  	[smem:$0x3F79] =	sst s10  }
0x35: {  	s10 =	sld [smem:$0x3F78];
	_ =	sdelay $0x3  }
0x36: {  	p1 =	seq.s32 s10, $0x1;
	s10 =	sld [smem:$0x3F79];
	_ =	sdelay $0x3  }
0x37: {  	[smem:$0x3F79] =	sst s10  }
0x38: {  	s10 =	sld [smem:$0x3F7A]  }
0x39: {  	_ = 	snop;
	(pc) =	sbr.ind lr, $3  }
0x3a: {  	_ = 	snop  }
0x3b: {  	_ = 	snop  }
0x3c: {  	p2 =	seq.s32 s10, $0x1;
	s10 =	sld [smem:$0x3F79]  }
0x3d: {  	_ =	shalt  }
0x3e: {  	_ =	shalt  }
0x3f: {  	_ =	shalt  }
0x40: {  	_ =	shalt  }
0x41: {  	_ =	shalt  }
0x42: {  	_ =	shalt  }
0x43: {  	_ =	shalt  }
0x44: {  	_ =	shalt  }
0x45: {  	_ =	shalt  }
0x46: {  	_ =	shalt  }
0x47: {  	_ =	shalt  }
0x48: {  	_ =	shalt  }
0x49: {  	_ =	shalt  }
0x4a: {  	_ =	shalt  }
0x4b: {  	_ =	shalt  }
0x4c: {  	_ =	shalt  }
0x4d: {  	_ =	shalt  }
0x4e: {  	_ =	shalt  }
0x4f: {  	_ =	shalt  }
0x50: {  	_ =	shalt  }
0x51: {  	_ =	shalt  }
0x52: {  	_ =	shalt  }
0x53: {  	_ =	shalt  }
0x54: {  	_ =	shalt  }
0x55: {  	_ =	shalt  }
0x56: {  	_ =	shalt  }
0x57: {  	_ =	shalt  }
0x58: {  	_ =	shalt  }
0x59: {  	_ =	shalt  }
0x5a: {  	_ =	shalt  }
0x5b: {  	_ =	shalt  }
0x5c: {  	_ =	shalt  }
0x5d: {  	_ =	shalt  }
0x5e: {  	_ =	shalt  }
0x5f: {  	_ =	shalt  }
0x60: {  	_ =	shalt  }
0x61: {  	_ =	shalt  }
0x62: {  	_ =	shalt  }
0x63: {  	_ =	shalt  }
0x64: {  	_ =	shalt  }
0x65: {  	_ =	shalt  }
0x66: {  	_ =	shalt  }
0x67: {  	_ =	shalt  }
0x68: {  	_ =	shalt  }
0x69: {  	_ =	shalt  }
0x6a: {  	_ =	shalt  }
0x6b: {  	_ =	shalt  }
0x6c: {  	_ =	shalt  }
0x6d: {  	_ =	shalt  }
0x6e: {  	_ =	shalt  }
0x6f: {  	_ =	shalt  }
0x70: {  	_ =	shalt  }
0x71: {  	_ =	shalt  }
0x72: {  	_ =	shalt  }
0x73: {  	_ =	shalt  }
0x74: {  	_ =	shalt  }
0x75: {  	_ =	shalt  }
0x76: {  	_ =	shalt  }
0x77: {  	_ =	shalt  }
0x78: {  	_ =	shalt  }
0x79: {  	_ =	shalt  }
0x7a: {  	_ =	shalt  }
0x7b: {  	_ =	shalt  }
0x7c: {  	_ =	shalt  }
0x7d: {  	_ =	shalt  }
0x7e: {  	_ =	shalt  }
0x7f: {  	_ =	shalt  }
0x80: {  	_ =	shalt  }
0x81: {  	_ =	shalt  }
0x82: {  	_ =	shalt  }
0x83: {  	_ =	shalt  }
0x84: {  	_ =	shalt  }
0x85: {  	_ =	shalt  }
0x86: {  	_ =	shalt  }
0x87: {  	_ =	shalt  }
.Lfunc_end0:
.L_simem_size_0:
called_computation.2_lowered:
.L_overlay_start_0:
0x88: {  	s2 =	sld [smem:$0x3FD9]  }
0x89: {  	s3 =	sld [smem:$0x3FFE];
	_ =	sdelay $0x1  }
0x8a: {  	s1 =	srdreg.scid  }
0x8b: {  	s0 =	sand.u32 $0x1, s1  }
0x8c: {  	s16 =	sshll.u32 s0, $0xA;
	s2 =	sadd.s32 s3, s2  }
0x8d: {  	s2 =	sadd.s32 s2, s16  }
0x8e: {  	[smem:$0x3F85] =	sst s2  }
0x8f: {  	_ = 	snop  }
0x90: {  	(tm) =	ssettm $0x1  }
0x91: {  	s17 =	sld [smem:$0x3FFB];
	_ =	sdelay $0x3  }
0x92: {  	_ =	strace s17  }
0x93: {  	s2 =	sld [smem:$0x3FFC];
	_ =	sdelay $0x3  }
0x94: {  	_ =	strace s2  }
0x95: {  	s2 =	sld [smem:$0x3FFD];
	_ =	sdelay $0x3  }
0x96: {  	_ =	strace s2  }
0x97: {  	_ =	strace $0x8FFFFFFF  }
0x98: {  	s18 =	sld [smem:$0x3FDB];
	_ =	sdelay $0x1  }
0x99: {  	s19 =	simm.s32 $_scs_section_size  }
0x9a: {  	s4 =	simm.s32 $_size__tile_overlayer_lowered;
	s5 =	simm.s32 $_tile_overlayer_lowered  }
0x9b: {  	s22 =	simm.s32 $0x1BFF;
	s21 =	sshll.u32 s5, $0x1;
	s2 =	sadd.s32 s19, s18  }
0x9c: {  	s6 =	simm.s32 $0x0;
	s20 =	sshll.u32 s4, $0x1;
	s4 =	sadd.s32 s21, s2  }
0x9d: {  	[timem:s6], [sflag:s22] =	dma.local [hbm:s4], s20  }
0x9e: {  	_ =	swait.ge [sflag:s22], s20  }
0x9f: {  	s3 =	ssub.s32 $0x0, s20;
	[sflag:s22] =	ssyncset.done $0x0  }
0xa0: {  	[sflag:s22] =	ssyncadd.s32 s3;
	_ =	sdelay $0x1  }
0xa1: {  	s23 =	simm.s32 $0x1B8B  }
0xa2: {  	_ =	swait.ge [sflag:s23], $0x1  }
0xa3: {  	[sflag:s23] =	ssyncset.done $0x0  }
0xa4: {  	s25 =	simm.s32 $0x1B8E;
	s24 =	sld [smem:$0x3FFE];
	[sflag:s23] =	ssyncadd.s32 $0xFFFFFFFF  }
0xa5: {  	s26 =	simm.s32 $execute0_lowered;
	[smem:$0x3FD2] =	sst s25  }
0xa6: {  	s4 =	sshll.u32 s26, $0x1;
	_ =	strace $0x8000004C;
	[dreg:$0x1] =	wrdreg $0xFFFFFFFF  }
0xa7: {  	s28 =	simm.s32 $_size_execute0_lowered;
	s2 =	sadd.s32 s2, s4;
	[dreg:$0x0] =	wrdreg $0x0  }
0xa8: {  	s4 =	sshll.u32 s28, $0x1;
	[dreg:$0x2] =	wrdreg s2  }
0xa9: {  	[dreg:$0x3] =	wrdreg s4  }
0xaa: {  	[dreg:$0x4] =	wrdreg $0xC0  }
0xab: {  	_ =	task [dreg:s6], $0x5FFFF  }
0xac: {  	[dreg:$0x1] =	wrdreg $0xFFFFFFFF  }
0xad: {  	[dreg:$0x0] =	wrdreg $0x60  }
0xae: {  	[dreg:$0x2] =	wrdreg s24  }
0xaf: {  	[dreg:$0x3] =	wrdreg $0x9  }
0xb0: {  	_ =	task.clear_ibuf [dreg:s6], $0x4FFFF;
	_ =	strace $0x9000004C  }
0xb1: {  	s29 =	simm.s32 $0x9;
	_ =	strace $0x8000004E  }
0xb2: {  	_ =	swait.ge [sflag:s29], $0x1  }
0xb3: {  	[sflag:s29] =	ssyncadd.s32 $0xFFFFFFFF  }
0xb4: {  	_ =	strace $0x9000004E  }
0xb5: {  	_ =	sfence  }
0xb6: {  	s30 =	sld [smem:$0x0];
	_ =	sdelay $0x2  }
0xb7: {  	s31 =	sshll.u32 s1, $0xD;
	s1 =	sshrl.u32 s1, $0x2  }
0xb8: {  	s3 =	sand.u32 $0x4000, s31;
	s1 =	sadd.s32 s1, s30  }
0xb9: {  	s0 =	sor.u32 s3, s0;
	s1 =	sshll.u32 s1, $0x11  }
0xba: {  	s0 =	sor.u32 s1, s0  }
0xbb: {  	s0 =	sadd.s32 $0x8F2B, s0  }
0xbc: {  	[sflag:s0] =	ssyncadd.remote.s32 $0x1  }
0xbd: {  	_ =	sfence.sel $0xFFFF  }
0xbe: {  	[dreg:$0x0] =	wrdreg $0xFFFFFFFF;
	(pc) =	sbr.abs _section_cstart, $3  }
0xbf: {  	[dreg:$0x1] =	wrdreg $0xFFFFFFFF  }
0xc0: {  	_ =	task.clear_ibuf [dreg:s6], $0x2FFFF;
	_ =	strace $0x9FFFFFFF  }
0xc1: {  	(tm) =	ssettm $0x7FFFFFFF  }
tec
execute0_lowered:
.L_overlay_start_1:
0x0: {  	(tag) =	ssettag $0x1  }
0x1: {  	s5 =	rddreg [dreg:$0x0]  }
0x2: {  	s0 =	rddreg [dreg:$0x1];
	s1 =	simm.s32 $0x0;
	s4 =	srdreg.scid  }
0x3: {  	s2 =	stileid.u32;
	[smem:$0x7FF] =	sst s1  }
0x4: {  	s3 =	sadd.s32 $0x49E00, s5;
	s6 =	sand.u32 $0x1, s4;
	s4 =	sadd.s32 $0x22C00, s5  }
0x5: {  	s7 =	sshll.u32 s2, $0x5;
	s9 =	sshll.u32 s2, $0xC;
	_ =	strace $0x8000004D  }
0x6: {  	s8 =	ssub.s32 $0x2, s6;
	s7 =	sadd.s32 s7, s5;
	s9 =	sadd.s32 s9, s5  }
0x7: {  	s31 =	sshll.u32 s6, $0x4;
	s11 =	sshll.u32 s6, $0xB;
	s10 =	sshrl.u32 s8, $0x1  }
0x8: {  	s5 =	sshll.u32 s2, $0x1;
	s11 =	sadd.s32 s11, s9;
	s8 =	ssub.s32 s8, s10  }
0x9: {  	s10 =	sadd.s32 s31, s7;
	s9 =	sadd.s32 $0x553000, s11;
	s6 =	smax.u32 s8, $0x1  }
0xa: {  	s7 =	sadd.s32 $0x18E00, s10;
	s8 =	sadd.s32 $0xF000, s10;
	s10 =	sadd.s32 $0x71000, s11  }
.LBB2_1:
0xb: {  	p0 =	sgt.u32 s5, $0x9C3  }
0xc: {  	s11 =	sadd.s32 @!p0 $0x0, s8;
	s12 =	simm.s32 @!p0 $0x0;
	s15 =	simm.s32 @!p0 $0x4  }
0xd: {  	[tilespmem:s12], [sflag:$0x4] =	stream.linear.gather @!p0 [hbm4b:s11+s12], $0x80, $0x38;
	[tilespmem:$0x8100] =	vst v63  }
0xe: {  	_ =	swait.ge @!p0 [sflag:s15], $0x80;
	p0 =	por p0, p0  }
0xf: {  	[sflag:s15] =	ssyncset.done @!p0 $0x0  }
0x10: {  	s11 =	sadd.s32 @!p0 $0x0, s7;
	s13 =	simm.s32 @!p0 $0x80;
	[sflag:s15] =	ssyncadd.s32 @!p0 $0xFFFFFF80  }
0x11: {  	[tilespmem:s13], [sflag:$0x4] =	stream.linear.gather @!p0 [hbm4b:s11+s12], $0x80, $0x38;
	[tilespmem:$0x8100] =	vst v63  }
0x12: {  	_ =	swait.ge @!p0 [sflag:s15], $0x80  }
0x13: {  	[sflag:s15] =	ssyncset.done @!p0 $0x0  }
0x14: {  	s11 =	simm.s32 @!p0 $0x100;
	[sflag:s15] =	ssyncadd.s32 @!p0 $0xFFFFFF80  }
0x15: {  	[tilespmem:s11], [sflag:$0x1] =	stream.indirect.gather @!p0 [hbm4b:s3+s13], $0x80, s12, s13, $0xb8;
	[tilespmem:$0x8100] =	vst v63  }
0x16: {  	s16 =	simm.s32 @!p0 $0x4100;
	s14 =	simm.s32 @!p0 $0x1  }
0x17: {  	[tilespmem:s16], [sflag:$0x2] =	stream.indirect.gather @!p0 [hbm4b:s4+s13], $0x80, s13, s13, $0xb8;
	[tilespmem:$0x8100] =	vst v63  }
0x18: {  	_ =	swait.ge @!p0 [sflag:s14], $0x4000  }
0x19: {  	[sflag:s14] =	ssyncset.done @!p0 $0x0  }
0x1a: {  	s13 =	simm.s32 @!p0 $0x2;
	[sflag:s14] =	ssyncadd.s32 @!p0 $0xFFFFC000  }
0x1b: {  	_ =	swait.ge @!p0 [sflag:s13], $0x4000  }
0x1c: {  	[sflag:s13] =	ssyncset.done @!p0 $0x0  }
0x1d: {  	[sflag:s13] =	ssyncadd.s32 @!p0 $0xFFFFC000  }
0x1e: {  	[hbm4b:s10+s12] =	stream.linear.scatter @!p0 [tilespmem:s11], [sflag:$0x4], $0x4000, $0x38;
	[tilespmem:$0x8100] =	vst v63  }
0x1f: {  	_ =	swait.ge @!p0 [sflag:s15], $0x4000  }
0x20: {  	[sflag:s15] =	ssyncset.done @!p0 $0x0  }
0x21: {  	s14 =	simm.s32 $0x400;
	s13 =	simm.s32 $0x200;
	[sflag:s15] =	ssyncadd.s32 @!p0 $0xFFFFC000  }
0x22: {  	[hbm4b:s9+s12] =	stream.linear.scatter @!p0 [tilespmem:s16], [sflag:$0x3], $0x4000, $0x38;
	[tilespmem:$0x8100] =	vst v63  }
0x23: {  	s11 =	sadd.s32 $0x10000, s10;
	s15 =	sadd.s32 $0x20, s5;
	s16 =	simm.s32 @!p0 $0x3  }
0x24: {  	p2 =	sgt.u32 s15, $0x9C3;
	s12 =	sadd.s32 $0x10000, s9;
	_ =	swait.ge @!p0 [sflag:s16], $0x4000  }
.LBB2_2:
0x25: {  	s17 =	sadd.s32 @!p2 s13, s8  }
0x26: {  	s18 =	simm.s32 @!p2 $0x0;
	[sflag:s16] =	ssyncset.done @!p0 $0x0;
	s19 =	smov.u32 s14  }
0x27: {  	s14 =	sadd.s32 $0x200, s14;
	s20 =	simm.s32 @!p2 $0x4;
	[sflag:s16] =	ssyncadd.s32 @!p0 $0xFFFFC000  }
0x28: {  	[tilespmem:s18], [sflag:$0x4] =	stream.linear.gather @!p2 [hbm4b:s17+s18], $0x80, $0x38;
	[tilespmem:$0x8100] =	vst v63  }
0x29: {  	p1 =	sne.s32 s14, $0x9E00;
	p0 =	por p2, p2;
	_ =	swait.ge @!p2 [sflag:s20], $0x80  }
0x2a: {  	[sflag:s20] =	ssyncset.done @!p0 $0x0  }
0x2b: {  	s13 =	sadd.s32 @!p0 s13, s7;
	s16 =	simm.s32 @!p0 $0x80;
	[sflag:s20] =	ssyncadd.s32 @!p0 $0xFFFFFF80  }
0x2c: {  	[tilespmem:s16], [sflag:$0x4] =	stream.linear.gather @!p0 [hbm4b:s13+s18], $0x80, $0x38;
	[tilespmem:$0x8100] =	vst v63  }
0x2d: {  	s13 =	smov.u32 s19;
	_ =	swait.ge @!p0 [sflag:s20], $0x80  }
0x2e: {  	[sflag:s20] =	ssyncset.done @!p0 $0x0  }
0x2f: {  	s17 =	simm.s32 @!p0 $0x100;
	[sflag:s20] =	ssyncadd.s32 @!p0 $0xFFFFFF80  }
0x30: {  	[tilespmem:s17], [sflag:$0x1] =	stream.indirect.gather @!p0 [hbm4b:s3+s16], $0x80, s18, s16, $0xb8;
	[tilespmem:$0x8100] =	vst v63  }
0x31: {  	s21 =	simm.s32 @!p0 $0x1;
	s19 =	simm.s32 @!p0 $0x4100  }
0x32: {  	[tilespmem:s19], [sflag:$0x2] =	stream.indirect.gather @!p0 [hbm4b:s4+s16], $0x80, s16, s16, $0xb8;
	[tilespmem:$0x8100] =	vst v63  }
0x33: {  	_ =	swait.ge @!p0 [sflag:s21], $0x4000  }
0x34: {  	[sflag:s21] =	ssyncset.done @!p0 $0x0  }
0x35: {  	s16 =	simm.s32 @!p0 $0x2;
	[sflag:s21] =	ssyncadd.s32 @!p0 $0xFFFFC000  }
0x36: {  	_ =	swait.ge @!p0 [sflag:s16], $0x4000  }
0x37: {  	[sflag:s16] =	ssyncset.done @!p0 $0x0  }
0x38: {  	[sflag:s16] =	ssyncadd.s32 @!p0 $0xFFFFC000  }
0x39: {  	[hbm4b:s11+s18] =	stream.linear.scatter @!p0 [tilespmem:s17], [sflag:$0x4], $0x4000, $0x38;
	[tilespmem:$0x8100] =	vst v63  }
.Ltmp0:
0x3a: {  	_ =	swait.ge @!p0 [sflag:s20], $0x4000;
	(pc) =	sbr.rel @p1 .LBB2_2-.Ltmp0, $4  }
0x3b: {  	s11 =	sadd.s32 $0x10000, s11;
	[sflag:s20] =	ssyncset.done @!p0 $0x0  }
0x3c: {  	s15 =	sadd.s32 $0x20, s15;
	s16 =	simm.s32 @!p0 $0x3;
	[sflag:s20] =	ssyncadd.s32 @!p0 $0xFFFFC000  }
0x3d: {  	[hbm4b:s12+s18] =	stream.linear.scatter @!p0 [tilespmem:s19], [sflag:$0x3], $0x4000, $0x38;
	[tilespmem:$0x8100] =	vst v63  }
0x3e: {  	p2 =	sgt.u32 s15, $0x9C3;
	s12 =	sadd.s32 $0x10000, s12;
	_ =	swait.ge @!p0 [sflag:s16], $0x4000  }
0x3f: {  	s14 =	sadd.s32 @!p2 s13, s8;
	[sflag:s16] =	ssyncset.done @!p0 $0x0  }
0x40: {  	s15 =	simm.s32 @!p2 $0x0;
	s17 =	simm.s32 @!p2 $0x4;
	[sflag:s16] =	ssyncadd.s32 @!p0 $0xFFFFC000  }
0x41: {  	[tilespmem:s15], [sflag:$0x4] =	stream.linear.gather @!p2 [hbm4b:s14+s15], $0x80, $0x38;
	[tilespmem:$0x8100] =	vst v63  }
0x42: {  	p0 =	por p2, p2;
	_ =	swait.ge @!p2 [sflag:s17], $0x80  }
0x43: {  	[sflag:s17] =	ssyncset.done @!p0 $0x0  }
0x44: {  	s13 =	sadd.s32 @!p0 s13, s7;
	s14 =	simm.s32 @!p0 $0x80;
	[sflag:s17] =	ssyncadd.s32 @!p0 $0xFFFFFF80  }
0x45: {  	[tilespmem:s14], [sflag:$0x4] =	stream.linear.gather @!p0 [hbm4b:s13+s15], $0x80, $0x38;
	[tilespmem:$0x8100] =	vst v63  }
0x46: {  	_ =	swait.ge @!p0 [sflag:s17], $0x80  }
0x47: {  	[sflag:s17] =	ssyncset.done @!p0 $0x0  }
0x48: {  	s13 =	simm.s32 @!p0 $0x100;
	[sflag:s17] =	ssyncadd.s32 @!p0 $0xFFFFFF80  }
0x49: {  	[tilespmem:s13], [sflag:$0x1] =	stream.indirect.gather @!p0 [hbm4b:s3+s14], $0x80, s15, s14, $0xb8;
	[tilespmem:$0x8100] =	vst v63  }
0x4a: {  	s16 =	simm.s32 @!p0 $0x4100;
	s18 =	simm.s32 @!p0 $0x1  }
0x4b: {  	[tilespmem:s16], [sflag:$0x2] =	stream.indirect.gather @!p0 [hbm4b:s4+s14], $0x80, s14, s14, $0xb8;
	[tilespmem:$0x8100] =	vst v63  }
0x4c: {  	_ =	swait.ge @!p0 [sflag:s18], $0x4000  }
0x4d: {  	[sflag:s18] =	ssyncset.done @!p0 $0x0  }
0x4e: {  	s14 =	simm.s32 @!p0 $0x2;
	[sflag:s18] =	ssyncadd.s32 @!p0 $0xFFFFC000  }
0x4f: {  	_ =	swait.ge @!p0 [sflag:s14], $0x4000  }
0x50: {  	[sflag:s14] =	ssyncset.done @!p0 $0x0  }
0x51: {  	[sflag:s14] =	ssyncadd.s32 @!p0 $0xFFFFC000  }
0x52: {  	[hbm4b:s11+s15] =	stream.linear.scatter @!p0 [tilespmem:s13], [sflag:$0x4], $0x4000, $0x38;
	[tilespmem:$0x8100] =	vst v63  }
0x53: {  	s1 =	sadd.s32 $0x1, s1;
	_ =	swait.ge @!p0 [sflag:s17], $0x4000  }
0x54: {  	p1 =	sne.s32 s1, s6;
	[sflag:s17] =	ssyncset.done @!p0 $0x0  }
.Ltmp1:
0x55: {  	s11 =	simm.s32 @!p0 $0x3;
	[sflag:s17] =	ssyncadd.s32 @!p0 $0xFFFFC000;
	(pc) =	sbr.rel @p1 .LBB2_1-.Ltmp1, $4  }
0x56: {  	[hbm4b:s12+s15] =	stream.linear.scatter @!p0 [tilespmem:s16], [sflag:$0x3], $0x4000, $0x38;
	[tilespmem:$0x8100] =	vst v63  }
0x57: {  	_ =	swait.ge @!p0 [sflag:s11], $0x4000  }
0x58: {  	[sflag:s11] =	ssyncset.done @!p0 $0x0  }
0x59: {  	[sflag:s11] =	ssyncadd.s32 @!p0 $0xFFFFC000  }
0x5a: {  	_ =	sfence.sel $0x180000  }
0x5b: {  	[bflag:$0x0] =	sbarrier.arrive $0xFFFF  }
0x5c: {  	p0 =	sne.s32 s2, $0x0;
	_ =	strace $0x9000004D  }
0x5d: {  	s0 =	sadd.s32 @!p0 $0x100000, s0;
	[bflag:$0x2] =	sbarrier.arrive $0xFFFF  }
0x5e: {  	[sflag:s0] =	ssyncadd.tile.s32 @!p0 $0x1;
	_ =	shalt  }
.Lfunc_end2:
_tile_overlayer_lowered:
.L_overlay_start_2:
0x5f: {  	(tag) =	ssettag $0x2  }
0x60: {  	s0 =	rddreg [dreg:$0x0];
	s2 =	stileid.u32  }
0x61: {  	s1 =	rddreg [dreg:$0x1];
	p0 =	sne.s32 s2, $0x0  }
0x62: {  	s3 =	rddreg [dreg:$0x2];
	[bflag:$0x3] =	sbarrier.arrive $0xFFFF;
	s2 =	simm.s32 @!p0 $0x1C03  }
0x63: {  	[timem:s3], [sflag:s2] =	dma.local @!p0 [hbm:s0], s1  }
0x64: {  	s0 =	simm.s32 @!p0 $0x3  }
0x65: {  	_ =	swait.ge @!p0 [sflag:s0], s1  }
0x66: {  	s1 =	ssub.s32 @!p0 $0x0, s1;
	[sflag:s0] =	ssyncset.done @!p0 $0x0  }
0x67: {  	[sflag:s0] =	ssyncadd.s32 @!p0 s1  }
0x68: {  	[bflag:$0x3] =	sbarrier.arrive $0xFFFF  }
0x69: {  	_ =	shalt  }

// kernel: kernel.34.cloned.1.call-start
scs
__scs_entry_jumppad:
0x0: {  	(pc) =	sbr.rel $0x88, $3  }
0x1: {  	(tag) =	ssettag $0x0;
	lr =	simm.s32 $0x1  }
0x2: {  	[smem:$0x3F5E] =	sst lr;
	_ =	strace $0xD0000000  }
0x3: {  	_ = 	snop  }
0x4: {  	_ = 	snop  }
0x5: {  	_ = 	snop  }
0x6: {  	_ = 	snop  }
0x7: {  	_ = 	snop  }
__scs_overlays_trampoline_lowered:
0x8: {  	[smem:$0x3F6D] =	sst s0  }
0x9: {  	[smem:$0x3F6E] =	sst s1  }
0xa: {  	[smem:$0x3F6F] =	sst s2  }
0xb: {  	[smem:$0x3F70] =	sst s3  }
0xc: {  	[smem:$0x3F71] =	sst s4  }
0xd: {  	[smem:$0x3F72] =	sst s5  }
0xe: {  	[smem:$0x3F73] =	sst s6  }
0xf: {  	[smem:$0x3F74] =	sst s7  }
0x10: {  	[smem:$0x3F75] =	sst s8  }
0x11: {  	[smem:$0x3F76] =	sst s9;
	s0 =	simm.s32 @!p0 $0x0  }
0x12: {  	s1 =	sld [smem:$0x3F5C];
	s0 =	simm.s32 @p0 $0x1  }
0x13: {  	[smem:$0x3F77] =	sst s0;
	s0 =	simm.s32 @!p1 $0x0  }
0x14: {  	s2 =	sld [smem:$0x3F5B];
	s0 =	simm.s32 @p1 $0x1  }
0x15: {  	[smem:$0x3F78] =	sst s0;
	s0 =	simm.s32 @!p2 $0x0  }
0x16: {  	s3 =	sld [smem:$0x3FDB];
	s0 =	simm.s32 @p2 $0x1  }
0x17: {  	s4 =	simm.s32 $0x1BF5;
	[smem:$0x3F7A] =	sst s0  }
0x18: {  	s0 =	sld [smem:$0x3F5D];
	_ =	swait.ge [sflag:s4], $0x0  }
0x19: {  	s7 =	sld [smem:$0x3F5E]  }
0x1a: {  	s8 =	sadd.s32 $0xFFFFE003, lr  }
0x1b: {  	s9 =	sadd.s32 $0xFFFFFEF7, lr;
	s5 =	simm.s32 $0xFFFFFFFF;
	p2 =	slt.u32 s8, $0xFFFFF086  }
0x1c: {  	p1 =	slt.u32 s9, $0xF7A;
	s5 =	simm.s32 @!p2 $0x0  }
0x1d: {  	s5 =	simm.s32 @p1 $0x1;
	p0 =	seq.s32 s7, s2  }
0x1e: {  	s7 =	smul.u32 @!p0 $0xF7A, s2;
	p2 =	seq.s32 @!p0 s5, $0x0  }
0x1f: {  	s9 =	smul.u32 $0xF7A, s1;
	s8 =	simm.s32 @!p0 $0x1BF5;
	p2 =	por !p2, p0  }
0x20: {  	[sflag:s8] =	ssyncset.s32 @!p0 $0xFFFFF086;
	s6 =	sadd.s32 @!p0 s3, s7;
	s7 =	simm.s32 @!p0 $0x108  }
0x21: {  	s3 =	sadd.s32 s3, s9;
	s6 =	sadd.s32 @!p0 $0x88, s6;
	s7 =	simm.s32 @p2 $0x1082  }
0x22: {  	[simem:s7], [sflag:s8] =	dma.local @!p0 [hbm:s6], $0xF7A  }
0x23: {  	s9 =	sor.u32 $0xD0000000, s2;
	s6 =	simm.s32 $0x108;
	_ =	swait.ge @!p0 [sflag:s8], $0x0  }
0x24: {  	s3 =	sadd.s32 $0x88, s3;
	s6 =	simm.s32 @!p1 $0x1082;
	[sflag:s4] =	ssyncset.s32 $0xFFFFF086  }
0x25: {  	[simem:s6], [sflag:s4] =	dma.local [hbm:s3], $0xF7A  }
0x26: {  	[smem:$0x3F5E] =	sst s1;
	(tag) =	ssettag s2;
	_ =	strace s9  }
0x27: {  	s1 =	sld [smem:$0x3F6E]  }
0x28: {  	s2 =	sld [smem:$0x3F6F]  }
0x29: {  	s4 =	sld [smem:$0x3F71]  }
0x2a: {  	p0 =	seq.s32 s5, $0x0;
	s5 =	sld [smem:$0x3F72]  }
0x2b: {  	s6 =	sld [smem:$0x3F73]  }
0x2c: {  	s7 =	sld [smem:$0x3F74]  }
0x2d: {  	s3 =	simm.s32 $0x108;
	s8 =	sld [smem:$0x3F75]  }
0x2e: {  	s3 =	simm.s32 @!p0 $0x1082;
	s9 =	sld [smem:$0x3F76]  }
0x2f: {  	lr =	sadd.s32 s0, s3;
	s0 =	sld [smem:$0x3F6D]  }
0x30: {  	s3 =	sld [smem:$0x3F70]  }
0x31: {  	[smem:$0x3F79] =	sst s10  }
0x32: {  	s10 =	sld [smem:$0x3F77];
	_ =	sdelay $0x3  }
0x33: {  	p0 =	seq.s32 s10, $0x1;
	s10 =	sld [smem:$0x3F79];
	_ =	sdelay $0x3  }
0x34: {  	[smem:$0x3F79] =	sst s10  }
0x35: {  	s10 =	sld [smem:$0x3F78];
	_ =	sdelay $0x3  }
0x36: {  	p1 =	seq.s32 s10, $0x1;
	s10 =	sld [smem:$0x3F79];
	_ =	sdelay $0x3  }
0x37: {  	[smem:$0x3F79] =	sst s10  }
0x38: {  	s10 =	sld [smem:$0x3F7A]  }
0x39: {  	_ = 	snop;
	(pc) =	sbr.ind lr, $3  }
0x3a: {  	_ = 	snop  }
0x3b: {  	_ = 	snop  }
0x3c: {  	p2 =	seq.s32 s10, $0x1;
	s10 =	sld [smem:$0x3F79]  }
0x3d: {  	_ =	shalt  }
0x3e: {  	_ =	shalt  }
0x3f: {  	_ =	shalt  }
0x40: {  	_ =	shalt  }
0x41: {  	_ =	shalt  }
0x42: {  	_ =	shalt  }
0x43: {  	_ =	shalt  }
0x44: {  	_ =	shalt  }
0x45: {  	_ =	shalt  }
0x46: {  	_ =	shalt  }
0x47: {  	_ =	shalt  }
0x48: {  	_ =	shalt  }
0x49: {  	_ =	shalt  }
0x4a: {  	_ =	shalt  }
0x4b: {  	_ =	shalt  }
0x4c: {  	_ =	shalt  }
0x4d: {  	_ =	shalt  }
0x4e: {  	_ =	shalt  }
0x4f: {  	_ =	shalt  }
0x50: {  	_ =	shalt  }
0x51: {  	_ =	shalt  }
0x52: {  	_ =	shalt  }
0x53: {  	_ =	shalt  }
0x54: {  	_ =	shalt  }
0x55: {  	_ =	shalt  }
0x56: {  	_ =	shalt  }
0x57: {  	_ =	shalt  }
0x58: {  	_ =	shalt  }
0x59: {  	_ =	shalt  }
0x5a: {  	_ =	shalt  }
0x5b: {  	_ =	shalt  }
0x5c: {  	_ =	shalt  }
0x5d: {  	_ =	shalt  }
0x5e: {  	_ =	shalt  }
0x5f: {  	_ =	shalt  }
0x60: {  	_ =	shalt  }
0x61: {  	_ =	shalt  }
0x62: {  	_ =	shalt  }
0x63: {  	_ =	shalt  }
0x64: {  	_ =	shalt  }
0x65: {  	_ =	shalt  }
0x66: {  	_ =	shalt  }
0x67: {  	_ =	shalt  }
0x68: {  	_ =	shalt  }
0x69: {  	_ =	shalt  }
0x6a: {  	_ =	shalt  }
0x6b: {  	_ =	shalt  }
0x6c: {  	_ =	shalt  }
0x6d: {  	_ =	shalt  }
0x6e: {  	_ =	shalt  }
0x6f: {  	_ =	shalt  }
0x70: {  	_ =	shalt  }
0x71: {  	_ =	shalt  }
0x72: {  	_ =	shalt  }
0x73: {  	_ =	shalt  }
0x74: {  	_ =	shalt  }
0x75: {  	_ =	shalt  }
0x76: {  	_ =	shalt  }
0x77: {  	_ =	shalt  }
0x78: {  	_ =	shalt  }
0x79: {  	_ =	shalt  }
0x7a: {  	_ =	shalt  }
0x7b: {  	_ =	shalt  }
0x7c: {  	_ =	shalt  }
0x7d: {  	_ =	shalt  }
0x7e: {  	_ =	shalt  }
0x7f: {  	_ =	shalt  }
0x80: {  	_ =	shalt  }
0x81: {  	_ =	shalt  }
0x82: {  	_ =	shalt  }
0x83: {  	_ =	shalt  }
0x84: {  	_ =	shalt  }
0x85: {  	_ =	shalt  }
0x86: {  	_ =	shalt  }
0x87: {  	_ =	shalt  }
.Lfunc_end0:
.L_simem_size_0:
called_computation.3_lowered:
.L_overlay_start_0:
0x88: {  	s2 =	sld [smem:$0x3FD9]  }
0x89: {  	s3 =	sld [smem:$0x3FFE];
	_ =	sdelay $0x1  }
0x8a: {  	s1 =	srdreg.scid  }
0x8b: {  	s0 =	sand.u32 $0x1, s1  }
0x8c: {  	s16 =	sshll.u32 s0, $0xA;
	s2 =	sadd.s32 s3, s2  }
0x8d: {  	s2 =	sadd.s32 s2, s16  }
0x8e: {  	[smem:$0x3F85] =	sst s2  }
0x8f: {  	_ = 	snop  }
0x90: {  	(tm) =	ssettm $0x1  }
0x91: {  	s17 =	sld [smem:$0x3FFB];
	_ =	sdelay $0x3  }
0x92: {  	_ =	strace s17  }
0x93: {  	s2 =	sld [smem:$0x3FFC];
	_ =	sdelay $0x3  }
0x94: {  	_ =	strace s2  }
0x95: {  	s2 =	sld [smem:$0x3FFD];
	_ =	sdelay $0x3  }
0x96: {  	_ =	strace s2  }
0x97: {  	_ =	strace $0x8FFFFFFF  }
0x98: {  	s18 =	sld [smem:$0x3FDB];
	_ =	sdelay $0x1  }
0x99: {  	s19 =	simm.s32 $_scs_section_size  }
0x9a: {  	s4 =	simm.s32 $_size__tile_overlayer_lowered;
	s5 =	simm.s32 $_tile_overlayer_lowered  }
0x9b: {  	s22 =	simm.s32 $0x1BFF;
	s21 =	sshll.u32 s5, $0x1;
	s2 =	sadd.s32 s19, s18  }
0x9c: {  	s6 =	simm.s32 $0x0;
	s20 =	sshll.u32 s4, $0x1;
	s4 =	sadd.s32 s21, s2  }
0x9d: {  	[timem:s6], [sflag:s22] =	dma.local [hbm:s4], s20  }
0x9e: {  	_ =	swait.ge [sflag:s22], s20  }
0x9f: {  	s3 =	ssub.s32 $0x0, s20;
	[sflag:s22] =	ssyncset.done $0x0  }
0xa0: {  	[sflag:s22] =	ssyncadd.s32 s3;
	_ =	sdelay $0x1  }
0xa1: {  	s23 =	simm.s32 $0x1B8B  }
0xa2: {  	_ =	swait.ge [sflag:s23], $0x1  }
0xa3: {  	[sflag:s23] =	ssyncset.done $0x0  }
0xa4: {  	s25 =	simm.s32 $0x1B8E;
	s24 =	sld [smem:$0x3FFE];
	[sflag:s23] =	ssyncadd.s32 $0xFFFFFFFF  }
0xa5: {  	s26 =	simm.s32 $execute0_lowered;
	[smem:$0x3FD2] =	sst s25  }
0xa6: {  	s4 =	sshll.u32 s26, $0x1;
	_ =	strace $0x8000004F;
	[dreg:$0x1] =	wrdreg $0xFFFFFFFF  }
0xa7: {  	s28 =	simm.s32 $_size_execute0_lowered;
	s2 =	sadd.s32 s2, s4;
	[dreg:$0x0] =	wrdreg $0x0  }
0xa8: {  	s4 =	sshll.u32 s28, $0x1;
	[dreg:$0x2] =	wrdreg s2  }
0xa9: {  	[dreg:$0x3] =	wrdreg s4  }
0xaa: {  	[dreg:$0x4] =	wrdreg $0xC0  }
0xab: {  	_ =	task [dreg:s6], $0x5FFFF  }
0xac: {  	[dreg:$0x1] =	wrdreg $0xFFFFFFFF  }
0xad: {  	[dreg:$0x0] =	wrdreg $0x60  }
0xae: {  	[dreg:$0x2] =	wrdreg s24  }
0xaf: {  	[dreg:$0x3] =	wrdreg $0xA4800  }
0xb0: {  	[dreg:$0x4] =	wrdreg $0x9  }
0xb1: {  	_ =	task.clear_ibuf [dreg:s6], $0x5FFFF;
	_ =	strace $0x9000004F  }
0xb2: {  	s29 =	simm.s32 $0x9;
	_ =	strace $0x80000051  }
0xb3: {  	_ =	swait.ge [sflag:s29], $0x1  }
0xb4: {  	[sflag:s29] =	ssyncadd.s32 $0xFFFFFFFF  }
0xb5: {  	_ =	strace $0x90000051  }
0xb6: {  	_ =	sfence  }
0xb7: {  	s30 =	sld [smem:$0x0];
	_ =	sdelay $0x2  }
0xb8: {  	s31 =	sshll.u32 s1, $0xD;
	s1 =	sshrl.u32 s1, $0x2  }
0xb9: {  	s3 =	sand.u32 $0x4000, s31;
	s1 =	sadd.s32 s1, s30  }
0xba: {  	s0 =	sor.u32 s3, s0;
	s1 =	sshll.u32 s1, $0x11  }
0xbb: {  	s0 =	sor.u32 s1, s0  }
0xbc: {  	s0 =	sadd.s32 $0x8F2B, s0  }
0xbd: {  	[sflag:s0] =	ssyncadd.remote.s32 $0x1  }
0xbe: {  	_ =	sfence.sel $0xFFFF  }
0xbf: {  	[dreg:$0x0] =	wrdreg $0xFFFFFFFF;
	(pc) =	sbr.abs _section_cstart, $3  }
0xc0: {  	[dreg:$0x1] =	wrdreg $0xFFFFFFFF  }
0xc1: {  	_ =	task.clear_ibuf [dreg:s6], $0x2FFFF;
	_ =	strace $0x9FFFFFFF  }
0xc2: {  	(tm) =	ssettm $0x7FFFFFFF  }
0xc3: {  	_ =	shalt  }
tec
execute0_lowered:
.L_overlay_start_1:
0x0: {  	(tag) =	ssettag $0x1  }
0x1: {  	s4 =	rddreg [dreg:$0x0]  }
0x2: {  	s1 =	rddreg [dreg:$0x1];
	s2 =	stileid.u32  }
0x3: {  	s5 =	srdreg.scid;
	s22 =	smul.u32 $0x19000, s2  }
0x4: {  	s0 =	rddreg [dreg:$0x2];
	s13 =	sand.u32 $0x1, s5;
	s12 =	smul.u32 $0x6400, s2  }
0x5: {  	s3 =	simm.s32 $0x0;
	s9 =	sor.u32 $0x10, s2;
	s17 =	smul.u32 $0x138800, s13  }
0x6: {  	[smem:$0x7FF] =	sst s3;
	s10 =	sor.u32 $0x20, s2;
	s23 =	smul.u32 $0x19000, s9  }
0x7: {  	s6 =	sshll.u32 s2, $0xC;
	s18 =	sor.u32 $0x30, s2;
	s8 =	smul.u32 $0x19000, s10  }
0x8: {  	s7 =	sshll.u32 s2, $0x5;
	s16 =	sadd.s32 $0x22C00, s4;
	s11 =	smul.u32 $0x19000, s18  }
0x9: {  	_ =	strace $0x80000050;
	s14 =	sadd.s32 s6, s4;
	s19 =	smul.u32 $0x6400, s9  }
0xa: {  	s15 =	sadd.s32 s7, s4;
	s5 =	ssub.s32 $0x2, s13;
	s10 =	smul.u32 $0x6400, s10  }
0xb: {  	s4 =	sshll.u32 s2, $0x1;
	s20 =	smul.u32 $0x6400, s18;
	s30 =	sshll.u32 s13, $0xB  }
0xc: {  	s31 =	sshll.u32 s13, $0x4;
	p0 =	sgt.u32 s18, $0x31;
	s18 =	simm.s32 $0x2  }
0xd: {  	s21 =	sshrl.u32 s5, $0x1;
	s6 =	sshrl.u32 s22, $0x2;
	s14 =	sadd.s32 s30, s14  }
0xe: {  	s15 =	sadd.s32 s31, s15;
	s5 =	ssub.s32 s5, s21;
	s6 =	sadd.s32 s6, s1  }
0xf: {  	s7 =	sshrl.u32 s23, $0x2;
	s8 =	sshrl.u32 s8, $0x2;
	s24 =	sshrl.u32 s11, $0x2  }
0x10: {  	s25 =	sadd.s32 s17, s12;
	s26 =	sadd.s32 s17, s19;
	s28 =	sadd.s32 s17, s10  }
0x11: {  	s17 =	sadd.s32 s17, s20;
	s14 =	sadd.s32 $0xF17800, s14;
	s15 =	sadd.s32 $0x18E00, s15  }
0x12: {  	s19 =	simm.s32 $0x0;
	s5 =	smax.u32 s5, $0x1;
	s7 =	sadd.s32 s7, s1  }
0x13: {  	s8 =	sadd.s32 s8, s1;
	s9 =	sadd.s32 s24, s1;
	s11 =	sshrl.u32 s25, $0x3  }
0x14: {  	s12 =	sshrl.u32 s26, $0x3;
	s29 =	sshrl.u32 s28, $0x3;
	s17 =	sshrl.u32 s17, $0x3  }
0x15: {  	s10 =	sadd.s32 s16, s11;
	s11 =	sadd.s32 s16, s12;
	s12 =	sadd.s32 s16, s29  }
0x16: {  	v0 =	vimm.f32 $0.0e+00;
	s13 =	sadd.s32 s16, s17;
	s16 =	simm.s32 $0x4080;
	s17 =	simm.s32 $0x1  }
.LBB2_1:
0x17: {  	s20 =	sand.u32 $0x1FE00, s3  }
0x18: {  	s21 =	sand.u32 $0x70, s3;
	s22 =	sshrl.u32 s20, $0x2  }
0x19: {  	s20 =	simm.s32 $0x40;
	s22 =	sor.u32 s21, s22;
	s21 =	simm.s32 $0x0  }
.LBB2_2:
0x1a: {  	p1 =	sne.s32 s20, $0x18FC0  }
0x1b: {  	[tilespmem:s22+$0x4080] =	vst v0;
	s21 =	sadd.s32 $0x10, s21;
	s22 =	smov.u32 s20;
	s20 =	sadd.s32 $0x40, s20  }
.Ltmp0:
0x1c: {  	(pc) =	sbr.rel @p1 .LBB2_2-.Ltmp0, $4  }
0x1d: {  	_ = 	snop  }
0x1e: {  	s22 =	sand.u32 $0x1FE00, s22  }
0x1f: {  	s23 =	sand.u32 $0x70, s21;
	s22 =	sshrl.u32 s22, $0x2  }
0x20: {  	s22 =	sor.u32 s23, s22  }
0x21: {  	[tilespmem:s22+$0x4080] =	vst v0  }
0x22: {  	[spmem:s6] =	stream.linear.scatter [tilespmem:s16], [sflag:$0x1], $0x6400, $0x38;
	[tilespmem:$0x1DD00] =	vst v63  }
0x23: {  	_ =	swait.ge [sflag:s17], $0x6400  }
0x24: {  	[sflag:s17] =	ssyncset.done $0x0  }
0x25: {  	[sflag:s17] =	ssyncadd.s32 $0xFFFF9C00  }
0x26: {  	[spmem:s7] =	stream.linear.scatter [tilespmem:s16], [sflag:$0x1], $0x6400, $0x38;
	[tilespmem:$0x1DD00] =	vst v63  }
0x27: {  	_ =	swait.ge [sflag:s17], $0x6400  }
0x28: {  	[sflag:s17] =	ssyncset.done $0x0  }
0x29: {  	[sflag:s17] =	ssyncadd.s32 $0xFFFF9C00  }
0x2a: {  	[spmem:s8] =	stream.linear.scatter [tilespmem:s16], [sflag:$0x1], $0x6400, $0x38;
	[tilespmem:$0x1DD00] =	vst v63  }
0x2b: {  	_ =	swait.ge [sflag:s17], $0x6400  }
0x2c: {  	[sflag:s17] =	ssyncset.done $0x0  }
0x2d: {  	s20 =	simm.s32 @!p0 $0x4080;
	[sflag:s17] =	ssyncadd.s32 $0xFFFF9C00  }
0x2e: {  	[spmem:s9] =	stream.linear.scatter @!p0 [tilespmem:s20], [sflag:$0x1], $0x6400, $0x38;
	[tilespmem:$0x1DD00] =	vst v63  }
0x2f: {  	s20 =	simm.s32 @!p0 $0x1  }
0x30: {  	_ =	swait.ge @!p0 [sflag:s20], $0x6400  }
0x31: {  	s21 =	sadd.s32 $0x0, s4;
	[sflag:s20] =	ssyncset.done @!p0 $0x0  }
0x32: {  	p1 =	sgt.u32 s21, $0x9C3;
	[sflag:s20] =	ssyncadd.s32 @!p0 $0xFFFF9C00  }
0x33: {  	s22 =	simm.s32 @!p1 $0x2;
	s20 =	simm.s32 @!p1 $0x0;
	[bflag:$0x0] =	sbarrier.arrive $0xFFFF  }
0x34: {  	[tilespmem:s20], [sflag:$0x2] =	stream.linear.gather @!p1 [hbm4b:s15+s20], $0x80, $0x38;
	[tilespmem:$0x1DD00] =	vst v63  }
0x35: {  	_ =	swait.ge @!p1 [sflag:s22], $0x80  }
0x36: {  	[sflag:s22] =	ssyncset.done @!p1 $0x0;
	p1 =	por p1, p1  }
0x37: {  	[sflag:s22] =	ssyncadd.s32 @!p1 $0xFFFFFF80;
	s24 =	simm.s32 @!p1 $0x80  }
0x38: {  	[tilespmem:s24], [sflag:$0x2] =	stream.linear.gather @!p1 [hbm4b:s14+s20], $0x4000, $0x38;
	[tilespmem:$0x1DD00] =	vst v63  }
0x39: {  	_ =	swait.ge @!p1 [sflag:s22], $0x4000  }
0x3a: {  	[sflag:s22] =	ssyncset.done @!p1 $0x0  }
0x3b: {  	s31 =	sadd.s32 $0x20, s4;
	s23 =	simm.s32 @!p1 $0x1;
	[sflag:s22] =	ssyncadd.s32 @!p1 $0xFFFFC000  }
0x3c: {  	[spmem:s1] =	stream.indirect.scatter.add.f32 @!p1 [tilespmem:s24], [sflag:$0x1], $0x80, s20, s24, $0xb8;
	[tilespmem:$0x1DD00] =	vst v63  }
0x3d: {  	s21 =	simm.s32 $0x40;
	p2 =	sgt.u32 s31, $0x9C3;
	_ =	swait.ge @!p1 [sflag:s23], $0x4000  }
0x3e: {  	s22 =	sadd.s32 $0x200, s15;
	s20 =	sadd.s32 $0x10000, s14;
	[sflag:s23] =	ssyncset.done @!p1 $0x0  }
.LBB2_4:
0x3f: {  	s24 =	simm.s32 @!p2 $0x0;
	s25 =	simm.s32 @!p2 $0x2;
	[sflag:s23] =	ssyncadd.s32 @!p1 $0xFFFFC000  }
0x40: {  	[tilespmem:s24], [sflag:$0x2] =	stream.linear.gather @!p2 [hbm4b:s22+s24], $0x80, $0x38;
	[tilespmem:$0x1DD00] =	vst v63  }
0x41: {  	s26 =	smov.u32 s21;
	s21 =	sadd.s32 $0x20, s21;
	_ =	swait.ge @!p2 [sflag:s25], $0x80  }
0x42: {  	p1 =	por p2, p2;
	p3 =	sne.s32 s21, $0x9E0;
	[sflag:s25] =	ssyncset.done @!p2 $0x0  }
0x43: {  	s28 =	simm.s32 @!p1 $0x80;
	[sflag:s25] =	ssyncadd.s32 @!p1 $0xFFFFFF80  }
0x44: {  	[tilespmem:s28], [sflag:$0x2] =	stream.linear.gather @!p1 [hbm4b:s20+s24], $0x4000, $0x38;
	[tilespmem:$0x1DD00] =	vst v63  }
0x45: {  	_ =	swait.ge @!p1 [sflag:s25], $0x4000  }
.Ltmp1:
0x46: {  	[sflag:s25] =	ssyncset.done @!p1 $0x0;
	(pc) =	sbr.rel @p3 .LBB2_4-.Ltmp1, $4  }
0x47: {  	s23 =	simm.s32 @!p1 $0x1;
	[sflag:s25] =	ssyncadd.s32 @!p1 $0xFFFFC000  }
0x48: {  	[spmem:s1] =	stream.indirect.scatter.add.f32 @!p1 [tilespmem:s28], [sflag:$0x1], $0x80, s24, s28, $0xb8;
	[tilespmem:$0x1DD00] =	vst v63  }
0x49: {  	s22 =	sadd.s32 $0x200, s22;
	s24 =	sadd.s32 s26, s4;
	_ =	swait.ge @!p1 [sflag:s23], $0x4000  }
0x4a: {  	s20 =	sadd.s32 $0x10000, s20;
	p2 =	sgt.u32 s24, $0x9C3;
	[sflag:s23] =	ssyncset.done @!p1 $0x0  }
0x4b: {  	s21 =	simm.s32 @!p2 $0x0;
	s24 =	simm.s32 @!p2 $0x2;
	[sflag:s23] =	ssyncadd.s32 @!p1 $0xFFFFC000  }
0x4c: {  	[tilespmem:s21], [sflag:$0x2] =	stream.linear.gather @!p2 [hbm4b:s22+s21], $0x80, $0x38;
	[tilespmem:$0x1DD00] =	vst v63  }
0x4d: {  	_ =	swait.ge @!p2 [sflag:s24], $0x80  }
0x4e: {  	p1 =	por p2, p2;
	[sflag:s24] =	ssyncset.done @!p2 $0x0  }
0x4f: {  	s22 =	simm.s32 @!p1 $0x80;
	[sflag:s24] =	ssyncadd.s32 @!p1 $0xFFFFFF80  }
0x50: {  	[tilespmem:s22], [sflag:$0x2] =	stream.linear.gather @!p1 [hbm4b:s20+s21], $0x4000, $0x38;
	[tilespmem:$0x1DD00] =	vst v63  }
0x51: {  	_ =	swait.ge @!p1 [sflag:s24], $0x4000  }
0x52: {  	[sflag:s24] =	ssyncset.done @!p1 $0x0  }
0x53: {  	s20 =	simm.s32 @!p1 $0x1;
	[sflag:s24] =	ssyncadd.s32 @!p1 $0xFFFFC000  }
0x54: {  	[spmem:s1] =	stream.indirect.scatter.add.f32 @!p1 [tilespmem:s22], [sflag:$0x1], $0x80, s21, s22, $0xb8;
	[tilespmem:$0x1DD00] =	vst v63  }
0x55: {  	_ =	swait.ge @!p1 [sflag:s20], $0x4000  }
0x56: {  	[sflag:s20] =	ssyncset.done @!p1 $0x0  }
0x57: {  	[sflag:s20] =	ssyncadd.s32 @!p1 $0xFFFFC000  }
0x58: {  	[bflag:$0x0] =	sbarrier.arrive $0xFFFF  }
0x59: {  	[tilespmem:s16], [sflag:$0x2] =	stream.linear.gather [spmem:s6], $0x6400, $0x38;
	[tilespmem:$0x1DD00] =	vst v63  }
0x5a: {  	_ =	swait.ge [sflag:s18], $0x6400  }
0x5b: {  	[sflag:s18] =	ssyncset.done $0x0  }
0x5c: {  	[sflag:s18] =	ssyncadd.s32 $0xFFFF9C00  }
0x5d: {  	[hbm4b:s10+s3] =	stream.linear.scatter [tilespmem:s16], [sflag:$0x1], $0x6400, $0x38;
	[tilespmem:$0x1DD00] =	vst v63  }
0x5e: {  	_ =	swait.ge [sflag:s17], $0x6400  }
0x5f: {  	[sflag:s17] =	ssyncset.done $0x0  }
0x60: {  	[sflag:s17] =	ssyncadd.s32 $0xFFFF9C00  }
0x61: {  	[tilespmem:s16], [sflag:$0x2] =	stream.linear.gather [spmem:s7], $0x6400, $0x38;
	[tilespmem:$0x1DD00] =	vst v63  }
0x62: {  	_ =	swait.ge [sflag:s18], $0x6400  }
0x63: {  	[sflag:s18] =	ssyncset.done $0x0  }
0x64: {  	[sflag:s18] =	ssyncadd.s32 $0xFFFF9C00  }
0x65: {  	[hbm4b:s11+s3] =	stream.linear.scatter [tilespmem:s16], [sflag:$0x1], $0x6400, $0x38;
	[tilespmem:$0x1DD00] =	vst v63  }
0x66: {  	_ =	swait.ge [sflag:s17], $0x6400  }
0x67: {  	[sflag:s17] =	ssyncset.done $0x0  }
0x68: {  	[sflag:s17] =	ssyncadd.s32 $0xFFFF9C00  }
0x69: {  	[tilespmem:s16], [sflag:$0x2] =	stream.linear.gather [spmem:s8], $0x6400, $0x38;
	[tilespmem:$0x1DD00] =	vst v63  }
0x6a: {  	_ =	swait.ge [sflag:s18], $0x6400  }
0x6b: {  	[sflag:s18] =	ssyncset.done $0x0  }
0x6c: {  	[sflag:s18] =	ssyncadd.s32 $0xFFFF9C00  }
0x6d: {  	[hbm4b:s12+s3] =	stream.linear.scatter [tilespmem:s16], [sflag:$0x1], $0x6400, $0x38;
	[tilespmem:$0x1DD00] =	vst v63  }
0x6e: {  	_ =	swait.ge [sflag:s17], $0x6400  }
0x6f: {  	[sflag:s17] =	ssyncset.done $0x0  }
0x70: {  	s21 =	simm.s32 @!p0 $0x2;
	s20 =	simm.s32 @!p0 $0x4080;
	[sflag:s17] =	ssyncadd.s32 $0xFFFF9C00  }
0x71: {  	[tilespmem:s20], [sflag:$0x2] =	stream.linear.gather @!p0 [spmem:s9], $0x6400, $0x38;
	[tilespmem:$0x1DD00] =	vst v63  }
0x72: {  	_ =	swait.ge @!p0 [sflag:s21], $0x6400  }
0x73: {  	s19 =	sadd.s32 $0x1, s19;
	[sflag:s21] =	ssyncset.done @!p0 $0x0  }
0x74: {  	p1 =	sne.s32 s19, s5;
	[sflag:s21] =	ssyncadd.s32 @!p0 $0xFFFF9C00;
	s21 =	simm.s32 @!p0 $0x0  }
0x75: {  	[hbm4b:s13+s21] =	stream.linear.scatter @!p0 [tilespmem:s20], [sflag:$0x1], $0x6400, $0x38;
	[tilespmem:$0x1DD00] =	vst v63  }
.Ltmp2:
0x76: {  	_ = 	snop;
	(pc) =	sbr.rel @p1 .LBB2_1-.Ltmp2, $4  }
0x77: {  	s20 =	simm.s32 @!p0 $0x1  }
0x78: {  	_ =	swait.ge @!p0 [sflag:s20], $0x6400  }
0x79: {  	[sflag:s20] =	ssyncset.done @!p0 $0x0  }
0x7a: {  	[sflag:s20] =	ssyncadd.s32 @!p0 $0xFFFF9C00  }
0x7b: {  	_ =	sfence.sel $0x180000  }
0x7c: {  	[bflag:$0x0] =	sbarrier.arrive $0xFFFF  }
0x7d: {  	p0 =	sne.s32 s2, $0x0;
	_ =	strace $0x90000050  }
0x7e: {  	s0 =	sadd.s32 @!p0 $0x100000, s0;
	[bflag:$0x2] =	sbarrier.arrive $0xFFFF  }
0x7f: {  	[sflag:s0] =	ssyncadd.tile.s32 @!p0 $0x1;
	_ =	shalt  }
.Lfunc_end2:
_tile_overlayer_lowered:
.L_overlay_start_2:
0x80: {  	(tag) =	ssettag $0x2  }
0x81: {  	s0 =	rddreg [dreg:$0x0];
	s2 =	stileid.u32  }
0x82: {  	s1 =	rddreg [dreg:$0x1];
	p0 =	sne.s32 s2, $0x0  }
0x83: {  	s3 =	rddreg [dreg:$0x2];
	[bflag:$0x3] =	sbarrier.arrive $0xFFFF;
	s2 =	simm.s32 @!p0 $0x1C01  }
0x84: {  	[timem:s3], [sflag:s2] =	dma.local @!p0 [hbm:s0], s1  }
0x85: {  	s0 =	simm.s32 @!p0 $0x1  }
0x86: {  	_ =	swait.ge @!p0 [sflag:s0], s1  }
0x87: {  	s1 =	ssub.s32 @!p0 $0x0, s1;
	[sflag:s0] =	ssyncset.done @!p0 $0x0  }
0x88: {  	[sflag:s0] =	ssyncadd.s32 @!p0 s1  }
0x89: {  	[bflag:$0x3] =	sbarrier.arrive $0xFFFF  }
0x8a: {  	_ =	shalt  }

// kernel: kernel.37.cloned.1.call-start
scs
__scs_entry_jumppad:
0x0: {  	(pc) =	sbr.rel $0x88, $3  }
0x1: {  	(tag) =	ssettag $0x0;
	lr =	simm.s32 $0x1  }
0x2: {  	[smem:$0x3F5E] =	sst lr;
	_ =	strace $0xD0000000  }
0x3: {  	_ = 	snop  }
0x4: {  	_ = 	snop  }
0x5: {  	_ = 	snop  }
0x6: {  	_ = 	snop  }
0x7: {  	_ = 	snop  }
__scs_overlays_trampoline_lowered:
0x8: {  	[smem:$0x3F6D] =	sst s0  }
0x9: {  	[smem:$0x3F6E] =	sst s1  }
0xa: {  	[smem:$0x3F6F] =	sst s2  }
0xb: {  	[smem:$0x3F70] =	sst s3  }
0xc: {  	[smem:$0x3F71] =	sst s4  }
0xd: {  	[smem:$0x3F72] =	sst s5  }
0xe: {  	[smem:$0x3F73] =	sst s6  }
0xf: {  	[smem:$0x3F74] =	sst s7  }
0x10: {  	[smem:$0x3F75] =	sst s8  }
0x11: {  	[smem:$0x3F76] =	sst s9;
	s0 =	simm.s32 @!p0 $0x0  }
0x12: {  	s1 =	sld [smem:$0x3F5C];
	s0 =	simm.s32 @p0 $0x1  }
0x13: {  	[smem:$0x3F77] =	sst s0;
	s0 =	simm.s32 @!p1 $0x0  }
0x14: {  	s2 =	sld [smem:$0x3F5B];
	s0 =	simm.s32 @p1 $0x1  }
0x15: {  	[smem:$0x3F78] =	sst s0;
	s0 =	simm.s32 @!p2 $0x0  }
0x16: {  	s3 =	sld [smem:$0x3FDB];
	s0 =	simm.s32 @p2 $0x1  }
0x17: {  	s4 =	simm.s32 $0x1BF5;
	[smem:$0x3F7A] =	sst s0  }
0x18: {  	s0 =	sld [smem:$0x3F5D];
	_ =	swait.ge [sflag:s4], $0x0  }
0x19: {  	s7 =	sld [smem:$0x3F5E]  }
0x1a: {  	s8 =	sadd.s32 $0xFFFFE003, lr  }
0x1b: {  	s9 =	sadd.s32 $0xFFFFFEF7, lr;
	s5 =	simm.s32 $0xFFFFFFFF;
	p2 =	slt.u32 s8, $0xFFFFF086  }
0x1c: {  	p1 =	slt.u32 s9, $0xF7A;
	s5 =	simm.s32 @!p2 $0x0  }
0x1d: {  	s5 =	simm.s32 @p1 $0x1;
	p0 =	seq.s32 s7, s2  }
0x1e: {  	s7 =	smul.u32 @!p0 $0xF7A, s2;
	p2 =	seq.s32 @!p0 s5, $0x0  }
0x1f: {  	s9 =	smul.u32 $0xF7A, s1;
	s8 =	simm.s32 @!p0 $0x1BF5;
	p2 =	por !p2, p0  }
0x20: {  	[sflag:s8] =	ssyncset.s32 @!p0 $0xFFFFF086;
	s6 =	sadd.s32 @!p0 s3, s7;
	s7 =	simm.s32 @!p0 $0x108  }
0x21: {  	s3 =	sadd.s32 s3, s9;
	s6 =	sadd.s32 @!p0 $0x88, s6;
	s7 =	simm.s32 @p2 $0x1082  }
0x22: {  	[simem:s7], [sflag:s8] =	dma.local @!p0 [hbm:s6], $0xF7A  }
0x23: {  	s9 =	sor.u32 $0xD0000000, s2;
	s6 =	simm.s32 $0x108;
	_ =	swait.ge @!p0 [sflag:s8], $0x0  }
0x24: {  	s3 =	sadd.s32 $0x88, s3;
	s6 =	simm.s32 @!p1 $0x1082;
	[sflag:s4] =	ssyncset.s32 $0xFFFFF086  }
0x25: {  	[simem:s6], [sflag:s4] =	dma.local [hbm:s3], $0xF7A  }
0x26: {  	[smem:$0x3F5E] =	sst s1;
	(tag) =	ssettag s2;
	_ =	strace s9  }
0x27: {  	s1 =	sld [smem:$0x3F6E]  }
0x28: {  	s2 =	sld [smem:$0x3F6F]  }
0x29: {  	s4 =	sld [smem:$0x3F71]  }
0x2a: {  	p0 =	seq.s32 s5, $0x0;
	s5 =	sld [smem:$0x3F72]  }
0x2b: {  	s6 =	sld [smem:$0x3F73]  }
0x2c: {  	s7 =	sld [smem:$0x3F74]  }
0x2d: {  	s3 =	simm.s32 $0x108;
	s8 =	sld [smem:$0x3F75]  }
0x2e: {  	s3 =	simm.s32 @!p0 $0x1082;
	s9 =	sld [smem:$0x3F76]  }
0x2f: {  	lr =	sadd.s32 s0, s3;
	s0 =	sld [smem:$0x3F6D]  }
0x30: {  	s3 =	sld [smem:$0x3F70]  }
0x31: {  	[smem:$0x3F79] =	sst s10  }
0x32: {  	s10 =	sld [smem:$0x3F77];
	_ =	sdelay $0x3  }
0x33: {  	p0 =	seq.s32 s10, $0x1;
	s10 =	sld [smem:$0x3F79];
	_ =	sdelay $0x3  }
0x34: {  	[smem:$0x3F79] =	sst s10  }
0x35: {  	s10 =	sld [smem:$0x3F78];
	_ =	sdelay $0x3  }
0x36: {  	p1 =	seq.s32 s10, $0x1;
	s10 =	sld [smem:$0x3F79];
	_ =	sdelay $0x3  }
0x37: {  	[smem:$0x3F79] =	sst s10  }
0x38: {  	s10 =	sld [smem:$0x3F7A]  }
0x39: {  	_ = 	snop;
	(pc) =	sbr.ind lr, $3  }
0x3a: {  	_ = 	snop  }
0x3b: {  	_ = 	snop  }
0x3c: {  	p2 =	seq.s32 s10, $0x1;
	s10 =	sld [smem:$0x3F79]  }
0x3d: {  	_ =	shalt  }
0x3e: {  	_ =	shalt  }
0x3f: {  	_ =	shalt  }
0x40: {  	_ =	shalt  }
0x41: {  	_ =	shalt  }
0x42: {  	_ =	shalt  }
0x43: {  	_ =	shalt  }
0x44: {  	_ =	shalt  }
0x45: {  	_ =	shalt  }
0x46: {  	_ =	shalt  }
0x47: {  	_ =	shalt  }
0x48: {  	_ =	shalt  }
0x49: {  	_ =	shalt  }
0x4a: {  	_ =	shalt  }
0x4b: {  	_ =	shalt  }
0x4c: {  	_ =	shalt  }
0x4d: {  	_ =	shalt  }
0x4e: {  	_ =	shalt  }
0x4f: {  	_ =	shalt  }
0x50: {  	_ =	shalt  }
0x51: {  	_ =	shalt  }
0x52: {  	_ =	shalt  }
0x53: {  	_ =	shalt  }
0x54: {  	_ =	shalt  }
0x55: {  	_ =	shalt  }
0x56: {  	_ =	shalt  }
0x57: {  	_ =	shalt  }
0x58: {  	_ =	shalt  }
0x59: {  	_ =	shalt  }
0x5a: {  	_ =	shalt  }
0x5b: {  	_ =	shalt  }
0x5c: {  	_ =	shalt  }
0x5d: {  	_ =	shalt  }
0x5e: {  	_ =	shalt  }
0x5f: {  	_ =	shalt  }
0x60: {  	_ =	shalt  }
0x61: {  	_ =	shalt  }
0x62: {  	_ =	shalt  }
0x63: {  	_ =	shalt  }
0x64: {  	_ =	shalt  }
0x65: {  	_ =	shalt  }
0x66: {  	_ =	shalt  }
0x67: {  	_ =	shalt  }
0x68: {  	_ =	shalt  }
0x69: {  	_ =	shalt  }
0x6a: {  	_ =	shalt  }
0x6b: {  	_ =	shalt  }
0x6c: {  	_ =	shalt  }
0x6d: {  	_ =	shalt  }
0x6e: {  	_ =	shalt  }
0x6f: {  	_ =	shalt  }
0x70: {  	_ =	shalt  }
0x71: {  	_ =	shalt  }
0x72: {  	_ =	shalt  }
0x73: {  	_ =	shalt  }
0x74: {  	_ =	shalt  }
0x75: {  	_ =	shalt  }
0x76: {  	_ =	shalt  }
0x77: {  	_ =	shalt  }
0x78: {  	_ =	shalt  }
0x79: {  	_ =	shalt  }
0x7a: {  	_ =	shalt  }
0x7b: {  	_ =	shalt  }
0x7c: {  	_ =	shalt  }
0x7d: {  	_ =	shalt  }
0x7e: {  	_ =	shalt  }
0x7f: {  	_ =	shalt  }
0x80: {  	_ =	shalt  }
0x81: {  	_ =	shalt  }
0x82: {  	_ =	shalt  }
0x83: {  	_ =	shalt  }
0x84: {  	_ =	shalt  }
0x85: {  	_ =	shalt  }
0x86: {  	_ =	shalt  }
0x87: {  	_ =	shalt  }
.Lfunc_end0:
.L_simem_size_0:
called_computation.4_lowered:
.L_overlay_start_0:
0x88: {  	s2 =	sld [smem:$0x3FD9]  }
0x89: {  	s3 =	sld [smem:$0x3FFE];
	_ =	sdelay $0x1  }
0x8a: {  	s1 =	srdreg.scid  }
0x8b: {  	s0 =	sand.u32 $0x1, s1  }
0x8c: {  	s16 =	sshll.u32 s0, $0xA;
	s2 =	sadd.s32 s3, s2  }
0x8d: {  	s2 =	sadd.s32 s2, s16  }
0x8e: {  	[smem:$0x3F85] =	sst s2  }
0x8f: {  	_ = 	snop  }
0x90: {  	(tm) =	ssettm $0x1  }
0x91: {  	s17 =	sld [smem:$0x3FFB];
	_ =	sdelay $0x3  }
0x92: {  	_ =	strace s17  }
0x93: {  	s2 =	sld [smem:$0x3FFC];
	_ =	sdelay $0x3  }
0x94: {  	_ =	strace s2  }
0x95: {  	s2 =	sld [smem:$0x3FFD];
	_ =	sdelay $0x3  }
0x96: {  	_ =	strace s2  }
0x97: {  	_ =	strace $0x8FFFFFFF  }
0x98: {  	s18 =	sld [smem:$0x3FDB];
	_ =	sdelay $0x1  }
0x99: {  	s19 =	simm.s32 $_scs_section_size  }
0x9a: {  	s4 =	simm.s32 $_size__tile_overlayer_lowered;
	s5 =	simm.s32 $_tile_overlayer_lowered  }
0x9b: {  	s22 =	simm.s32 $0x1BFF;
	s21 =	sshll.u32 s5, $0x1;
	s2 =	sadd.s32 s19, s18  }
0x9c: {  	s6 =	simm.s32 $0x0;
	s20 =	sshll.u32 s4, $0x1;
	s4 =	sadd.s32 s21, s2  }
0x9d: {  	[timem:s6], [sflag:s22] =	dma.local [hbm:s4], s20  }
0x9e: {  	_ =	swait.ge [sflag:s22], s20  }
0x9f: {  	s3 =	ssub.s32 $0x0, s20;
	[sflag:s22] =	ssyncset.done $0x0  }
0xa0: {  	[sflag:s22] =	ssyncadd.s32 s3;
	_ =	sdelay $0x1  }
0xa1: {  	s23 =	simm.s32 $0x1B8B  }
0xa2: {  	_ =	swait.ge [sflag:s23], $0x1  }
0xa3: {  	[sflag:s23] =	ssyncset.done $0x0  }
0xa4: {  	s25 =	simm.s32 $0x1B8E;
	s24 =	sld [smem:$0x3FFE];
	[sflag:s23] =	ssyncadd.s32 $0xFFFFFFFF  }
0xa5: {  	s26 =	simm.s32 $execute0_lowered;
	[smem:$0x3FD2] =	sst s25  }
0xa6: {  	s4 =	sshll.u32 s26, $0x1;
	_ =	strace $0x80000052;
	[dreg:$0x1] =	wrdreg $0xFFFFFFFF  }
0xa7: {  	s28 =	simm.s32 $_size_execute0_lowered;
	s2 =	sadd.s32 s2, s4;
	[dreg:$0x0] =	wrdreg $0x0  }
0xa8: {  	s4 =	sshll.u32 s28, $0x1;
	[dreg:$0x2] =	wrdreg s2  }
0xa9: {  	[dreg:$0x3] =	wrdreg s4  }
0xaa: {  	[dreg:$0x4] =	wrdreg $0xC0  }
0xab: {  	_ =	task [dreg:s6], $0x5FFFF  }
0xac: {  	[dreg:$0x1] =	wrdreg $0xFFFFFFFF  }
0xad: {  	[dreg:$0x0] =	wrdreg $0x60  }
0xae: {  	[dreg:$0x2] =	wrdreg s24  }
0xaf: {  	[dreg:$0x3] =	wrdreg $0x9  }
0xb0: {  	_ =	task.clear_ibuf [dreg:s6], $0x4FFFF;
	_ =	strace $0x90000052  }
0xb1: {  	s29 =	simm.s32 $0x9;
	_ =	strace $0x80000054  }
0xb2: {  	_ =	swait.ge [sflag:s29], $0x1  }
0xb3: {  	[sflag:s29] =	ssyncadd.s32 $0xFFFFFFFF  }
0xb4: {  	_ =	strace $0x90000054  }
0xb5: {  	_ =	sfence  }
0xb6: {  	s30 =	sld [smem:$0x0];
	_ =	sdelay $0x2  }
0xb7: {  	s31 =	sshll.u32 s1, $0xD;
	s1 =	sshrl.u32 s1, $0x2  }
0xb8: {  	s3 =	sand.u32 $0x4000, s31;
	s1 =	sadd.s32 s1, s30  }
0xb9: {  	s0 =	sor.u32 s3, s0;
	s1 =	sshll.u32 s1, $0x11  }
0xba: {  	s0 =	sor.u32 s1, s0  }
0xbb: {  	s0 =	sadd.s32 $0x8F2B, s0  }
0xbc: {  	[sflag:s0] =	ssyncadd.remote.s32 $0x1  }
0xbd: {  	_ =	sfence.sel $0xFFFF  }
0xbe: {  	[dreg:$0x0] =	wrdreg $0xFFFFFFFF;
	(pc) =	sbr.abs _section_cstart, $3  }
0xbf: {  	[dreg:$0x1] =	wrdreg $0xFFFFFFFF  }
0xc0: {  	_ =	task.clear_ibuf [dreg:s6], $0x2FFFF;
	_ =	strace $0x9FFFFFFF  }
0xc1: {  	(tm) =	ssettm $0x7FFFFFFF  }
tec
execute0_lowered:
.L_overlay_start_1:
0x0: {  	(tag) =	ssettag $0x1  }
0x1: {  	s5 =	rddreg [dreg:$0x0]  }
0x2: {  	s0 =	rddreg [dreg:$0x1];
	s1 =	simm.s32 $0x0;
	s4 =	srdreg.scid  }
0x3: {  	s2 =	stileid.u32;
	[smem:$0x7FF] =	sst s1  }
0x4: {  	s3 =	sadd.s32 $0x49E00, s5;
	s6 =	sand.u32 $0x1, s4;
	s4 =	sadd.s32 $0x22C00, s5  }
0x5: {  	s7 =	sshll.u32 s2, $0x5;
	s9 =	sshll.u32 s2, $0xC;
	_ =	strace $0x80000053  }
0x6: {  	s8 =	ssub.s32 $0x2, s6;
	s7 =	sadd.s32 s7, s5;
	s9 =	sadd.s32 s9, s5  }
0x7: {  	s31 =	sshll.u32 s6, $0x4;
	s11 =	sshll.u32 s6, $0xB;
	s10 =	sshrl.u32 s8, $0x1  }
0x8: {  	s5 =	sshll.u32 s2, $0x1;
	s11 =	sadd.s32 s11, s9;
	s8 =	ssub.s32 s8, s10  }
0x9: {  	s10 =	sadd.s32 s31, s7;
	s9 =	sadd.s32 $0x553000, s11;
	s6 =	smax.u32 s8, $0x1  }
0xa: {  	s7 =	sadd.s32 $0x18E00, s10;
	s8 =	sadd.s32 $0xF000, s10;
	s10 =	sadd.s32 $0x71000, s11  }
.LBB2_1:
0xb: {  	p0 =	sgt.u32 s5, $0x9C3  }
0xc: {  	s11 =	sadd.s32 @!p0 $0x0, s8;
	s12 =	simm.s32 @!p0 $0x0;
	s15 =	simm.s32 @!p0 $0x4  }
0xd: {  	[tilespmem:s12], [sflag:$0x4] =	stream.linear.gather @!p0 [hbm4b:s11+s12], $0x80, $0x38;
	[tilespmem:$0x8100] =	vst v63  }
0xe: {  	_ =	swait.ge @!p0 [sflag:s15], $0x80;
	p0 =	por p0, p0  }
0xf: {  	[sflag:s15] =	ssyncset.done @!p0 $0x0  }
0x10: {  	s11 =	sadd.s32 @!p0 $0x0, s7;
	s13 =	simm.s32 @!p0 $0x80;
	[sflag:s15] =	ssyncadd.s32 @!p0 $0xFFFFFF80  }
0x11: {  	[tilespmem:s13], [sflag:$0x4] =	stream.linear.gather @!p0 [hbm4b:s11+s12], $0x80, $0x38;
	[tilespmem:$0x8100] =	vst v63  }
0x12: {  	_ =	swait.ge @!p0 [sflag:s15], $0x80  }
0x13: {  	[sflag:s15] =	ssyncset.done @!p0 $0x0  }
0x14: {  	s11 =	simm.s32 @!p0 $0x100;
	[sflag:s15] =	ssyncadd.s32 @!p0 $0xFFFFFF80  }
0x15: {  	[tilespmem:s11], [sflag:$0x1] =	stream.indirect.gather @!p0 [hbm4b:s3+s13], $0x80, s12, s13, $0xb8;
	[tilespmem:$0x8100] =	vst v63  }
0x16: {  	s16 =	simm.s32 @!p0 $0x4100;
	s14 =	simm.s32 @!p0 $0x1  }
0x17: {  	[tilespmem:s16], [sflag:$0x2] =	stream.indirect.gather @!p0 [hbm4b:s4+s13], $0x80, s13, s13, $0xb8;
	[tilespmem:$0x8100] =	vst v63  }
0x18: {  	_ =	swait.ge @!p0 [sflag:s14], $0x4000  }
0x19: {  	[sflag:s14] =	ssyncset.done @!p0 $0x0  }
0x1a: {  	s13 =	simm.s32 @!p0 $0x2;
	[sflag:s14] =	ssyncadd.s32 @!p0 $0xFFFFC000  }
0x1b: {  	_ =	swait.ge @!p0 [sflag:s13], $0x4000  }
0x1c: {  	[sflag:s13] =	ssyncset.done @!p0 $0x0  }
0x1d: {  	[sflag:s13] =	ssyncadd.s32 @!p0 $0xFFFFC000  }
0x1e: {  	[hbm4b:s10+s12] =	stream.linear.scatter @!p0 [tilespmem:s11], [sflag:$0x4], $0x4000, $0x38;
	[tilespmem:$0x8100] =	vst v63  }
0x1f: {  	_ =	swait.ge @!p0 [sflag:s15], $0x4000  }
0x20: {  	[sflag:s15] =	ssyncset.done @!p0 $0x0  }
0x21: {  	s14 =	simm.s32 $0x400;
	s13 =	simm.s32 $0x200;
	[sflag:s15] =	ssyncadd.s32 @!p0 $0xFFFFC000  }
0x22: {  	[hbm4b:s9+s12] =	stream.linear.scatter @!p0 [tilespmem:s16], [sflag:$0x3], $0x4000, $0x38;
	[tilespmem:$0x8100] =	vst v63  }
0x23: {  	s11 =	sadd.s32 $0x10000, s10;
	s15 =	sadd.s32 $0x20, s5;
	s16 =	simm.s32 @!p0 $0x3  }
0x24: {  	p2 =	sgt.u32 s15, $0x9C3;
	s12 =	sadd.s32 $0x10000, s9;
	_ =	swait.ge @!p0 [sflag:s16], $0x4000  }
.LBB2_2:
0x25: {  	s17 =	sadd.s32 @!p2 s13, s8  }
0x26: {  	s18 =	simm.s32 @!p2 $0x0;
	[sflag:s16] =	ssyncset.done @!p0 $0x0;
	s19 =	smov.u32 s14  }
0x27: {  	s14 =	sadd.s32 $0x200, s14;
	s20 =	simm.s32 @!p2 $0x4;
	[sflag:s16] =	ssyncadd.s32 @!p0 $0xFFFFC000  }
0x28: {  	[tilespmem:s18], [sflag:$0x4] =	stream.linear.gather @!p2 [hbm4b:s17+s18], $0x80, $0x38;
	[tilespmem:$0x8100] =	vst v63  }
0x29: {  	p1 =	sne.s32 s14, $0x9E00;
	p0 =	por p2, p2;
	_ =	swait.ge @!p2 [sflag:s20], $0x80  }
0x2a: {  	[sflag:s20] =	ssyncset.done @!p0 $0x0  }
0x2b: {  	s13 =	sadd.s32 @!p0 s13, s7;
	s16 =	simm.s32 @!p0 $0x80;
	[sflag:s20] =	ssyncadd.s32 @!p0 $0xFFFFFF80  }
0x2c: {  	[tilespmem:s16], [sflag:$0x4] =	stream.linear.gather @!p0 [hbm4b:s13+s18], $0x80, $0x38;
	[tilespmem:$0x8100] =	vst v63  }
0x2d: {  	s13 =	smov.u32 s19;
	_ =	swait.ge @!p0 [sflag:s20], $0x80  }
0x2e: {  	[sflag:s20] =	ssyncset.done @!p0 $0x0  }
0x2f: {  	s17 =	simm.s32 @!p0 $0x100;
	[sflag:s20] =	ssyncadd.s32 @!p0 $0xFFFFFF80  }
0x30: {  	[tilespmem:s17], [sflag:$0x1] =	stream.indirect.gather @!p0 [hbm4b:s3+s16], $0x80, s18, s16, $0xb8;
	[tilespmem:$0x8100] =	vst v63  }
0x31: {  	s21 =	simm.s32 @!p0 $0x1;
	s19 =	simm.s32 @!p0 $0x4100  }
0x32: {  	[tilespmem:s19], [sflag:$0x2] =	stream.indirect.gather @!p0 [hbm4b:s4+s16], $0x80, s16, s16, $0xb8;
	[tilespmem:$0x8100] =	vst v63  }
0x33: {  	_ =	swait.ge @!p0 [sflag:s21], $0x4000  }
0x34: {  	[sflag:s21] =	ssyncset.done @!p0 $0x0  }
0x35: {  	s16 =	simm.s32 @!p0 $0x2;
	[sflag:s21] =	ssyncadd.s32 @!p0 $0xFFFFC000  }
0x36: {  	_ =	swait.ge @!p0 [sflag:s16], $0x4000  }
0x37: {  	[sflag:s16] =	ssyncset.done @!p0 $0x0  }
0x38: {  	[sflag:s16] =	ssyncadd.s32 @!p0 $0xFFFFC000  }
0x39: {  	[hbm4b:s11+s18] =	stream.linear.scatter @!p0 [tilespmem:s17], [sflag:$0x4], $0x4000, $0x38;
	[tilespmem:$0x8100] =	vst v63  }
.Ltmp0:
0x3a: {  	_ =	swait.ge @!p0 [sflag:s20], $0x4000;
	(pc) =	sbr.rel @p1 .LBB2_2-.Ltmp0, $4  }
0x3b: {  	s11 =	sadd.s32 $0x10000, s11;
	[sflag:s20] =	ssyncset.done @!p0 $0x0  }
0x3c: {  	s15 =	sadd.s32 $0x20, s15;
	s16 =	simm.s32 @!p0 $0x3;
	[sflag:s20] =	ssyncadd.s32 @!p0 $0xFFFFC000  }
0x3d: {  	[hbm4b:s12+s18] =	stream.linear.scatter @!p0 [tilespmem:s19], [sflag:$0x3], $0x4000, $0x38;
	[tilespmem:$0x8100] =	vst v63  }
0x3e: {  	p2 =	sgt.u32 s15, $0x9C3;
	s12 =	sadd.s32 $0x10000, s12;
	_ =	swait.ge @!p0 [sflag:s16], $0x4000  }
0x3f: {  	s14 =	sadd.s32 @!p2 s13, s8;
	[sflag:s16] =	ssyncset.done @!p0 $0x0  }
0x40: {  	s15 =	simm.s32 @!p2 $0x0;
	s17 =	simm.s32 @!p2 $0x4;
	[sflag:s16] =	ssyncadd.s32 @!p0 $0xFFFFC000  }
0x41: {  	[tilespmem:s15], [sflag:$0x4] =	stream.linear.gather @!p2 [hbm4b:s14+s15], $0x80, $0x38;
	[tilespmem:$0x8100] =	vst v63  }
0x42: {  	p0 =	por p2, p2;
	_ =	swait.ge @!p2 [sflag:s17], $0x80  }
0x43: {  	[sflag:s17] =	ssyncset.done @!p0 $0x0  }
0x44: {  	s13 =	sadd.s32 @!p0 s13, s7;
	s14 =	simm.s32 @!p0 $0x80;
	[sflag:s17] =	ssyncadd.s32 @!p0 $0xFFFFFF80  }
0x45: {  	[tilespmem:s14], [sflag:$0x4] =	stream.linear.gather @!p0 [hbm4b:s13+s15], $0x80, $0x38;
	[tilespmem:$0x8100] =	vst v63  }
0x46: {  	_ =	swait.ge @!p0 [sflag:s17], $0x80  }
0x47: {  	[sflag:s17] =	ssyncset.done @!p0 $0x0  }
0x48: {  	s13 =	simm.s32 @!p0 $0x100;
	[sflag:s17] =	ssyncadd.s32 @!p0 $0xFFFFFF80  }
0x49: {  	[tilespmem:s13], [sflag:$0x1] =	stream.indirect.gather @!p0 [hbm4b:s3+s14], $0x80, s15, s14, $0xb8;
	[tilespmem:$0x8100] =	vst v63  }
0x4a: {  	s16 =	simm.s32 @!p0 $0x4100;
	s18 =	simm.s32 @!p0 $0x1  }
0x4b: {  	[tilespmem:s16], [sflag:$0x2] =	stream.indirect.gather @!p0 [hbm4b:s4+s14], $0x80, s14, s14, $0xb8;
	[tilespmem:$0x8100] =	vst v63  }
0x4c: {  	_ =	swait.ge @!p0 [sflag:s18], $0x4000  }
0x4d: {  	[sflag:s18] =	ssyncset.done @!p0 $0x0  }
0x4e: {  	s14 =	simm.s32 @!p0 $0x2;
	[sflag:s18] =	ssyncadd.s32 @!p0 $0xFFFFC000  }
0x4f: {  	_ =	swait.ge @!p0 [sflag:s14], $0x4000  }
0x50: {  	[sflag:s14] =	ssyncset.done @!p0 $0x0  }
0x51: {  	[sflag:s14] =	ssyncadd.s32 @!p0 $0xFFFFC000  }
0x52: {  	[hbm4b:s11+s15] =	stream.linear.scatter @!p0 [tilespmem:s13], [sflag:$0x4], $0x4000, $0x38;
	[tilespmem:$0x8100] =	vst v63  }
0x53: {  	s1 =	sadd.s32 $0x1, s1;
	_ =	swait.ge @!p0 [sflag:s17], $0x4000  }
0x54: {  	p1 =	sne.s32 s1, s6;
	[sflag:s17] =	ssyncset.done @!p0 $0x0  }
.Ltmp1:
0x55: {  	s11 =	simm.s32 @!p0 $0x3;
	[sflag:s17] =	ssyncadd.s32 @!p0 $0xFFFFC000;
	(pc) =	sbr.rel @p1 .LBB2_1-.Ltmp1, $4  }
0x56: {  	[hbm4b:s12+s15] =	stream.linear.scatter @!p0 [tilespmem:s16], [sflag:$0x3], $0x4000, $0x38;
	[tilespmem:$0x8100] =	vst v63  }
0x57: {  	_ =	swait.ge @!p0 [sflag:s11], $0x4000  }
0x58: {  	[sflag:s11] =	ssyncset.done @!p0 $0x0  }
0x59: {  	[sflag:s11] =	ssyncadd.s32 @!p0 $0xFFFFC000  }
0x5a: {  	_ =	sfence.sel $0x180000  }
0x5b: {  	[bflag:$0x0] =	sbarrier.arrive $0xFFFF  }
0x5c: {  	p0 =	sne.s32 s2, $0x0;
	_ =	strace $0x90000053  }
0x5d: {  	s0 =	sadd.s32 @!p0 $0x100000, s0;
	[bflag:$0x2] =	sbarrier.arrive $0xFFFF  }
0x5e: {  	[sflag:s0] =	ssyncadd.tile.s32 @!p0 $0x1;
	_ =	shalt  }
.Lfunc_end2:
_tile_overlayer_lowered:
.L_overlay_start_2:
0x5f: {  	(tag) =	ssettag $0x2  }
0x60: {  	s0 =	rddreg [dreg:$0x0];
	s2 =	stileid.u32  }
0x61: {  	s1 =	rddreg [dreg:$0x1];
	p0 =	sne.s32 s2, $0x0  }
0x62: {  	s3 =	rddreg [dreg:$0x2];
	[bflag:$0x3] =	sbarrier.arrive $0xFFFF;
	s2 =	simm.s32 @!p0 $0x1C03  }
0x63: {  	[timem:s3], [sflag:s2] =	dma.local @!p0 [hbm:s0], s1  }
0x64: {  	s0 =	simm.s32 @!p0 $0x3  }
0x65: {  	_ =	swait.ge @!p0 [sflag:s0], s1  }
0x66: {  	s1 =	ssub.s32 @!p0 $0x0, s1;
	[sflag:s0] =	ssyncset.done @!p0 $0x0  }
0x67: {  	[sflag:s0] =	ssyncadd.s32 @!p0 s1  }
0x68: {  	[bflag:$0x3] =	sbarrier.arrive $0xFFFF  }
0x69: {  	_ =	shalt  }

// kernel: kernel.40.cloned.1.call-start
scs
__scs_entry_jumppad:
0x0: {  	(pc) =	sbr.rel $0x88, $3  }
0x1: {  	(tag) =	ssettag $0x0;
	lr =	simm.s32 $0x1  }
0x2: {  	[smem:$0x3F5E] =	sst lr;
	_ =	strace $0xD0000000  }
0x3: {  	_ = 	snop  }
0x4: {  	_ = 	snop  }
0x5: {  	_ = 	snop  }
0x6: {  	_ = 	snop  }
0x7: {  	_ = 	snop  }
__scs_overlays_trampoline_lowered:
0x8: {  	[smem:$0x3F6D] =	sst s0  }
0x9: {  	[smem:$0x3F6E] =	sst s1  }
0xa: {  	[smem:$0x3F6F] =	sst s2  }
0xb: {  	[smem:$0x3F70] =	sst s3  }
0xc: {  	[smem:$0x3F71] =	sst s4  }
0xd: {  	[smem:$0x3F72] =	sst s5  }
0xe: {  	[smem:$0x3F73] =	sst s6  }
0xf: {  	[smem:$0x3F74] =	sst s7  }
0x10: {  	[smem:$0x3F75] =	sst s8  }
0x11: {  	[smem:$0x3F76] =	sst s9;
	s0 =	simm.s32 @!p0 $0x0  }
0x12: {  	s1 =	sld [smem:$0x3F5C];
	s0 =	simm.s32 @p0 $0x1  }
0x13: {  	[smem:$0x3F77] =	sst s0;
	s0 =	simm.s32 @!p1 $0x0  }
0x14: {  	s2 =	sld [smem:$0x3F5B];
	s0 =	simm.s32 @p1 $0x1  }
0x15: {  	[smem:$0x3F78] =	sst s0;
	s0 =	simm.s32 @!p2 $0x0  }
0x16: {  	s3 =	sld [smem:$0x3FDB];
	s0 =	simm.s32 @p2 $0x1  }
0x17: {  	s4 =	simm.s32 $0x1BF5;
	[smem:$0x3F7A] =	sst s0  }
0x18: {  	s0 =	sld [smem:$0x3F5D];
	_ =	swait.ge [sflag:s4], $0x0  }
0x19: {  	s7 =	sld [smem:$0x3F5E]  }
0x1a: {  	s8 =	sadd.s32 $0xFFFFE003, lr  }
0x1b: {  	s9 =	sadd.s32 $0xFFFFFEF7, lr;
	s5 =	simm.s32 $0xFFFFFFFF;
	p2 =	slt.u32 s8, $0xFFFFF086  }
0x1c: {  	p1 =	slt.u32 s9, $0xF7A;
	s5 =	simm.s32 @!p2 $0x0  }
0x1d: {  	s5 =	simm.s32 @p1 $0x1;
	p0 =	seq.s32 s7, s2  }
0x1e: {  	s7 =	smul.u32 @!p0 $0xF7A, s2;
	p2 =	seq.s32 @!p0 s5, $0x0  }
0x1f: {  	s9 =	smul.u32 $0xF7A, s1;
	s8 =	simm.s32 @!p0 $0x1BF5;
	p2 =	por !p2, p0  }
0x20: {  	[sflag:s8] =	ssyncset.s32 @!p0 $0xFFFFF086;
	s6 =	sadd.s32 @!p0 s3, s7;
	s7 =	simm.s32 @!p0 $0x108  }
0x21: {  	s3 =	sadd.s32 s3, s9;
	s6 =	sadd.s32 @!p0 $0x88, s6;
	s7 =	simm.s32 @p2 $0x1082  }
0x22: {  	[simem:s7], [sflag:s8] =	dma.local @!p0 [hbm:s6], $0xF7A  }
0x23: {  	s9 =	sor.u32 $0xD0000000, s2;
	s6 =	simm.s32 $0x108;
	_ =	swait.ge @!p0 [sflag:s8], $0x0  }
0x24: {  	s3 =	sadd.s32 $0x88, s3;
	s6 =	simm.s32 @!p1 $0x1082;
	[sflag:s4] =	ssyncset.s32 $0xFFFFF086  }
0x25: {  	[simem:s6], [sflag:s4] =	dma.local [hbm:s3], $0xF7A  }
0x26: {  	[smem:$0x3F5E] =	sst s1;
	(tag) =	ssettag s2;
	_ =	strace s9  }
0x27: {  	s1 =	sld [smem:$0x3F6E]  }
0x28: {  	s2 =	sld [smem:$0x3F6F]  }
0x29: {  	s4 =	sld [smem:$0x3F71]  }
0x2a: {  	p0 =	seq.s32 s5, $0x0;
	s5 =	sld [smem:$0x3F72]  }
0x2b: {  	s6 =	sld [smem:$0x3F73]  }
0x2c: {  	s7 =	sld [smem:$0x3F74]  }
0x2d: {  	s3 =	simm.s32 $0x108;
	s8 =	sld [smem:$0x3F75]  }
0x2e: {  	s3 =	simm.s32 @!p0 $0x1082;
	s9 =	sld [smem:$0x3F76]  }
0x2f: {  	lr =	sadd.s32 s0, s3;
	s0 =	sld [smem:$0x3F6D]  }
0x30: {  	s3 =	sld [smem:$0x3F70]  }
0x31: {  	[smem:$0x3F79] =	sst s10  }
0x32: {  	s10 =	sld [smem:$0x3F77];
	_ =	sdelay $0x3  }
0x33: {  	p0 =	seq.s32 s10, $0x1;
	s10 =	sld [smem:$0x3F79];
	_ =	sdelay $0x3  }
0x34: {  	[smem:$0x3F79] =	sst s10  }
0x35: {  	s10 =	sld [smem:$0x3F78];
	_ =	sdelay $0x3  }
0x36: {  	p1 =	seq.s32 s10, $0x1;
	s10 =	sld [smem:$0x3F79];
	_ =	sdelay $0x3  }
0x37: {  	[smem:$0x3F79] =	sst s10  }
0x38: {  	s10 =	sld [smem:$0x3F7A]  }
0x39: {  	_ = 	snop;
	(pc) =	sbr.ind lr, $3  }
0x3a: {  	_ = 	snop  }
0x3b: {  	_ = 	snop  }
0x3c: {  	p2 =	seq.s32 s10, $0x1;
	s10 =	sld [smem:$0x3F79]  }
0x3d: {  	_ =	shalt  }
0x3e: {  	_ =	shalt  }
0x3f: {  	_ =	shalt  }
0x40: {  	_ =	shalt  }
0x41: {  	_ =	shalt  }
0x42: {  	_ =	shalt  }
0x43: {  	_ =	shalt  }
0x44: {  	_ =	shalt  }
0x45: {  	_ =	shalt  }
0x46: {  	_ =	shalt  }
0x47: {  	_ =	shalt  }
0x48: {  	_ =	shalt  }
0x49: {  	_ =	shalt  }
0x4a: {  	_ =	shalt  }
0x4b: {  	_ =	shalt  }
0x4c: {  	_ =	shalt  }
0x4d: {  	_ =	shalt  }
0x4e: {  	_ =	shalt  }
0x4f: {  	_ =	shalt  }
0x50: {  	_ =	shalt  }
0x51: {  	_ =	shalt  }
0x52: {  	_ =	shalt  }
0x53: {  	_ =	shalt  }
0x54: {  	_ =	shalt  }
0x55: {  	_ =	shalt  }
0x56: {  	_ =	shalt  }
0x57: {  	_ =	shalt  }
0x58: {  	_ =	shalt  }
0x59: {  	_ =	shalt  }
0x5a: {  	_ =	shalt  }
0x5b: {  	_ =	shalt  }
0x5c: {  	_ =	shalt  }
0x5d: {  	_ =	shalt  }
0x5e: {  	_ =	shalt  }
0x5f: {  	_ =	shalt  }
0x60: {  	_ =	shalt  }
0x61: {  	_ =	shalt  }
0x62: {  	_ =	shalt  }
0x63: {  	_ =	shalt  }
0x64: {  	_ =	shalt  }
0x65: {  	_ =	shalt  }
0x66: {  	_ =	shalt  }
0x67: {  	_ =	shalt  }
0x68: {  	_ =	shalt  }
0x69: {  	_ =	shalt  }
0x6a: {  	_ =	shalt  }
0x6b: {  	_ =	shalt  }
0x6c: {  	_ =	shalt  }
0x6d: {  	_ =	shalt  }
0x6e: {  	_ =	shalt  }
0x6f: {  	_ =	shalt  }
0x70: {  	_ =	shalt  }
0x71: {  	_ =	shalt  }
0x72: {  	_ =	shalt  }
0x73: {  	_ =	shalt  }
0x74: {  	_ =	shalt  }
0x75: {  	_ =	shalt  }
0x76: {  	_ =	shalt  }
0x77: {  	_ =	shalt  }
0x78: {  	_ =	shalt  }
0x79: {  	_ =	shalt  }
0x7a: {  	_ =	shalt  }
0x7b: {  	_ =	shalt  }
0x7c: {  	_ =	shalt  }
0x7d: {  	_ =	shalt  }
0x7e: {  	_ =	shalt  }
0x7f: {  	_ =	shalt  }
0x80: {  	_ =	shalt  }
0x81: {  	_ =	shalt  }
0x82: {  	_ =	shalt  }
0x83: {  	_ =	shalt  }
0x84: {  	_ =	shalt  }
0x85: {  	_ =	shalt  }
0x86: {  	_ =	shalt  }
0x87: {  	_ =	shalt  }
.Lfunc_end0:
.L_simem_size_0:
called_computation.5_lowered:
.L_overlay_start_0:
0x88: {  	s2 =	sld [smem:$0x3FD9]  }
0x89: {  	s3 =	sld [smem:$0x3FFE];
	_ =	sdelay $0x1  }
0x8a: {  	s1 =	srdreg.scid  }
0x8b: {  	s0 =	sand.u32 $0x1, s1  }
0x8c: {  	s16 =	sshll.u32 s0, $0xA;
	s2 =	sadd.s32 s3, s2  }
0x8d: {  	s2 =	sadd.s32 s2, s16  }
0x8e: {  	[smem:$0x3F85] =	sst s2  }
0x8f: {  	_ = 	snop  }
0x90: {  	(tm) =	ssettm $0x1  }
0x91: {  	s17 =	sld [smem:$0x3FFB];
	_ =	sdelay $0x3  }
0x92: {  	_ =	strace s17  }
0x93: {  	s2 =	sld [smem:$0x3FFC];
	_ =	sdelay $0x3  }
0x94: {  	_ =	strace s2  }
0x95: {  	s2 =	sld [smem:$0x3FFD];
	_ =	sdelay $0x3  }
0x96: {  	_ =	strace s2  }
0x97: {  	_ =	strace $0x8FFFFFFF  }
0x98: {  	s18 =	sld [smem:$0x3FDB];
	_ =	sdelay $0x1  }
0x99: {  	s19 =	simm.s32 $_scs_section_size  }
0x9a: {  	s4 =	simm.s32 $_size__tile_overlayer_lowered;
	s5 =	simm.s32 $_tile_overlayer_lowered  }
0x9b: {  	s22 =	simm.s32 $0x1BFF;
	s21 =	sshll.u32 s5, $0x1;
	s2 =	sadd.s32 s19, s18  }
0x9c: {  	s6 =	simm.s32 $0x0;
	s20 =	sshll.u32 s4, $0x1;
	s4 =	sadd.s32 s21, s2  }
0x9d: {  	[timem:s6], [sflag:s22] =	dma.local [hbm:s4], s20  }
0x9e: {  	_ =	swait.ge [sflag:s22], s20  }
0x9f: {  	s3 =	ssub.s32 $0x0, s20;
	[sflag:s22] =	ssyncset.done $0x0  }
0xa0: {  	[sflag:s22] =	ssyncadd.s32 s3;
	_ =	sdelay $0x1  }
0xa1: {  	s23 =	simm.s32 $0x1B8B  }
0xa2: {  	_ =	swait.ge [sflag:s23], $0x1  }
0xa3: {  	[sflag:s23] =	ssyncset.done $0x0  }
0xa4: {  	s25 =	simm.s32 $0x1B8E;
	s24 =	sld [smem:$0x3FFE];
	[sflag:s23] =	ssyncadd.s32 $0xFFFFFFFF  }
0xa5: {  	s26 =	simm.s32 $execute0_lowered;
	[smem:$0x3FD2] =	sst s25  }
0xa6: {  	s4 =	sshll.u32 s26, $0x1;
	_ =	strace $0x80000055;
	[dreg:$0x1] =	wrdreg $0xFFFFFFFF  }
0xa7: {  	s28 =	simm.s32 $_size_execute0_lowered;
	s2 =	sadd.s32 s2, s4;
	[dreg:$0x0] =	wrdreg $0x0  }
0xa8: {  	s4 =	sshll.u32 s28, $0x1;
	[dreg:$0x2] =	wrdreg s2  }
0xa9: {  	[dreg:$0x3] =	wrdreg s4  }
0xaa: {  	[dreg:$0x4] =	wrdreg $0xC0  }
0xab: {  	_ =	task [dreg:s6], $0x5FFFF  }
0xac: {  	[dreg:$0x1] =	wrdreg $0xFFFFFFFF  }
0xad: {  	[dreg:$0x0] =	wrdreg $0x60  }
0xae: {  	[dreg:$0x2] =	wrdreg s24  }
0xaf: {  	[dreg:$0x3] =	wrdreg $0xA4800  }
0xb0: {  	[dreg:$0x4] =	wrdreg $0x9  }
0xb1: {  	_ =	task.clear_ibuf [dreg:s6], $0x5FFFF;
	_ =	strace $0x90000055  }
0xb2: {  	s29 =	simm.s32 $0x9;
	_ =	strace $0x80000057  }
0xb3: {  	_ =	swait.ge [sflag:s29], $0x1  }
0xb4: {  	[sflag:s29] =	ssyncadd.s32 $0xFFFFFFFF  }
0xb5: {  	_ =	strace $0x90000057  }
0xb6: {  	_ =	sfence  }
0xb7: {  	s30 =	sld [smem:$0x0];
	_ =	sdelay $0x2  }
0xb8: {  	s31 =	sshll.u32 s1, $0xD;
	s1 =	sshrl.u32 s1, $0x2  }
0xb9: {  	s3 =	sand.u32 $0x4000, s31;
	s1 =	sadd.s32 s1, s30  }
0xba: {  	s0 =	sor.u32 s3, s0;
	s1 =	sshll.u32 s1, $0x11  }
0xbb: {  	s0 =	sor.u32 s1, s0  }
0xbc: {  	s0 =	sadd.s32 $0x8F2B, s0  }
0xbd: {  	[sflag:s0] =	ssyncadd.remote.s32 $0x1  }
0xbe: {  	_ =	sfence.sel $0xFFFF  }
0xbf: {  	[dreg:$0x0] =	wrdreg $0xFFFFFFFF;
	(pc) =	sbr.abs _section_cstart, $3  }
0xc0: {  	[dreg:$0x1] =	wrdreg $0xFFFFFFFF  }
0xc1: {  	_ =	task.clear_ibuf [dreg:s6], $0x2FFFF;
	_ =	strace $0x9FFFFFFF  }
0xc2: {  	(tm) =	ssettm $0x7FFFFFFF  }
0xc3: {  	_ =	shalt  }
tec
execute0_lowered:
.L_overlay_start_1:
0x0: {  	(tag) =	ssettag $0x1  }
0x1: {  	s4 =	rddreg [dreg:$0x0]  }
0x2: {  	s1 =	rddreg [dreg:$0x1];
	s2 =	stileid.u32  }
0x3: {  	s5 =	srdreg.scid;
	s22 =	smul.u32 $0x19000, s2  }
0x4: {  	s0 =	rddreg [dreg:$0x2];
	s13 =	sand.u32 $0x1, s5;
	s12 =	smul.u32 $0x6400, s2  }
0x5: {  	s3 =	simm.s32 $0x0;
	s9 =	sor.u32 $0x10, s2;
	s17 =	smul.u32 $0x138800, s13  }
0x6: {  	[smem:$0x7FF] =	sst s3;
	s10 =	sor.u32 $0x20, s2;
	s23 =	smul.u32 $0x19000, s9  }
0x7: {  	s6 =	sshll.u32 s2, $0xC;
	s18 =	sor.u32 $0x30, s2;
	s8 =	smul.u32 $0x19000, s10  }
0x8: {  	s7 =	sshll.u32 s2, $0x5;
	s16 =	sadd.s32 $0x22C00, s4;
	s11 =	smul.u32 $0x19000, s18  }
0x9: {  	_ =	strace $0x80000056;
	s14 =	sadd.s32 s6, s4;
	s19 =	smul.u32 $0x6400, s9  }
0xa: {  	s15 =	sadd.s32 s7, s4;
	s5 =	ssub.s32 $0x2, s13;
	s10 =	smul.u32 $0x6400, s10  }
0xb: {  	s4 =	sshll.u32 s2, $0x1;
	s20 =	smul.u32 $0x6400, s18;
	s30 =	sshll.u32 s13, $0xB  }
0xc: {  	s31 =	sshll.u32 s13, $0x4;
	p0 =	sgt.u32 s18, $0x31;
	s18 =	simm.s32 $0x2  }
0xd: {  	s21 =	sshrl.u32 s5, $0x1;
	s6 =	sshrl.u32 s22, $0x2;
	s14 =	sadd.s32 s30, s14  }
0xe: {  	s15 =	sadd.s32 s31, s15;
	s5 =	ssub.s32 s5, s21;
	s6 =	sadd.s32 s6, s1  }
0xf: {  	s7 =	sshrl.u32 s23, $0x2;
	s8 =	sshrl.u32 s8, $0x2;
	s24 =	sshrl.u32 s11, $0x2  }
0x10: {  	s25 =	sadd.s32 s17, s12;
	s26 =	sadd.s32 s17, s19;
	s28 =	sadd.s32 s17, s10  }
0x11: {  	s17 =	sadd.s32 s17, s20;
	s14 =	sadd.s32 $0xA35000, s14;
	s15 =	sadd.s32 $0x18E00, s15  }
0x12: {  	s19 =	simm.s32 $0x0;
	s5 =	smax.u32 s5, $0x1;
	s7 =	sadd.s32 s7, s1  }
0x13: {  	s8 =	sadd.s32 s8, s1;
	s9 =	sadd.s32 s24, s1;
	s11 =	sshrl.u32 s25, $0x3  }
0x14: {  	s12 =	sshrl.u32 s26, $0x3;
	s29 =	sshrl.u32 s28, $0x3;
	s17 =	sshrl.u32 s17, $0x3  }
0x15: {  	s10 =	sadd.s32 s16, s11;
	s11 =	sadd.s32 s16, s12;
	s12 =	sadd.s32 s16, s29  }
0x16: {  	v0 =	vimm.f32 $0.0e+00;
	s13 =	sadd.s32 s16, s17;
	s16 =	simm.s32 $0x4080;
	s17 =	simm.s32 $0x1  }
.LBB2_1:
0x17: {  	s20 =	sand.u32 $0x1FE00, s3  }
0x18: {  	s21 =	sand.u32 $0x70, s3;
	s22 =	sshrl.u32 s20, $0x2  }
0x19: {  	s20 =	simm.s32 $0x40;
	s22 =	sor.u32 s21, s22;
	s21 =	simm.s32 $0x0  }
.LBB2_2:
0x1a: {  	p1 =	sne.s32 s20, $0x18FC0  }
0x1b: {  	[tilespmem:s22+$0x4080] =	vst v0;
	s21 =	sadd.s32 $0x10, s21;
	s22 =	smov.u32 s20;
	s20 =	sadd.s32 $0x40, s20  }
.Ltmp0:
0x1c: {  	(pc) =	sbr.rel @p1 .LBB2_2-.Ltmp0, $4  }
0x1d: {  	_ = 	snop  }
0x1e: {  	s22 =	sand.u32 $0x1FE00, s22  }
0x1f: {  	s23 =	sand.u32 $0x70, s21;
	s22 =	sshrl.u32 s22, $0x2  }
0x20: {  	s22 =	sor.u32 s23, s22  }
0x21: {  	[tilespmem:s22+$0x4080] =	vst v0  }
0x22: {  	[spmem:s6] =	stream.linear.scatter [tilespmem:s16], [sflag:$0x1], $0x6400, $0x38;
	[tilespmem:$0x1DD00] =	vst v63  }
0x23: {  	_ =	swait.ge [sflag:s17], $0x6400  }
0x24: {  	[sflag:s17] =	ssyncset.done $0x0  }
0x25: {  	[sflag:s17] =	ssyncadd.s32 $0xFFFF9C00  }
0x26: {  	[spmem:s7] =	stream.linear.scatter [tilespmem:s16], [sflag:$0x1], $0x6400, $0x38;
	[tilespmem:$0x1DD00] =	vst v63  }
0x27: {  	_ =	swait.ge [sflag:s17], $0x6400  }
0x28: {  	[sflag:s17] =	ssyncset.done $0x0  }
0x29: {  	[sflag:s17] =	ssyncadd.s32 $0xFFFF9C00  }
0x2a: {  	[spmem:s8] =	stream.linear.scatter [tilespmem:s16], [sflag:$0x1], $0x6400, $0x38;
	[tilespmem:$0x1DD00] =	vst v63  }
0x2b: {  	_ =	swait.ge [sflag:s17], $0x6400  }
0x2c: {  	[sflag:s17] =	ssyncset.done $0x0  }
0x2d: {  	s20 =	simm.s32 @!p0 $0x4080;
	[sflag:s17] =	ssyncadd.s32 $0xFFFF9C00  }
0x2e: {  	[spmem:s9] =	stream.linear.scatter @!p0 [tilespmem:s20], [sflag:$0x1], $0x6400, $0x38;
	[tilespmem:$0x1DD00] =	vst v63  }
0x2f: {  	s20 =	simm.s32 @!p0 $0x1  }
0x30: {  	_ =	swait.ge @!p0 [sflag:s20], $0x6400  }
0x31: {  	s21 =	sadd.s32 $0x0, s4;
	[sflag:s20] =	ssyncset.done @!p0 $0x0  }
0x32: {  	p1 =	sgt.u32 s21, $0x9C3;
	[sflag:s20] =	ssyncadd.s32 @!p0 $0xFFFF9C00  }
0x33: {  	s22 =	simm.s32 @!p1 $0x2;
	s20 =	simm.s32 @!p1 $0x0;
	[bflag:$0x0] =	sbarrier.arrive $0xFFFF  }
0x34: {  	[tilespmem:s20], [sflag:$0x2] =	stream.linear.gather @!p1 [hbm4b:s15+s20], $0x80, $0x38;
	[tilespmem:$0x1DD00] =	vst v63  }
0x35: {  	_ =	swait.ge @!p1 [sflag:s22], $0x80  }
0x36: {  	[sflag:s22] =	ssyncset.done @!p1 $0x0;
	p1 =	por p1, p1  }
0x37: {  	[sflag:s22] =	ssyncadd.s32 @!p1 $0xFFFFFF80;
	s24 =	simm.s32 @!p1 $0x80  }
0x38: {  	[tilespmem:s24], [sflag:$0x2] =	stream.linear.gather @!p1 [hbm4b:s14+s20], $0x4000, $0x38;
	[tilespmem:$0x1DD00] =	vst v63  }
0x39: {  	_ =	swait.ge @!p1 [sflag:s22], $0x4000  }
0x3a: {  	[sflag:s22] =	ssyncset.done @!p1 $0x0  }
0x3b: {  	s31 =	sadd.s32 $0x20, s4;
	s23 =	simm.s32 @!p1 $0x1;
	[sflag:s22] =	ssyncadd.s32 @!p1 $0xFFFFC000  }
0x3c: {  	[spmem:s1] =	stream.indirect.scatter.add.f32 @!p1 [tilespmem:s24], [sflag:$0x1], $0x80, s20, s24, $0xb8;
	[tilespmem:$0x1DD00] =	vst v63  }
0x3d: {  	s21 =	simm.s32 $0x40;
	p2 =	sgt.u32 s31, $0x9C3;
	_ =	swait.ge @!p1 [sflag:s23], $0x4000  }
0x3e: {  	s22 =	sadd.s32 $0x200, s15;
	s20 =	sadd.s32 $0x10000, s14;
	[sflag:s23] =	ssyncset.done @!p1 $0x0  }
.LBB2_4:
0x3f: {  	s24 =	simm.s32 @!p2 $0x0;
	s25 =	simm.s32 @!p2 $0x2;
	[sflag:s23] =	ssyncadd.s32 @!p1 $0xFFFFC000  }
0x40: {  	[tilespmem:s24], [sflag:$0x2] =	stream.linear.gather @!p2 [hbm4b:s22+s24], $0x80, $0x38;
	[tilespmem:$0x1DD00] =	vst v63  }
0x41: {  	s26 =	smov.u32 s21;
	s21 =	sadd.s32 $0x20, s21;
	_ =	swait.ge @!p2 [sflag:s25], $0x80  }
0x42: {  	p1 =	por p2, p2;
	p3 =	sne.s32 s21, $0x9E0;
	[sflag:s25] =	ssyncset.done @!p2 $0x0  }
0x43: {  	s28 =	simm.s32 @!p1 $0x80;
	[sflag:s25] =	ssyncadd.s32 @!p1 $0xFFFFFF80  }
0x44: {  	[tilespmem:s28], [sflag:$0x2] =	stream.linear.gather @!p1 [hbm4b:s20+s24], $0x4000, $0x38;
	[tilespmem:$0x1DD00] =	vst v63  }
0x45: {  	_ =	swait.ge @!p1 [sflag:s25], $0x4000  }
.Ltmp1:
0x46: {  	[sflag:s25] =	ssyncset.done @!p1 $0x0;
	(pc) =	sbr.rel @p3 .LBB2_4-.Ltmp1, $4  }
0x47: {  	s23 =	simm.s32 @!p1 $0x1;
	[sflag:s25] =	ssyncadd.s32 @!p1 $0xFFFFC000  }
0x48: {  	[spmem:s1] =	stream.indirect.scatter.add.f32 @!p1 [tilespmem:s28], [sflag:$0x1], $0x80, s24, s28, $0xb8;
	[tilespmem:$0x1DD00] =	vst v63  }
0x49: {  	s22 =	sadd.s32 $0x200, s22;
	s24 =	sadd.s32 s26, s4;
	_ =	swait.ge @!p1 [sflag:s23], $0x4000  }
0x4a: {  	s20 =	sadd.s32 $0x10000, s20;
	p2 =	sgt.u32 s24, $0x9C3;
	[sflag:s23] =	ssyncset.done @!p1 $0x0  }
0x4b: {  	s21 =	simm.s32 @!p2 $0x0;
	s24 =	simm.s32 @!p2 $0x2;
	[sflag:s23] =	ssyncadd.s32 @!p1 $0xFFFFC000  }
0x4c: {  	[tilespmem:s21], [sflag:$0x2] =	stream.linear.gather @!p2 [hbm4b:s22+s21], $0x80, $0x38;
	[tilespmem:$0x1DD00] =	vst v63  }
0x4d: {  	_ =	swait.ge @!p2 [sflag:s24], $0x80  }
0x4e: {  	p1 =	por p2, p2;
	[sflag:s24] =	ssyncset.done @!p2 $0x0  }
0x4f: {  	s22 =	simm.s32 @!p1 $0x80;
	[sflag:s24] =	ssyncadd.s32 @!p1 $0xFFFFFF80  }
0x50: {  	[tilespmem:s22], [sflag:$0x2] =	stream.linear.gather @!p1 [hbm4b:s20+s21], $0x4000, $0x38;
	[tilespmem:$0x1DD00] =	vst v63  }
0x51: {  	_ =	swait.ge @!p1 [sflag:s24], $0x4000  }
0x52: {  	[sflag:s24] =	ssyncset.done @!p1 $0x0  }
0x53: {  	s20 =	simm.s32 @!p1 $0x1;
	[sflag:s24] =	ssyncadd.s32 @!p1 $0xFFFFC000  }
0x54: {  	[spmem:s1] =	stream.indirect.scatter.add.f32 @!p1 [tilespmem:s22], [sflag:$0x1], $0x80, s21, s22, $0xb8;
	[tilespmem:$0x1DD00] =	vst v63  }
0x55: {  	_ =	swait.ge @!p1 [sflag:s20], $0x4000  }
0x56: {  	[sflag:s20] =	ssyncset.done @!p1 $0x0  }
0x57: {  	[sflag:s20] =	ssyncadd.s32 @!p1 $0xFFFFC000  }
0x58: {  	[bflag:$0x0] =	sbarrier.arrive $0xFFFF  }
0x59: {  	[tilespmem:s16], [sflag:$0x2] =	stream.linear.gather [spmem:s6], $0x6400, $0x38;
	[tilespmem:$0x1DD00] =	vst v63  }
0x5a: {  	_ =	swait.ge [sflag:s18], $0x6400  }
0x5b: {  	[sflag:s18] =	ssyncset.done $0x0  }
0x5c: {  	[sflag:s18] =	ssyncadd.s32 $0xFFFF9C00  }
0x5d: {  	[hbm4b:s10+s3] =	stream.linear.scatter [tilespmem:s16], [sflag:$0x1], $0x6400, $0x38;
	[tilespmem:$0x1DD00] =	vst v63  }
0x5e: {  	_ =	swait.ge [sflag:s17], $0x6400  }
0x5f: {  	[sflag:s17] =	ssyncset.done $0x0  }
0x60: {  	[sflag:s17] =	ssyncadd.s32 $0xFFFF9C00  }
0x61: {  	[tilespmem:s16], [sflag:$0x2] =	stream.linear.gather [spmem:s7], $0x6400, $0x38;
	[tilespmem:$0x1DD00] =	vst v63  }
0x62: {  	_ =	swait.ge [sflag:s18], $0x6400  }
0x63: {  	[sflag:s18] =	ssyncset.done $0x0  }
0x64: {  	[sflag:s18] =	ssyncadd.s32 $0xFFFF9C00  }
0x65: {  	[hbm4b:s11+s3] =	stream.linear.scatter [tilespmem:s16], [sflag:$0x1], $0x6400, $0x38;
	[tilespmem:$0x1DD00] =	vst v63  }
0x66: {  	_ =	swait.ge [sflag:s17], $0x6400  }
0x67: {  	[sflag:s17] =	ssyncset.done $0x0  }
0x68: {  	[sflag:s17] =	ssyncadd.s32 $0xFFFF9C00  }
0x69: {  	[tilespmem:s16], [sflag:$0x2] =	stream.linear.gather [spmem:s8], $0x6400, $0x38;
	[tilespmem:$0x1DD00] =	vst v63  }
0x6a: {  	_ =	swait.ge [sflag:s18], $0x6400  }
0x6b: {  	[sflag:s18] =	ssyncset.done $0x0  }
0x6c: {  	[sflag:s18] =	ssyncadd.s32 $0xFFFF9C00  }
0x6d: {  	[hbm4b:s12+s3] =	stream.linear.scatter [tilespmem:s16], [sflag:$0x1], $0x6400, $0x38;
	[tilespmem:$0x1DD00] =	vst v63  }
0x6e: {  	_ =	swait.ge [sflag:s17], $0x6400  }
0x6f: {  	[sflag:s17] =	ssyncset.done $0x0  }
0x70: {  	s21 =	simm.s32 @!p0 $0x2;
	s20 =	simm.s32 @!p0 $0x4080;
	[sflag:s17] =	ssyncadd.s32 $0xFFFF9C00  }
0x71: {  	[tilespmem:s20], [sflag:$0x2] =	stream.linear.gather @!p0 [spmem:s9], $0x6400, $0x38;
	[tilespmem:$0x1DD00] =	vst v63  }
0x72: {  	_ =	swait.ge @!p0 [sflag:s21], $0x6400  }
0x73: {  	s19 =	sadd.s32 $0x1, s19;
	[sflag:s21] =	ssyncset.done @!p0 $0x0  }
0x74: {  	p1 =	sne.s32 s19, s5;
	[sflag:s21] =	ssyncadd.s32 @!p0 $0xFFFF9C00;
	s21 =	simm.s32 @!p0 $0x0  }
0x75: {  	[hbm4b:s13+s21] =	stream.linear.scatter @!p0 [tilespmem:s20], [sflag:$0x1], $0x6400, $0x38;
	[tilespmem:$0x1DD00] =	vst v63  }
.Ltmp2:
0x76: {  	_ = 	snop;
	(pc) =	sbr.rel @p1 .LBB2_1-.Ltmp2, $4  }
0x77: {  	s20 =	simm.s32 @!p0 $0x1  }
0x78: {  	_ =	swait.ge @!p0 [sflag:s20], $0x6400  }
0x79: {  	[sflag:s20] =	ssyncset.done @!p0 $0x0  }
0x7a: {  	[sflag:s20] =	ssyncadd.s32 @!p0 $0xFFFF9C00  }
0x7b: {  	_ =	sfence.sel $0x180000  }
0x7c: {  	[bflag:$0x0] =	sbarrier.arrive $0xFFFF  }
0x7d: {  	p0 =	sne.s32 s2, $0x0;
	_ =	strace $0x90000056  }
0x7e: {  	s0 =	sadd.s32 @!p0 $0x100000, s0;
	[bflag:$0x2] =	sbarrier.arrive $0xFFFF  }
0x7f: {  	[sflag:s0] =	ssyncadd.tile.s32 @!p0 $0x1;
	_ =	shalt  }
.Lfunc_end2:
_tile_overlayer_lowered:
.L_overlay_start_2:
0x80: {  	(tag) =	ssettag $0x2  }
0x81: {  	s0 =	rddreg [dreg:$0x0];
	s2 =	stileid.u32  }
0x82: {  	s1 =	rddreg [dreg:$0x1];
	p0 =	sne.s32 s2, $0x0  }
0x83: {  	s3 =	rddreg [dreg:$0x2];
	[bflag:$0x3] =	sbarrier.arrive $0xFFFF;
	s2 =	simm.s32 @!p0 $0x1C01  }
0x84: {  	[timem:s3], [sflag:s2] =	dma.local @!p0 [hbm:s0], s1  }
0x85: {  	s0 =	simm.s32 @!p0 $0x1  }
0x86: {  	_ =	swait.ge @!p0 [sflag:s0], s1  }
0x87: {  	s1 =	ssub.s32 @!p0 $0x0, s1;
	[sflag:s0] =	ssyncset.done @!p0 $0x0  }
0x88: {  	[sflag:s0] =	ssyncadd.s32 @!p0 s1  }
0x89: {  	[bflag:$0x3] =	sbarrier.arrive $0xFFFF  }
0x8a: {  	_ =	shalt  }

// kernel: kernel.43.cloned.1.call-start
scs
__scs_entry_jumppad:
0x0: {  	(pc) =	sbr.rel $0x88, $3  }
0x1: {  	(tag) =	ssettag $0x0;
	lr =	simm.s32 $0x1  }
0x2: {  	[smem:$0x3F5E] =	sst lr;
	_ =	strace $0xD0000000  }
0x3: {  	_ = 	snop  }
0x4: {  	_ = 	snop  }
0x5: {  	_ = 	snop  }
0x6: {  	_ = 	snop  }
0x7: {  	_ = 	snop  }
__scs_overlays_trampoline_lowered:
0x8: {  	[smem:$0x3F6D] =	sst s0  }
0x9: {  	[smem:$0x3F6E] =	sst s1  }
0xa: {  	[smem:$0x3F6F] =	sst s2  }
0xb: {  	[smem:$0x3F70] =	sst s3  }
0xc: {  	[smem:$0x3F71] =	sst s4  }
0xd: {  	[smem:$0x3F72] =	sst s5  }
0xe: {  	[smem:$0x3F73] =	sst s6  }
0xf: {  	[smem:$0x3F74] =	sst s7  }
0x10: {  	[smem:$0x3F75] =	sst s8  }
0x11: {  	[smem:$0x3F76] =	sst s9;
	s0 =	simm.s32 @!p0 $0x0  }
0x12: {  	s1 =	sld [smem:$0x3F5C];
	s0 =	simm.s32 @p0 $0x1  }
0x13: {  	[smem:$0x3F77] =	sst s0;
	s0 =	simm.s32 @!p1 $0x0  }
0x14: {  	s2 =	sld [smem:$0x3F5B];
	s0 =	simm.s32 @p1 $0x1  }
0x15: {  	[smem:$0x3F78] =	sst s0;
	s0 =	simm.s32 @!p2 $0x0  }
0x16: {  	s3 =	sld [smem:$0x3FDB];
	s0 =	simm.s32 @p2 $0x1  }
0x17: {  	s4 =	simm.s32 $0x1BF5;
	[smem:$0x3F7A] =	sst s0  }
0x18: {  	s0 =	sld [smem:$0x3F5D];
	_ =	swait.ge [sflag:s4], $0x0  }
0x19: {  	s7 =	sld [smem:$0x3F5E]  }
0x1a: {  	s8 =	sadd.s32 $0xFFFFE003, lr  }
0x1b: {  	s9 =	sadd.s32 $0xFFFFFEF7, lr;
	s5 =	simm.s32 $0xFFFFFFFF;
	p2 =	slt.u32 s8, $0xFFFFF086  }
0x1c: {  	p1 =	slt.u32 s9, $0xF7A;
	s5 =	simm.s32 @!p2 $0x0  }
0x1d: {  	s5 =	simm.s32 @p1 $0x1;
	p0 =	seq.s32 s7, s2  }
0x1e: {  	s7 =	smul.u32 @!p0 $0xF7A, s2;
	p2 =	seq.s32 @!p0 s5, $0x0  }
0x1f: {  	s9 =	smul.u32 $0xF7A, s1;
	s8 =	simm.s32 @!p0 $0x1BF5;
	p2 =	por !p2, p0  }
0x20: {  	[sflag:s8] =	ssyncset.s32 @!p0 $0xFFFFF086;
	s6 =	sadd.s32 @!p0 s3, s7;
	s7 =	simm.s32 @!p0 $0x108  }
0x21: {  	s3 =	sadd.s32 s3, s9;
	s6 =	sadd.s32 @!p0 $0x88, s6;
	s7 =	simm.s32 @p2 $0x1082  }
0x22: {  	[simem:s7], [sflag:s8] =	dma.local @!p0 [hbm:s6], $0xF7A  }
0x23: {  	s9 =	sor.u32 $0xD0000000, s2;
	s6 =	simm.s32 $0x108;
	_ =	swait.ge @!p0 [sflag:s8], $0x0  }
0x24: {  	s3 =	sadd.s32 $0x88, s3;
	s6 =	simm.s32 @!p1 $0x1082;
	[sflag:s4] =	ssyncset.s32 $0xFFFFF086  }
0x25: {  	[simem:s6], [sflag:s4] =	dma.local [hbm:s3], $0xF7A  }
0x26: {  	[smem:$0x3F5E] =	sst s1;
	(tag) =	ssettag s2;
	_ =	strace s9  }
0x27: {  	s1 =	sld [smem:$0x3F6E]  }
0x28: {  	s2 =	sld [smem:$0x3F6F]  }
0x29: {  	s4 =	sld [smem:$0x3F71]  }
0x2a: {  	p0 =	seq.s32 s5, $0x0;
	s5 =	sld [smem:$0x3F72]  }
0x2b: {  	s6 =	sld [smem:$0x3F73]  }
0x2c: {  	s7 =	sld [smem:$0x3F74]  }
0x2d: {  	s3 =	simm.s32 $0x108;
	s8 =	sld [smem:$0x3F75]  }
0x2e: {  	s3 =	simm.s32 @!p0 $0x1082;
	s9 =	sld [smem:$0x3F76]  }
0x2f: {  	lr =	sadd.s32 s0, s3;
	s0 =	sld [smem:$0x3F6D]  }
0x30: {  	s3 =	sld [smem:$0x3F70]  }
0x31: {  	[smem:$0x3F79] =	sst s10  }
0x32: {  	s10 =	sld [smem:$0x3F77];
	_ =	sdelay $0x3  }
0x33: {  	p0 =	seq.s32 s10, $0x1;
	s10 =	sld [smem:$0x3F79];
	_ =	sdelay $0x3  }
0x34: {  	[smem:$0x3F79] =	sst s10  }
0x35: {  	s10 =	sld [smem:$0x3F78];
	_ =	sdelay $0x3  }
0x36: {  	p1 =	seq.s32 s10, $0x1;
	s10 =	sld [smem:$0x3F79];
	_ =	sdelay $0x3  }
0x37: {  	[smem:$0x3F79] =	sst s10  }
0x38: {  	s10 =	sld [smem:$0x3F7A]  }
0x39: {  	_ = 	snop;
	(pc) =	sbr.ind lr, $3  }
0x3a: {  	_ = 	snop  }
0x3b: {  	_ = 	snop  }
0x3c: {  	p2 =	seq.s32 s10, $0x1;
	s10 =	sld [smem:$0x3F79]  }
0x3d: {  	_ =	shalt  }
0x3e: {  	_ =	shalt  }
0x3f: {  	_ =	shalt  }
0x40: {  	_ =	shalt  }
0x41: {  	_ =	shalt  }
0x42: {  	_ =	shalt  }
0x43: {  	_ =	shalt  }
0x44: {  	_ =	shalt  }
0x45: {  	_ =	shalt  }
0x46: {  	_ =	shalt  }
0x47: {  	_ =	shalt  }
0x48: {  	_ =	shalt  }
0x49: {  	_ =	shalt  }
0x4a: {  	_ =	shalt  }
0x4b: {  	_ =	shalt  }
0x4c: {  	_ =	shalt  }
0x4d: {  	_ =	shalt  }
0x4e: {  	_ =	shalt  }
0x4f: {  	_ =	shalt  }
0x50: {  	_ =	shalt  }
0x51: {  	_ =	shalt  }
0x52: {  	_ =	shalt  }
0x53: {  	_ =	shalt  }
0x54: {  	_ =	shalt  }
0x55: {  	_ =	shalt  }
0x56: {  	_ =	shalt  }
0x57: {  	_ =	shalt  }
0x58: {  	_ =	shalt  }
0x59: {  	_ =	shalt  }
0x5a: {  	_ =	shalt  }
0x5b: {  	_ =	shalt  }
0x5c: {  	_ =	shalt  }
0x5d: {  	_ =	shalt  }
0x5e: {  	_ =	shalt  }
0x5f: {  	_ =	shalt  }
0x60: {  	_ =	shalt  }
0x61: {  	_ =	shalt  }
0x62: {  	_ =	shalt  }
0x63: {  	_ =	shalt  }
0x64: {  	_ =	shalt  }
0x65: {  	_ =	shalt  }
0x66: {  	_ =	shalt  }
0x67: {  	_ =	shalt  }
0x68: {  	_ =	shalt  }
0x69: {  	_ =	shalt  }
0x6a: {  	_ =	shalt  }
0x6b: {  	_ =	shalt  }
0x6c: {  	_ =	shalt  }
0x6d: {  	_ =	shalt  }
0x6e: {  	_ =	shalt  }
0x6f: {  	_ =	shalt  }
0x70: {  	_ =	shalt  }
0x71: {  	_ =	shalt  }
0x72: {  	_ =	shalt  }
0x73: {  	_ =	shalt  }
0x74: {  	_ =	shalt  }
0x75: {  	_ =	shalt  }
0x76: {  	_ =	shalt  }
0x77: {  	_ =	shalt  }
0x78: {  	_ =	shalt  }
0x79: {  	_ =	shalt  }
0x7a: {  	_ =	shalt  }
0x7b: {  	_ =	shalt  }
0x7c: {  	_ =	shalt  }
0x7d: {  	_ =	shalt  }
0x7e: {  	_ =	shalt  }
0x7f: {  	_ =	shalt  }
0x80: {  	_ =	shalt  }
0x81: {  	_ =	shalt  }
0x82: {  	_ =	shalt  }
0x83: {  	_ =	shalt  }
0x84: {  	_ =	shalt  }
0x85: {  	_ =	shalt  }
0x86: {  	_ =	shalt  }
0x87: {  	_ =	shalt  }
.Lfunc_end0:
.L_simem_size_0:
called_computation.6_lowered:
.L_overlay_start_0:
0x88: {  	s2 =	sld [smem:$0x3FD9]  }
0x89: {  	s3 =	sld [smem:$0x3FFE];
	_ =	sdelay $0x1  }
0x8a: {  	s1 =	srdreg.scid  }
0x8b: {  	s0 =	sand.u32 $0x1, s1  }
0x8c: {  	s16 =	sshll.u32 s0, $0xA;
	s2 =	sadd.s32 s3, s2  }
0x8d: {  	s2 =	sadd.s32 s2, s16  }
0x8e: {  	[smem:$0x3F85] =	sst s2  }
0x8f: {  	_ = 	snop  }
0x90: {  	(tm) =	ssettm $0x1  }
0x91: {  	s17 =	sld [smem:$0x3FFB];
	_ =	sdelay $0x3  }
0x92: {  	_ =	strace s17  }
0x93: {  	s2 =	sld [smem:$0x3FFC];
	_ =	sdelay $0x3  }
0x94: {  	_ =	strace s2  }
0x95: {  	s2 =	sld [smem:$0x3FFD];
	_ =	sdelay $0x3  }
0x96: {  	_ =	strace s2  }
0x97: {  	_ =	strace $0x8FFFFFFF  }
0x98: {  	s18 =	sld [smem:$0x3FDB];
	_ =	sdelay $0x1  }
0x99: {  	s19 =	simm.s32 $_scs_section_size  }
0x9a: {  	s4 =	simm.s32 $_size__tile_overlayer_lowered;
	s5 =	simm.s32 $_tile_overlayer_lowered  }
0x9b: {  	s22 =	simm.s32 $0x1BFF;
	s21 =	sshll.u32 s5, $0x1;
	s2 =	sadd.s32 s19, s18  }
0x9c: {  	s6 =	simm.s32 $0x0;
	s20 =	sshll.u32 s4, $0x1;
	s4 =	sadd.s32 s21, s2  }
0x9d: {  	[timem:s6], [sflag:s22] =	dma.local [hbm:s4], s20  }
0x9e: {  	_ =	swait.ge [sflag:s22], s20  }
0x9f: {  	s3 =	ssub.s32 $0x0, s20;
	[sflag:s22] =	ssyncset.done $0x0  }
0xa0: {  	[sflag:s22] =	ssyncadd.s32 s3;
	_ =	sdelay $0x1  }
0xa1: {  	s23 =	simm.s32 $0x1B8B  }
0xa2: {  	_ =	swait.ge [sflag:s23], $0x1  }
0xa3: {  	[sflag:s23] =	ssyncset.done $0x0  }
0xa4: {  	s25 =	simm.s32 $0x1B8E;
	s24 =	sld [smem:$0x3FFE];
	[sflag:s23] =	ssyncadd.s32 $0xFFFFFFFF  }
0xa5: {  	s26 =	simm.s32 $execute0_lowered;
	[smem:$0x3FD2] =	sst s25  }
0xa6: {  	s4 =	sshll.u32 s26, $0x1;
	_ =	strace $0x80000058;
	[dreg:$0x1] =	wrdreg $0xFFFFFFFF  }
0xa7: {  	s28 =	simm.s32 $_size_execute0_lowered;
	s2 =	sadd.s32 s2, s4;
	[dreg:$0x0] =	wrdreg $0x0  }
0xa8: {  	s4 =	sshll.u32 s28, $0x1;
	[dreg:$0x2] =	wrdreg s2  }
0xa9: {  	[dreg:$0x3] =	wrdreg s4  }
0xaa: {  	[dreg:$0x4] =	wrdreg $0xC0  }
0xab: {  	_ =	task [dreg:s6], $0x5FFFF  }
0xac: {  	[dreg:$0x1] =	wrdreg $0xFFFFFFFF  }
0xad: {  	[dreg:$0x0] =	wrdreg $0x60  }
0xae: {  	[dreg:$0x2] =	wrdreg s24  }
0xaf: {  	[dreg:$0x3] =	wrdreg $0x9  }
0xb0: {  	_ =	task.clear_ibuf [dreg:s6], $0x4FFFF;
	_ =	strace $0x90000058  }
0xb1: {  	s29 =	simm.s32 $0x9;
	_ =	strace $0x8000005A  }
0xb2: {  	_ =	swait.ge [sflag:s29], $0x1  }
0xb3: {  	[sflag:s29] =	ssyncadd.s32 $0xFFFFFFFF  }
0xb4: {  	_ =	strace $0x9000005A  }
0xb5: {  	_ =	sfence  }
0xb6: {  	s30 =	sld [smem:$0x0];
	_ =	sdelay $0x2  }
0xb7: {  	s31 =	sshll.u32 s1, $0xD;
	s1 =	sshrl.u32 s1, $0x2  }
0xb8: {  	s3 =	sand.u32 $0x4000, s31;
	s1 =	sadd.s32 s1, s30  }
0xb9: {  	s0 =	sor.u32 s3, s0;
	s1 =	sshll.u32 s1, $0x11  }
0xba: {  	s0 =	sor.u32 s1, s0  }
0xbb: {  	s0 =	sadd.s32 $0x8F2B, s0  }
0xbc: {  	[sflag:s0] =	ssyncadd.remote.s32 $0x1  }
0xbd: {  	_ =	sfence.sel $0xFFFF  }
0xbe: {  	[dreg:$0x0] =	wrdreg $0xFFFFFFFF;
	(pc) =	sbr.abs _section_cstart, $3  }
0xbf: {  	[dreg:$0x1] =	wrdreg $0xFFFFFFFF  }
0xc0: {  	_ =	task.clear_ibuf [dreg:s6], $0x2FFFF;
	_ =	strace $0x9FFFFFFF  }
0xc1: {  	(tm) =	ssettm $0x7FFFFFFF  }
tec
execute0_lowered:
.L_overlay_start_1:
0x0: {  	(tag) =	ssettag $0x1  }
0x1: {  	s5 =	rddreg [dreg:$0x0]  }
0x2: {  	s0 =	rddreg [dreg:$0x1];
	s1 =	simm.s32 $0x0;
	s4 =	srdreg.scid  }
0x3: {  	s2 =	stileid.u32;
	[smem:$0x7FF] =	sst s1  }
0x4: {  	s3 =	sadd.s32 $0x49E00, s5;
	s6 =	sand.u32 $0x1, s4;
	s4 =	sadd.s32 $0x22C00, s5  }
0x5: {  	s7 =	sshll.u32 s2, $0x5;
	s9 =	sshll.u32 s2, $0xC;
	_ =	strace $0x80000059  }
0x6: {  	s8 =	ssub.s32 $0x2, s6;
	s7 =	sadd.s32 s7, s5;
	s9 =	sadd.s32 s9, s5  }
0x7: {  	s31 =	sshll.u32 s6, $0x4;
	s11 =	sshll.u32 s6, $0xB;
	s10 =	sshrl.u32 s8, $0x1  }
0x8: {  	s5 =	sshll.u32 s2, $0x1;
	s11 =	sadd.s32 s11, s9;
	s8 =	ssub.s32 s8, s10  }
0x9: {  	s10 =	sadd.s32 s31, s7;
	s9 =	sadd.s32 $0x553000, s11;
	s6 =	smax.u32 s8, $0x1  }
0xa: {  	s7 =	sadd.s32 $0x18E00, s10;
	s8 =	sadd.s32 $0xF000, s10;
	s10 =	sadd.s32 $0x71000, s11  }
.LBB2_1:
0xb: {  	p0 =	sgt.u32 s5, $0x9C3  }
0xc: {  	s11 =	sadd.s32 @!p0 $0x0, s8;
	s12 =	simm.s32 @!p0 $0x0;
	s15 =	simm.s32 @!p0 $0x4  }
0xd: {  	[tilespmem:s12], [sflag:$0x4] =	stream.linear.gather @!p0 [hbm4b:s11+s12], $0x80, $0x38;
	[tilespmem:$0x8100] =	vst v63  }
0xe: {  	_ =	swait.ge @!p0 [sflag:s15], $0x80;
	p0 =	por p0, p0  }
0xf: {  	[sflag:s15] =	ssyncset.done @!p0 $0x0  }
0x10: {  	s11 =	sadd.s32 @!p0 $0x0, s7;
	s13 =	simm.s32 @!p0 $0x80;
	[sflag:s15] =	ssyncadd.s32 @!p0 $0xFFFFFF80  }
0x11: {  	[tilespmem:s13], [sflag:$0x4] =	stream.linear.gather @!p0 [hbm4b:s11+s12], $0x80, $0x38;
	[tilespmem:$0x8100] =	vst v63  }
0x12: {  	_ =	swait.ge @!p0 [sflag:s15], $0x80  }
0x13: {  	[sflag:s15] =	ssyncset.done @!p0 $0x0  }
0x14: {  	s11 =	simm.s32 @!p0 $0x100;
	[sflag:s15] =	ssyncadd.s32 @!p0 $0xFFFFFF80  }
0x15: {  	[tilespmem:s11], [sflag:$0x1] =	stream.indirect.gather @!p0 [hbm4b:s3+s13], $0x80, s12, s13, $0xb8;
	[tilespmem:$0x8100] =	vst v63  }
0x16: {  	s16 =	simm.s32 @!p0 $0x4100;
	s14 =	simm.s32 @!p0 $0x1  }
0x17: {  	[tilespmem:s16], [sflag:$0x2] =	stream.indirect.gather @!p0 [hbm4b:s4+s13], $0x80, s13, s13, $0xb8;
	[tilespmem:$0x8100] =	vst v63  }
0x18: {  	_ =	swait.ge @!p0 [sflag:s14], $0x4000  }
0x19: {  	[sflag:s14] =	ssyncset.done @!p0 $0x0  }
0x1a: {  	s13 =	simm.s32 @!p0 $0x2;
	[sflag:s14] =	ssyncadd.s32 @!p0 $0xFFFFC000  }
0x1b: {  	_ =	swait.ge @!p0 [sflag:s13], $0x4000  }
0x1c: {  	[sflag:s13] =	ssyncset.done @!p0 $0x0  }
0x1d: {  	[sflag:s13] =	ssyncadd.s32 @!p0 $0xFFFFC000  }
0x1e: {  	[hbm4b:s10+s12] =	stream.linear.scatter @!p0 [tilespmem:s11], [sflag:$0x4], $0x4000, $0x38;
	[tilespmem:$0x8100] =	vst v63  }
0x1f: {  	_ =	swait.ge @!p0 [sflag:s15], $0x4000  }
0x20: {  	[sflag:s15] =	ssyncset.done @!p0 $0x0  }
0x21: {  	s14 =	simm.s32 $0x400;
	s13 =	simm.s32 $0x200;
	[sflag:s15] =	ssyncadd.s32 @!p0 $0xFFFFC000  }
0x22: {  	[hbm4b:s9+s12] =	stream.linear.scatter @!p0 [tilespmem:s16], [sflag:$0x3], $0x4000, $0x38;
	[tilespmem:$0x8100] =	vst v63  }
0x23: {  	s11 =	sadd.s32 $0x10000, s10;
	s15 =	sadd.s32 $0x20, s5;
	s16 =	simm.s32 @!p0 $0x3  }
0x24: {  	p2 =	sgt.u32 s15, $0x9C3;
	s12 =	sadd.s32 $0x10000, s9;
	_ =	swait.ge @!p0 [sflag:s16], $0x4000  }
.LBB2_2:
0x25: {  	s17 =	sadd.s32 @!p2 s13, s8  }
0x26: {  	s18 =	simm.s32 @!p2 $0x0;
	[sflag:s16] =	ssyncset.done @!p0 $0x0;
	s19 =	smov.u32 s14  }
0x27: {  	s14 =	sadd.s32 $0x200, s14;
	s20 =	simm.s32 @!p2 $0x4;
	[sflag:s16] =	ssyncadd.s32 @!p0 $0xFFFFC000  }
0x28: {  	[tilespmem:s18], [sflag:$0x4] =	stream.linear.gather @!p2 [hbm4b:s17+s18], $0x80, $0x38;
	[tilespmem:$0x8100] =	vst v63  }
0x29: {  	p1 =	sne.s32 s14, $0x9E00;
	p0 =	por p2, p2;
	_ =	swait.ge @!p2 [sflag:s20], $0x80  }
0x2a: {  	[sflag:s20] =	ssyncset.done @!p0 $0x0  }
0x2b: {  	s13 =	sadd.s32 @!p0 s13, s7;
	s16 =	simm.s32 @!p0 $0x80;
	[sflag:s20] =	ssyncadd.s32 @!p0 $0xFFFFFF80  }
0x2c: {  	[tilespmem:s16], [sflag:$0x4] =	stream.linear.gather @!p0 [hbm4b:s13+s18], $0x80, $0x38;
	[tilespmem:$0x8100] =	vst v63  }
0x2d: {  	s13 =	smov.u32 s19;
	_ =	swait.ge @!p0 [sflag:s20], $0x80  }
0x2e: {  	[sflag:s20] =	ssyncset.done @!p0 $0x0  }
0x2f: {  	s17 =	simm.s32 @!p0 $0x100;
	[sflag:s20] =	ssyncadd.s32 @!p0 $0xFFFFFF80  }
0x30: {  	[tilespmem:s17], [sflag:$0x1] =	stream.indirect.gather @!p0 [hbm4b:s3+s16], $0x80, s18, s16, $0xb8;
	[tilespmem:$0x8100] =	vst v63  }
0x31: {  	s21 =	simm.s32 @!p0 $0x1;
	s19 =	simm.s32 @!p0 $0x4100  }
0x32: {  	[tilespmem:s19], [sflag:$0x2] =	stream.indirect.gather @!p0 [hbm4b:s4+s16], $0x80, s16, s16, $0xb8;
	[tilespmem:$0x8100] =	vst v63  }
0x33: {  	_ =	swait.ge @!p0 [sflag:s21], $0x4000  }
0x34: {  	[sflag:s21] =	ssyncset.done @!p0 $0x0  }
0x35: {  	s16 =	simm.s32 @!p0 $0x2;
	[sflag:s21] =	ssyncadd.s32 @!p0 $0xFFFFC000  }
0x36: {  	_ =	swait.ge @!p0 [sflag:s16], $0x4000  }
0x37: {  	[sflag:s16] =	ssyncset.done @!p0 $0x0  }
0x38: {  	[sflag:s16] =	ssyncadd.s32 @!p0 $0xFFFFC000  }
0x39: {  	[hbm4b:s11+s18] =	stream.linear.scatter @!p0 [tilespmem:s17], [sflag:$0x4], $0x4000, $0x38;
	[tilespmem:$0x8100] =	vst v63  }
.Ltmp0:
0x3a: {  	_ =	swait.ge @!p0 [sflag:s20], $0x4000;
	(pc) =	sbr.rel @p1 .LBB2_2-.Ltmp0, $4  }
0x3b: {  	s11 =	sadd.s32 $0x10000, s11;
	[sflag:s20] =	ssyncset.done @!p0 $0x0  }
0x3c: {  	s15 =	sadd.s32 $0x20, s15;
	s16 =	simm.s32 @!p0 $0x3;
	[sflag:s20] =	ssyncadd.s32 @!p0 $0xFFFFC000  }
0x3d: {  	[hbm4b:s12+s18] =	stream.linear.scatter @!p0 [tilespmem:s19], [sflag:$0x3], $0x4000, $0x38;
	[tilespmem:$0x8100] =	vst v63  }
0x3e: {  	p2 =	sgt.u32 s15, $0x9C3;
	s12 =	sadd.s32 $0x10000, s12;
	_ =	swait.ge @!p0 [sflag:s16], $0x4000  }
0x3f: {  	s14 =	sadd.s32 @!p2 s13, s8;
	[sflag:s16] =	ssyncset.done @!p0 $0x0  }
0x40: {  	s15 =	simm.s32 @!p2 $0x0;
	s17 =	simm.s32 @!p2 $0x4;
	[sflag:s16] =	ssyncadd.s32 @!p0 $0xFFFFC000  }
0x41: {  	[tilespmem:s15], [sflag:$0x4] =	stream.linear.gather @!p2 [hbm4b:s14+s15], $0x80, $0x38;
	[tilespmem:$0x8100] =	vst v63  }
0x42: {  	p0 =	por p2, p2;
	_ =	swait.ge @!p2 [sflag:s17], $0x80  }
0x43: {  	[sflag:s17] =	ssyncset.done @!p0 $0x0  }
0x44: {  	s13 =	sadd.s32 @!p0 s13, s7;
	s14 =	simm.s32 @!p0 $0x80;
	[sflag:s17] =	ssyncadd.s32 @!p0 $0xFFFFFF80  }
0x45: {  	[tilespmem:s14], [sflag:$0x4] =	stream.linear.gather @!p0 [hbm4b:s13+s15], $0x80, $0x38;
	[tilespmem:$0x8100] =	vst v63  }
0x46: {  	_ =	swait.ge @!p0 [sflag:s17], $0x80  }
0x47: {  	[sflag:s17] =	ssyncset.done @!p0 $0x0  }
0x48: {  	s13 =	simm.s32 @!p0 $0x100;
	[sflag:s17] =	ssyncadd.s32 @!p0 $0xFFFFFF80  }
0x49: {  	[tilespmem:s13], [sflag:$0x1] =	stream.indirect.gather @!p0 [hbm4b:s3+s14], $0x80, s15, s14, $0xb8;
	[tilespmem:$0x8100] =	vst v63  }
0x4a: {  	s16 =	simm.s32 @!p0 $0x4100;
	s18 =	simm.s32 @!p0 $0x1  }
0x4b: {  	[tilespmem:s16], [sflag:$0x2] =	stream.indirect.gather @!p0 [hbm4b:s4+s14], $0x80, s14, s14, $0xb8;
	[tilespmem:$0x8100] =	vst v63  }
0x4c: {  	_ =	swait.ge @!p0 [sflag:s18], $0x4000  }
0x4d: {  	[sflag:s18] =	ssyncset.done @!p0 $0x0  }
0x4e: {  	s14 =	simm.s32 @!p0 $0x2;
	[sflag:s18] =	ssyncadd.s32 @!p0 $0xFFFFC000  }
0x4f: {  	_ =	swait.ge @!p0 [sflag:s14], $0x4000  }
0x50: {  	[sflag:s14] =	ssyncset.done @!p0 $0x0  }
0x51: {  	[sflag:s14] =	ssyncadd.s32 @!p0 $0xFFFFC000  }
0x52: {  	[hbm4b:s11+s15] =	stream.linear.scatter @!p0 [tilespmem:s13], [sflag:$0x4], $0x4000, $0x38;
	[tilespmem:$0x8100] =	vst v63  }
0x53: {  	s1 =	sadd.s32 $0x1, s1;
	_ =	swait.ge @!p0 [sflag:s17], $0x4000  }
0x54: {  	p1 =	sne.s32 s1, s6;
	[sflag:s17] =	ssyncset.done @!p0 $0x0  }
.Ltmp1:
0x55: {  	s11 =	simm.s32 @!p0 $0x3;
	[sflag:s17] =	ssyncadd.s32 @!p0 $0xFFFFC000;
	(pc) =	sbr.rel @p1 .LBB2_1-.Ltmp1, $4  }
0x56: {  	[hbm4b:s12+s15] =	stream.linear.scatter @!p0 [tilespmem:s16], [sflag:$0x3], $0x4000, $0x38;
	[tilespmem:$0x8100] =	vst v63  }
0x57: {  	_ =	swait.ge @!p0 [sflag:s11], $0x4000  }
0x58: {  	[sflag:s11] =	ssyncset.done @!p0 $0x0  }
0x59: {  	[sflag:s11] =	ssyncadd.s32 @!p0 $0xFFFFC000  }
0x5a: {  	_ =	sfence.sel $0x180000  }
0x5b: {  	[bflag:$0x0] =	sbarrier.arrive $0xFFFF  }
0x5c: {  	p0 =	sne.s32 s2, $0x0;
	_ =	strace $0x90000059  }
0x5d: {  	s0 =	sadd.s32 @!p0 $0x100000, s0;
	[bflag:$0x2] =	sbarrier.arrive $0xFFFF  }
0x5e: {  	[sflag:s0] =	ssyncadd.tile.s32 @!p0 $0x1;
	_ =	shalt  }
.Lfunc_end2:
_tile_overlayer_lowered:
.L_overlay_start_2:
0x5f: {  	(tag) =	ssettag $0x2  }
0x60: {  	s0 =	rddreg [dreg:$0x0];
	s2 =	stileid.u32  }
0x61: {  	s1 =	rddreg [dreg:$0x1];
	p0 =	sne.s32 s2, $0x0  }
0x62: {  	s3 =	rddreg [dreg:$0x2];
	[bflag:$0x3] =	sbarrier.arrive $0xFFFF;
	s2 =	simm.s32 @!p0 $0x1C03  }
0x63: {  	[timem:s3], [sflag:s2] =	dma.local @!p0 [hbm:s0], s1  }
0x64: {  	s0 =	simm.s32 @!p0 $0x3  }
0x65: {  	_ =	swait.ge @!p0 [sflag:s0], s1  }
0x66: {  	s1 =	ssub.s32 @!p0 $0x0, s1;
	[sflag:s0] =	ssyncset.done @!p0 $0x0  }
0x67: {  	[sflag:s0] =	ssyncadd.s32 @!p0 s1  }
0x68: {  	[bflag:$0x3] =	sbarrier.arrive $0xFFFF  }
0x69: {  	_ =	shalt  }

// kernel: kernel.46.cloned.1.call-start
scs
__scs_entry_jumppad:
0x0: {  	(pc) =	sbr.rel $0x88, $3  }
0x1: {  	(tag) =	ssettag $0x0;
	lr =	simm.s32 $0x1  }
0x2: {  	[smem:$0x3F5E] =	sst lr;
	_ =	strace $0xD0000000  }
0x3: {  	_ = 	snop  }
0x4: {  	_ = 	snop  }
0x5: {  	_ = 	snop  }
0x6: {  	_ = 	snop  }
0x7: {  	_ = 	snop  }
__scs_overlays_trampoline_lowered:
0x8: {  	[smem:$0x3F6D] =	sst s0  }
0x9: {  	[smem:$0x3F6E] =	sst s1  }
0xa: {  	[smem:$0x3F6F] =	sst s2  }
0xb: {  	[smem:$0x3F70] =	sst s3  }
0xc: {  	[smem:$0x3F71] =	sst s4  }
0xd: {  	[smem:$0x3F72] =	sst s5  }
0xe: {  	[smem:$0x3F73] =	sst s6  }
0xf: {  	[smem:$0x3F74] =	sst s7  }
0x10: {  	[smem:$0x3F75] =	sst s8  }
0x11: {  	[smem:$0x3F76] =	sst s9;
	s0 =	simm.s32 @!p0 $0x0  }
0x12: {  	s1 =	sld [smem:$0x3F5C];
	s0 =	simm.s32 @p0 $0x1  }
0x13: {  	[smem:$0x3F77] =	sst s0;
	s0 =	simm.s32 @!p1 $0x0  }
0x14: {  	s2 =	sld [smem:$0x3F5B];
	s0 =	simm.s32 @p1 $0x1  }
0x15: {  	[smem:$0x3F78] =	sst s0;
	s0 =	simm.s32 @!p2 $0x0  }
0x16: {  	s3 =	sld [smem:$0x3FDB];
	s0 =	simm.s32 @p2 $0x1  }
0x17: {  	s4 =	simm.s32 $0x1BF5;
	[smem:$0x3F7A] =	sst s0  }
0x18: {  	s0 =	sld [smem:$0x3F5D];
	_ =	swait.ge [sflag:s4], $0x0  }
0x19: {  	s7 =	sld [smem:$0x3F5E]  }
0x1a: {  	s8 =	sadd.s32 $0xFFFFE003, lr  }
0x1b: {  	s9 =	sadd.s32 $0xFFFFFEF7, lr;
	s5 =	simm.s32 $0xFFFFFFFF;
	p2 =	slt.u32 s8, $0xFFFFF086  }
0x1c: {  	p1 =	slt.u32 s9, $0xF7A;
	s5 =	simm.s32 @!p2 $0x0  }
0x1d: {  	s5 =	simm.s32 @p1 $0x1;
	p0 =	seq.s32 s7, s2  }
0x1e: {  	s7 =	smul.u32 @!p0 $0xF7A, s2;
	p2 =	seq.s32 @!p0 s5, $0x0  }
0x1f: {  	s9 =	smul.u32 $0xF7A, s1;
	s8 =	simm.s32 @!p0 $0x1BF5;
	p2 =	por !p2, p0  }
0x20: {  	[sflag:s8] =	ssyncset.s32 @!p0 $0xFFFFF086;
	s6 =	sadd.s32 @!p0 s3, s7;
	s7 =	simm.s32 @!p0 $0x108  }
0x21: {  	s3 =	sadd.s32 s3, s9;
	s6 =	sadd.s32 @!p0 $0x88, s6;
	s7 =	simm.s32 @p2 $0x1082  }
0x22: {  	[simem:s7], [sflag:s8] =	dma.local @!p0 [hbm:s6], $0xF7A  }
0x23: {  	s9 =	sor.u32 $0xD0000000, s2;
	s6 =	simm.s32 $0x108;
	_ =	swait.ge @!p0 [sflag:s8], $0x0  }
0x24: {  	s3 =	sadd.s32 $0x88, s3;
	s6 =	simm.s32 @!p1 $0x1082;
	[sflag:s4] =	ssyncset.s32 $0xFFFFF086  }
0x25: {  	[simem:s6], [sflag:s4] =	dma.local [hbm:s3], $0xF7A  }
0x26: {  	[smem:$0x3F5E] =	sst s1;
	(tag) =	ssettag s2;
	_ =	strace s9  }
0x27: {  	s1 =	sld [smem:$0x3F6E]  }
0x28: {  	s2 =	sld [smem:$0x3F6F]  }
0x29: {  	s4 =	sld [smem:$0x3F71]  }
0x2a: {  	p0 =	seq.s32 s5, $0x0;
	s5 =	sld [smem:$0x3F72]  }
0x2b: {  	s6 =	sld [smem:$0x3F73]  }
0x2c: {  	s7 =	sld [smem:$0x3F74]  }
0x2d: {  	s3 =	simm.s32 $0x108;
	s8 =	sld [smem:$0x3F75]  }
0x2e: {  	s3 =	simm.s32 @!p0 $0x1082;
	s9 =	sld [smem:$0x3F76]  }
0x2f: {  	lr =	sadd.s32 s0, s3;
	s0 =	sld [smem:$0x3F6D]  }
0x30: {  	s3 =	sld [smem:$0x3F70]  }
0x31: {  	[smem:$0x3F79] =	sst s10  }
0x32: {  	s10 =	sld [smem:$0x3F77];
	_ =	sdelay $0x3  }
0x33: {  	p0 =	seq.s32 s10, $0x1;
	s10 =	sld [smem:$0x3F79];
	_ =	sdelay $0x3  }
0x34: {  	[smem:$0x3F79] =	sst s10  }
0x35: {  	s10 =	sld [smem:$0x3F78];
	_ =	sdelay $0x3  }
0x36: {  	p1 =	seq.s32 s10, $0x1;
	s10 =	sld [smem:$0x3F79];
	_ =	sdelay $0x3  }
0x37: {  	[smem:$0x3F79] =	sst s10  }
0x38: {  	s10 =	sld [smem:$0x3F7A]  }
0x39: {  	_ = 	snop;
	(pc) =	sbr.ind lr, $3  }
0x3a: {  	_ = 	snop  }
0x3b: {  	_ = 	snop  }
0x3c: {  	p2 =	seq.s32 s10, $0x1;
	s10 =	sld [smem:$0x3F79]  }
0x3d: {  	_ =	shalt  }
0x3e: {  	_ =	shalt  }
0x3f: {  	_ =	shalt  }
0x40: {  	_ =	shalt  }
0x41: {  	_ =	shalt  }
0x42: {  	_ =	shalt  }
0x43: {  	_ =	shalt  }
0x44: {  	_ =	shalt  }
0x45: {  	_ =	shalt  }
0x46: {  	_ =	shalt  }
0x47: {  	_ =	shalt  }
0x48: {  	_ =	shalt  }
0x49: {  	_ =	shalt  }
0x4a: {  	_ =	shalt  }
0x4b: {  	_ =	shalt  }
0x4c: {  	_ =	shalt  }
0x4d: {  	_ =	shalt  }
0x4e: {  	_ =	shalt  }
0x4f: {  	_ =	shalt  }
0x50: {  	_ =	shalt  }
0x51: {  	_ =	shalt  }
0x52: {  	_ =	shalt  }
0x53: {  	_ =	shalt  }
0x54: {  	_ =	shalt  }
0x55: {  	_ =	shalt  }
0x56: {  	_ =	shalt  }
0x57: {  	_ =	shalt  }
0x58: {  	_ =	shalt  }
0x59: {  	_ =	shalt  }
0x5a: {  	_ =	shalt  }
0x5b: {  	_ =	shalt  }
0x5c: {  	_ =	shalt  }
0x5d: {  	_ =	shalt  }
0x5e: {  	_ =	shalt  }
0x5f: {  	_ =	shalt  }
0x60: {  	_ =	shalt  }
0x61: {  	_ =	shalt  }
0x62: {  	_ =	shalt  }
0x63: {  	_ =	shalt  }
0x64: {  	_ =	shalt  }
0x65: {  	_ =	shalt  }
0x66: {  	_ =	shalt  }
0x67: {  	_ =	shalt  }
0x68: {  	_ =	shalt  }
0x69: {  	_ =	shalt  }
0x6a: {  	_ =	shalt  }
0x6b: {  	_ =	shalt  }
0x6c: {  	_ =	shalt  }
0x6d: {  	_ =	shalt  }
0x6e: {  	_ =	shalt  }
0x6f: {  	_ =	shalt  }
0x70: {  	_ =	shalt  }
0x71: {  	_ =	shalt  }
0x72: {  	_ =	shalt  }
0x73: {  	_ =	shalt  }
0x74: {  	_ =	shalt  }
0x75: {  	_ =	shalt  }
0x76: {  	_ =	shalt  }
0x77: {  	_ =	shalt  }
0x78: {  	_ =	shalt  }
0x79: {  	_ =	shalt  }
0x7a: {  	_ =	shalt  }
0x7b: {  	_ =	shalt  }
0x7c: {  	_ =	shalt  }
0x7d: {  	_ =	shalt  }
0x7e: {  	_ =	shalt  }
0x7f: {  	_ =	shalt  }
0x80: {  	_ =	shalt  }
0x81: {  	_ =	shalt  }
0x82: {  	_ =	shalt  }
0x83: {  	_ =	shalt  }
0x84: {  	_ =	shalt  }
0x85: {  	_ =	shalt  }
0x86: {  	_ =	shalt  }
0x87: {  	_ =	shalt  }
.Lfunc_end0:
.L_simem_size_0:
called_computation.7_lowered:
.L_overlay_start_0:
0x88: {  	s2 =	sld [smem:$0x3FD9]  }
0x89: {  	s3 =	sld [smem:$0x3FFE];
	_ =	sdelay $0x1  }
0x8a: {  	s1 =	srdreg.scid  }
0x8b: {  	s0 =	sand.u32 $0x1, s1  }
0x8c: {  	s16 =	sshll.u32 s0, $0xA;
	s2 =	sadd.s32 s3, s2  }
0x8d: {  	s2 =	sadd.s32 s2, s16  }
0x8e: {  	[smem:$0x3F85] =	sst s2  }
0x8f: {  	_ = 	snop  }
0x90: {  	(tm) =	ssettm $0x1  }
0x91: {  	s17 =	sld [smem:$0x3FFB];
	_ =	sdelay $0x3  }
0x92: {  	_ =	strace s17  }
0x93: {  	s2 =	sld [smem:$0x3FFC];
	_ =	sdelay $0x3  }
0x94: {  	_ =	strace s2  }
0x95: {  	s2 =	sld [smem:$0x3FFD];
	_ =	sdelay $0x3  }
0x96: {  	_ =	strace s2  }
0x97: {  	_ =	strace $0x8FFFFFFF  }
0x98: {  	s18 =	sld [smem:$0x3FDB];
	_ =	sdelay $0x1  }
0x99: {  	s19 =	simm.s32 $_scs_section_size  }
0x9a: {  	s4 =	simm.s32 $_size__tile_overlayer_lowered;
	s5 =	simm.s32 $_tile_overlayer_lowered  }
0x9b: {  	s22 =	simm.s32 $0x1BFF;
	s21 =	sshll.u32 s5, $0x1;
	s2 =	sadd.s32 s19, s18  }
0x9c: {  	s6 =	simm.s32 $0x0;
	s20 =	sshll.u32 s4, $0x1;
	s4 =	sadd.s32 s21, s2  }
0x9d: {  	[timem:s6], [sflag:s22] =	dma.local [hbm:s4], s20  }
0x9e: {  	_ =	swait.ge [sflag:s22], s20  }
0x9f: {  	s3 =	ssub.s32 $0x0, s20;
	[sflag:s22] =	ssyncset.done $0x0  }
0xa0: {  	[sflag:s22] =	ssyncadd.s32 s3;
	_ =	sdelay $0x1  }
0xa1: {  	s23 =	simm.s32 $0x1B8B  }
0xa2: {  	_ =	swait.ge [sflag:s23], $0x1  }
0xa3: {  	[sflag:s23] =	ssyncset.done $0x0  }
0xa4: {  	s25 =	simm.s32 $0x1B8E;
	s24 =	sld [smem:$0x3FFE];
	[sflag:s23] =	ssyncadd.s32 $0xFFFFFFFF  }
0xa5: {  	s26 =	simm.s32 $execute0_lowered;
	[smem:$0x3FD2] =	sst s25  }
0xa6: {  	s4 =	sshll.u32 s26, $0x1;
	_ =	strace $0x8000005B;
	[dreg:$0x1] =	wrdreg $0xFFFFFFFF  }
0xa7: {  	s28 =	simm.s32 $_size_execute0_lowered;
	s2 =	sadd.s32 s2, s4;
	[dreg:$0x0] =	wrdreg $0x0  }
0xa8: {  	s4 =	sshll.u32 s28, $0x1;
	[dreg:$0x2] =	wrdreg s2  }
0xa9: {  	[dreg:$0x3] =	wrdreg s4  }
0xaa: {  	[dreg:$0x4] =	wrdreg $0xC0  }
0xab: {  	_ =	task [dreg:s6], $0x5FFFF  }
0xac: {  	[dreg:$0x1] =	wrdreg $0xFFFFFFFF  }
0xad: {  	[dreg:$0x0] =	wrdreg $0x60  }
0xae: {  	[dreg:$0x2] =	wrdreg s24  }
0xaf: {  	[dreg:$0x3] =	wrdreg $0xA4800  }
0xb0: {  	[dreg:$0x4] =	wrdreg $0x9  }
0xb1: {  	_ =	task.clear_ibuf [dreg:s6], $0x5FFFF;
	_ =	strace $0x9000005B  }
0xb2: {  	s29 =	simm.s32 $0x9;
	_ =	strace $0x8000005D  }
0xb3: {  	_ =	swait.ge [sflag:s29], $0x1  }
0xb4: {  	[sflag:s29] =	ssyncadd.s32 $0xFFFFFFFF  }
0xb5: {  	_ =	strace $0x9000005D  }
0xb6: {  	_ =	sfence  }
0xb7: {  	s30 =	sld [smem:$0x0];
	_ =	sdelay $0x2  }
0xb8: {  	s31 =	sshll.u32 s1, $0xD;
	s1 =	sshrl.u32 s1, $0x2  }
0xb9: {  	s3 =	sand.u32 $0x4000, s31;
	s1 =	sadd.s32 s1, s30  }
0xba: {  	s0 =	sor.u32 s3, s0;
	s1 =	sshll.u32 s1, $0x11  }
0xbb: {  	s0 =	sor.u32 s1, s0  }
0xbc: {  	s0 =	sadd.s32 $0x8F2B, s0  }
0xbd: {  	[sflag:s0] =	ssyncadd.remote.s32 $0x1  }
0xbe: {  	_ =	sfence.sel $0xFFFF  }
0xbf: {  	[dreg:$0x0] =	wrdreg $0xFFFFFFFF;
	(pc) =	sbr.abs _section_cstart, $3  }
0xc0: {  	[dreg:$0x1] =	wrdreg $0xFFFFFFFF  }
0xc1: {  	_ =	task.clear_ibuf [dreg:s6], $0x2FFFF;
	_ =	strace $0x9FFFFFFF  }
0xc2: {  	(tm) =	ssettm $0x7FFFFFFF  }
0xc3: {  	_ =	shalt  }
tec
execute0_lowered:
.L_overlay_start_1:
0x0: {  	(tag) =	ssettag $0x1  }
0x1: {  	s4 =	rddreg [dreg:$0x0]  }
0x2: {  	s1 =	rddreg [dreg:$0x1];
	s2 =	stileid.u32  }
0x3: {  	s5 =	srdreg.scid;
	s22 =	smul.u32 $0x19000, s2  }
0x4: {  	s0 =	rddreg [dreg:$0x2];
	s13 =	sand.u32 $0x1, s5;
	s12 =	smul.u32 $0x6400, s2  }
0x5: {  	s3 =	simm.s32 $0x0;
	s9 =	sor.u32 $0x10, s2;
	s17 =	smul.u32 $0x138800, s13  }
0x6: {  	[smem:$0x7FF] =	sst s3;
	s10 =	sor.u32 $0x20, s2;
	s23 =	smul.u32 $0x19000, s9  }
0x7: {  	s6 =	sshll.u32 s2, $0xC;
	s18 =	sor.u32 $0x30, s2;
	s8 =	smul.u32 $0x19000, s10  }
0x8: {  	s7 =	sshll.u32 s2, $0x5;
	s16 =	sadd.s32 $0x22C00, s4;
	s11 =	smul.u32 $0x19000, s18  }
0x9: {  	_ =	strace $0x8000005C;
	s14 =	sadd.s32 s6, s4;
	s19 =	smul.u32 $0x6400, s9  }
0xa: {  	s15 =	sadd.s32 s7, s4;
	s5 =	ssub.s32 $0x2, s13;
	s10 =	smul.u32 $0x6400, s10  }
0xb: {  	s4 =	sshll.u32 s2, $0x1;
	s20 =	smul.u32 $0x6400, s18;
	s30 =	sshll.u32 s13, $0xB  }
0xc: {  	s31 =	sshll.u32 s13, $0x4;
	p0 =	sgt.u32 s18, $0x31;
	s18 =	simm.s32 $0x2  }
0xd: {  	s21 =	sshrl.u32 s5, $0x1;
	s6 =	sshrl.u32 s22, $0x2;
	s14 =	sadd.s32 s30, s14  }
0xe: {  	s15 =	sadd.s32 s31, s15;
	s5 =	ssub.s32 s5, s21;
	s6 =	sadd.s32 s6, s1  }
0xf: {  	s7 =	sshrl.u32 s23, $0x2;
	s8 =	sshrl.u32 s8, $0x2;
	s24 =	sshrl.u32 s11, $0x2  }
0x10: {  	s25 =	sadd.s32 s17, s12;
	s26 =	sadd.s32 s17, s19;
	s28 =	sadd.s32 s17, s10  }
0x11: {  	s17 =	sadd.s32 s17, s20;
	s14 =	sadd.s32 $0xF17000, s14;
	s15 =	sadd.s32 $0x18E00, s15  }
0x12: {  	s19 =	simm.s32 $0x0;
	s5 =	smax.u32 s5, $0x1;
	s7 =	sadd.s32 s7, s1  }
0x13: {  	s8 =	sadd.s32 s8, s1;
	s9 =	sadd.s32 s24, s1;
	s11 =	sshrl.u32 s25, $0x3  }
0x14: {  	s12 =	sshrl.u32 s26, $0x3;
	s29 =	sshrl.u32 s28, $0x3;
	s17 =	sshrl.u32 s17, $0x3  }
0x15: {  	s10 =	sadd.s32 s16, s11;
	s11 =	sadd.s32 s16, s12;
	s12 =	sadd.s32 s16, s29  }
0x16: {  	v0 =	vimm.f32 $0.0e+00;
	s13 =	sadd.s32 s16, s17;
	s16 =	simm.s32 $0x4080;
	s17 =	simm.s32 $0x1  }
.LBB2_1:
0x17: {  	s20 =	sand.u32 $0x1FE00, s3  }
0x18: {  	s21 =	sand.u32 $0x70, s3;
	s22 =	sshrl.u32 s20, $0x2  }
0x19: {  	s20 =	simm.s32 $0x40;
	s22 =	sor.u32 s21, s22;
	s21 =	simm.s32 $0x0  }
.LBB2_2:
0x1a: {  	p1 =	sne.s32 s20, $0x18FC0  }
0x1b: {  	[tilespmem:s22+$0x4080] =	vst v0;
	s21 =	sadd.s32 $0x10, s21;
	s22 =	smov.u32 s20;
	s20 =	sadd.s32 $0x40, s20  }
.Ltmp0:
0x1c: {  	(pc) =	sbr.rel @p1 .LBB2_2-.Ltmp0, $4  }
0x1d: {  	_ = 	snop  }
0x1e: {  	s22 =	sand.u32 $0x1FE00, s22  }
0x1f: {  	s23 =	sand.u32 $0x70, s21;
	s22 =	sshrl.u32 s22, $0x2  }
0x20: {  	s22 =	sor.u32 s23, s22  }
0x21: {  	[tilespmem:s22+$0x4080] =	vst v0  }
0x22: {  	[spmem:s6] =	stream.linear.scatter [tilespmem:s16], [sflag:$0x1], $0x6400, $0x38;
	[tilespmem:$0x1DD00] =	vst v63  }
0x23: {  	_ =	swait.ge [sflag:s17], $0x6400  }
0x24: {  	[sflag:s17] =	ssyncset.done $0x0  }
0x25: {  	[sflag:s17] =	ssyncadd.s32 $0xFFFF9C00  }
0x26: {  	[spmem:s7] =	stream.linear.scatter [tilespmem:s16], [sflag:$0x1], $0x6400, $0x38;
	[tilespmem:$0x1DD00] =	vst v63  }
0x27: {  	_ =	swait.ge [sflag:s17], $0x6400  }
0x28: {  	[sflag:s17] =	ssyncset.done $0x0  }
0x29: {  	[sflag:s17] =	ssyncadd.s32 $0xFFFF9C00  }
0x2a: {  	[spmem:s8] =	stream.linear.scatter [tilespmem:s16], [sflag:$0x1], $0x6400, $0x38;
	[tilespmem:$0x1DD00] =	vst v63  }
0x2b: {  	_ =	swait.ge [sflag:s17], $0x6400  }
0x2c: {  	[sflag:s17] =	ssyncset.done $0x0  }
0x2d: {  	s20 =	simm.s32 @!p0 $0x4080;
	[sflag:s17] =	ssyncadd.s32 $0xFFFF9C00  }
0x2e: {  	[spmem:s9] =	stream.linear.scatter @!p0 [tilespmem:s20], [sflag:$0x1], $0x6400, $0x38;
	[tilespmem:$0x1DD00] =	vst v63  }
0x2f: {  	s20 =	simm.s32 @!p0 $0x1  }
0x30: {  	_ =	swait.ge @!p0 [sflag:s20], $0x6400  }
0x31: {  	s21 =	sadd.s32 $0x0, s4;
	[sflag:s20] =	ssyncset.done @!p0 $0x0  }
0x32: {  	p1 =	sgt.u32 s21, $0x9C3;
	[sflag:s20] =	ssyncadd.s32 @!p0 $0xFFFF9C00  }
0x33: {  	s22 =	simm.s32 @!p1 $0x2;
	s20 =	simm.s32 @!p1 $0x0;
	[bflag:$0x0] =	sbarrier.arrive $0xFFFF  }
0x34: {  	[tilespmem:s20], [sflag:$0x2] =	stream.linear.gather @!p1 [hbm4b:s15+s20], $0x80, $0x38;
	[tilespmem:$0x1DD00] =	vst v63  }
0x35: {  	_ =	swait.ge @!p1 [sflag:s22], $0x80  }
0x36: {  	[sflag:s22] =	ssyncset.done @!p1 $0x0;
	p1 =	por p1, p1  }
0x37: {  	[sflag:s22] =	ssyncadd.s32 @!p1 $0xFFFFFF80;
	s24 =	simm.s32 @!p1 $0x80  }
0x38: {  	[tilespmem:s24], [sflag:$0x2] =	stream.linear.gather @!p1 [hbm4b:s14+s20], $0x4000, $0x38;
	[tilespmem:$0x1DD00] =	vst v63  }
0x39: {  	_ =	swait.ge @!p1 [sflag:s22], $0x4000  }
0x3a: {  	[sflag:s22] =	ssyncset.done @!p1 $0x0  }
0x3b: {  	s31 =	sadd.s32 $0x20, s4;
	s23 =	simm.s32 @!p1 $0x1;
	[sflag:s22] =	ssyncadd.s32 @!p1 $0xFFFFC000  }
0x3c: {  	[spmem:s1] =	stream.indirect.scatter.add.f32 @!p1 [tilespmem:s24], [sflag:$0x1], $0x80, s20, s24, $0xb8;
	[tilespmem:$0x1DD00] =	vst v63  }
0x3d: {  	s21 =	simm.s32 $0x40;
	p2 =	sgt.u32 s31, $0x9C3;
	_ =	swait.ge @!p1 [sflag:s23], $0x4000  }
0x3e: {  	s22 =	sadd.s32 $0x200, s15;
	s20 =	sadd.s32 $0x10000, s14;
	[sflag:s23] =	ssyncset.done @!p1 $0x0  }
.LBB2_4:
0x3f: {  	s24 =	simm.s32 @!p2 $0x0;
	s25 =	simm.s32 @!p2 $0x2;
	[sflag:s23] =	ssyncadd.s32 @!p1 $0xFFFFC000  }
0x40: {  	[tilespmem:s24], [sflag:$0x2] =	stream.linear.gather @!p2 [hbm4b:s22+s24], $0x80, $0x38;
	[tilespmem:$0x1DD00] =	vst v63  }
0x41: {  	s26 =	smov.u32 s21;
	s21 =	sadd.s32 $0x20, s21;
	_ =	swait.ge @!p2 [sflag:s25], $0x80  }
0x42: {  	p1 =	por p2, p2;
	p3 =	sne.s32 s21, $0x9E0;
	[sflag:s25] =	ssyncset.done @!p2 $0x0  }
0x43: {  	s28 =	simm.s32 @!p1 $0x80;
	[sflag:s25] =	ssyncadd.s32 @!p1 $0xFFFFFF80  }
0x44: {  	[tilespmem:s28], [sflag:$0x2] =	stream.linear.gather @!p1 [hbm4b:s20+s24], $0x4000, $0x38;
	[tilespmem:$0x1DD00] =	vst v63  }
0x45: {  	_ =	swait.ge @!p1 [sflag:s25], $0x4000  }
.Ltmp1:
0x46: {  	[sflag:s25] =	ssyncset.done @!p1 $0x0;
	(pc) =	sbr.rel @p3 .LBB2_4-.Ltmp1, $4  }
0x47: {  	s23 =	simm.s32 @!p1 $0x1;
	[sflag:s25] =	ssyncadd.s32 @!p1 $0xFFFFC000  }
0x48: {  	[spmem:s1] =	stream.indirect.scatter.add.f32 @!p1 [tilespmem:s28], [sflag:$0x1], $0x80, s24, s28, $0xb8;
	[tilespmem:$0x1DD00] =	vst v63  }
0x49: {  	s22 =	sadd.s32 $0x200, s22;
	s24 =	sadd.s32 s26, s4;
	_ =	swait.ge @!p1 [sflag:s23], $0x4000  }
0x4a: {  	s20 =	sadd.s32 $0x10000, s20;
	p2 =	sgt.u32 s24, $0x9C3;
	[sflag:s23] =	ssyncset.done @!p1 $0x0  }
0x4b: {  	s21 =	simm.s32 @!p2 $0x0;
	s24 =	simm.s32 @!p2 $0x2;
	[sflag:s23] =	ssyncadd.s32 @!p1 $0xFFFFC000  }
0x4c: {  	[tilespmem:s21], [sflag:$0x2] =	stream.linear.gather @!p2 [hbm4b:s22+s21], $0x80, $0x38;
	[tilespmem:$0x1DD00] =	vst v63  }
0x4d: {  	_ =	swait.ge @!p2 [sflag:s24], $0x80  }
0x4e: {  	p1 =	por p2, p2;
	[sflag:s24] =	ssyncset.done @!p2 $0x0  }
0x4f: {  	s22 =	simm.s32 @!p1 $0x80;
	[sflag:s24] =	ssyncadd.s32 @!p1 $0xFFFFFF80  }
0x50: {  	[tilespmem:s22], [sflag:$0x2] =	stream.linear.gather @!p1 [hbm4b:s20+s21], $0x4000, $0x38;
	[tilespmem:$0x1DD00] =	vst v63  }
0x51: {  	_ =	swait.ge @!p1 [sflag:s24], $0x4000  }
0x52: {  	[sflag:s24] =	ssyncset.done @!p1 $0x0  }
0x53: {  	s20 =	simm.s32 @!p1 $0x1;
	[sflag:s24] =	ssyncadd.s32 @!p1 $0xFFFFC000  }
0x54: {  	[spmem:s1] =	stream.indirect.scatter.add.f32 @!p1 [tilespmem:s22], [sflag:$0x1], $0x80, s21, s22, $0xb8;
	[tilespmem:$0x1DD00] =	vst v63  }
0x55: {  	_ =	swait.ge @!p1 [sflag:s20], $0x4000  }
0x56: {  	[sflag:s20] =	ssyncset.done @!p1 $0x0  }
0x57: {  	[sflag:s20] =	ssyncadd.s32 @!p1 $0xFFFFC000  }
0x58: {  	[bflag:$0x0] =	sbarrier.arrive $0xFFFF  }
0x59: {  	[tilespmem:s16], [sflag:$0x2] =	stream.linear.gather [spmem:s6], $0x6400, $0x38;
	[tilespmem:$0x1DD00] =	vst v63  }
0x5a: {  	_ =	swait.ge [sflag:s18], $0x6400  }
0x5b: {  	[sflag:s18] =	ssyncset.done $0x0  }
0x5c: {  	[sflag:s18] =	ssyncadd.s32 $0xFFFF9C00  }
0x5d: {  	[hbm4b:s10+s3] =	stream.linear.scatter [tilespmem:s16], [sflag:$0x1], $0x6400, $0x38;
	[tilespmem:$0x1DD00] =	vst v63  }
0x5e: {  	_ =	swait.ge [sflag:s17], $0x6400  }
0x5f: {  	[sflag:s17] =	ssyncset.done $0x0  }
0x60: {  	[sflag:s17] =	ssyncadd.s32 $0xFFFF9C00  }
0x61: {  	[tilespmem:s16], [sflag:$0x2] =	stream.linear.gather [spmem:s7], $0x6400, $0x38;
	[tilespmem:$0x1DD00] =	vst v63  }
0x62: {  	_ =	swait.ge [sflag:s18], $0x6400  }
0x63: {  	[sflag:s18] =	ssyncset.done $0x0  }
0x64: {  	[sflag:s18] =	ssyncadd.s32 $0xFFFF9C00  }
0x65: {  	[hbm4b:s11+s3] =	stream.linear.scatter [tilespmem:s16], [sflag:$0x1], $0x6400, $0x38;
	[tilespmem:$0x1DD00] =	vst v63  }
0x66: {  	_ =	swait.ge [sflag:s17], $0x6400  }
0x67: {  	[sflag:s17] =	ssyncset.done $0x0  }
0x68: {  	[sflag:s17] =	ssyncadd.s32 $0xFFFF9C00  }
0x69: {  	[tilespmem:s16], [sflag:$0x2] =	stream.linear.gather [spmem:s8], $0x6400, $0x38;
	[tilespmem:$0x1DD00] =	vst v63  }
0x6a: {  	_ =	swait.ge [sflag:s18], $0x6400  }
0x6b: {  	[sflag:s18] =	ssyncset.done $0x0  }
0x6c: {  	[sflag:s18] =	ssyncadd.s32 $0xFFFF9C00  }
0x6d: {  	[hbm4b:s12+s3] =	stream.linear.scatter [tilespmem:s16], [sflag:$0x1], $0x6400, $0x38;
	[tilespmem:$0x1DD00] =	vst v63  }
0x6e: {  	_ =	swait.ge [sflag:s17], $0x6400  }
0x6f: {  	[sflag:s17] =	ssyncset.done $0x0  }
0x70: {  	s21 =	simm.s32 @!p0 $0x2;
	s20 =	simm.s32 @!p0 $0x4080;
	[sflag:s17] =	ssyncadd.s32 $0xFFFF9C00  }
0x71: {  	[tilespmem:s20], [sflag:$0x2] =	stream.linear.gather @!p0 [spmem:s9], $0x6400, $0x38;
	[tilespmem:$0x1DD00] =	vst v63  }
0x72: {  	_ =	swait.ge @!p0 [sflag:s21], $0x6400  }
0x73: {  	s19 =	sadd.s32 $0x1, s19;
	[sflag:s21] =	ssyncset.done @!p0 $0x0  }
0x74: {  	p1 =	sne.s32 s19, s5;
	[sflag:s21] =	ssyncadd.s32 @!p0 $0xFFFF9C00;
	s21 =	simm.s32 @!p0 $0x0  }
0x75: {  	[hbm4b:s13+s21] =	stream.linear.scatter @!p0 [tilespmem:s20], [sflag:$0x1], $0x6400, $0x38;
	[tilespmem:$0x1DD00] =	vst v63  }
.Ltmp2:
0x76: {  	_ = 	snop;
	(pc) =	sbr.rel @p1 .LBB2_1-.Ltmp2, $4  }
0x77: {  	s20 =	simm.s32 @!p0 $0x1  }
0x78: {  	_ =	swait.ge @!p0 [sflag:s20], $0x6400  }
0x79: {  	[sflag:s20] =	ssyncset.done @!p0 $0x0  }
0x7a: {  	[sflag:s20] =	ssyncadd.s32 @!p0 $0xFFFF9C00  }
0x7b: {  	_ =	sfence.sel $0x180000  }
0x7c: {  	[bflag:$0x0] =	sbarrier.arrive $0xFFFF  }
0x7d: {  	p0 =	sne.s32 s2, $0x0;
	_ =	strace $0x9000005C  }
0x7e: {  	s0 =	sadd.s32 @!p0 $0x100000, s0;
	[bflag:$0x2] =	sbarrier.arrive $0xFFFF  }
0x7f: {  	[sflag:s0] =	ssyncadd.tile.s32 @!p0 $0x1;
	_ =	shalt  }
.Lfunc_end2:
_tile_overlayer_lowered:
.L_overlay_start_2:
0x80: {  	(tag) =	ssettag $0x2  }
0x81: {  	s0 =	rddreg [dreg:$0x0];
	s2 =	stileid.u32  }
0x82: {  	s1 =	rddreg [dreg:$0x1];
	p0 =	sne.s32 s2, $0x0  }
0x83: {  	s3 =	rddreg [dreg:$0x2];
	[bflag:$0x3] =	sbarrier.arrive $0xFFFF;
	s2 =	simm.s32 @!p0 $0x1C01  }
0x84: {  	[timem:s3], [sflag:s2] =	dma.local @!p0 [hbm:s0], s1  }
0x85: {  	s0 =	simm.s32 @!p0 $0x1  }
0x86: {  	_ =	swait.ge @!p0 [sflag:s0], s1  }
0x87: {  	s1 =	ssub.s32 @!p0 $0x0, s1;
	[sflag:s0] =	ssyncset.done @!p0 $0x0  }
0x88: {  	[sflag:s0] =	ssyncadd.s32 @!p0 s1  }
0x89: {  	[bflag:$0x3] =	sbarrier.arrive $0xFFFF  }
0x8a: {  	_ =	shalt  }

</sc_bundles>
